<compile_context>
chip_gen: v7x
topology: tpu7x:2x2x1
jax: 0.10.2.dev20260603
libtpu: 0.0.44.dev20260713+nightly
codegen_flags: <defaults>
</compile_context>

<pallas_src>
import functools

import jax
import jax.numpy as jnp
from jax import lax
from jax.experimental import pallas as pl
from jax.experimental.pallas import tpu as pltpu
from jax.experimental.pallas import tpu_sc as plsc

NC = 2
NS = 16
NW = NC * NS
CHUNK = 128

_mesh = functools.partial(
    plsc.VectorSubcoreMesh, core_axis_name="c", subcore_axis_name="s"
)


def _worker_ids():
  c = lax.axis_index("c")
  s = lax.axis_index("s")
  return c, s, c * NS + s


def _row_partition(n):
  zr = 80
  rpt = -(-n // (NS * zr)) * zr
  last = n - rpt * (NS - 1)
  assert last > 0 and last % zr == 0
  return zr, rpt, last


def _make_deg_kernel(n, e_pad):
  nch = e_pad // (NW * CHUNK)
  zr, rpt, last = _row_partition(n)
  n_acc = rpt * NS
  dw = 128

  @functools.partial(
      pl.kernel,
      out_type=jax.ShapeDtypeStruct((NC, n, dw), jnp.float32),
      mesh=_mesh(),
      scratch_types=[
          pltpu.VMEM((nch, CHUNK), jnp.int32),
          pltpu.VMEM((CHUNK, dw), jnp.float32),
          pltpu.VMEM((zr, dw), jnp.float32),
          pltpu.VMEM_SHARED((n_acc, dw), jnp.float32),
          pltpu.SemaphoreType.DMA,
      ],
  )
  def deg_kernel(dst_hbm, out_hbm, idx_d, ones_v, zeros_v, acc, sem):
    c, s, w = _worker_ids()

    cbase = pl.multiple_of(w * nch, nch)
    pltpu.sync_copy(dst_hbm.at[pl.ds(cbase, nch)], idx_d)

    def fill_ones(i, _):
      for j in range(dw // 16):
        ones_v[i, pl.ds(j * 16, 16)] = jnp.full((16,), 1.0, jnp.float32)
      return _

    lax.fori_loop(0, CHUNK, fill_ones, None)

    def fill_zeros(i, _):
      for j in range(dw // 16):
        zeros_v[i, pl.ds(j * 16, 16)] = jnp.zeros((16,), jnp.float32)
      return _

    lax.fori_loop(0, zr, fill_zeros, None)

    base = pl.multiple_of(s * rpt, zr)
    nrows = jnp.where(s == NS - 1, last, rpt)

    def zero_b(b, _):
      pltpu.sync_copy(zeros_v, acc.at[pl.ds(pl.multiple_of(base + b * zr, zr), zr)])
      return _

    lax.fori_loop(0, nrows // zr, zero_b, None)
    plsc.subcore_barrier()

    def body(g, _):
      pltpu.sync_copy(ones_v, acc.at[idx_d.at[g]], add=True)
      return _

    lax.fori_loop(0, nch, body, None)
    plsc.subcore_barrier()

    @pl.when(s < NS - 1)
    def _():
      pltpu.sync_copy(acc.at[pl.ds(base, rpt)], out_hbm.at[c, pl.ds(base, rpt)])

    @pl.when(s == NS - 1)
    def _():
      pltpu.sync_copy(acc.at[pl.ds(base, last)], out_hbm.at[c, pl.ds(base, last)])

  return deg_kernel


def _make_prop_kernel(n, d, e_pad, num_h, depth=2, qc=None):
  nch = e_pad // (NW * CHUNK)
  qc0, qc1 = qc if qc is not None else (nch, nch)
  assert qc0 + qc1 == 2 * nch and qc0 % depth == 0 and qc1 % depth == 0
  zr, rpt, last = _row_partition(n)
  n_acc = rpt * NS
  zrows = 80

  @functools.partial(
      pl.kernel,
      out_type=[jax.ShapeDtypeStruct((NC, n, d), jnp.float32)] * num_h,
      mesh=_mesh(),
      scratch_types=[
          [pltpu.VMEM((CHUNK,), jnp.int32)] * depth,
          [pltpu.VMEM((CHUNK,), jnp.int32)] * depth,
          [pltpu.VMEM((CHUNK, d), jnp.float32)] * depth,
          pltpu.VMEM((zrows, d), jnp.float32),
          pltpu.VMEM((rpt // zrows, zrows), jnp.int32),
          pltpu.VMEM_SHARED((n_acc, d), jnp.float32),
          [pltpu.SemaphoreType.DMA] * depth,
          [pltpu.SemaphoreType.DMA] * depth,
          [pltpu.SemaphoreType.DMA] * depth,
          pltpu.SemaphoreType.DMA,
      ],
  )
  def prop_kernel(*args):
    h_refs = args[:num_h]
    src_hbm, dst_hbm = args[num_h], args[num_h + 1]
    out_refs = args[num_h + 2:num_h + 2 + num_h]
    (idx_s, idx_d, rows, zbuf, ziota, acc,
     gsem, ssem, dsem, zsem) = args[num_h + 2 + num_h:]
    c, s, w = _worker_ids()

    base = pl.multiple_of(s * rpt, zr)
    iota16 = lax.iota(jnp.int32, 16)

    def fill_zeros(i, _):
      for j in range(d // 16):
        zbuf[i, pl.ds(j * 16, 16)] = jnp.zeros((16,), jnp.float32)
      for j in range(zrows // 16):
        ziota[i % (rpt // zrows), pl.ds(j * 16, 16)] = (
            base + (i % (rpt // zrows)) * zrows + j * 16 + iota16)
      return _

    lax.fori_loop(0, max(zrows, rpt // zrows), fill_zeros, None)

    nrows = jnp.where(s == NS - 1, last, rpt)
    nq = jnp.where(c == 0, qc0, qc1)
    cbase = jnp.where(c == 0, s * qc0, NS * qc0 + s * qc1)

    def idx_off(g):
      return pl.multiple_of((cbase + g) * CHUNK, CHUNK)

    for h_hbm, out_hbm in zip(h_refs, out_refs):

      def zero_issue(k, _):
        pltpu.async_copy(zbuf, acc.at[ziota.at[k]], zsem)
        return _

      def zero_drain(k, _):
        pltpu.make_async_copy(zbuf, acc.at[ziota.at[0]], zsem).wait()
        return _

      lax.fori_loop(0, nrows // zrows, zero_issue, None)
      lax.fori_loop(0, nrows // zrows, zero_drain, None)
      plsc.subcore_barrier()

      @pl.when(nq > 0)
      def _edge_phase():
        for b in range(depth):
          pltpu.async_copy(src_hbm.at[pl.ds(idx_off(b), CHUNK)], idx_s[b], ssem[b])
          pltpu.async_copy(dst_hbm.at[pl.ds(idx_off(b), CHUNK)], idx_d[b], dsem[b])
          pltpu.make_async_copy(src_hbm.at[pl.ds(0, CHUNK)], idx_s[b], ssem[b]).wait()
          pltpu.async_copy(h_hbm.at[idx_s[b]], rows[b], gsem[b])

        def body(t, _):
          for b in range(depth):
            g = t * depth + b
            pltpu.make_async_copy(h_hbm.at[idx_s[b]], rows[b], gsem[b]).wait()
            pltpu.async_copy(
                src_hbm.at[pl.ds(idx_off(g + depth), CHUNK)], idx_s[b], ssem[b])
            pltpu.make_async_copy(dst_hbm.at[pl.ds(0, CHUNK)], idx_d[b], dsem[b]).wait()
            pltpu.sync_copy(rows[b], acc.at[idx_d[b]], add=True)
            pltpu.async_copy(
                dst_hbm.at[pl.ds(idx_off(g + depth), CHUNK)], idx_d[b], dsem[b])
            pltpu.make_async_copy(src_hbm.at[pl.ds(0, CHUNK)], idx_s[b], ssem[b]).wait()
            pltpu.async_copy(h_hbm.at[idx_s[b]], rows[b], gsem[b])
          return _

        lax.fori_loop(0, nq // depth - 1, body, None)
        for b in range(depth):
          pltpu.make_async_copy(h_hbm.at[idx_s[b]], rows[b], gsem[b]).wait()
          pltpu.make_async_copy(dst_hbm.at[pl.ds(0, CHUNK)], idx_d[b], dsem[b]).wait()
          pltpu.sync_copy(rows[b], acc.at[idx_d[b]], add=True)

      plsc.subcore_barrier()

      @pl.when(s < NS - 1)
      def _():
        pltpu.sync_copy(acc.at[pl.ds(base, rpt)], out_hbm.at[c, pl.ds(base, rpt)])

      @pl.when(s == NS - 1)
      def _():
        pltpu.sync_copy(acc.at[pl.ds(base, last)], out_hbm.at[c, pl.ds(base, last)])

  return prop_kernel


def _matmul(x, wcat, bcat, block_m=1000):
  n, k = x.shape
  dout = wcat.shape[1]

  def body(x_ref, w_ref, b_ref, o_ref):
    o_ref[...] = (
        jnp.dot(x_ref[...], w_ref[...], preferred_element_type=jnp.float32)
        + b_ref[...]
    )

  return pl.pallas_call(
      body,
      grid=(n // block_m,),
      in_specs=[
          pl.BlockSpec((block_m, k), lambda i: (i, 0)),
          pl.BlockSpec((k, dout), lambda i: (0, 0)),
          pl.BlockSpec((1, dout), lambda i: (0, 0)),
      ],
      out_specs=pl.BlockSpec((block_m, dout), lambda i: (i, 0)),
      out_shape=jax.ShapeDtypeStruct((n, dout), jnp.float32),
  )(x, wcat, bcat)


def _norm_scale(degp0, degp1, t1, t2, block_m=1000):
  n, d = t1.shape

  def body(d0_ref, d1_ref, t1_ref, t2_ref, nv_ref, o1_ref, o2_ref):
    deg = d0_ref[...] + d1_ref[...]
    degc = jnp.max(deg, axis=1, keepdims=True)
    nv = lax.rsqrt(jnp.maximum(degc, 1.0))
    nvb = jnp.broadcast_to(nv, (block_m, d))
    nv_ref[...] = nvb
    o1_ref[...] = t1_ref[...] * nvb
    o2_ref[...] = t2_ref[...] * nvb

  return pl.pallas_call(
      body,
      grid=(n // block_m,),
      in_specs=[
          pl.BlockSpec((block_m, d), lambda i: (i, 0)),
          pl.BlockSpec((block_m, d), lambda i: (i, 0)),
          pl.BlockSpec((block_m, d), lambda i: (i, 0)),
          pl.BlockSpec((block_m, d), lambda i: (i, 0)),
      ],
      out_specs=[pl.BlockSpec((block_m, d), lambda i: (i, 0))] * 3,
      out_shape=[jax.ShapeDtypeStruct((n, d), jnp.float32)] * 3,
  )(degp0, degp1, t1, t2)


def _combine(parts, nvec, npow, block_m=1000):
  _, n, d = parts.shape

  def body(p_ref, nv_ref, o_ref):
    nv = nv_ref[...]
    r = p_ref[0] + p_ref[1]
    for _ in range(npow):
      r = r * nv
    o_ref[...] = r

  return pl.pallas_call(
      body,
      grid=(n // block_m,),
      in_specs=[
          pl.BlockSpec((2, block_m, d), lambda i: (0, i, 0)),
          pl.BlockSpec((block_m, d), lambda i: (i, 0)),
      ],
      out_specs=pl.BlockSpec((block_m, d), lambda i: (i, 0)),
      out_shape=jax.ShapeDtypeStruct((n, d), jnp.float32),
  )(parts, nvec)


def kernel(x, edge_index, W0, b0, W1, b1, W2, b2):
  n, d = x.shape
  e = edge_index.shape[1]
  ncw = -(-e // (NW * CHUNK))
  nch = -(-ncw // 8) * 8
  e_pad = nch * NW * CHUNK
  src = jnp.concatenate(
      [edge_index[0], jnp.zeros((e_pad - e,), jnp.int32)])
  dst = jnp.concatenate(
      [edge_index[1], jnp.full((e_pad - e,), n, jnp.int32)])

  degp = _make_deg_kernel(n, e_pad)(dst.reshape(-1, CHUNK))

  wcat = jnp.concatenate([W0.T, W1.T, W2.T], axis=1)
  bcat = jnp.concatenate([b0, b1, b2]).reshape(1, -1)
  y_all = _matmul(x, wcat, bcat)
  y0, t1, t2 = y_all[:, :d], y_all[:, d:2 * d], y_all[:, 2 * d:]

  nvec, t1n, t2n = _norm_scale(degp[0], degp[1], t1, t2)

  qc = (148, 12) if nch == 80 else None

  p1, p2 = _make_prop_kernel(n, d, e_pad, 2, qc=qc)(t1n, t2n, src, dst)
  y1 = _combine(p1, nvec, 1)
  u2n = _combine(p2, nvec, 2)

  (p3,) = _make_prop_kernel(n, d, e_pad, 1, qc=qc)(u2n, src, dst)
  y2 = _combine(p3, nvec, 1)

  return jnp.concatenate([y0, y1, y2], axis=1)

# --- scband reference (transcript-rebuilt; emitter-appended) ---
"""Pipeline reference for scband-mix-hop-layer-4037269258321 (READ-ONLY COPY).

The authoritative reference and input builder live on the scoring server;
editing this copy changes nothing except your own understanding.
"""

import jax, jax.numpy as jnp
import numpy as np

N = 10000
E = 320000
D_IN = 128
D_OUT = 128
HOPS = 2


def setup_inputs(seed: int = 0) -> dict:
    key = jax.random.key(seed)
    ks = jax.random.split(key, 9)
    x = jax.random.normal(ks[0], (N, D_IN), dtype=jnp.float32)
    edge_index = jax.random.randint(ks[1], (2, E), 0, N, dtype=jnp.int32)
    bound = 1.0 / np.sqrt(D_IN)
    W0 = jax.random.uniform(ks[2], (D_OUT, D_IN), minval=-bound, maxval=bound, dtype=jnp.float32)
    b0 = jax.random.uniform(ks[3], (D_OUT,), minval=-bound, maxval=bound, dtype=jnp.float32)
    W1 = jax.random.uniform(ks[4], (D_OUT, D_IN), minval=-bound, maxval=bound, dtype=jnp.float32)
    b1 = jax.random.uniform(ks[5], (D_OUT,), minval=-bound, maxval=bound, dtype=jnp.float32)
    W2 = jax.random.uniform(ks[6], (D_OUT, D_IN), minval=-bound, maxval=bound, dtype=jnp.float32)
    b2 = jax.random.uniform(ks[7], (D_OUT,), minval=-bound, maxval=bound, dtype=jnp.float32)
    return {"x": x, "edge_index": edge_index, "W0": W0, "b0": b0, "W1": W1, "b1": b1, "W2": W2, "b2": b2}


def reference(x, edge_index, W0, b0, W1, b1, W2, b2):
    src = edge_index[0]
    dst = edge_index[1]
    # in-degrees of each node (messages aggregated at dst), clamped at 1
    deg = jnp.zeros((N,), dtype=x.dtype).at[dst].add(1.0)
    deg = jnp.maximum(deg, 1.0)
    norm = (deg ** -0.5)[:, None]

    def prop(h):
        h = h * norm
        agg = jax.ops.segment_sum(h[src], dst, num_segments=N)
        return agg * norm

    xs = [x @ W0.T + b0]
    for j, (W, b) in enumerate([(W1, b1), (W2, b2)], start=1):
        xj = x @ W.T + b
        for _ in range(j):
            xj = prop(xj)
        xs.append(xj)
    return jnp.concatenate(xs, axis=1)

if __name__ == "__main__":
    import jax
    _d = setup_inputs()
    print(jax.jit(kernel)(*tuple(_d.values())))

</pallas_src>

<mosaic_0001>
#map = affine_map<(d0, d1) -> (0, 0)>
#map1 = affine_map<(d0, d1) -> (0)>
#map2 = affine_map<(d0, d1) -> (0, 0, 0)>
module attributes {stable_mosaic.version = 14 : i64} {
  func.func @prop_kernel(%arg0: i32, %arg1: i32, %arg2: memref<10000x128xf32, #tpu.memory_space<hbm>>, %arg3: memref<327680xi32, #tpu.memory_space<hbm>>, %arg4: memref<327680xi32, #tpu.memory_space<hbm>>, %arg5: memref<2x10000x128xf32, #tpu.memory_space<hbm>>, %arg6: memref<128xi32, #tpu.memory_space<vmem>>, %arg7: memref<128xi32, #tpu.memory_space<vmem>>, %arg8: memref<128xi32, #tpu.memory_space<vmem>>, %arg9: memref<128xi32, #tpu.memory_space<vmem>>, %arg10: memref<128x128xf32, #tpu.memory_space<vmem>>, %arg11: memref<128x128xf32, #tpu.memory_space<vmem>>, %arg12: memref<80x128xf32, #tpu.memory_space<vmem>>, %arg13: memref<8x80xi32, #tpu.memory_space<vmem>>, %arg14: memref<10240x128xf32, #tpu.memory_space<vmem_shared>>, %arg15: memref<!tpu.dma_semaphore, #tpu.memory_space<semaphore_mem>>, %arg16: memref<!tpu.dma_semaphore, #tpu.memory_space<semaphore_mem>>, %arg17: memref<!tpu.dma_semaphore, #tpu.memory_space<semaphore_mem>>, %arg18: memref<!tpu.dma_semaphore, #tpu.memory_space<semaphore_mem>>, %arg19: memref<!tpu.dma_semaphore, #tpu.memory_space<semaphore_mem>>, %arg20: memref<!tpu.dma_semaphore, #tpu.memory_space<semaphore_mem>>, %arg21: memref<!tpu.dma_semaphore, #tpu.memory_space<semaphore_mem>>) attributes {dimension_semantics = [#tpu.dimension_semantics<core_parallel>, #tpu.dimension_semantics<subcore_parallel>], iteration_bounds = array<i64: 2, 16>, scalar_prefetch = 0 : i64, scratch_operands = 16 : i64, tpu.core_type = #tpu.core_type<sc_vector_subcore>, window_params = [{transform_indices = #map}, {transform_indices = #map1}, {transform_indices = #map1}, {transform_indices = #map2}]} {
    %mul3A = arith.constant 16 : i32
    %mul3A_0 = arith.muli %arg0, %mul3A : i32
    %add3A = arith.addi %mul3A_0, %arg1 : i32
    %mul3A_1 = arith.constant 640 : i32
    %mul3A_2 = arith.muli %arg1, %mul3A_1 : i32
    %multiple_of3A = tpu.assume_multiple %mul3A_2, 80 : i32
    %iota3A = tpu.iota {dimensions = array<i32: 0>} : vector<16xi32>
    %scan3A = arith.constant 0 : i32
    %scan3A_3 = arith.constant 80 : i32
    %scan3A_4 = arith.addi %scan3A, %scan3A_3 : i32
    %scan3A_5 = arith.constant 1 : i32
    scf.for %scan3A_94 = %scan3A to %scan3A_4 step %scan3A_5  : i32 {
      %broadcast_in_dim3A = arith.constant 0.000000e+00 : f32
      %broadcast_in_dim3A_95 = vector.broadcast %broadcast_in_dim3A : f32 to vector<16xf32>
      %swap3A = arith.index_cast %scan3A_94 : i32 to index
      %swap3A_96 = arith.constant 0 : index
      %swap3A_97 = tpu.vector_load %arg12[%swap3A, %swap3A_96] {strides = array<i32>} : memref<80x128xf32, #tpu.memory_space<vmem>>, vector<1x16xf32>,
      %swap3A_98 = vector.shape_cast %swap3A_97 : vector<1x16xf32> to vector<16xf32>
      %swap3A_99 = vector.shape_cast %broadcast_in_dim3A_95 : vector<16xf32> to vector<1x16xf32>
      tpu.vector_store %arg12[%swap3A, %swap3A_96], %swap3A_99 {strides = array<i32>} : memref<80x128xf32, #tpu.memory_space<vmem>>, vector<1x16xf32>,
      %broadcast_in_dim3A_100 = arith.constant 0.000000e+00 : f32
      %broadcast_in_dim3A_101 = vector.broadcast %broadcast_in_dim3A_100 : f32 to vector<16xf32>
      %swap3A_102 = arith.index_cast %scan3A_94 : i32 to index
      %swap3A_103 = arith.constant 16 : index
      %swap3A_104 = tpu.vector_load %arg12[%swap3A_102, %swap3A_103] {strides = array<i32>} : memref<80x128xf32, #tpu.memory_space<vmem>>, vector<1x16xf32>,
      %swap3A_105 = vector.shape_cast %swap3A_104 : vector<1x16xf32> to vector<16xf32>
      %swap3A_106 = vector.shape_cast %broadcast_in_dim3A_101 : vector<16xf32> to vector<1x16xf32>
      tpu.vector_store %arg12[%swap3A_102, %swap3A_103], %swap3A_106 {strides = array<i32>} : memref<80x128xf32, #tpu.memory_space<vmem>>, vector<1x16xf32>,
      %broadcast_in_dim3A_107 = arith.constant 0.000000e+00 : f32
      %broadcast_in_dim3A_108 = vector.broadcast %broadcast_in_dim3A_107 : f32 to vector<16xf32>
      %swap3A_109 = arith.index_cast %scan3A_94 : i32 to index
      %swap3A_110 = arith.constant 32 : index
      %swap3A_111 = tpu.vector_load %arg12[%swap3A_109, %swap3A_110] {strides = array<i32>} : memref<80x128xf32, #tpu.memory_space<vmem>>, vector<1x16xf32>,
      %swap3A_112 = vector.shape_cast %swap3A_111 : vector<1x16xf32> to vector<16xf32>
      %swap3A_113 = vector.shape_cast %broadcast_in_dim3A_108 : vector<16xf32> to vector<1x16xf32>
      tpu.vector_store %arg12[%swap3A_109, %swap3A_110], %swap3A_113 {strides = array<i32>} : memref<80x128xf32, #tpu.memory_space<vmem>>, vector<1x16xf32>,
      %broadcast_in_dim3A_114 = arith.constant 0.000000e+00 : f32
      %broadcast_in_dim3A_115 = vector.broadcast %broadcast_in_dim3A_114 : f32 to vector<16xf32>
      %swap3A_116 = arith.index_cast %scan3A_94 : i32 to index
      %swap3A_117 = arith.constant 48 : index
      %swap3A_118 = tpu.vector_load %arg12[%swap3A_116, %swap3A_117] {strides = array<i32>} : memref<80x128xf32, #tpu.memory_space<vmem>>, vector<1x16xf32>,
      %swap3A_119 = vector.shape_cast %swap3A_118 : vector<1x16xf32> to vector<16xf32>
      %swap3A_120 = vector.shape_cast %broadcast_in_dim3A_115 : vector<16xf32> to vector<1x16xf32>
      tpu.vector_store %arg12[%swap3A_116, %swap3A_117], %swap3A_120 {strides = array<i32>} : memref<80x128xf32, #tpu.memory_space<vmem>>, vector<1x16xf32>,
      %broadcast_in_dim3A_121 = arith.constant 0.000000e+00 : f32
      %broadcast_in_dim3A_122 = vector.broadcast %broadcast_in_dim3A_121 : f32 to vector<16xf32>
      %swap3A_123 = arith.index_cast %scan3A_94 : i32 to index
      %swap3A_124 = arith.constant 64 : index
      %swap3A_125 = tpu.vector_load %arg12[%swap3A_123, %swap3A_124] {strides = array<i32>} : memref<80x128xf32, #tpu.memory_space<vmem>>, vector<1x16xf32>,
      %swap3A_126 = vector.shape_cast %swap3A_125 : vector<1x16xf32> to vector<16xf32>
      %swap3A_127 = vector.shape_cast %broadcast_in_dim3A_122 : vector<16xf32> to vector<1x16xf32>
      tpu.vector_store %arg12[%swap3A_123, %swap3A_124], %swap3A_127 {strides = array<i32>} : memref<80x128xf32, #tpu.memory_space<vmem>>, vector<1x16xf32>,
      %broadcast_in_dim3A_128 = arith.constant 0.000000e+00 : f32
      %broadcast_in_dim3A_129 = vector.broadcast %broadcast_in_dim3A_128 : f32 to vector<16xf32>
      %swap3A_130 = arith.index_cast %scan3A_94 : i32 to index
      %swap3A_131 = arith.constant 80 : index
      %swap3A_132 = tpu.vector_load %arg12[%swap3A_130, %swap3A_131] {strides = array<i32>} : memref<80x128xf32, #tpu.memory_space<vmem>>, vector<1x16xf32>,
      %swap3A_133 = vector.shape_cast %swap3A_132 : vector<1x16xf32> to vector<16xf32>
      %swap3A_134 = vector.shape_cast %broadcast_in_dim3A_129 : vector<16xf32> to vector<1x16xf32>
      tpu.vector_store %arg12[%swap3A_130, %swap3A_131], %swap3A_134 {strides = array<i32>} : memref<80x128xf32, #tpu.memory_space<vmem>>, vector<1x16xf32>,
      %broadcast_in_dim3A_135 = arith.constant 0.000000e+00 : f32
      %broadcast_in_dim3A_136 = vector.broadcast %broadcast_in_dim3A_135 : f32 to vector<16xf32>
      %swap3A_137 = arith.index_cast %scan3A_94 : i32 to index
      %swap3A_138 = arith.constant 96 : index
      %swap3A_139 = tpu.vector_load %arg12[%swap3A_137, %swap3A_138] {strides = array<i32>} : memref<80x128xf32, #tpu.memory_space<vmem>>, vector<1x16xf32>,
      %swap3A_140 = vector.shape_cast %swap3A_139 : vector<1x16xf32> to vector<16xf32>
      %swap3A_141 = vector.shape_cast %broadcast_in_dim3A_136 : vector<16xf32> to vector<1x16xf32>
      tpu.vector_store %arg12[%swap3A_137, %swap3A_138], %swap3A_141 {strides = array<i32>} : memref<80x128xf32, #tpu.memory_space<vmem>>, vector<1x16xf32>,
      %broadcast_in_dim3A_142 = arith.constant 0.000000e+00 : f32
      %broadcast_in_dim3A_143 = vector.broadcast %broadcast_in_dim3A_142 : f32 to vector<16xf32>
      %swap3A_144 = arith.index_cast %scan3A_94 : i32 to index
      %swap3A_145 = arith.constant 112 : index
      %swap3A_146 = tpu.vector_load %arg12[%swap3A_144, %swap3A_145] {strides = array<i32>} : memref<80x128xf32, #tpu.memory_space<vmem>>, vector<1x16xf32>,
      %swap3A_147 = vector.shape_cast %swap3A_146 : vector<1x16xf32> to vector<16xf32>
      %swap3A_148 = vector.shape_cast %broadcast_in_dim3A_143 : vector<16xf32> to vector<1x16xf32>
      tpu.vector_store %arg12[%swap3A_144, %swap3A_145], %swap3A_148 {strides = array<i32>} : memref<80x128xf32, #tpu.memory_space<vmem>>, vector<1x16xf32>,
      %jit3A_149 = arith.constant 8 : i32
      %eq3A_150 = arith.constant 0 : i32
      %eq3A_151 = arith.cmpi eq, %jit3A_149, %eq3A_150 : i32
      %jit3A_152 = arith.constant 1 : i32
      %select_n3A_153 = arith.select %eq3A_151, %jit3A_152, %jit3A_149 : i32
      %rem3A_154 = arith.remsi %scan3A_94, %select_n3A_153 : i32
      %ne3A_155 = arith.constant 0 : i32
      %ne3A_156 = arith.cmpi ne, %rem3A_154, %ne3A_155 : i32
      %lt3A_157 = arith.constant 0 : i32
      %lt3A_158 = arith.cmpi slt, %rem3A_154, %lt3A_157 : i32
      %lt3A_159 = arith.constant 0 : i32
      %lt3A_160 = arith.cmpi slt, %select_n3A_153, %lt3A_159 : i32
      %ne3A_161 = arith.xori %lt3A_158, %lt3A_160 : i1
      %and3A_162 = arith.andi %ne3A_161, %ne3A_156 : i1
      %add3A_163 = arith.addi %rem3A_154, %select_n3A_153 : i32
      %select_n3A_164 = arith.select %and3A_162, %add3A_163, %rem3A_154 : i32
      %mul3A_165 = arith.constant 80 : i32
      %mul3A_166 = arith.muli %select_n3A_164, %mul3A_165 : i32
      %add3A_167 = arith.addi %multiple_of3A, %mul3A_166 : i32
      %add3A_168 = arith.constant 0 : i32
      %add3A_169 = arith.addi %add3A_167, %add3A_168 : i32
      %add3A_170 = vector.broadcast %add3A_169 : i32 to vector<16xi32>
      %add3A_171 = arith.addi %add3A_170, %iota3A : vector<16xi32>
      %jit3A_172 = arith.constant 8 : i32
      %eq3A_173 = arith.constant 0 : i32
      %eq3A_174 = arith.cmpi eq, %jit3A_172, %eq3A_173 : i32
      %jit3A_175 = arith.constant 1 : i32
      %select_n3A_176 = arith.select %eq3A_174, %jit3A_175, %jit3A_172 : i32
      %rem3A_177 = arith.remsi %scan3A_94, %select_n3A_176 : i32
      %ne3A_178 = arith.constant 0 : i32
      %ne3A_179 = arith.cmpi ne, %rem3A_177, %ne3A_178 : i32
      %lt3A_180 = arith.constant 0 : i32
      %lt3A_181 = arith.cmpi slt, %rem3A_177, %lt3A_180 : i32
      %lt3A_182 = arith.constant 0 : i32
      %lt3A_183 = arith.cmpi slt, %select_n3A_176, %lt3A_182 : i32
      %ne3A_184 = arith.xori %lt3A_181, %lt3A_183 : i1
      %and3A_185 = arith.andi %ne3A_184, %ne3A_179 : i1
      %add3A_186 = arith.addi %rem3A_177, %select_n3A_176 : i32
      %select_n3A_187 = arith.select %and3A_185, %add3A_186, %rem3A_177 : i32
      %swap3A_188 = arith.index_cast %select_n3A_187 : i32 to index
      %swap3A_189 = arith.constant 0 : index
      %swap3A_190 = tpu.vector_load %arg13[%swap3A_188, %swap3A_189] {strides = array<i32>} : memref<8x80xi32, #tpu.memory_space<vmem>>, vector<1x16xi32>,
      %swap3A_191 = vector.shape_cast %swap3A_190 : vector<1x16xi32> to vector<16xi32>
      %swap3A_192 = vector.shape_cast %add3A_171 : vector<16xi32> to vector<1x16xi32>
      tpu.vector_store %arg13[%swap3A_188, %swap3A_189], %swap3A_192 {strides = array<i32>} : memref<8x80xi32, #tpu.memory_space<vmem>>, vector<1x16xi32>,
      %jit3A_193 = arith.constant 8 : i32
      %eq3A_194 = arith.constant 0 : i32
      %eq3A_195 = arith.cmpi eq, %jit3A_193, %eq3A_194 : i32
      %jit3A_196 = arith.constant 1 : i32
      %select_n3A_197 = arith.select %eq3A_195, %jit3A_196, %jit3A_193 : i32
      %rem3A_198 = arith.remsi %scan3A_94, %select_n3A_197 : i32
      %ne3A_199 = arith.constant 0 : i32
      %ne3A_200 = arith.cmpi ne, %rem3A_198, %ne3A_199 : i32
      %lt3A_201 = arith.constant 0 : i32
      %lt3A_202 = arith.cmpi slt, %rem3A_198, %lt3A_201 : i32
      %lt3A_203 = arith.constant 0 : i32
      %lt3A_204 = arith.cmpi slt, %select_n3A_197, %lt3A_203 : i32
      %ne3A_205 = arith.xori %lt3A_202, %lt3A_204 : i1
      %and3A_206 = arith.andi %ne3A_205, %ne3A_200 : i1
      %add3A_207 = arith.addi %rem3A_198, %select_n3A_197 : i32
      %select_n3A_208 = arith.select %and3A_206, %add3A_207, %rem3A_198 : i32
      %mul3A_209 = arith.constant 80 : i32
      %mul3A_210 = arith.muli %select_n3A_208, %mul3A_209 : i32
      %add3A_211 = arith.addi %multiple_of3A, %mul3A_210 : i32
      %add3A_212 = arith.constant 16 : i32
      %add3A_213 = arith.addi %add3A_211, %add3A_212 : i32
      %add3A_214 = vector.broadcast %add3A_213 : i32 to vector<16xi32>
      %add3A_215 = arith.addi %add3A_214, %iota3A : vector<16xi32>
      %jit3A_216 = arith.constant 8 : i32
      %eq3A_217 = arith.constant 0 : i32
      %eq3A_218 = arith.cmpi eq, %jit3A_216, %eq3A_217 : i32
      %jit3A_219 = arith.constant 1 : i32
      %select_n3A_220 = arith.select %eq3A_218, %jit3A_219, %jit3A_216 : i32
      %rem3A_221 = arith.remsi %scan3A_94, %select_n3A_220 : i32
      %ne3A_222 = arith.constant 0 : i32
      %ne3A_223 = arith.cmpi ne, %rem3A_221, %ne3A_222 : i32
      %lt3A_224 = arith.constant 0 : i32
      %lt3A_225 = arith.cmpi slt, %rem3A_221, %lt3A_224 : i32
      %lt3A_226 = arith.constant 0 : i32
      %lt3A_227 = arith.cmpi slt, %select_n3A_220, %lt3A_226 : i32
      %ne3A_228 = arith.xori %lt3A_225, %lt3A_227 : i1
      %and3A_229 = arith.andi %ne3A_228, %ne3A_223 : i1
      %add3A_230 = arith.addi %rem3A_221, %select_n3A_220 : i32
      %select_n3A_231 = arith.select %and3A_229, %add3A_230, %rem3A_221 : i32
      %swap3A_232 = arith.index_cast %select_n3A_231 : i32 to index
      %swap3A_233 = arith.constant 16 : index
      %swap3A_234 = tpu.vector_load %arg13[%swap3A_232, %swap3A_233] {strides = array<i32>} : memref<8x80xi32, #tpu.memory_space<vmem>>, vector<1x16xi32>,
      %swap3A_235 = vector.shape_cast %swap3A_234 : vector<1x16xi32> to vector<16xi32>
      %swap3A_236 = vector.shape_cast %add3A_215 : vector<16xi32> to vector<1x16xi32>
      tpu.vector_store %arg13[%swap3A_232, %swap3A_233], %swap3A_236 {strides = array<i32>} : memref<8x80xi32, #tpu.memory_space<vmem>>, vector<1x16xi32>,
      %jit3A_237 = arith.constant 8 : i32
      %eq3A_238 = arith.constant 0 : i32
      %eq3A_239 = arith.cmpi eq, %jit3A_237, %eq3A_238 : i32
      %jit3A_240 = arith.constant 1 : i32
      %select_n3A_241 = arith.select %eq3A_239, %jit3A_240, %jit3A_237 : i32
      %rem3A_242 = arith.remsi %scan3A_94, %select_n3A_241 : i32
      %ne3A_243 = arith.constant 0 : i32
      %ne3A_244 = arith.cmpi ne, %rem3A_242, %ne3A_243 : i32
      %lt3A_245 = arith.constant 0 : i32
      %lt3A_246 = arith.cmpi slt, %rem3A_242, %lt3A_245 : i32
      %lt3A_247 = arith.constant 0 : i32
      %lt3A_248 = arith.cmpi slt, %select_n3A_241, %lt3A_247 : i32
      %ne3A_249 = arith.xori %lt3A_246, %lt3A_248 : i1
      %and3A_250 = arith.andi %ne3A_249, %ne3A_244 : i1
      %add3A_251 = arith.addi %rem3A_242, %select_n3A_241 : i32
      %select_n3A_252 = arith.select %and3A_250, %add3A_251, %rem3A_242 : i32
      %mul3A_253 = arith.constant 80 : i32
      %mul3A_254 = arith.muli %select_n3A_252, %mul3A_253 : i32
      %add3A_255 = arith.addi %multiple_of3A, %mul3A_254 : i32
      %add3A_256 = arith.constant 32 : i32
      %add3A_257 = arith.addi %add3A_255, %add3A_256 : i32
      %add3A_258 = vector.broadcast %add3A_257 : i32 to vector<16xi32>
      %add3A_259 = arith.addi %add3A_258, %iota3A : vector<16xi32>
      %jit3A_260 = arith.constant 8 : i32
      %eq3A_261 = arith.constant 0 : i32
      %eq3A_262 = arith.cmpi eq, %jit3A_260, %eq3A_261 : i32
      %jit3A_263 = arith.constant 1 : i32
      %select_n3A_264 = arith.select %eq3A_262, %jit3A_263, %jit3A_260 : i32
      %rem3A_265 = arith.remsi %scan3A_94, %select_n3A_264 : i32
      %ne3A_266 = arith.constant 0 : i32
      %ne3A_267 = arith.cmpi ne, %rem3A_265, %ne3A_266 : i32
      %lt3A_268 = arith.constant 0 : i32
      %lt3A_269 = arith.cmpi slt, %rem3A_265, %lt3A_268 : i32
      %lt3A_270 = arith.constant 0 : i32
      %lt3A_271 = arith.cmpi slt, %select_n3A_264, %lt3A_270 : i32
      %ne3A_272 = arith.xori %lt3A_269, %lt3A_271 : i1
      %and3A_273 = arith.andi %ne3A_272, %ne3A_267 : i1
      %add3A_274 = arith.addi %rem3A_265, %select_n3A_264 : i32
      %select_n3A_275 = arith.select %and3A_273, %add3A_274, %rem3A_265 : i32
      %swap3A_276 = arith.index_cast %select_n3A_275 : i32 to index
      %swap3A_277 = arith.constant 32 : index
      %swap3A_278 = tpu.vector_load %arg13[%swap3A_276, %swap3A_277] {strides = array<i32>} : memref<8x80xi32, #tpu.memory_space<vmem>>, vector<1x16xi32>,
      %swap3A_279 = vector.shape_cast %swap3A_278 : vector<1x16xi32> to vector<16xi32>
      %swap3A_280 = vector.shape_cast %add3A_259 : vector<16xi32> to vector<1x16xi32>
      tpu.vector_store %arg13[%swap3A_276, %swap3A_277], %swap3A_280 {strides = array<i32>} : memref<8x80xi32, #tpu.memory_space<vmem>>, vector<1x16xi32>,
      %jit3A_281 = arith.constant 8 : i32
      %eq3A_282 = arith.constant 0 : i32
      %eq3A_283 = arith.cmpi eq, %jit3A_281, %eq3A_282 : i32
      %jit3A_284 = arith.constant 1 : i32
      %select_n3A_285 = arith.select %eq3A_283, %jit3A_284, %jit3A_281 : i32
      %rem3A_286 = arith.remsi %scan3A_94, %select_n3A_285 : i32
      %ne3A_287 = arith.constant 0 : i32
      %ne3A_288 = arith.cmpi ne, %rem3A_286, %ne3A_287 : i32
      %lt3A_289 = arith.constant 0 : i32
      %lt3A_290 = arith.cmpi slt, %rem3A_286, %lt3A_289 : i32
      %lt3A_291 = arith.constant 0 : i32
      %lt3A_292 = arith.cmpi slt, %select_n3A_285, %lt3A_291 : i32
      %ne3A_293 = arith.xori %lt3A_290, %lt3A_292 : i1
      %and3A_294 = arith.andi %ne3A_293, %ne3A_288 : i1
      %add3A_295 = arith.addi %rem3A_286, %select_n3A_285 : i32
      %select_n3A_296 = arith.select %and3A_294, %add3A_295, %rem3A_286 : i32
      %mul3A_297 = arith.constant 80 : i32
      %mul3A_298 = arith.muli %select_n3A_296, %mul3A_297 : i32
      %add3A_299 = arith.addi %multiple_of3A, %mul3A_298 : i32
      %add3A_300 = arith.constant 48 : i32
      %add3A_301 = arith.addi %add3A_299, %add3A_300 : i32
      %add3A_302 = vector.broadcast %add3A_301 : i32 to vector<16xi32>
      %add3A_303 = arith.addi %add3A_302, %iota3A : vector<16xi32>
      %jit3A_304 = arith.constant 8 : i32
      %eq3A_305 = arith.constant 0 : i32
      %eq3A_306 = arith.cmpi eq, %jit3A_304, %eq3A_305 : i32
      %jit3A_307 = arith.constant 1 : i32
      %select_n3A_308 = arith.select %eq3A_306, %jit3A_307, %jit3A_304 : i32
      %rem3A_309 = arith.remsi %scan3A_94, %select_n3A_308 : i32
      %ne3A_310 = arith.constant 0 : i32
      %ne3A_311 = arith.cmpi ne, %rem3A_309, %ne3A_310 : i32
      %lt3A_312 = arith.constant 0 : i32
      %lt3A_313 = arith.cmpi slt, %rem3A_309, %lt3A_312 : i32
      %lt3A_314 = arith.constant 0 : i32
      %lt3A_315 = arith.cmpi slt, %select_n3A_308, %lt3A_314 : i32
      %ne3A_316 = arith.xori %lt3A_313, %lt3A_315 : i1
      %and3A_317 = arith.andi %ne3A_316, %ne3A_311 : i1
      %add3A_318 = arith.addi %rem3A_309, %select_n3A_308 : i32
      %select_n3A_319 = arith.select %and3A_317, %add3A_318, %rem3A_309 : i32
      %swap3A_320 = arith.index_cast %select_n3A_319 : i32 to index
      %swap3A_321 = arith.constant 48 : index
      %swap3A_322 = tpu.vector_load %arg13[%swap3A_320, %swap3A_321] {strides = array<i32>} : memref<8x80xi32, #tpu.memory_space<vmem>>, vector<1x16xi32>,
      %swap3A_323 = vector.shape_cast %swap3A_322 : vector<1x16xi32> to vector<16xi32>
      %swap3A_324 = vector.shape_cast %add3A_303 : vector<16xi32> to vector<1x16xi32>
      tpu.vector_store %arg13[%swap3A_320, %swap3A_321], %swap3A_324 {strides = array<i32>} : memref<8x80xi32, #tpu.memory_space<vmem>>, vector<1x16xi32>,
      %jit3A_325 = arith.constant 8 : i32
      %eq3A_326 = arith.constant 0 : i32
      %eq3A_327 = arith.cmpi eq, %jit3A_325, %eq3A_326 : i32
      %jit3A_328 = arith.constant 1 : i32
      %select_n3A_329 = arith.select %eq3A_327, %jit3A_328, %jit3A_325 : i32
      %rem3A_330 = arith.remsi %scan3A_94, %select_n3A_329 : i32
      %ne3A_331 = arith.constant 0 : i32
      %ne3A_332 = arith.cmpi ne, %rem3A_330, %ne3A_331 : i32
      %lt3A_333 = arith.constant 0 : i32
      %lt3A_334 = arith.cmpi slt, %rem3A_330, %lt3A_333 : i32
      %lt3A_335 = arith.constant 0 : i32
      %lt3A_336 = arith.cmpi slt, %select_n3A_329, %lt3A_335 : i32
      %ne3A_337 = arith.xori %lt3A_334, %lt3A_336 : i1
      %and3A_338 = arith.andi %ne3A_337, %ne3A_332 : i1
      %add3A_339 = arith.addi %rem3A_330, %select_n3A_329 : i32
      %select_n3A_340 = arith.select %and3A_338, %add3A_339, %rem3A_330 : i32
      %mul3A_341 = arith.constant 80 : i32
      %mul3A_342 = arith.muli %select_n3A_340, %mul3A_341 : i32
      %add3A_343 = arith.addi %multiple_of3A, %mul3A_342 : i32
      %add3A_344 = arith.constant 64 : i32
      %add3A_345 = arith.addi %add3A_343, %add3A_344 : i32
      %add3A_346 = vector.broadcast %add3A_345 : i32 to vector<16xi32>
      %add3A_347 = arith.addi %add3A_346, %iota3A : vector<16xi32>
      %jit3A_348 = arith.constant 8 : i32
      %eq3A_349 = arith.constant 0 : i32
      %eq3A_350 = arith.cmpi eq, %jit3A_348, %eq3A_349 : i32
      %jit3A_351 = arith.constant 1 : i32
      %select_n3A_352 = arith.select %eq3A_350, %jit3A_351, %jit3A_348 : i32
      %rem3A_353 = arith.remsi %scan3A_94, %select_n3A_352 : i32
      %ne3A_354 = arith.constant 0 : i32
      %ne3A_355 = arith.cmpi ne, %rem3A_353, %ne3A_354 : i32
      %lt3A_356 = arith.constant 0 : i32
      %lt3A_357 = arith.cmpi slt, %rem3A_353, %lt3A_356 : i32
      %lt3A_358 = arith.constant 0 : i32
      %lt3A_359 = arith.cmpi slt, %select_n3A_352, %lt3A_358 : i32
      %ne3A_360 = arith.xori %lt3A_357, %lt3A_359 : i1
      %and3A_361 = arith.andi %ne3A_360, %ne3A_355 : i1
      %add3A_362 = arith.addi %rem3A_353, %select_n3A_352 : i32
      %select_n3A_363 = arith.select %and3A_361, %add3A_362, %rem3A_353 : i32
      %swap3A_364 = arith.index_cast %select_n3A_363 : i32 to index
      %swap3A_365 = arith.constant 64 : index
      %swap3A_366 = tpu.vector_load %arg13[%swap3A_364, %swap3A_365] {strides = array<i32>} : memref<8x80xi32, #tpu.memory_space<vmem>>, vector<1x16xi32>,
      %swap3A_367 = vector.shape_cast %swap3A_366 : vector<1x16xi32> to vector<16xi32>
      %swap3A_368 = vector.shape_cast %add3A_347 : vector<16xi32> to vector<1x16xi32>
      tpu.vector_store %arg13[%swap3A_364, %swap3A_365], %swap3A_368 {strides = array<i32>} : memref<8x80xi32, #tpu.memory_space<vmem>>, vector<1x16xi32>,
    }
    %scan3A_6 = arith.constant 80 : i32
    %eq3A = arith.constant 15 : i32
    %eq3A_7 = arith.cmpi eq, %arg1, %eq3A : i32
    %jit3A = arith.constant 400 : i32
    %jit3A_8 = arith.constant 640 : i32
    %select_n3A = arith.select %eq3A_7, %jit3A, %jit3A_8 : i32
    %eq3A_9 = arith.constant 0 : i32
    %eq3A_10 = arith.cmpi eq, %arg0, %eq3A_9 : i32
    %jit3A_11 = arith.constant 148 : i32
    %jit3A_12 = arith.constant 12 : i32
    %select_n3A_13 = arith.select %eq3A_10, %jit3A_11, %jit3A_12 : i32
    %eq3A_14 = arith.constant 0 : i32
    %eq3A_15 = arith.cmpi eq, %arg0, %eq3A_14 : i32
    %mul3A_16 = arith.constant 148 : i32
    %mul3A_17 = arith.muli %arg1, %mul3A_16 : i32
    %mul3A_18 = arith.constant 12 : i32
    %mul3A_19 = arith.muli %arg1, %mul3A_18 : i32
    %add3A_20 = arith.constant 2368 : i32
    %add3A_21 = arith.addi %add3A_20, %mul3A_19 : i32
    %select_n3A_22 = arith.select %eq3A_15, %mul3A_17, %add3A_21 : i32
    %jit3A_23 = arith.constant 80 : i32
    %div3A = arith.divsi %select_n3A, %jit3A_23 : i32
    %sign3A = arith.constant 0 : i32
    %sign3A_24 = arith.cmpi sgt, %select_n3A, %sign3A : i32
    %sign3A_25 = arith.extui %sign3A_24 : i1 to i32
    %sign3A_26 = arith.constant 0 : i32
    %sign3A_27 = arith.cmpi slt, %select_n3A, %sign3A_26 : i32
    %sign3A_28 = arith.extui %sign3A_27 : i1 to i32
    %sign3A_29 = arith.subi %sign3A_25, %sign3A_28 : i32
    %sign3A_30 = arith.constant 0 : i32
    %sign3A_31 = arith.cmpi sgt, %jit3A_23, %sign3A_30 : i32
    %sign3A_32 = arith.extui %sign3A_31 : i1 to i32
    %sign3A_33 = arith.constant 0 : i32
    %sign3A_34 = arith.cmpi slt, %jit3A_23, %sign3A_33 : i32
    %sign3A_35 = arith.extui %sign3A_34 : i1 to i32
    %sign3A_36 = arith.subi %sign3A_32, %sign3A_35 : i32
    %ne3A = arith.cmpi ne, %sign3A_29, %sign3A_36 : i32
    %rem3A = arith.remsi %select_n3A, %jit3A_23 : i32
    %ne3A_37 = arith.constant 0 : i32
    %ne3A_38 = arith.cmpi ne, %rem3A, %ne3A_37 : i32
    %and3A = arith.andi %ne3A, %ne3A_38 : i1
    %sub3A = arith.constant 1 : i32
    %sub3A_39 = arith.subi %div3A, %sub3A : i32
    %select_n3A_40 = arith.select %and3A, %sub3A_39, %div3A : i32
    %while3A = arith.constant 0 : i32
    %while3A_41 = arith.subi %select_n3A_40, %while3A : i32
    %while3A_42 = arith.addi %while3A, %while3A_41 : i32
    %while3A_43 = arith.constant 1 : i32
    %while3A_44 = arith.divsi %while3A_41, %while3A_43 : i32
    %while3A_45 = arith.muli %while3A_44, %while3A_43 : i32
    %while3A_46 = arith.addi %while3A, %while3A_45 : i32
    %while3A_47 = arith.constant 1 : i32
    scf.for %while3A_94 = %while3A to %while3A_46 step %while3A_47  : i32 {
      %dma_start3A = arith.constant 0 : i32
      %dma_start3A_95 = tpu.memref_slice %arg13[%while3A_94, %dma_start3A] : memref<8x80xi32, #tpu.memory_space<vmem>> -> memref<1x80xi32, #tpu.memory_space<vmem>>
      %dma_start3A_96 = tpu.memref_squeeze %dma_start3A_95 : memref<1x80xi32, #tpu.memory_space<vmem>> -> memref<80xi32, #tpu.memory_space<vmem>>
      %dma_start3A_97 = arith.constant 0 : i32
      %dma_start3A_98 = arith.constant 0 : i32
      %dma_start3A_99 = tpu.memref_slice %arg14[%dma_start3A_97, %dma_start3A_98] : memref<10240x128xf32, #tpu.memory_space<vmem_shared>> -> memref<10240x128xf32, #tpu.memory_space<vmem_shared>>
      tpu.enqueue_indirect_dma source(%arg12 : memref<80x128xf32, #tpu.memory_space<vmem>>) target(%dma_start3A_99 : memref<10240x128xf32, #tpu.memory_space<vmem_shared>>) offsets(%dma_start3A_96 : memref<80xi32, #tpu.memory_space<vmem>>) semaphore(%arg21 : memref<!tpu.dma_semaphore, #tpu.memory_space<semaphore_mem>>)
    }
    %while3A_48 = arith.constant 1 : i32
    scf.for %while3A_94 = %while3A_46 to %while3A_42 step %while3A_48  : i32 {
      %dma_start3A = arith.constant 0 : i32
      %dma_start3A_95 = tpu.memref_slice %arg13[%while3A_94, %dma_start3A] : memref<8x80xi32, #tpu.memory_space<vmem>> -> memref<1x80xi32, #tpu.memory_space<vmem>>
      %dma_start3A_96 = tpu.memref_squeeze %dma_start3A_95 : memref<1x80xi32, #tpu.memory_space<vmem>> -> memref<80xi32, #tpu.memory_space<vmem>>
      %dma_start3A_97 = arith.constant 0 : i32
      %dma_start3A_98 = arith.constant 0 : i32
      %dma_start3A_99 = tpu.memref_slice %arg14[%dma_start3A_97, %dma_start3A_98] : memref<10240x128xf32, #tpu.memory_space<vmem_shared>> -> memref<10240x128xf32, #tpu.memory_space<vmem_shared>>
      tpu.enqueue_indirect_dma source(%arg12 : memref<80x128xf32, #tpu.memory_space<vmem>>) target(%dma_start3A_99 : memref<10240x128xf32, #tpu.memory_space<vmem_shared>>) offsets(%dma_start3A_96 : memref<80xi32, #tpu.memory_space<vmem>>) semaphore(%arg21 : memref<!tpu.dma_semaphore, #tpu.memory_space<semaphore_mem>>)
    }
    %jit3A_49 = arith.constant 80 : i32
    %div3A_50 = arith.divsi %select_n3A, %jit3A_49 : i32
    %sign3A_51 = arith.constant 0 : i32
    %sign3A_52 = arith.cmpi sgt, %select_n3A, %sign3A_51 : i32
    %sign3A_53 = arith.extui %sign3A_52 : i1 to i32
    %sign3A_54 = arith.constant 0 : i32
    %sign3A_55 = arith.cmpi slt, %select_n3A, %sign3A_54 : i32
    %sign3A_56 = arith.extui %sign3A_55 : i1 to i32
    %sign3A_57 = arith.subi %sign3A_53, %sign3A_56 : i32
    %sign3A_58 = arith.constant 0 : i32
    %sign3A_59 = arith.cmpi sgt, %jit3A_49, %sign3A_58 : i32
    %sign3A_60 = arith.extui %sign3A_59 : i1 to i32
    %sign3A_61 = arith.constant 0 : i32
    %sign3A_62 = arith.cmpi slt, %jit3A_49, %sign3A_61 : i32
    %sign3A_63 = arith.extui %sign3A_62 : i1 to i32
    %sign3A_64 = arith.subi %sign3A_60, %sign3A_63 : i32
    %ne3A_65 = arith.cmpi ne, %sign3A_57, %sign3A_64 : i32
    %rem3A_66 = arith.remsi %select_n3A, %jit3A_49 : i32
    %ne3A_67 = arith.constant 0 : i32
    %ne3A_68 = arith.cmpi ne, %rem3A_66, %ne3A_67 : i32
    %and3A_69 = arith.andi %ne3A_65, %ne3A_68 : i1
    %sub3A_70 = arith.constant 1 : i32
    %sub3A_71 = arith.subi %div3A_50, %sub3A_70 : i32
    %select_n3A_72 = arith.select %and3A_69, %sub3A_71, %div3A_50 : i32
    %while3A_73 = arith.constant 0 : i32
    %while3A_74 = arith.subi %select_n3A_72, %while3A_73 : i32
    %while3A_75 = arith.addi %while3A_73, %while3A_74 : i32
    %while3A_76 = arith.constant 1 : i32
    %while3A_77 = arith.divsi %while3A_74, %while3A_76 : i32
    %while3A_78 = arith.muli %while3A_77, %while3A_76 : i32
    %while3A_79 = arith.addi %while3A_73, %while3A_78 : i32
    %while3A_80 = arith.constant 1 : i32
    scf.for %while3A_94 = %while3A_73 to %while3A_79 step %while3A_80  : i32 {
      %dma_wait3A = arith.constant 0 : i32
      %dma_wait3A_95 = arith.constant 0 : i32
      %dma_wait3A_96 = tpu.memref_slice %arg13[%dma_wait3A, %dma_wait3A_95] : memref<8x80xi32, #tpu.memory_space<vmem>> -> memref<1x80xi32, #tpu.memory_space<vmem>>
      %dma_wait3A_97 = tpu.memref_squeeze %dma_wait3A_96 : memref<1x80xi32, #tpu.memory_space<vmem>> -> memref<80xi32, #tpu.memory_space<vmem>>
      %dma_wait3A_98 = arith.constant 0 : i32
      %dma_wait3A_99 = arith.constant 0 : i32
      %dma_wait3A_100 = tpu.memref_slice %arg14[%dma_wait3A_98, %dma_wait3A_99] : memref<10240x128xf32, #tpu.memory_space<vmem_shared>> -> memref<10240x128xf32, #tpu.memory_space<vmem_shared>>
      tpu.wait_indirect_dma semaphore(%arg21 : memref<!tpu.dma_semaphore, #tpu.memory_space<semaphore_mem>>) src(%arg12 : memref<80x128xf32, #tpu.memory_space<vmem>>) dst(%dma_wait3A_100 : memref<10240x128xf32, #tpu.memory_space<vmem_shared>>)
    }
    %while3A_81 = arith.constant 1 : i32
    scf.for %while3A_94 = %while3A_79 to %while3A_75 step %while3A_81  : i32 {
      %dma_wait3A = arith.constant 0 : i32
      %dma_wait3A_95 = arith.constant 0 : i32
      %dma_wait3A_96 = tpu.memref_slice %arg13[%dma_wait3A, %dma_wait3A_95] : memref<8x80xi32, #tpu.memory_space<vmem>> -> memref<1x80xi32, #tpu.memory_space<vmem>>
      %dma_wait3A_97 = tpu.memref_squeeze %dma_wait3A_96 : memref<1x80xi32, #tpu.memory_space<vmem>> -> memref<80xi32, #tpu.memory_space<vmem>>
      %dma_wait3A_98 = arith.constant 0 : i32
      %dma_wait3A_99 = arith.constant 0 : i32
      %dma_wait3A_100 = tpu.memref_slice %arg14[%dma_wait3A_98, %dma_wait3A_99] : memref<10240x128xf32, #tpu.memory_space<vmem_shared>> -> memref<10240x128xf32, #tpu.memory_space<vmem_shared>>
      tpu.wait_indirect_dma semaphore(%arg21 : memref<!tpu.dma_semaphore, #tpu.memory_space<semaphore_mem>>) src(%arg12 : memref<80x128xf32, #tpu.memory_space<vmem>>) dst(%dma_wait3A_100 : memref<10240x128xf32, #tpu.memory_space<vmem_shared>>)
    }
    %barrier3A = arith.constant 0 : index
    tpu.barrier barrier_id(%barrier3A)
    %gt3A = arith.constant 0 : i32
    %gt3A_82 = arith.cmpi sgt, %select_n3A_13, %gt3A : i32
    %convert_element_type3A = arith.extui %gt3A_82 : i1 to i32
    %cond3A = arith.constant 0 : i32
    %cond3A_83 = arith.cmpi ne, %convert_element_type3A, %cond3A : i32
    scf.if %cond3A_83 {
      %add3A_94 = arith.constant 0 : i32
      %add3A_95 = arith.addi %select_n3A_22, %add3A_94 : i32
      %mul3A_96 = arith.constant 128 : i32
      %mul3A_97 = arith.muli %add3A_95, %mul3A_96 : i32
      %multiple_of3A_98 = tpu.assume_multiple %mul3A_97, 128 : i32
      %dma_start3A = tpu.memref_slice %arg3[%multiple_of3A_98] : memref<327680xi32, #tpu.memory_space<hbm>> -> memref<128xi32, #tpu.memory_space<hbm>>
      %dma_start3A_99 = tpu.memref_slice %arg3[%multiple_of3A_98] : memref<327680xi32, #tpu.memory_space<hbm>> -> memref<128xi32, #tpu.memory_space<hbm>>
      tpu.enqueue_dma source(%dma_start3A_99 : memref<128xi32, #tpu.memory_space<hbm>>) target(%arg6 : memref<128xi32, #tpu.memory_space<vmem>>) target_semaphore(%arg17 : memref<!tpu.dma_semaphore, #tpu.memory_space<semaphore_mem>>)
      %add3A_100 = arith.constant 0 : i32
      %add3A_101 = arith.addi %select_n3A_22, %add3A_100 : i32
      %mul3A_102 = arith.constant 128 : i32
      %mul3A_103 = arith.muli %add3A_101, %mul3A_102 : i32
      %multiple_of3A_104 = tpu.assume_multiple %mul3A_103, 128 : i32
      %dma_start3A_105 = tpu.memref_slice %arg4[%multiple_of3A_104] : memref<327680xi32, #tpu.memory_space<hbm>> -> memref<128xi32, #tpu.memory_space<hbm>>
      %dma_start3A_106 = tpu.memref_slice %arg4[%multiple_of3A_104] : memref<327680xi32, #tpu.memory_space<hbm>> -> memref<128xi32, #tpu.memory_space<hbm>>
      tpu.enqueue_dma source(%dma_start3A_106 : memref<128xi32, #tpu.memory_space<hbm>>) target(%arg8 : memref<128xi32, #tpu.memory_space<vmem>>) target_semaphore(%arg19 : memref<!tpu.dma_semaphore, #tpu.memory_space<semaphore_mem>>)
      %dma_wait3A = arith.constant 0 : i32
      %dma_wait3A_107 = tpu.memref_slice %arg3[%dma_wait3A] : memref<327680xi32, #tpu.memory_space<hbm>> -> memref<128xi32, #tpu.memory_space<hbm>>
      %dma_wait3A_108 = arith.constant 0 : i32
      %dma_wait3A_109 = tpu.memref_slice %arg3[%dma_wait3A_108] : memref<327680xi32, #tpu.memory_space<hbm>> -> memref<128xi32, #tpu.memory_space<hbm>>
      tpu.wait_dma2 semaphore(%arg17 : memref<!tpu.dma_semaphore, #tpu.memory_space<semaphore_mem>>) src(%dma_wait3A_109 : memref<128xi32, #tpu.memory_space<hbm>>) dst(%arg6 : memref<128xi32, #tpu.memory_space<vmem>>)
      %dma_start3A_110 = arith.constant 0 : i32
      %dma_start3A_111 = arith.constant 0 : i32
      %dma_start3A_112 = tpu.memref_slice %arg2[%dma_start3A_110, %dma_start3A_111] : memref<10000x128xf32, #tpu.memory_space<hbm>> -> memref<10000x128xf32, #tpu.memory_space<hbm>>
      tpu.enqueue_indirect_dma source(%dma_start3A_112 : memref<10000x128xf32, #tpu.memory_space<hbm>>) target(%arg10 : memref<128x128xf32, #tpu.memory_space<vmem>>) offsets(%arg6 : memref<128xi32, #tpu.memory_space<vmem>>) semaphore(%arg15 : memref<!tpu.dma_semaphore, #tpu.memory_space<semaphore_mem>>)
      %add3A_113 = arith.constant 1 : i32
      %add3A_114 = arith.addi %select_n3A_22, %add3A_113 : i32
      %mul3A_115 = arith.constant 128 : i32
      %mul3A_116 = arith.muli %add3A_114, %mul3A_115 : i32
      %multiple_of3A_117 = tpu.assume_multiple %mul3A_116, 128 : i32
      %dma_start3A_118 = tpu.memref_slice %arg3[%multiple_of3A_117] : memref<327680xi32, #tpu.memory_space<hbm>> -> memref<128xi32, #tpu.memory_space<hbm>>
      %dma_start3A_119 = tpu.memref_slice %arg3[%multiple_of3A_117] : memref<327680xi32, #tpu.memory_space<hbm>> -> memref<128xi32, #tpu.memory_space<hbm>>
      tpu.enqueue_dma source(%dma_start3A_119 : memref<128xi32, #tpu.memory_space<hbm>>) target(%arg7 : memref<128xi32, #tpu.memory_space<vmem>>) target_semaphore(%arg18 : memref<!tpu.dma_semaphore, #tpu.memory_space<semaphore_mem>>)
      %add3A_120 = arith.constant 1 : i32
      %add3A_121 = arith.addi %select_n3A_22, %add3A_120 : i32
      %mul3A_122 = arith.constant 128 : i32
      %mul3A_123 = arith.muli %add3A_121, %mul3A_122 : i32
      %multiple_of3A_124 = tpu.assume_multiple %mul3A_123, 128 : i32
      %dma_start3A_125 = tpu.memref_slice %arg4[%multiple_of3A_124] : memref<327680xi32, #tpu.memory_space<hbm>> -> memref<128xi32, #tpu.memory_space<hbm>>
      %dma_start3A_126 = tpu.memref_slice %arg4[%multiple_of3A_124] : memref<327680xi32, #tpu.memory_space<hbm>> -> memref<128xi32, #tpu.memory_space<hbm>>
      tpu.enqueue_dma source(%dma_start3A_126 : memref<128xi32, #tpu.memory_space<hbm>>) target(%arg9 : memref<128xi32, #tpu.memory_space<vmem>>) target_semaphore(%arg20 : memref<!tpu.dma_semaphore, #tpu.memory_space<semaphore_mem>>)
      %dma_wait3A_127 = arith.constant 0 : i32
      %dma_wait3A_128 = tpu.memref_slice %arg3[%dma_wait3A_127] : memref<327680xi32, #tpu.memory_space<hbm>> -> memref<128xi32, #tpu.memory_space<hbm>>
      %dma_wait3A_129 = arith.constant 0 : i32
      %dma_wait3A_130 = tpu.memref_slice %arg3[%dma_wait3A_129] : memref<327680xi32, #tpu.memory_space<hbm>> -> memref<128xi32, #tpu.memory_space<hbm>>
      tpu.wait_dma2 semaphore(%arg18 : memref<!tpu.dma_semaphore, #tpu.memory_space<semaphore_mem>>) src(%dma_wait3A_130 : memref<128xi32, #tpu.memory_space<hbm>>) dst(%arg7 : memref<128xi32, #tpu.memory_space<vmem>>)
      %dma_start3A_131 = arith.constant 0 : i32
      %dma_start3A_132 = arith.constant 0 : i32
      %dma_start3A_133 = tpu.memref_slice %arg2[%dma_start3A_131, %dma_start3A_132] : memref<10000x128xf32, #tpu.memory_space<hbm>> -> memref<10000x128xf32, #tpu.memory_space<hbm>>
      tpu.enqueue_indirect_dma source(%dma_start3A_133 : memref<10000x128xf32, #tpu.memory_space<hbm>>) target(%arg11 : memref<128x128xf32, #tpu.memory_space<vmem>>) offsets(%arg7 : memref<128xi32, #tpu.memory_space<vmem>>) semaphore(%arg16 : memref<!tpu.dma_semaphore, #tpu.memory_space<semaphore_mem>>)
      %jit3A_134 = arith.constant 2 : i32
      %div3A_135 = arith.divsi %select_n3A_13, %jit3A_134 : i32
      %sign3A_136 = arith.constant 0 : i32
      %sign3A_137 = arith.cmpi sgt, %select_n3A_13, %sign3A_136 : i32
      %sign3A_138 = arith.extui %sign3A_137 : i1 to i32
      %sign3A_139 = arith.constant 0 : i32
      %sign3A_140 = arith.cmpi slt, %select_n3A_13, %sign3A_139 : i32
      %sign3A_141 = arith.extui %sign3A_140 : i1 to i32
      %sign3A_142 = arith.subi %sign3A_138, %sign3A_141 : i32
      %sign3A_143 = arith.constant 0 : i32
      %sign3A_144 = arith.cmpi sgt, %jit3A_134, %sign3A_143 : i32
      %sign3A_145 = arith.extui %sign3A_144 : i1 to i32
      %sign3A_146 = arith.constant 0 : i32
      %sign3A_147 = arith.cmpi slt, %jit3A_134, %sign3A_146 : i32
      %sign3A_148 = arith.extui %sign3A_147 : i1 to i32
      %sign3A_149 = arith.subi %sign3A_145, %sign3A_148 : i32
      %ne3A_150 = arith.cmpi ne, %sign3A_142, %sign3A_149 : i32
      %rem3A_151 = arith.remsi %select_n3A_13, %jit3A_134 : i32
      %ne3A_152 = arith.constant 0 : i32
      %ne3A_153 = arith.cmpi ne, %rem3A_151, %ne3A_152 : i32
      %and3A_154 = arith.andi %ne3A_150, %ne3A_153 : i1
      %sub3A_155 = arith.constant 1 : i32
      %sub3A_156 = arith.subi %div3A_135, %sub3A_155 : i32
      %select_n3A_157 = arith.select %and3A_154, %sub3A_156, %div3A_135 : i32
      %sub3A_158 = arith.constant 1 : i32
      %sub3A_159 = arith.subi %select_n3A_157, %sub3A_158 : i32
      %while3A_160 = arith.constant 0 : i32
      %while3A_161 = arith.subi %sub3A_159, %while3A_160 : i32
      %while3A_162 = arith.addi %while3A_160, %while3A_161 : i32
      %while3A_163 = arith.constant 1 : i32
      %while3A_164 = arith.divsi %while3A_161, %while3A_163 : i32
      %while3A_165 = arith.muli %while3A_164, %while3A_163 : i32
      %while3A_166 = arith.addi %while3A_160, %while3A_165 : i32
      %while3A_167 = arith.constant 1 : i32
      scf.for %while3A_183 = %while3A_160 to %while3A_166 step %while3A_167  : i32 {
        %mul3A_184 = arith.constant 2 : i32
        %mul3A_185 = arith.muli %while3A_183, %mul3A_184 : i32
        %add3A_186 = arith.constant 0 : i32
        %add3A_187 = arith.addi %mul3A_185, %add3A_186 : i32
        %dma_wait3A_188 = arith.constant 0 : i32
        %dma_wait3A_189 = arith.constant 0 : i32
        %dma_wait3A_190 = tpu.memref_slice %arg2[%dma_wait3A_188, %dma_wait3A_189] : memref<10000x128xf32, #tpu.memory_space<hbm>> -> memref<10000x128xf32, #tpu.memory_space<hbm>>
        tpu.wait_indirect_dma semaphore(%arg15 : memref<!tpu.dma_semaphore, #tpu.memory_space<semaphore_mem>>) src(%dma_wait3A_190 : memref<10000x128xf32, #tpu.memory_space<hbm>>) dst(%arg10 : memref<128x128xf32, #tpu.memory_space<vmem>>)
        %add3A_191 = arith.constant 2 : i32
        %add3A_192 = arith.addi %add3A_187, %add3A_191 : i32
        %add3A_193 = arith.addi %select_n3A_22, %add3A_192 : i32
        %mul3A_194 = arith.constant 128 : i32
        %mul3A_195 = arith.muli %add3A_193, %mul3A_194 : i32
        %multiple_of3A_196 = tpu.assume_multiple %mul3A_195, 128 : i32
        %dma_start3A_197 = tpu.memref_slice %arg3[%multiple_of3A_196] : memref<327680xi32, #tpu.memory_space<hbm>> -> memref<128xi32, #tpu.memory_space<hbm>>
        %dma_start3A_198 = tpu.memref_slice %arg3[%multiple_of3A_196] : memref<327680xi32, #tpu.memory_space<hbm>> -> memref<128xi32, #tpu.memory_space<hbm>>
        tpu.enqueue_dma source(%dma_start3A_198 : memref<128xi32, #tpu.memory_space<hbm>>) target(%arg6 : memref<128xi32, #tpu.memory_space<vmem>>) target_semaphore(%arg17 : memref<!tpu.dma_semaphore, #tpu.memory_space<semaphore_mem>>)
        %dma_wait3A_199 = arith.constant 0 : i32
        %dma_wait3A_200 = tpu.memref_slice %arg4[%dma_wait3A_199] : memref<327680xi32, #tpu.memory_space<hbm>> -> memref<128xi32, #tpu.memory_space<hbm>>
        %dma_wait3A_201 = arith.constant 0 : i32
        %dma_wait3A_202 = tpu.memref_slice %arg4[%dma_wait3A_201] : memref<327680xi32, #tpu.memory_space<hbm>> -> memref<128xi32, #tpu.memory_space<hbm>>
        tpu.wait_dma2 semaphore(%arg19 : memref<!tpu.dma_semaphore, #tpu.memory_space<semaphore_mem>>) src(%dma_wait3A_202 : memref<128xi32, #tpu.memory_space<hbm>>) dst(%arg8 : memref<128xi32, #tpu.memory_space<vmem>>)
        "tpu.region"() ({
          %run_scoped3A = tpu.sem_alloc : memref<!tpu.dma_semaphore, #tpu.memory_space<semaphore_mem>>
          %dma_start3A_252 = arith.constant 0 : i32
          %dma_start3A_253 = arith.constant 0 : i32
          %dma_start3A_254 = tpu.memref_slice %arg14[%dma_start3A_252, %dma_start3A_253] : memref<10240x128xf32, #tpu.memory_space<vmem_shared>> -> memref<10240x128xf32, #tpu.memory_space<vmem_shared>>
          tpu.enqueue_indirect_dma source(%arg10 : memref<128x128xf32, #tpu.memory_space<vmem>>) target(%dma_start3A_254 : memref<10240x128xf32, #tpu.memory_space<vmem_shared>>) offsets(%arg8 : memref<128xi32, #tpu.memory_space<vmem>>) semaphore(%run_scoped3A : memref<!tpu.dma_semaphore, #tpu.memory_space<semaphore_mem>>) {add = true}
          %dma_wait3A_255 = arith.constant 0 : i32
          %dma_wait3A_256 = arith.constant 0 : i32
          %dma_wait3A_257 = tpu.memref_slice %arg14[%dma_wait3A_255, %dma_wait3A_256] : memref<10240x128xf32, #tpu.memory_space<vmem_shared>> -> memref<10240x128xf32, #tpu.memory_space<vmem_shared>>
          tpu.wait_indirect_dma semaphore(%run_scoped3A : memref<!tpu.dma_semaphore, #tpu.memory_space<semaphore_mem>>) src(%arg10 : memref<128x128xf32, #tpu.memory_space<vmem>>) dst(%dma_wait3A_257 : memref<10240x128xf32, #tpu.memory_space<vmem_shared>>)
          tpu.yield
        }) : () -> ()
        %add3A_203 = arith.constant 2 : i32
        %add3A_204 = arith.addi %add3A_187, %add3A_203 : i32
        %add3A_205 = arith.addi %select_n3A_22, %add3A_204 : i32
        %mul3A_206 = arith.constant 128 : i32
        %mul3A_207 = arith.muli %add3A_205, %mul3A_206 : i32
        %multiple_of3A_208 = tpu.assume_multiple %mul3A_207, 128 : i32
        %dma_start3A_209 = tpu.memref_slice %arg4[%multiple_of3A_208] : memref<327680xi32, #tpu.memory_space<hbm>> -> memref<128xi32, #tpu.memory_space<hbm>>
        %dma_start3A_210 = tpu.memref_slice %arg4[%multiple_of3A_208] : memref<327680xi32, #tpu.memory_space<hbm>> -> memref<128xi32, #tpu.memory_space<hbm>>
        tpu.enqueue_dma source(%dma_start3A_210 : memref<128xi32, #tpu.memory_space<hbm>>) target(%arg8 : memref<128xi32, #tpu.memory_space<vmem>>) target_semaphore(%arg19 : memref<!tpu.dma_semaphore, #tpu.memory_space<semaphore_mem>>)
        %dma_wait3A_211 = arith.constant 0 : i32
        %dma_wait3A_212 = tpu.memref_slice %arg3[%dma_wait3A_211] : memref<327680xi32, #tpu.memory_space<hbm>> -> memref<128xi32, #tpu.memory_space<hbm>>
        %dma_wait3A_213 = arith.constant 0 : i32
        %dma_wait3A_214 = tpu.memref_slice %arg3[%dma_wait3A_213] : memref<327680xi32, #tpu.memory_space<hbm>> -> memref<128xi32, #tpu.memory_space<hbm>>
        tpu.wait_dma2 semaphore(%arg17 : memref<!tpu.dma_semaphore, #tpu.memory_space<semaphore_mem>>) src(%dma_wait3A_214 : memref<128xi32, #tpu.memory_space<hbm>>) dst(%arg6 : memref<128xi32, #tpu.memory_space<vmem>>)
        %dma_start3A_215 = arith.constant 0 : i32
        %dma_start3A_216 = arith.constant 0 : i32
        %dma_start3A_217 = tpu.memref_slice %arg2[%dma_start3A_215, %dma_start3A_216] : memref<10000x128xf32, #tpu.memory_space<hbm>> -> memref<10000x128xf32, #tpu.memory_space<hbm>>
        tpu.enqueue_indirect_dma source(%dma_start3A_217 : memref<10000x128xf32, #tpu.memory_space<hbm>>) target(%arg10 : memref<128x128xf32, #tpu.memory_space<vmem>>) offsets(%arg6 : memref<128xi32, #tpu.memory_space<vmem>>) semaphore(%arg15 : memref<!tpu.dma_semaphore, #tpu.memory_space<semaphore_mem>>)
        %mul3A_218 = arith.constant 2 : i32
        %mul3A_219 = arith.muli %while3A_183, %mul3A_218 : i32
        %add3A_220 = arith.constant 1 : i32
        %add3A_221 = arith.addi %mul3A_219, %add3A_220 : i32
        %dma_wait3A_222 = arith.constant 0 : i32
        %dma_wait3A_223 = arith.constant 0 : i32
        %dma_wait3A_224 = tpu.memref_slice %arg2[%dma_wait3A_222, %dma_wait3A_223] : memref<10000x128xf32, #tpu.memory_space<hbm>> -> memref<10000x128xf32, #tpu.memory_space<hbm>>
        tpu.wait_indirect_dma semaphore(%arg16 : memref<!tpu.dma_semaphore, #tpu.memory_space<semaphore_mem>>) src(%dma_wait3A_224 : memref<10000x128xf32, #tpu.memory_space<hbm>>) dst(%arg11 : memref<128x128xf32, #tpu.memory_space<vmem>>)
        %add3A_225 = arith.constant 2 : i32
        %add3A_226 = arith.addi %add3A_221, %add3A_225 : i32
        %add3A_227 = arith.addi %select_n3A_22, %add3A_226 : i32
        %mul3A_228 = arith.constant 128 : i32
        %mul3A_229 = arith.muli %add3A_227, %mul3A_228 : i32
        %multiple_of3A_230 = tpu.assume_multiple %mul3A_229, 128 : i32
        %dma_start3A_231 = tpu.memref_slice %arg3[%multiple_of3A_230] : memref<327680xi32, #tpu.memory_space<hbm>> -> memref<128xi32, #tpu.memory_space<hbm>>
        %dma_start3A_232 = tpu.memref_slice %arg3[%multiple_of3A_230] : memref<327680xi32, #tpu.memory_space<hbm>> -> memref<128xi32, #tpu.memory_space<hbm>>
        tpu.enqueue_dma source(%dma_start3A_232 : memref<128xi32, #tpu.memory_space<hbm>>) target(%arg7 : memref<128xi32, #tpu.memory_space<vmem>>) target_semaphore(%arg18 : memref<!tpu.dma_semaphore, #tpu.memory_space<semaphore_mem>>)
        %dma_wait3A_233 = arith.constant 0 : i32
        %dma_wait3A_234 = tpu.memref_slice %arg4[%dma_wait3A_233] : memref<327680xi32, #tpu.memory_space<hbm>> -> memref<128xi32, #tpu.memory_space<hbm>>
        %dma_wait3A_235 = arith.constant 0 : i32
        %dma_wait3A_236 = tpu.memref_slice %arg4[%dma_wait3A_235] : memref<327680xi32, #tpu.memory_space<hbm>> -> memref<128xi32, #tpu.memory_space<hbm>>
        tpu.wait_dma2 semaphore(%arg20 : memref<!tpu.dma_semaphore, #tpu.memory_space<semaphore_mem>>) src(%dma_wait3A_236 : memref<128xi32, #tpu.memory_space<hbm>>) dst(%arg9 : memref<128xi32, #tpu.memory_space<vmem>>)
        "tpu.region"() ({
          %run_scoped3A = tpu.sem_alloc : memref<!tpu.dma_semaphore, #tpu.memory_space<semaphore_mem>>
          %dma_start3A_252 = arith.constant 0 : i32
          %dma_start3A_253 = arith.constant 0 : i32
          %dma_start3A_254 = tpu.memref_slice %arg14[%dma_start3A_252, %dma_start3A_253] : memref<10240x128xf32, #tpu.memory_space<vmem_shared>> -> memref<10240x128xf32, #tpu.memory_space<vmem_shared>>
          tpu.enqueue_indirect_dma source(%arg11 : memref<128x128xf32, #tpu.memory_space<vmem>>) target(%dma_start3A_254 : memref<10240x128xf32, #tpu.memory_space<vmem_shared>>) offsets(%arg9 : memref<128xi32, #tpu.memory_space<vmem>>) semaphore(%run_scoped3A : memref<!tpu.dma_semaphore, #tpu.memory_space<semaphore_mem>>) {add = true}
          %dma_wait3A_255 = arith.constant 0 : i32
          %dma_wait3A_256 = arith.constant 0 : i32
          %dma_wait3A_257 = tpu.memref_slice %arg14[%dma_wait3A_255, %dma_wait3A_256] : memref<10240x128xf32, #tpu.memory_space<vmem_shared>> -> memref<10240x128xf32, #tpu.memory_space<vmem_shared>>
          tpu.wait_indirect_dma semaphore(%run_scoped3A : memref<!tpu.dma_semaphore, #tpu.memory_space<semaphore_mem>>) src(%arg11 : memref<128x128xf32, #tpu.memory_space<vmem>>) dst(%dma_wait3A_257 : memref<10240x128xf32, #tpu.memory_space<vmem_shared>>)
          tpu.yield
        }) : () -> ()
        %add3A_237 = arith.constant 2 : i32
        %add3A_238 = arith.addi %add3A_221, %add3A_237 : i32
        %add3A_239 = arith.addi %select_n3A_22, %add3A_238 : i32
        %mul3A_240 = arith.constant 128 : i32
        %mul3A_241 = arith.muli %add3A_239, %mul3A_240 : i32
        %multiple_of3A_242 = tpu.assume_multiple %mul3A_241, 128 : i32
        %dma_start3A_243 = tpu.memref_slice %arg4[%multiple_of3A_242] : memref<327680xi32, #tpu.memory_space<hbm>> -> memref<128xi32, #tpu.memory_space<hbm>>
        %dma_start3A_244 = tpu.memref_slice %arg4[%multiple_of3A_242] : memref<327680xi32, #tpu.memory_space<hbm>> -> memref<128xi32, #tpu.memory_space<hbm>>
        tpu.enqueue_dma source(%dma_start3A_244 : memref<128xi32, #tpu.memory_space<hbm>>) target(%arg9 : memref<128xi32, #tpu.memory_space<vmem>>) target_semaphore(%arg20 : memref<!tpu.dma_semaphore, #tpu.memory_space<semaphore_mem>>)
        %dma_wait3A_245 = arith.constant 0 : i32
        %dma_wait3A_246 = tpu.memref_slice %arg3[%dma_wait3A_245] : memref<327680xi32, #tpu.memory_space<hbm>> -> memref<128xi32, #tpu.memory_space<hbm>>
        %dma_wait3A_247 = arith.constant 0 : i32
        %dma_wait3A_248 = tpu.memref_slice %arg3[%dma_wait3A_247] : memref<327680xi32, #tpu.memory_space<hbm>> -> memref<128xi32, #tpu.memory_space<hbm>>
        tpu.wait_dma2 semaphore(%arg18 : memref<!tpu.dma_semaphore, #tpu.memory_space<semaphore_mem>>) src(%dma_wait3A_248 : memref<128xi32, #tpu.memory_space<hbm>>) dst(%arg7 : memref<128xi32, #tpu.memory_space<vmem>>)
        %dma_start3A_249 = arith.constant 0 : i32
        %dma_start3A_250 = arith.constant 0 : i32
        %dma_start3A_251 = tpu.memref_slice %arg2[%dma_start3A_249, %dma_start3A_250] : memref<10000x128xf32, #tpu.memory_space<hbm>> -> memref<10000x128xf32, #tpu.memory_space<hbm>>
        tpu.enqueue_indirect_dma source(%dma_start3A_251 : memref<10000x128xf32, #tpu.memory_space<hbm>>) target(%arg11 : memref<128x128xf32, #tpu.memory_space<vmem>>) offsets(%arg7 : memref<128xi32, #tpu.memory_space<vmem>>) semaphore(%arg16 : memref<!tpu.dma_semaphore, #tpu.memory_space<semaphore_mem>>)
      }
      %while3A_168 = arith.constant 1 : i32
      scf.for %while3A_183 = %while3A_166 to %while3A_162 step %while3A_168  : i32 {
        %mul3A_184 = arith.constant 2 : i32
        %mul3A_185 = arith.muli %while3A_183, %mul3A_184 : i32
        %add3A_186 = arith.constant 0 : i32
        %add3A_187 = arith.addi %mul3A_185, %add3A_186 : i32
        %dma_wait3A_188 = arith.constant 0 : i32
        %dma_wait3A_189 = arith.constant 0 : i32
        %dma_wait3A_190 = tpu.memref_slice %arg2[%dma_wait3A_188, %dma_wait3A_189] : memref<10000x128xf32, #tpu.memory_space<hbm>> -> memref<10000x128xf32, #tpu.memory_space<hbm>>
        tpu.wait_indirect_dma semaphore(%arg15 : memref<!tpu.dma_semaphore, #tpu.memory_space<semaphore_mem>>) src(%dma_wait3A_190 : memref<10000x128xf32, #tpu.memory_space<hbm>>) dst(%arg10 : memref<128x128xf32, #tpu.memory_space<vmem>>)
        %add3A_191 = arith.constant 2 : i32
        %add3A_192 = arith.addi %add3A_187, %add3A_191 : i32
        %add3A_193 = arith.addi %select_n3A_22, %add3A_192 : i32
        %mul3A_194 = arith.constant 128 : i32
        %mul3A_195 = arith.muli %add3A_193, %mul3A_194 : i32
        %multiple_of3A_196 = tpu.assume_multiple %mul3A_195, 128 : i32
        %dma_start3A_197 = tpu.memref_slice %arg3[%multiple_of3A_196] : memref<327680xi32, #tpu.memory_space<hbm>> -> memref<128xi32, #tpu.memory_space<hbm>>
        %dma_start3A_198 = tpu.memref_slice %arg3[%multiple_of3A_196] : memref<327680xi32, #tpu.memory_space<hbm>> -> memref<128xi32, #tpu.memory_space<hbm>>
        tpu.enqueue_dma source(%dma_start3A_198 : memref<128xi32, #tpu.memory_space<hbm>>) target(%arg6 : memref<128xi32, #tpu.memory_space<vmem>>) target_semaphore(%arg17 : memref<!tpu.dma_semaphore, #tpu.memory_space<semaphore_mem>>)
        %dma_wait3A_199 = arith.constant 0 : i32
        %dma_wait3A_200 = tpu.memref_slice %arg4[%dma_wait3A_199] : memref<327680xi32, #tpu.memory_space<hbm>> -> memref<128xi32, #tpu.memory_space<hbm>>
        %dma_wait3A_201 = arith.constant 0 : i32
        %dma_wait3A_202 = tpu.memref_slice %arg4[%dma_wait3A_201] : memref<327680xi32, #tpu.memory_space<hbm>> -> memref<128xi32, #tpu.memory_space<hbm>>
        tpu.wait_dma2 semaphore(%arg19 : memref<!tpu.dma_semaphore, #tpu.memory_space<semaphore_mem>>) src(%dma_wait3A_202 : memref<128xi32, #tpu.memory_space<hbm>>) dst(%arg8 : memref<128xi32, #tpu.memory_space<vmem>>)
        "tpu.region"() ({
          %run_scoped3A = tpu.sem_alloc : memref<!tpu.dma_semaphore, #tpu.memory_space<semaphore_mem>>
          %dma_start3A_252 = arith.constant 0 : i32
          %dma_start3A_253 = arith.constant 0 : i32
          %dma_start3A_254 = tpu.memref_slice %arg14[%dma_start3A_252, %dma_start3A_253] : memref<10240x128xf32, #tpu.memory_space<vmem_shared>> -> memref<10240x128xf32, #tpu.memory_space<vmem_shared>>
          tpu.enqueue_indirect_dma source(%arg10 : memref<128x128xf32, #tpu.memory_space<vmem>>) target(%dma_start3A_254 : memref<10240x128xf32, #tpu.memory_space<vmem_shared>>) offsets(%arg8 : memref<128xi32, #tpu.memory_space<vmem>>) semaphore(%run_scoped3A : memref<!tpu.dma_semaphore, #tpu.memory_space<semaphore_mem>>) {add = true}
          %dma_wait3A_255 = arith.constant 0 : i32
          %dma_wait3A_256 = arith.constant 0 : i32
          %dma_wait3A_257 = tpu.memref_slice %arg14[%dma_wait3A_255, %dma_wait3A_256] : memref<10240x128xf32, #tpu.memory_space<vmem_shared>> -> memref<10240x128xf32, #tpu.memory_space<vmem_shared>>
          tpu.wait_indirect_dma semaphore(%run_scoped3A : memref<!tpu.dma_semaphore, #tpu.memory_space<semaphore_mem>>) src(%arg10 : memref<128x128xf32, #tpu.memory_space<vmem>>) dst(%dma_wait3A_257 : memref<10240x128xf32, #tpu.memory_space<vmem_shared>>)
          tpu.yield
        }) : () -> ()
        %add3A_203 = arith.constant 2 : i32
        %add3A_204 = arith.addi %add3A_187, %add3A_203 : i32
        %add3A_205 = arith.addi %select_n3A_22, %add3A_204 : i32
        %mul3A_206 = arith.constant 128 : i32
        %mul3A_207 = arith.muli %add3A_205, %mul3A_206 : i32
        %multiple_of3A_208 = tpu.assume_multiple %mul3A_207, 128 : i32
        %dma_start3A_209 = tpu.memref_slice %arg4[%multiple_of3A_208] : memref<327680xi32, #tpu.memory_space<hbm>> -> memref<128xi32, #tpu.memory_space<hbm>>
        %dma_start3A_210 = tpu.memref_slice %arg4[%multiple_of3A_208] : memref<327680xi32, #tpu.memory_space<hbm>> -> memref<128xi32, #tpu.memory_space<hbm>>
        tpu.enqueue_dma source(%dma_start3A_210 : memref<128xi32, #tpu.memory_space<hbm>>) target(%arg8 : memref<128xi32, #tpu.memory_space<vmem>>) target_semaphore(%arg19 : memref<!tpu.dma_semaphore, #tpu.memory_space<semaphore_mem>>)
        %dma_wait3A_211 = arith.constant 0 : i32
        %dma_wait3A_212 = tpu.memref_slice %arg3[%dma_wait3A_211] : memref<327680xi32, #tpu.memory_space<hbm>> -> memref<128xi32, #tpu.memory_space<hbm>>
        %dma_wait3A_213 = arith.constant 0 : i32
        %dma_wait3A_214 = tpu.memref_slice %arg3[%dma_wait3A_213] : memref<327680xi32, #tpu.memory_space<hbm>> -> memref<128xi32, #tpu.memory_space<hbm>>
        tpu.wait_dma2 semaphore(%arg17 : memref<!tpu.dma_semaphore, #tpu.memory_space<semaphore_mem>>) src(%dma_wait3A_214 : memref<128xi32, #tpu.memory_space<hbm>>) dst(%arg6 : memref<128xi32, #tpu.memory_space<vmem>>)
        %dma_start3A_215 = arith.constant 0 : i32
        %dma_start3A_216 = arith.constant 0 : i32
        %dma_start3A_217 = tpu.memref_slice %arg2[%dma_start3A_215, %dma_start3A_216] : memref<10000x128xf32, #tpu.memory_space<hbm>> -> memref<10000x128xf32, #tpu.memory_space<hbm>>
        tpu.enqueue_indirect_dma source(%dma_start3A_217 : memref<10000x128xf32, #tpu.memory_space<hbm>>) target(%arg10 : memref<128x128xf32, #tpu.memory_space<vmem>>) offsets(%arg6 : memref<128xi32, #tpu.memory_space<vmem>>) semaphore(%arg15 : memref<!tpu.dma_semaphore, #tpu.memory_space<semaphore_mem>>)
        %mul3A_218 = arith.constant 2 : i32
        %mul3A_219 = arith.muli %while3A_183, %mul3A_218 : i32
        %add3A_220 = arith.constant 1 : i32
        %add3A_221 = arith.addi %mul3A_219, %add3A_220 : i32
        %dma_wait3A_222 = arith.constant 0 : i32
        %dma_wait3A_223 = arith.constant 0 : i32
        %dma_wait3A_224 = tpu.memref_slice %arg2[%dma_wait3A_222, %dma_wait3A_223] : memref<10000x128xf32, #tpu.memory_space<hbm>> -> memref<10000x128xf32, #tpu.memory_space<hbm>>
        tpu.wait_indirect_dma semaphore(%arg16 : memref<!tpu.dma_semaphore, #tpu.memory_space<semaphore_mem>>) src(%dma_wait3A_224 : memref<10000x128xf32, #tpu.memory_space<hbm>>) dst(%arg11 : memref<128x128xf32, #tpu.memory_space<vmem>>)
        %add3A_225 = arith.constant 2 : i32
        %add3A_226 = arith.addi %add3A_221, %add3A_225 : i32
        %add3A_227 = arith.addi %select_n3A_22, %add3A_226 : i32
        %mul3A_228 = arith.constant 128 : i32
        %mul3A_229 = arith.muli %add3A_227, %mul3A_228 : i32
        %multiple_of3A_230 = tpu.assume_multiple %mul3A_229, 128 : i32
        %dma_start3A_231 = tpu.memref_slice %arg3[%multiple_of3A_230] : memref<327680xi32, #tpu.memory_space<hbm>> -> memref<128xi32, #tpu.memory_space<hbm>>
        %dma_start3A_232 = tpu.memref_slice %arg3[%multiple_of3A_230] : memref<327680xi32, #tpu.memory_space<hbm>> -> memref<128xi32, #tpu.memory_space<hbm>>
        tpu.enqueue_dma source(%dma_start3A_232 : memref<128xi32, #tpu.memory_space<hbm>>) target(%arg7 : memref<128xi32, #tpu.memory_space<vmem>>) target_semaphore(%arg18 : memref<!tpu.dma_semaphore, #tpu.memory_space<semaphore_mem>>)
        %dma_wait3A_233 = arith.constant 0 : i32
        %dma_wait3A_234 = tpu.memref_slice %arg4[%dma_wait3A_233] : memref<327680xi32, #tpu.memory_space<hbm>> -> memref<128xi32, #tpu.memory_space<hbm>>
        %dma_wait3A_235 = arith.constant 0 : i32
        %dma_wait3A_236 = tpu.memref_slice %arg4[%dma_wait3A_235] : memref<327680xi32, #tpu.memory_space<hbm>> -> memref<128xi32, #tpu.memory_space<hbm>>
        tpu.wait_dma2 semaphore(%arg20 : memref<!tpu.dma_semaphore, #tpu.memory_space<semaphore_mem>>) src(%dma_wait3A_236 : memref<128xi32, #tpu.memory_space<hbm>>) dst(%arg9 : memref<128xi32, #tpu.memory_space<vmem>>)
        "tpu.region"() ({
          %run_scoped3A = tpu.sem_alloc : memref<!tpu.dma_semaphore, #tpu.memory_space<semaphore_mem>>
          %dma_start3A_252 = arith.constant 0 : i32
          %dma_start3A_253 = arith.constant 0 : i32
          %dma_start3A_254 = tpu.memref_slice %arg14[%dma_start3A_252, %dma_start3A_253] : memref<10240x128xf32, #tpu.memory_space<vmem_shared>> -> memref<10240x128xf32, #tpu.memory_space<vmem_shared>>
          tpu.enqueue_indirect_dma source(%arg11 : memref<128x128xf32, #tpu.memory_space<vmem>>) target(%dma_start3A_254 : memref<10240x128xf32, #tpu.memory_space<vmem_shared>>) offsets(%arg9 : memref<128xi32, #tpu.memory_space<vmem>>) semaphore(%run_scoped3A : memref<!tpu.dma_semaphore, #tpu.memory_space<semaphore_mem>>) {add = true}
          %dma_wait3A_255 = arith.constant 0 : i32
          %dma_wait3A_256 = arith.constant 0 : i32
          %dma_wait3A_257 = tpu.memref_slice %arg14[%dma_wait3A_255, %dma_wait3A_256] : memref<10240x128xf32, #tpu.memory_space<vmem_shared>> -> memref<10240x128xf32, #tpu.memory_space<vmem_shared>>
          tpu.wait_indirect_dma semaphore(%run_scoped3A : memref<!tpu.dma_semaphore, #tpu.memory_space<semaphore_mem>>) src(%arg11 : memref<128x128xf32, #tpu.memory_space<vmem>>) dst(%dma_wait3A_257 : memref<10240x128xf32, #tpu.memory_space<vmem_shared>>)
          tpu.yield
        }) : () -> ()
        %add3A_237 = arith.constant 2 : i32
        %add3A_238 = arith.addi %add3A_221, %add3A_237 : i32
        %add3A_239 = arith.addi %select_n3A_22, %add3A_238 : i32
        %mul3A_240 = arith.constant 128 : i32
        %mul3A_241 = arith.muli %add3A_239, %mul3A_240 : i32
        %multiple_of3A_242 = tpu.assume_multiple %mul3A_241, 128 : i32
        %dma_start3A_243 = tpu.memref_slice %arg4[%multiple_of3A_242] : memref<327680xi32, #tpu.memory_space<hbm>> -> memref<128xi32, #tpu.memory_space<hbm>>
        %dma_start3A_244 = tpu.memref_slice %arg4[%multiple_of3A_242] : memref<327680xi32, #tpu.memory_space<hbm>> -> memref<128xi32, #tpu.memory_space<hbm>>
        tpu.enqueue_dma source(%dma_start3A_244 : memref<128xi32, #tpu.memory_space<hbm>>) target(%arg9 : memref<128xi32, #tpu.memory_space<vmem>>) target_semaphore(%arg20 : memref<!tpu.dma_semaphore, #tpu.memory_space<semaphore_mem>>)
        %dma_wait3A_245 = arith.constant 0 : i32
        %dma_wait3A_246 = tpu.memref_slice %arg3[%dma_wait3A_245] : memref<327680xi32, #tpu.memory_space<hbm>> -> memref<128xi32, #tpu.memory_space<hbm>>
        %dma_wait3A_247 = arith.constant 0 : i32
        %dma_wait3A_248 = tpu.memref_slice %arg3[%dma_wait3A_247] : memref<327680xi32, #tpu.memory_space<hbm>> -> memref<128xi32, #tpu.memory_space<hbm>>
        tpu.wait_dma2 semaphore(%arg18 : memref<!tpu.dma_semaphore, #tpu.memory_space<semaphore_mem>>) src(%dma_wait3A_248 : memref<128xi32, #tpu.memory_space<hbm>>) dst(%arg7 : memref<128xi32, #tpu.memory_space<vmem>>)
        %dma_start3A_249 = arith.constant 0 : i32
        %dma_start3A_250 = arith.constant 0 : i32
        %dma_start3A_251 = tpu.memref_slice %arg2[%dma_start3A_249, %dma_start3A_250] : memref<10000x128xf32, #tpu.memory_space<hbm>> -> memref<10000x128xf32, #tpu.memory_space<hbm>>
        tpu.enqueue_indirect_dma source(%dma_start3A_251 : memref<10000x128xf32, #tpu.memory_space<hbm>>) target(%arg11 : memref<128x128xf32, #tpu.memory_space<vmem>>) offsets(%arg7 : memref<128xi32, #tpu.memory_space<vmem>>) semaphore(%arg16 : memref<!tpu.dma_semaphore, #tpu.memory_space<semaphore_mem>>)
      }
      %dma_wait3A_169 = arith.constant 0 : i32
      %dma_wait3A_170 = arith.constant 0 : i32
      %dma_wait3A_171 = tpu.memref_slice %arg2[%dma_wait3A_169, %dma_wait3A_170] : memref<10000x128xf32, #tpu.memory_space<hbm>> -> memref<10000x128xf32, #tpu.memory_space<hbm>>
      tpu.wait_indirect_dma semaphore(%arg15 : memref<!tpu.dma_semaphore, #tpu.memory_space<semaphore_mem>>) src(%dma_wait3A_171 : memref<10000x128xf32, #tpu.memory_space<hbm>>) dst(%arg10 : memref<128x128xf32, #tpu.memory_space<vmem>>)
      %dma_wait3A_172 = arith.constant 0 : i32
      %dma_wait3A_173 = tpu.memref_slice %arg4[%dma_wait3A_172] : memref<327680xi32, #tpu.memory_space<hbm>> -> memref<128xi32, #tpu.memory_space<hbm>>
      %dma_wait3A_174 = arith.constant 0 : i32
      %dma_wait3A_175 = tpu.memref_slice %arg4[%dma_wait3A_174] : memref<327680xi32, #tpu.memory_space<hbm>> -> memref<128xi32, #tpu.memory_space<hbm>>
      tpu.wait_dma2 semaphore(%arg19 : memref<!tpu.dma_semaphore, #tpu.memory_space<semaphore_mem>>) src(%dma_wait3A_175 : memref<128xi32, #tpu.memory_space<hbm>>) dst(%arg8 : memref<128xi32, #tpu.memory_space<vmem>>)
      "tpu.region"() ({
        %run_scoped3A = tpu.sem_alloc : memref<!tpu.dma_semaphore, #tpu.memory_space<semaphore_mem>>
        %dma_start3A_183 = arith.constant 0 : i32
        %dma_start3A_184 = arith.constant 0 : i32
        %dma_start3A_185 = tpu.memref_slice %arg14[%dma_start3A_183, %dma_start3A_184] : memref<10240x128xf32, #tpu.memory_space<vmem_shared>> -> memref<10240x128xf32, #tpu.memory_space<vmem_shared>>
        tpu.enqueue_indirect_dma source(%arg10 : memref<128x128xf32, #tpu.memory_space<vmem>>) target(%dma_start3A_185 : memref<10240x128xf32, #tpu.memory_space<vmem_shared>>) offsets(%arg8 : memref<128xi32, #tpu.memory_space<vmem>>) semaphore(%run_scoped3A : memref<!tpu.dma_semaphore, #tpu.memory_space<semaphore_mem>>) {add = true}
        %dma_wait3A_186 = arith.constant 0 : i32
        %dma_wait3A_187 = arith.constant 0 : i32
        %dma_wait3A_188 = tpu.memref_slice %arg14[%dma_wait3A_186, %dma_wait3A_187] : memref<10240x128xf32, #tpu.memory_space<vmem_shared>> -> memref<10240x128xf32, #tpu.memory_space<vmem_shared>>
        tpu.wait_indirect_dma semaphore(%run_scoped3A : memref<!tpu.dma_semaphore, #tpu.memory_space<semaphore_mem>>) src(%arg10 : memref<128x128xf32, #tpu.memory_space<vmem>>) dst(%dma_wait3A_188 : memref<10240x128xf32, #tpu.memory_space<vmem_shared>>)
        tpu.yield
      }) : () -> ()
      %dma_wait3A_176 = arith.constant 0 : i32
      %dma_wait3A_177 = arith.constant 0 : i32
      %dma_wait3A_178 = tpu.memref_slice %arg2[%dma_wait3A_176, %dma_wait3A_177] : memref<10000x128xf32, #tpu.memory_space<hbm>> -> memref<10000x128xf32, #tpu.memory_space<hbm>>
      tpu.wait_indirect_dma semaphore(%arg16 : memref<!tpu.dma_semaphore, #tpu.memory_space<semaphore_mem>>) src(%dma_wait3A_178 : memref<10000x128xf32, #tpu.memory_space<hbm>>) dst(%arg11 : memref<128x128xf32, #tpu.memory_space<vmem>>)
      %dma_wait3A_179 = arith.constant 0 : i32
      %dma_wait3A_180 = tpu.memref_slice %arg4[%dma_wait3A_179] : memref<327680xi32, #tpu.memory_space<hbm>> -> memref<128xi32, #tpu.memory_space<hbm>>
      %dma_wait3A_181 = arith.constant 0 : i32
      %dma_wait3A_182 = tpu.memref_slice %arg4[%dma_wait3A_181] : memref<327680xi32, #tpu.memory_space<hbm>> -> memref<128xi32, #tpu.memory_space<hbm>>
      tpu.wait_dma2 semaphore(%arg20 : memref<!tpu.dma_semaphore, #tpu.memory_space<semaphore_mem>>) src(%dma_wait3A_182 : memref<128xi32, #tpu.memory_space<hbm>>) dst(%arg9 : memref<128xi32, #tpu.memory_space<vmem>>)
      "tpu.region"() ({
        %run_scoped3A = tpu.sem_alloc : memref<!tpu.dma_semaphore, #tpu.memory_space<semaphore_mem>>
        %dma_start3A_183 = arith.constant 0 : i32
        %dma_start3A_184 = arith.constant 0 : i32
        %dma_start3A_185 = tpu.memref_slice %arg14[%dma_start3A_183, %dma_start3A_184] : memref<10240x128xf32, #tpu.memory_space<vmem_shared>> -> memref<10240x128xf32, #tpu.memory_space<vmem_shared>>
        tpu.enqueue_indirect_dma source(%arg11 : memref<128x128xf32, #tpu.memory_space<vmem>>) target(%dma_start3A_185 : memref<10240x128xf32, #tpu.memory_space<vmem_shared>>) offsets(%arg9 : memref<128xi32, #tpu.memory_space<vmem>>) semaphore(%run_scoped3A : memref<!tpu.dma_semaphore, #tpu.memory_space<semaphore_mem>>) {add = true}
        %dma_wait3A_186 = arith.constant 0 : i32
        %dma_wait3A_187 = arith.constant 0 : i32
        %dma_wait3A_188 = tpu.memref_slice %arg14[%dma_wait3A_186, %dma_wait3A_187] : memref<10240x128xf32, #tpu.memory_space<vmem_shared>> -> memref<10240x128xf32, #tpu.memory_space<vmem_shared>>
        tpu.wait_indirect_dma semaphore(%run_scoped3A : memref<!tpu.dma_semaphore, #tpu.memory_space<semaphore_mem>>) src(%arg11 : memref<128x128xf32, #tpu.memory_space<vmem>>) dst(%dma_wait3A_188 : memref<10240x128xf32, #tpu.memory_space<vmem_shared>>)
        tpu.yield
      }) : () -> ()
    } else {
    }
    %barrier3A_84 = arith.constant 0 : index
    tpu.barrier barrier_id(%barrier3A_84)
    %lt3A = arith.constant 15 : i32
    %lt3A_85 = arith.cmpi slt, %arg1, %lt3A : i32
    %convert_element_type3A_86 = arith.extui %lt3A_85 : i1 to i32
    %cond3A_87 = arith.constant 0 : i32
    %cond3A_88 = arith.cmpi ne, %convert_element_type3A_86, %cond3A_87 : i32
    scf.if %cond3A_88 {
      "tpu.region"() ({
        %run_scoped3A = tpu.sem_alloc : memref<!tpu.dma_semaphore, #tpu.memory_space<semaphore_mem>>
        %dma_start3A = arith.constant 0 : i32
        %dma_start3A_94 = tpu.memref_slice %arg5[%arg0, %multiple_of3A, %dma_start3A] : memref<2x10000x128xf32, #tpu.memory_space<hbm>> -> memref<1x640x128xf32, #tpu.memory_space<hbm>>
        %dma_start3A_95 = tpu.memref_squeeze %dma_start3A_94 : memref<1x640x128xf32, #tpu.memory_space<hbm>> -> memref<640x128xf32, #tpu.memory_space<hbm>>
        %dma_start3A_96 = arith.constant 0 : i32
        %dma_start3A_97 = tpu.memref_slice %arg14[%multiple_of3A, %dma_start3A_96] : memref<10240x128xf32, #tpu.memory_space<vmem_shared>> -> memref<640x128xf32, #tpu.memory_space<vmem_shared>>
        tpu.enqueue_dma source(%dma_start3A_97 : memref<640x128xf32, #tpu.memory_space<vmem_shared>>) target(%dma_start3A_95 : memref<640x128xf32, #tpu.memory_space<hbm>>) target_semaphore(%run_scoped3A : memref<!tpu.dma_semaphore, #tpu.memory_space<semaphore_mem>>)
        %dma_wait3A = arith.constant 0 : i32
        %dma_wait3A_98 = tpu.memref_slice %arg5[%arg0, %multiple_of3A, %dma_wait3A] : memref<2x10000x128xf32, #tpu.memory_space<hbm>> -> memref<1x640x128xf32, #tpu.memory_space<hbm>>
        %dma_wait3A_99 = tpu.memref_squeeze %dma_wait3A_98 : memref<1x640x128xf32, #tpu.memory_space<hbm>> -> memref<640x128xf32, #tpu.memory_space<hbm>>
        %dma_wait3A_100 = arith.constant 0 : i32
        %dma_wait3A_101 = tpu.memref_slice %arg14[%multiple_of3A, %dma_wait3A_100] : memref<10240x128xf32, #tpu.memory_space<vmem_shared>> -> memref<640x128xf32, #tpu.memory_space<vmem_shared>>
        tpu.wait_dma2 semaphore(%run_scoped3A : memref<!tpu.dma_semaphore, #tpu.memory_space<semaphore_mem>>) src(%dma_wait3A_101 : memref<640x128xf32, #tpu.memory_space<vmem_shared>>) dst(%dma_wait3A_99 : memref<640x128xf32, #tpu.memory_space<hbm>>)
        tpu.yield
      }) : () -> ()
    } else {
    }
    %eq3A_89 = arith.constant 15 : i32
    %eq3A_90 = arith.cmpi eq, %arg1, %eq3A_89 : i32
    %convert_element_type3A_91 = arith.extui %eq3A_90 : i1 to i32
    %cond3A_92 = arith.constant 0 : i32
    %cond3A_93 = arith.cmpi ne, %convert_element_type3A_91, %cond3A_92 : i32
    scf.if %cond3A_93 {
      "tpu.region"() ({
        %run_scoped3A = tpu.sem_alloc : memref<!tpu.dma_semaphore, #tpu.memory_space<semaphore_mem>>
        %dma_start3A = arith.constant 0 : i32
        %dma_start3A_94 = tpu.memref_slice %arg5[%arg0, %multiple_of3A, %dma_start3A] : memref<2x10000x128xf32, #tpu.memory_space<hbm>> -> memref<1x400x128xf32, #tpu.memory_space<hbm>>
        %dma_start3A_95 = tpu.memref_squeeze %dma_start3A_94 : memref<1x400x128xf32, #tpu.memory_space<hbm>> -> memref<400x128xf32, #tpu.memory_space<hbm>>
        %dma_start3A_96 = arith.constant 0 : i32
        %dma_start3A_97 = tpu.memref_slice %arg14[%multiple_of3A, %dma_start3A_96] : memref<10240x128xf32, #tpu.memory_space<vmem_shared>> -> memref<400x128xf32, #tpu.memory_space<vmem_shared>>
        tpu.enqueue_dma source(%dma_start3A_97 : memref<400x128xf32, #tpu.memory_space<vmem_shared>>) target(%dma_start3A_95 : memref<400x128xf32, #tpu.memory_space<hbm>>) target_semaphore(%run_scoped3A : memref<!tpu.dma_semaphore, #tpu.memory_space<semaphore_mem>>)
        %dma_wait3A = arith.constant 0 : i32
        %dma_wait3A_98 = tpu.memref_slice %arg5[%arg0, %multiple_of3A, %dma_wait3A] : memref<2x10000x128xf32, #tpu.memory_space<hbm>> -> memref<1x400x128xf32, #tpu.memory_space<hbm>>
        %dma_wait3A_99 = tpu.memref_squeeze %dma_wait3A_98 : memref<1x400x128xf32, #tpu.memory_space<hbm>> -> memref<400x128xf32, #tpu.memory_space<hbm>>
        %dma_wait3A_100 = arith.constant 0 : i32
        %dma_wait3A_101 = tpu.memref_slice %arg14[%multiple_of3A, %dma_wait3A_100] : memref<10240x128xf32, #tpu.memory_space<vmem_shared>> -> memref<400x128xf32, #tpu.memory_space<vmem_shared>>
        tpu.wait_dma2 semaphore(%run_scoped3A : memref<!tpu.dma_semaphore, #tpu.memory_space<semaphore_mem>>) src(%dma_wait3A_101 : memref<400x128xf32, #tpu.memory_space<vmem_shared>>) dst(%dma_wait3A_99 : memref<400x128xf32, #tpu.memory_space<hbm>>)
        tpu.yield
      }) : () -> ()
    } else {
    }
    return
  }
}

#map = affine_map<(d0, d1) -> (0, 0)>
#map1 = affine_map<(d0, d1) -> (0, 0, 0)>
module attributes {stable_mosaic.version = 14 : i64} {
  func.func @deg_kernel(%arg0: i32, %arg1: i32, %arg2: memref<2560x128xi32, #tpu.memory_space<hbm>>, %arg3: memref<2x10000x128xf32, #tpu.memory_space<hbm>>, %arg4: memref<80x128xi32, #tpu.memory_space<vmem>>, %arg5: memref<128x128xf32, #tpu.memory_space<vmem>>, %arg6: memref<80x128xf32, #tpu.memory_space<vmem>>, %arg7: memref<10240x128xf32, #tpu.memory_space<vmem_shared>>, %arg8: memref<!tpu.dma_semaphore, #tpu.memory_space<semaphore_mem>>) attributes {dimension_semantics = [#tpu.dimension_semantics<core_parallel>, #tpu.dimension_semantics<subcore_parallel>], iteration_bounds = array<i64: 2, 16>, scalar_prefetch = 0 : i64, scratch_operands = 5 : i64, tpu.core_type = #tpu.core_type<sc_vector_subcore>, window_params = [{transform_indices = #map}, {transform_indices = #map1}]} {
    %mul3A = arith.constant 16 : i32
    %mul3A_0 = arith.muli %arg0, %mul3A : i32
    %add3A = arith.addi %mul3A_0, %arg1 : i32
    %mul3A_1 = arith.constant 80 : i32
    %mul3A_2 = arith.muli %add3A, %mul3A_1 : i32
    %multiple_of3A = tpu.assume_multiple %mul3A_2, 80 : i32
    "tpu.region"() ({
      %run_scoped3A = tpu.sem_alloc : memref<!tpu.dma_semaphore, #tpu.memory_space<semaphore_mem>>
      %dma_start3A = arith.constant 0 : i32
      %dma_start3A_56 = tpu.memref_slice %arg2[%multiple_of3A, %dma_start3A] : memref<2560x128xi32, #tpu.memory_space<hbm>> -> memref<80x128xi32, #tpu.memory_space<hbm>>
      %dma_start3A_57 = arith.constant 0 : i32
      %dma_start3A_58 = tpu.memref_slice %arg2[%multiple_of3A, %dma_start3A_57] : memref<2560x128xi32, #tpu.memory_space<hbm>> -> memref<80x128xi32, #tpu.memory_space<hbm>>
      tpu.enqueue_dma source(%dma_start3A_58 : memref<80x128xi32, #tpu.memory_space<hbm>>) target(%arg4 : memref<80x128xi32, #tpu.memory_space<vmem>>) target_semaphore(%run_scoped3A : memref<!tpu.dma_semaphore, #tpu.memory_space<semaphore_mem>>)
      %dma_wait3A = arith.constant 0 : i32
      %dma_wait3A_59 = tpu.memref_slice %arg2[%multiple_of3A, %dma_wait3A] : memref<2560x128xi32, #tpu.memory_space<hbm>> -> memref<80x128xi32, #tpu.memory_space<hbm>>
      %dma_wait3A_60 = arith.constant 0 : i32
      %dma_wait3A_61 = tpu.memref_slice %arg2[%multiple_of3A, %dma_wait3A_60] : memref<2560x128xi32, #tpu.memory_space<hbm>> -> memref<80x128xi32, #tpu.memory_space<hbm>>
      tpu.wait_dma2 semaphore(%run_scoped3A : memref<!tpu.dma_semaphore, #tpu.memory_space<semaphore_mem>>) src(%dma_wait3A_61 : memref<80x128xi32, #tpu.memory_space<hbm>>) dst(%arg4 : memref<80x128xi32, #tpu.memory_space<vmem>>)
      tpu.yield
    }) : () -> ()
    %scan3A = arith.constant 0 : i32
    %scan3A_3 = arith.constant 128 : i32
    %scan3A_4 = arith.addi %scan3A, %scan3A_3 : i32
    %scan3A_5 = arith.constant 1 : i32
    scf.for %scan3A_56 = %scan3A to %scan3A_4 step %scan3A_5  : i32 {
      %broadcast_in_dim3A = arith.constant 1.000000e+00 : f32
      %broadcast_in_dim3A_57 = vector.broadcast %broadcast_in_dim3A : f32 to vector<16xf32>
      %swap3A = arith.index_cast %scan3A_56 : i32 to index
      %swap3A_58 = arith.constant 0 : index
      %swap3A_59 = tpu.vector_load %arg5[%swap3A, %swap3A_58] {strides = array<i32>} : memref<128x128xf32, #tpu.memory_space<vmem>>, vector<1x16xf32>,
      %swap3A_60 = vector.shape_cast %swap3A_59 : vector<1x16xf32> to vector<16xf32>
      %swap3A_61 = vector.shape_cast %broadcast_in_dim3A_57 : vector<16xf32> to vector<1x16xf32>
      tpu.vector_store %arg5[%swap3A, %swap3A_58], %swap3A_61 {strides = array<i32>} : memref<128x128xf32, #tpu.memory_space<vmem>>, vector<1x16xf32>,
      %broadcast_in_dim3A_62 = arith.constant 1.000000e+00 : f32
      %broadcast_in_dim3A_63 = vector.broadcast %broadcast_in_dim3A_62 : f32 to vector<16xf32>
      %swap3A_64 = arith.index_cast %scan3A_56 : i32 to index
      %swap3A_65 = arith.constant 16 : index
      %swap3A_66 = tpu.vector_load %arg5[%swap3A_64, %swap3A_65] {strides = array<i32>} : memref<128x128xf32, #tpu.memory_space<vmem>>, vector<1x16xf32>,
      %swap3A_67 = vector.shape_cast %swap3A_66 : vector<1x16xf32> to vector<16xf32>
      %swap3A_68 = vector.shape_cast %broadcast_in_dim3A_63 : vector<16xf32> to vector<1x16xf32>
      tpu.vector_store %arg5[%swap3A_64, %swap3A_65], %swap3A_68 {strides = array<i32>} : memref<128x128xf32, #tpu.memory_space<vmem>>, vector<1x16xf32>,
      %broadcast_in_dim3A_69 = arith.constant 1.000000e+00 : f32
      %broadcast_in_dim3A_70 = vector.broadcast %broadcast_in_dim3A_69 : f32 to vector<16xf32>
      %swap3A_71 = arith.index_cast %scan3A_56 : i32 to index
      %swap3A_72 = arith.constant 32 : index
      %swap3A_73 = tpu.vector_load %arg5[%swap3A_71, %swap3A_72] {strides = array<i32>} : memref<128x128xf32, #tpu.memory_space<vmem>>, vector<1x16xf32>,
      %swap3A_74 = vector.shape_cast %swap3A_73 : vector<1x16xf32> to vector<16xf32>
      %swap3A_75 = vector.shape_cast %broadcast_in_dim3A_70 : vector<16xf32> to vector<1x16xf32>
      tpu.vector_store %arg5[%swap3A_71, %swap3A_72], %swap3A_75 {strides = array<i32>} : memref<128x128xf32, #tpu.memory_space<vmem>>, vector<1x16xf32>,
      %broadcast_in_dim3A_76 = arith.constant 1.000000e+00 : f32
      %broadcast_in_dim3A_77 = vector.broadcast %broadcast_in_dim3A_76 : f32 to vector<16xf32>
      %swap3A_78 = arith.index_cast %scan3A_56 : i32 to index
      %swap3A_79 = arith.constant 48 : index
      %swap3A_80 = tpu.vector_load %arg5[%swap3A_78, %swap3A_79] {strides = array<i32>} : memref<128x128xf32, #tpu.memory_space<vmem>>, vector<1x16xf32>,
      %swap3A_81 = vector.shape_cast %swap3A_80 : vector<1x16xf32> to vector<16xf32>
      %swap3A_82 = vector.shape_cast %broadcast_in_dim3A_77 : vector<16xf32> to vector<1x16xf32>
      tpu.vector_store %arg5[%swap3A_78, %swap3A_79], %swap3A_82 {strides = array<i32>} : memref<128x128xf32, #tpu.memory_space<vmem>>, vector<1x16xf32>,
      %broadcast_in_dim3A_83 = arith.constant 1.000000e+00 : f32
      %broadcast_in_dim3A_84 = vector.broadcast %broadcast_in_dim3A_83 : f32 to vector<16xf32>
      %swap3A_85 = arith.index_cast %scan3A_56 : i32 to index
      %swap3A_86 = arith.constant 64 : index
      %swap3A_87 = tpu.vector_load %arg5[%swap3A_85, %swap3A_86] {strides = array<i32>} : memref<128x128xf32, #tpu.memory_space<vmem>>, vector<1x16xf32>,
      %swap3A_88 = vector.shape_cast %swap3A_87 : vector<1x16xf32> to vector<16xf32>
      %swap3A_89 = vector.shape_cast %broadcast_in_dim3A_84 : vector<16xf32> to vector<1x16xf32>
      tpu.vector_store %arg5[%swap3A_85, %swap3A_86], %swap3A_89 {strides = array<i32>} : memref<128x128xf32, #tpu.memory_space<vmem>>, vector<1x16xf32>,
      %broadcast_in_dim3A_90 = arith.constant 1.000000e+00 : f32
      %broadcast_in_dim3A_91 = vector.broadcast %broadcast_in_dim3A_90 : f32 to vector<16xf32>
      %swap3A_92 = arith.index_cast %scan3A_56 : i32 to index
      %swap3A_93 = arith.constant 80 : index
      %swap3A_94 = tpu.vector_load %arg5[%swap3A_92, %swap3A_93] {strides = array<i32>} : memref<128x128xf32, #tpu.memory_space<vmem>>, vector<1x16xf32>,
      %swap3A_95 = vector.shape_cast %swap3A_94 : vector<1x16xf32> to vector<16xf32>
      %swap3A_96 = vector.shape_cast %broadcast_in_dim3A_91 : vector<16xf32> to vector<1x16xf32>
      tpu.vector_store %arg5[%swap3A_92, %swap3A_93], %swap3A_96 {strides = array<i32>} : memref<128x128xf32, #tpu.memory_space<vmem>>, vector<1x16xf32>,
      %broadcast_in_dim3A_97 = arith.constant 1.000000e+00 : f32
      %broadcast_in_dim3A_98 = vector.broadcast %broadcast_in_dim3A_97 : f32 to vector<16xf32>
      %swap3A_99 = arith.index_cast %scan3A_56 : i32 to index
      %swap3A_100 = arith.constant 96 : index
      %swap3A_101 = tpu.vector_load %arg5[%swap3A_99, %swap3A_100] {strides = array<i32>} : memref<128x128xf32, #tpu.memory_space<vmem>>, vector<1x16xf32>,
      %swap3A_102 = vector.shape_cast %swap3A_101 : vector<1x16xf32> to vector<16xf32>
      %swap3A_103 = vector.shape_cast %broadcast_in_dim3A_98 : vector<16xf32> to vector<1x16xf32>
      tpu.vector_store %arg5[%swap3A_99, %swap3A_100], %swap3A_103 {strides = array<i32>} : memref<128x128xf32, #tpu.memory_space<vmem>>, vector<1x16xf32>,
      %broadcast_in_dim3A_104 = arith.constant 1.000000e+00 : f32
      %broadcast_in_dim3A_105 = vector.broadcast %broadcast_in_dim3A_104 : f32 to vector<16xf32>
      %swap3A_106 = arith.index_cast %scan3A_56 : i32 to index
      %swap3A_107 = arith.constant 112 : index
      %swap3A_108 = tpu.vector_load %arg5[%swap3A_106, %swap3A_107] {strides = array<i32>} : memref<128x128xf32, #tpu.memory_space<vmem>>, vector<1x16xf32>,
      %swap3A_109 = vector.shape_cast %swap3A_108 : vector<1x16xf32> to vector<16xf32>
      %swap3A_110 = vector.shape_cast %broadcast_in_dim3A_105 : vector<16xf32> to vector<1x16xf32>
      tpu.vector_store %arg5[%swap3A_106, %swap3A_107], %swap3A_110 {strides = array<i32>} : memref<128x128xf32, #tpu.memory_space<vmem>>, vector<1x16xf32>,
    }
    %scan3A_6 = arith.constant 128 : i32
    %scan3A_7 = arith.constant 0 : i32
    %scan3A_8 = arith.constant 80 : i32
    %scan3A_9 = arith.addi %scan3A_7, %scan3A_8 : i32
    %scan3A_10 = arith.constant 1 : i32
    scf.for %scan3A_56 = %scan3A_7 to %scan3A_9 step %scan3A_10  : i32 {
      %broadcast_in_dim3A = arith.constant 0.000000e+00 : f32
      %broadcast_in_dim3A_57 = vector.broadcast %broadcast_in_dim3A : f32 to vector<16xf32>
      %swap3A = arith.index_cast %scan3A_56 : i32 to index
      %swap3A_58 = arith.constant 0 : index
      %swap3A_59 = tpu.vector_load %arg6[%swap3A, %swap3A_58] {strides = array<i32>} : memref<80x128xf32, #tpu.memory_space<vmem>>, vector<1x16xf32>,
      %swap3A_60 = vector.shape_cast %swap3A_59 : vector<1x16xf32> to vector<16xf32>
      %swap3A_61 = vector.shape_cast %broadcast_in_dim3A_57 : vector<16xf32> to vector<1x16xf32>
      tpu.vector_store %arg6[%swap3A, %swap3A_58], %swap3A_61 {strides = array<i32>} : memref<80x128xf32, #tpu.memory_space<vmem>>, vector<1x16xf32>,
      %broadcast_in_dim3A_62 = arith.constant 0.000000e+00 : f32
      %broadcast_in_dim3A_63 = vector.broadcast %broadcast_in_dim3A_62 : f32 to vector<16xf32>
      %swap3A_64 = arith.index_cast %scan3A_56 : i32 to index
      %swap3A_65 = arith.constant 16 : index
      %swap3A_66 = tpu.vector_load %arg6[%swap3A_64, %swap3A_65] {strides = array<i32>} : memref<80x128xf32, #tpu.memory_space<vmem>>, vector<1x16xf32>,
      %swap3A_67 = vector.shape_cast %swap3A_66 : vector<1x16xf32> to vector<16xf32>
      %swap3A_68 = vector.shape_cast %broadcast_in_dim3A_63 : vector<16xf32> to vector<1x16xf32>
      tpu.vector_store %arg6[%swap3A_64, %swap3A_65], %swap3A_68 {strides = array<i32>} : memref<80x128xf32, #tpu.memory_space<vmem>>, vector<1x16xf32>,
      %broadcast_in_dim3A_69 = arith.constant 0.000000e+00 : f32
      %broadcast_in_dim3A_70 = vector.broadcast %broadcast_in_dim3A_69 : f32 to vector<16xf32>
      %swap3A_71 = arith.index_cast %scan3A_56 : i32 to index
      %swap3A_72 = arith.constant 32 : index
      %swap3A_73 = tpu.vector_load %arg6[%swap3A_71, %swap3A_72] {strides = array<i32>} : memref<80x128xf32, #tpu.memory_space<vmem>>, vector<1x16xf32>,
      %swap3A_74 = vector.shape_cast %swap3A_73 : vector<1x16xf32> to vector<16xf32>
      %swap3A_75 = vector.shape_cast %broadcast_in_dim3A_70 : vector<16xf32> to vector<1x16xf32>
      tpu.vector_store %arg6[%swap3A_71, %swap3A_72], %swap3A_75 {strides = array<i32>} : memref<80x128xf32, #tpu.memory_space<vmem>>, vector<1x16xf32>,
      %broadcast_in_dim3A_76 = arith.constant 0.000000e+00 : f32
      %broadcast_in_dim3A_77 = vector.broadcast %broadcast_in_dim3A_76 : f32 to vector<16xf32>
      %swap3A_78 = arith.index_cast %scan3A_56 : i32 to index
      %swap3A_79 = arith.constant 48 : index
      %swap3A_80 = tpu.vector_load %arg6[%swap3A_78, %swap3A_79] {strides = array<i32>} : memref<80x128xf32, #tpu.memory_space<vmem>>, vector<1x16xf32>,
      %swap3A_81 = vector.shape_cast %swap3A_80 : vector<1x16xf32> to vector<16xf32>
      %swap3A_82 = vector.shape_cast %broadcast_in_dim3A_77 : vector<16xf32> to vector<1x16xf32>
      tpu.vector_store %arg6[%swap3A_78, %swap3A_79], %swap3A_82 {strides = array<i32>} : memref<80x128xf32, #tpu.memory_space<vmem>>, vector<1x16xf32>,
      %broadcast_in_dim3A_83 = arith.constant 0.000000e+00 : f32
      %broadcast_in_dim3A_84 = vector.broadcast %broadcast_in_dim3A_83 : f32 to vector<16xf32>
      %swap3A_85 = arith.index_cast %scan3A_56 : i32 to index
      %swap3A_86 = arith.constant 64 : index
      %swap3A_87 = tpu.vector_load %arg6[%swap3A_85, %swap3A_86] {strides = array<i32>} : memref<80x128xf32, #tpu.memory_space<vmem>>, vector<1x16xf32>,
      %swap3A_88 = vector.shape_cast %swap3A_87 : vector<1x16xf32> to vector<16xf32>
      %swap3A_89 = vector.shape_cast %broadcast_in_dim3A_84 : vector<16xf32> to vector<1x16xf32>
      tpu.vector_store %arg6[%swap3A_85, %swap3A_86], %swap3A_89 {strides = array<i32>} : memref<80x128xf32, #tpu.memory_space<vmem>>, vector<1x16xf32>,
      %broadcast_in_dim3A_90 = arith.constant 0.000000e+00 : f32
      %broadcast_in_dim3A_91 = vector.broadcast %broadcast_in_dim3A_90 : f32 to vector<16xf32>
      %swap3A_92 = arith.index_cast %scan3A_56 : i32 to index
      %swap3A_93 = arith.constant 80 : index
      %swap3A_94 = tpu.vector_load %arg6[%swap3A_92, %swap3A_93] {strides = array<i32>} : memref<80x128xf32, #tpu.memory_space<vmem>>, vector<1x16xf32>,
      %swap3A_95 = vector.shape_cast %swap3A_94 : vector<1x16xf32> to vector<16xf32>
      %swap3A_96 = vector.shape_cast %broadcast_in_dim3A_91 : vector<16xf32> to vector<1x16xf32>
      tpu.vector_store %arg6[%swap3A_92, %swap3A_93], %swap3A_96 {strides = array<i32>} : memref<80x128xf32, #tpu.memory_space<vmem>>, vector<1x16xf32>,
      %broadcast_in_dim3A_97 = arith.constant 0.000000e+00 : f32
      %broadcast_in_dim3A_98 = vector.broadcast %broadcast_in_dim3A_97 : f32 to vector<16xf32>
      %swap3A_99 = arith.index_cast %scan3A_56 : i32 to index
      %swap3A_100 = arith.constant 96 : index
      %swap3A_101 = tpu.vector_load %arg6[%swap3A_99, %swap3A_100] {strides = array<i32>} : memref<80x128xf32, #tpu.memory_space<vmem>>, vector<1x16xf32>,
      %swap3A_102 = vector.shape_cast %swap3A_101 : vector<1x16xf32> to vector<16xf32>
      %swap3A_103 = vector.shape_cast %broadcast_in_dim3A_98 : vector<16xf32> to vector<1x16xf32>
      tpu.vector_store %arg6[%swap3A_99, %swap3A_100], %swap3A_103 {strides = array<i32>} : memref<80x128xf32, #tpu.memory_space<vmem>>, vector<1x16xf32>,
      %broadcast_in_dim3A_104 = arith.constant 0.000000e+00 : f32
      %broadcast_in_dim3A_105 = vector.broadcast %broadcast_in_dim3A_104 : f32 to vector<16xf32>
      %swap3A_106 = arith.index_cast %scan3A_56 : i32 to index
      %swap3A_107 = arith.constant 112 : index
      %swap3A_108 = tpu.vector_load %arg6[%swap3A_106, %swap3A_107] {strides = array<i32>} : memref<80x128xf32, #tpu.memory_space<vmem>>, vector<1x16xf32>,
      %swap3A_109 = vector.shape_cast %swap3A_108 : vector<1x16xf32> to vector<16xf32>
      %swap3A_110 = vector.shape_cast %broadcast_in_dim3A_105 : vector<16xf32> to vector<1x16xf32>
      tpu.vector_store %arg6[%swap3A_106, %swap3A_107], %swap3A_110 {strides = array<i32>} : memref<80x128xf32, #tpu.memory_space<vmem>>, vector<1x16xf32>,
    }
    %scan3A_11 = arith.constant 80 : i32
    %mul3A_12 = arith.constant 640 : i32
    %mul3A_13 = arith.muli %arg1, %mul3A_12 : i32
    %multiple_of3A_14 = tpu.assume_multiple %mul3A_13, 80 : i32
    %eq3A = arith.constant 15 : i32
    %eq3A_15 = arith.cmpi eq, %arg1, %eq3A : i32
    %jit3A = arith.constant 400 : i32
    %jit3A_16 = arith.constant 640 : i32
    %select_n3A = arith.select %eq3A_15, %jit3A, %jit3A_16 : i32
    %jit3A_17 = arith.constant 80 : i32
    %div3A = arith.divsi %select_n3A, %jit3A_17 : i32
    %sign3A = arith.constant 0 : i32
    %sign3A_18 = arith.cmpi sgt, %select_n3A, %sign3A : i32
    %sign3A_19 = arith.extui %sign3A_18 : i1 to i32
    %sign3A_20 = arith.constant 0 : i32
    %sign3A_21 = arith.cmpi slt, %select_n3A, %sign3A_20 : i32
    %sign3A_22 = arith.extui %sign3A_21 : i1 to i32
    %sign3A_23 = arith.subi %sign3A_19, %sign3A_22 : i32
    %sign3A_24 = arith.constant 0 : i32
    %sign3A_25 = arith.cmpi sgt, %jit3A_17, %sign3A_24 : i32
    %sign3A_26 = arith.extui %sign3A_25 : i1 to i32
    %sign3A_27 = arith.constant 0 : i32
    %sign3A_28 = arith.cmpi slt, %jit3A_17, %sign3A_27 : i32
    %sign3A_29 = arith.extui %sign3A_28 : i1 to i32
    %sign3A_30 = arith.subi %sign3A_26, %sign3A_29 : i32
    %ne3A = arith.cmpi ne, %sign3A_23, %sign3A_30 : i32
    %rem3A = arith.remsi %select_n3A, %jit3A_17 : i32
    %ne3A_31 = arith.constant 0 : i32
    %ne3A_32 = arith.cmpi ne, %rem3A, %ne3A_31 : i32
    %and3A = arith.andi %ne3A, %ne3A_32 : i1
    %sub3A = arith.constant 1 : i32
    %sub3A_33 = arith.subi %div3A, %sub3A : i32
    %select_n3A_34 = arith.select %and3A, %sub3A_33, %div3A : i32
    %while3A = arith.constant 0 : i32
    %while3A_35 = arith.subi %select_n3A_34, %while3A : i32
    %while3A_36 = arith.addi %while3A, %while3A_35 : i32
    %while3A_37 = arith.constant 1 : i32
    %while3A_38 = arith.divsi %while3A_35, %while3A_37 : i32
    %while3A_39 = arith.muli %while3A_38, %while3A_37 : i32
    %while3A_40 = arith.addi %while3A, %while3A_39 : i32
    %while3A_41 = arith.constant 1 : i32
    scf.for %while3A_56 = %while3A to %while3A_40 step %while3A_41  : i32 {
      %mul3A_57 = arith.constant 80 : i32
      %mul3A_58 = arith.muli %while3A_56, %mul3A_57 : i32
      %add3A_59 = arith.addi %multiple_of3A_14, %mul3A_58 : i32
      %multiple_of3A_60 = tpu.assume_multiple %add3A_59, 80 : i32
      "tpu.region"() ({
        %run_scoped3A = tpu.sem_alloc : memref<!tpu.dma_semaphore, #tpu.memory_space<semaphore_mem>>
        %dma_start3A = arith.constant 0 : i32
        %dma_start3A_61 = tpu.memref_slice %arg7[%multiple_of3A_60, %dma_start3A] : memref<10240x128xf32, #tpu.memory_space<vmem_shared>> -> memref<80x128xf32, #tpu.memory_space<vmem_shared>>
        %dma_start3A_62 = arith.constant 0 : i32
        %dma_start3A_63 = tpu.memref_slice %arg7[%multiple_of3A_60, %dma_start3A_62] : memref<10240x128xf32, #tpu.memory_space<vmem_shared>> -> memref<80x128xf32, #tpu.memory_space<vmem_shared>>
        tpu.enqueue_dma source(%arg6 : memref<80x128xf32, #tpu.memory_space<vmem>>) target(%dma_start3A_63 : memref<80x128xf32, #tpu.memory_space<vmem_shared>>) target_semaphore(%run_scoped3A : memref<!tpu.dma_semaphore, #tpu.memory_space<semaphore_mem>>)
        %dma_wait3A = arith.constant 0 : i32
        %dma_wait3A_64 = tpu.memref_slice %arg7[%multiple_of3A_60, %dma_wait3A] : memref<10240x128xf32, #tpu.memory_space<vmem_shared>> -> memref<80x128xf32, #tpu.memory_space<vmem_shared>>
        %dma_wait3A_65 = arith.constant 0 : i32
        %dma_wait3A_66 = tpu.memref_slice %arg7[%multiple_of3A_60, %dma_wait3A_65] : memref<10240x128xf32, #tpu.memory_space<vmem_shared>> -> memref<80x128xf32, #tpu.memory_space<vmem_shared>>
        tpu.wait_dma2 semaphore(%run_scoped3A : memref<!tpu.dma_semaphore, #tpu.memory_space<semaphore_mem>>) src(%arg6 : memref<80x128xf32, #tpu.memory_space<vmem>>) dst(%dma_wait3A_66 : memref<80x128xf32, #tpu.memory_space<vmem_shared>>)
        tpu.yield
      }) : () -> ()
    }
    %while3A_42 = arith.constant 1 : i32
    scf.for %while3A_56 = %while3A_40 to %while3A_36 step %while3A_42  : i32 {
      %mul3A_57 = arith.constant 80 : i32
      %mul3A_58 = arith.muli %while3A_56, %mul3A_57 : i32
      %add3A_59 = arith.addi %multiple_of3A_14, %mul3A_58 : i32
      %multiple_of3A_60 = tpu.assume_multiple %add3A_59, 80 : i32
      "tpu.region"() ({
        %run_scoped3A = tpu.sem_alloc : memref<!tpu.dma_semaphore, #tpu.memory_space<semaphore_mem>>
        %dma_start3A = arith.constant 0 : i32
        %dma_start3A_61 = tpu.memref_slice %arg7[%multiple_of3A_60, %dma_start3A] : memref<10240x128xf32, #tpu.memory_space<vmem_shared>> -> memref<80x128xf32, #tpu.memory_space<vmem_shared>>
        %dma_start3A_62 = arith.constant 0 : i32
        %dma_start3A_63 = tpu.memref_slice %arg7[%multiple_of3A_60, %dma_start3A_62] : memref<10240x128xf32, #tpu.memory_space<vmem_shared>> -> memref<80x128xf32, #tpu.memory_space<vmem_shared>>
        tpu.enqueue_dma source(%arg6 : memref<80x128xf32, #tpu.memory_space<vmem>>) target(%dma_start3A_63 : memref<80x128xf32, #tpu.memory_space<vmem_shared>>) target_semaphore(%run_scoped3A : memref<!tpu.dma_semaphore, #tpu.memory_space<semaphore_mem>>)
        %dma_wait3A = arith.constant 0 : i32
        %dma_wait3A_64 = tpu.memref_slice %arg7[%multiple_of3A_60, %dma_wait3A] : memref<10240x128xf32, #tpu.memory_space<vmem_shared>> -> memref<80x128xf32, #tpu.memory_space<vmem_shared>>
        %dma_wait3A_65 = arith.constant 0 : i32
        %dma_wait3A_66 = tpu.memref_slice %arg7[%multiple_of3A_60, %dma_wait3A_65] : memref<10240x128xf32, #tpu.memory_space<vmem_shared>> -> memref<80x128xf32, #tpu.memory_space<vmem_shared>>
        tpu.wait_dma2 semaphore(%run_scoped3A : memref<!tpu.dma_semaphore, #tpu.memory_space<semaphore_mem>>) src(%arg6 : memref<80x128xf32, #tpu.memory_space<vmem>>) dst(%dma_wait3A_66 : memref<80x128xf32, #tpu.memory_space<vmem_shared>>)
        tpu.yield
      }) : () -> ()
    }
    %barrier3A = arith.constant 0 : index
    tpu.barrier barrier_id(%barrier3A)
    %scan3A_43 = arith.constant 0 : i32
    %scan3A_44 = arith.constant 80 : i32
    %scan3A_45 = arith.addi %scan3A_43, %scan3A_44 : i32
    %scan3A_46 = arith.constant 1 : i32
    scf.for %scan3A_56 = %scan3A_43 to %scan3A_45 step %scan3A_46  : i32 {
      "tpu.region"() ({
        %run_scoped3A = tpu.sem_alloc : memref<!tpu.dma_semaphore, #tpu.memory_space<semaphore_mem>>
        %dma_start3A = arith.constant 0 : i32
        %dma_start3A_57 = tpu.memref_slice %arg4[%scan3A_56, %dma_start3A] : memref<80x128xi32, #tpu.memory_space<vmem>> -> memref<1x128xi32, #tpu.memory_space<vmem>>
        %dma_start3A_58 = tpu.memref_squeeze %dma_start3A_57 : memref<1x128xi32, #tpu.memory_space<vmem>> -> memref<128xi32, #tpu.memory_space<vmem>>
        %dma_start3A_59 = arith.constant 0 : i32
        %dma_start3A_60 = arith.constant 0 : i32
        %dma_start3A_61 = tpu.memref_slice %arg7[%dma_start3A_59, %dma_start3A_60] : memref<10240x128xf32, #tpu.memory_space<vmem_shared>> -> memref<10240x128xf32, #tpu.memory_space<vmem_shared>>
        tpu.enqueue_indirect_dma source(%arg5 : memref<128x128xf32, #tpu.memory_space<vmem>>) target(%dma_start3A_61 : memref<10240x128xf32, #tpu.memory_space<vmem_shared>>) offsets(%dma_start3A_58 : memref<128xi32, #tpu.memory_space<vmem>>) semaphore(%run_scoped3A : memref<!tpu.dma_semaphore, #tpu.memory_space<semaphore_mem>>) {add = true}
        %dma_wait3A = arith.constant 0 : i32
        %dma_wait3A_62 = tpu.memref_slice %arg4[%scan3A_56, %dma_wait3A] : memref<80x128xi32, #tpu.memory_space<vmem>> -> memref<1x128xi32, #tpu.memory_space<vmem>>
        %dma_wait3A_63 = tpu.memref_squeeze %dma_wait3A_62 : memref<1x128xi32, #tpu.memory_space<vmem>> -> memref<128xi32, #tpu.memory_space<vmem>>
        %dma_wait3A_64 = arith.constant 0 : i32
        %dma_wait3A_65 = arith.constant 0 : i32
        %dma_wait3A_66 = tpu.memref_slice %arg7[%dma_wait3A_64, %dma_wait3A_65] : memref<10240x128xf32, #tpu.memory_space<vmem_shared>> -> memref<10240x128xf32, #tpu.memory_space<vmem_shared>>
        tpu.wait_indirect_dma semaphore(%run_scoped3A : memref<!tpu.dma_semaphore, #tpu.memory_space<semaphore_mem>>) src(%arg5 : memref<128x128xf32, #tpu.memory_space<vmem>>) dst(%dma_wait3A_66 : memref<10240x128xf32, #tpu.memory_space<vmem_shared>>)
        tpu.yield
      }) : () -> ()
    }
    %scan3A_47 = arith.constant 80 : i32
    %barrier3A_48 = arith.constant 0 : index
    tpu.barrier barrier_id(%barrier3A_48)
    %lt3A = arith.constant 15 : i32
    %lt3A_49 = arith.cmpi slt, %arg1, %lt3A : i32
    %convert_element_type3A = arith.extui %lt3A_49 : i1 to i32
    %cond3A = arith.constant 0 : i32
    %cond3A_50 = arith.cmpi ne, %convert_element_type3A, %cond3A : i32
    scf.if %cond3A_50 {
      "tpu.region"() ({
        %run_scoped3A = tpu.sem_alloc : memref<!tpu.dma_semaphore, #tpu.memory_space<semaphore_mem>>
        %dma_start3A = arith.constant 0 : i32
        %dma_start3A_56 = tpu.memref_slice %arg3[%arg0, %multiple_of3A_14, %dma_start3A] : memref<2x10000x128xf32, #tpu.memory_space<hbm>> -> memref<1x640x128xf32, #tpu.memory_space<hbm>>
        %dma_start3A_57 = tpu.memref_squeeze %dma_start3A_56 : memref<1x640x128xf32, #tpu.memory_space<hbm>> -> memref<640x128xf32, #tpu.memory_space<hbm>>
        %dma_start3A_58 = arith.constant 0 : i32
        %dma_start3A_59 = tpu.memref_slice %arg7[%multiple_of3A_14, %dma_start3A_58] : memref<10240x128xf32, #tpu.memory_space<vmem_shared>> -> memref<640x128xf32, #tpu.memory_space<vmem_shared>>
        tpu.enqueue_dma source(%dma_start3A_59 : memref<640x128xf32, #tpu.memory_space<vmem_shared>>) target(%dma_start3A_57 : memref<640x128xf32, #tpu.memory_space<hbm>>) target_semaphore(%run_scoped3A : memref<!tpu.dma_semaphore, #tpu.memory_space<semaphore_mem>>)
        %dma_wait3A = arith.constant 0 : i32
        %dma_wait3A_60 = tpu.memref_slice %arg3[%arg0, %multiple_of3A_14, %dma_wait3A] : memref<2x10000x128xf32, #tpu.memory_space<hbm>> -> memref<1x640x128xf32, #tpu.memory_space<hbm>>
        %dma_wait3A_61 = tpu.memref_squeeze %dma_wait3A_60 : memref<1x640x128xf32, #tpu.memory_space<hbm>> -> memref<640x128xf32, #tpu.memory_space<hbm>>
        %dma_wait3A_62 = arith.constant 0 : i32
        %dma_wait3A_63 = tpu.memref_slice %arg7[%multiple_of3A_14, %dma_wait3A_62] : memref<10240x128xf32, #tpu.memory_space<vmem_shared>> -> memref<640x128xf32, #tpu.memory_space<vmem_shared>>
        tpu.wait_dma2 semaphore(%run_scoped3A : memref<!tpu.dma_semaphore, #tpu.memory_space<semaphore_mem>>) src(%dma_wait3A_63 : memref<640x128xf32, #tpu.memory_space<vmem_shared>>) dst(%dma_wait3A_61 : memref<640x128xf32, #tpu.memory_space<hbm>>)
        tpu.yield
      }) : () -> ()
    } else {
    }
    %eq3A_51 = arith.constant 15 : i32
    %eq3A_52 = arith.cmpi eq, %arg1, %eq3A_51 : i32
    %convert_element_type3A_53 = arith.extui %eq3A_52 : i1 to i32
    %cond3A_54 = arith.constant 0 : i32
    %cond3A_55 = arith.cmpi ne, %convert_element_type3A_53, %cond3A_54 : i32
    scf.if %cond3A_55 {
      "tpu.region"() ({
        %run_scoped3A = tpu.sem_alloc : memref<!tpu.dma_semaphore, #tpu.memory_space<semaphore_mem>>
        %dma_start3A = arith.constant 0 : i32
        %dma_start3A_56 = tpu.memref_slice %arg3[%arg0, %multiple_of3A_14, %dma_start3A] : memref<2x10000x128xf32, #tpu.memory_space<hbm>> -> memref<1x400x128xf32, #tpu.memory_space<hbm>>
        %dma_start3A_57 = tpu.memref_squeeze %dma_start3A_56 : memref<1x400x128xf32, #tpu.memory_space<hbm>> -> memref<400x128xf32, #tpu.memory_space<hbm>>
        %dma_start3A_58 = arith.constant 0 : i32
        %dma_start3A_59 = tpu.memref_slice %arg7[%multiple_of3A_14, %dma_start3A_58] : memref<10240x128xf32, #tpu.memory_space<vmem_shared>> -> memref<400x128xf32, #tpu.memory_space<vmem_shared>>
        tpu.enqueue_dma source(%dma_start3A_59 : memref<400x128xf32, #tpu.memory_space<vmem_shared>>) target(%dma_start3A_57 : memref<400x128xf32, #tpu.memory_space<hbm>>) target_semaphore(%run_scoped3A : memref<!tpu.dma_semaphore, #tpu.memory_space<semaphore_mem>>)
        %dma_wait3A = arith.constant 0 : i32
        %dma_wait3A_60 = tpu.memref_slice %arg3[%arg0, %multiple_of3A_14, %dma_wait3A] : memref<2x10000x128xf32, #tpu.memory_space<hbm>> -> memref<1x400x128xf32, #tpu.memory_space<hbm>>
        %dma_wait3A_61 = tpu.memref_squeeze %dma_wait3A_60 : memref<1x400x128xf32, #tpu.memory_space<hbm>> -> memref<400x128xf32, #tpu.memory_space<hbm>>
        %dma_wait3A_62 = arith.constant 0 : i32
        %dma_wait3A_63 = tpu.memref_slice %arg7[%multiple_of3A_14, %dma_wait3A_62] : memref<10240x128xf32, #tpu.memory_space<vmem_shared>> -> memref<400x128xf32, #tpu.memory_space<vmem_shared>>
        tpu.wait_dma2 semaphore(%run_scoped3A : memref<!tpu.dma_semaphore, #tpu.memory_space<semaphore_mem>>) src(%dma_wait3A_63 : memref<400x128xf32, #tpu.memory_space<vmem_shared>>) dst(%dma_wait3A_61 : memref<400x128xf32, #tpu.memory_space<hbm>>)
        tpu.yield
      }) : () -> ()
    } else {
    }
    return
  }
}

#map = affine_map<(d0, d1) -> (0, 0)>
#map1 = affine_map<(d0, d1) -> (0)>
#map2 = affine_map<(d0, d1) -> (0, 0, 0)>
module attributes {stable_mosaic.version = 14 : i64} {
  func.func @prop_kernel(%arg0: i32, %arg1: i32, %arg2: memref<10000x128xf32, #tpu.memory_space<hbm>>, %arg3: memref<10000x128xf32, #tpu.memory_space<hbm>>, %arg4: memref<327680xi32, #tpu.memory_space<hbm>>, %arg5: memref<327680xi32, #tpu.memory_space<hbm>>, %arg6: memref<2x10000x128xf32, #tpu.memory_space<hbm>>, %arg7: memref<2x10000x128xf32, #tpu.memory_space<hbm>>, %arg8: memref<128xi32, #tpu.memory_space<vmem>>, %arg9: memref<128xi32, #tpu.memory_space<vmem>>, %arg10: memref<128xi32, #tpu.memory_space<vmem>>, %arg11: memref<128xi32, #tpu.memory_space<vmem>>, %arg12: memref<128x128xf32, #tpu.memory_space<vmem>>, %arg13: memref<128x128xf32, #tpu.memory_space<vmem>>, %arg14: memref<80x128xf32, #tpu.memory_space<vmem>>, %arg15: memref<8x80xi32, #tpu.memory_space<vmem>>, %arg16: memref<10240x128xf32, #tpu.memory_space<vmem_shared>>, %arg17: memref<!tpu.dma_semaphore, #tpu.memory_space<semaphore_mem>>, %arg18: memref<!tpu.dma_semaphore, #tpu.memory_space<semaphore_mem>>, %arg19: memref<!tpu.dma_semaphore, #tpu.memory_space<semaphore_mem>>, %arg20: memref<!tpu.dma_semaphore, #tpu.memory_space<semaphore_mem>>, %arg21: memref<!tpu.dma_semaphore, #tpu.memory_space<semaphore_mem>>, %arg22: memref<!tpu.dma_semaphore, #tpu.memory_space<semaphore_mem>>, %arg23: memref<!tpu.dma_semaphore, #tpu.memory_space<semaphore_mem>>) attributes {dimension_semantics = [#tpu.dimension_semantics<core_parallel>, #tpu.dimension_semantics<subcore_parallel>], iteration_bounds = array<i64: 2, 16>, scalar_prefetch = 0 : i64, scratch_operands = 16 : i64, tpu.core_type = #tpu.core_type<sc_vector_subcore>, window_params = [{transform_indices = #map}, {transform_indices = #map}, {transform_indices = #map1}, {transform_indices = #map1}, {transform_indices = #map2}, {transform_indices = #map2}]} {
    %mul3A = arith.constant 16 : i32
    %mul3A_0 = arith.muli %arg0, %mul3A : i32
    %add3A = arith.addi %mul3A_0, %arg1 : i32
    %mul3A_1 = arith.constant 640 : i32
    %mul3A_2 = arith.muli %arg1, %mul3A_1 : i32
    %multiple_of3A = tpu.assume_multiple %mul3A_2, 80 : i32
    %iota3A = tpu.iota {dimensions = array<i32: 0>} : vector<16xi32>
    %scan3A = arith.constant 0 : i32
    %scan3A_3 = arith.constant 80 : i32
    %scan3A_4 = arith.addi %scan3A, %scan3A_3 : i32
    %scan3A_5 = arith.constant 1 : i32
    scf.for %scan3A_177 = %scan3A to %scan3A_4 step %scan3A_5  : i32 {
      %broadcast_in_dim3A = arith.constant 0.000000e+00 : f32
      %broadcast_in_dim3A_178 = vector.broadcast %broadcast_in_dim3A : f32 to vector<16xf32>
      %swap3A = arith.index_cast %scan3A_177 : i32 to index
      %swap3A_179 = arith.constant 0 : index
      %swap3A_180 = tpu.vector_load %arg14[%swap3A, %swap3A_179] {strides = array<i32>} : memref<80x128xf32, #tpu.memory_space<vmem>>, vector<1x16xf32>,
      %swap3A_181 = vector.shape_cast %swap3A_180 : vector<1x16xf32> to vector<16xf32>
      %swap3A_182 = vector.shape_cast %broadcast_in_dim3A_178 : vector<16xf32> to vector<1x16xf32>
      tpu.vector_store %arg14[%swap3A, %swap3A_179], %swap3A_182 {strides = array<i32>} : memref<80x128xf32, #tpu.memory_space<vmem>>, vector<1x16xf32>,
      %broadcast_in_dim3A_183 = arith.constant 0.000000e+00 : f32
      %broadcast_in_dim3A_184 = vector.broadcast %broadcast_in_dim3A_183 : f32 to vector<16xf32>
      %swap3A_185 = arith.index_cast %scan3A_177 : i32 to index
      %swap3A_186 = arith.constant 16 : index
      %swap3A_187 = tpu.vector_load %arg14[%swap3A_185, %swap3A_186] {strides = array<i32>} : memref<80x128xf32, #tpu.memory_space<vmem>>, vector<1x16xf32>,
      %swap3A_188 = vector.shape_cast %swap3A_187 : vector<1x16xf32> to vector<16xf32>
      %swap3A_189 = vector.shape_cast %broadcast_in_dim3A_184 : vector<16xf32> to vector<1x16xf32>
      tpu.vector_store %arg14[%swap3A_185, %swap3A_186], %swap3A_189 {strides = array<i32>} : memref<80x128xf32, #tpu.memory_space<vmem>>, vector<1x16xf32>,
      %broadcast_in_dim3A_190 = arith.constant 0.000000e+00 : f32
      %broadcast_in_dim3A_191 = vector.broadcast %broadcast_in_dim3A_190 : f32 to vector<16xf32>
      %swap3A_192 = arith.index_cast %scan3A_177 : i32 to index
      %swap3A_193 = arith.constant 32 : index
      %swap3A_194 = tpu.vector_load %arg14[%swap3A_192, %swap3A_193] {strides = array<i32>} : memref<80x128xf32, #tpu.memory_space<vmem>>, vector<1x16xf32>,
      %swap3A_195 = vector.shape_cast %swap3A_194 : vector<1x16xf32> to vector<16xf32>
      %swap3A_196 = vector.shape_cast %broadcast_in_dim3A_191 : vector<16xf32> to vector<1x16xf32>
      tpu.vector_store %arg14[%swap3A_192, %swap3A_193], %swap3A_196 {strides = array<i32>} : memref<80x128xf32, #tpu.memory_space<vmem>>, vector<1x16xf32>,
      %broadcast_in_dim3A_197 = arith.constant 0.000000e+00 : f32
      %broadcast_in_dim3A_198 = vector.broadcast %broadcast_in_dim3A_197 : f32 to vector<16xf32>
      %swap3A_199 = arith.index_cast %scan3A_177 : i32 to index
      %swap3A_200 = arith.constant 48 : index
      %swap3A_201 = tpu.vector_load %arg14[%swap3A_199, %swap3A_200] {strides = array<i32>} : memref<80x128xf32, #tpu.memory_space<vmem>>, vector<1x16xf32>,
      %swap3A_202 = vector.shape_cast %swap3A_201 : vector<1x16xf32> to vector<16xf32>
      %swap3A_203 = vector.shape_cast %broadcast_in_dim3A_198 : vector<16xf32> to vector<1x16xf32>
      tpu.vector_store %arg14[%swap3A_199, %swap3A_200], %swap3A_203 {strides = array<i32>} : memref<80x128xf32, #tpu.memory_space<vmem>>, vector<1x16xf32>,
      %broadcast_in_dim3A_204 = arith.constant 0.000000e+00 : f32
      %broadcast_in_dim3A_205 = vector.broadcast %broadcast_in_dim3A_204 : f32 to vector<16xf32>
      %swap3A_206 = arith.index_cast %scan3A_177 : i32 to index
      %swap3A_207 = arith.constant 64 : index
      %swap3A_208 = tpu.vector_load %arg14[%swap3A_206, %swap3A_207] {strides = array<i32>} : memref<80x128xf32, #tpu.memory_space<vmem>>, vector<1x16xf32>,
      %swap3A_209 = vector.shape_cast %swap3A_208 : vector<1x16xf32> to vector<16xf32>
      %swap3A_210 = vector.shape_cast %broadcast_in_dim3A_205 : vector<16xf32> to vector<1x16xf32>
      tpu.vector_store %arg14[%swap3A_206, %swap3A_207], %swap3A_210 {strides = array<i32>} : memref<80x128xf32, #tpu.memory_space<vmem>>, vector<1x16xf32>,
      %broadcast_in_dim3A_211 = arith.constant 0.000000e+00 : f32
      %broadcast_in_dim3A_212 = vector.broadcast %broadcast_in_dim3A_211 : f32 to vector<16xf32>
      %swap3A_213 = arith.index_cast %scan3A_177 : i32 to index
      %swap3A_214 = arith.constant 80 : index
      %swap3A_215 = tpu.vector_load %arg14[%swap3A_213, %swap3A_214] {strides = array<i32>} : memref<80x128xf32, #tpu.memory_space<vmem>>, vector<1x16xf32>,
      %swap3A_216 = vector.shape_cast %swap3A_215 : vector<1x16xf32> to vector<16xf32>
      %swap3A_217 = vector.shape_cast %broadcast_in_dim3A_212 : vector<16xf32> to vector<1x16xf32>
      tpu.vector_store %arg14[%swap3A_213, %swap3A_214], %swap3A_217 {strides = array<i32>} : memref<80x128xf32, #tpu.memory_space<vmem>>, vector<1x16xf32>,
      %broadcast_in_dim3A_218 = arith.constant 0.000000e+00 : f32
      %broadcast_in_dim3A_219 = vector.broadcast %broadcast_in_dim3A_218 : f32 to vector<16xf32>
      %swap3A_220 = arith.index_cast %scan3A_177 : i32 to index
      %swap3A_221 = arith.constant 96 : index
      %swap3A_222 = tpu.vector_load %arg14[%swap3A_220, %swap3A_221] {strides = array<i32>} : memref<80x128xf32, #tpu.memory_space<vmem>>, vector<1x16xf32>,
      %swap3A_223 = vector.shape_cast %swap3A_222 : vector<1x16xf32> to vector<16xf32>
      %swap3A_224 = vector.shape_cast %broadcast_in_dim3A_219 : vector<16xf32> to vector<1x16xf32>
      tpu.vector_store %arg14[%swap3A_220, %swap3A_221], %swap3A_224 {strides = array<i32>} : memref<80x128xf32, #tpu.memory_space<vmem>>, vector<1x16xf32>,
      %broadcast_in_dim3A_225 = arith.constant 0.000000e+00 : f32
      %broadcast_in_dim3A_226 = vector.broadcast %broadcast_in_dim3A_225 : f32 to vector<16xf32>
      %swap3A_227 = arith.index_cast %scan3A_177 : i32 to index
      %swap3A_228 = arith.constant 112 : index
      %swap3A_229 = tpu.vector_load %arg14[%swap3A_227, %swap3A_228] {strides = array<i32>} : memref<80x128xf32, #tpu.memory_space<vmem>>, vector<1x16xf32>,
      %swap3A_230 = vector.shape_cast %swap3A_229 : vector<1x16xf32> to vector<16xf32>
      %swap3A_231 = vector.shape_cast %broadcast_in_dim3A_226 : vector<16xf32> to vector<1x16xf32>
      tpu.vector_store %arg14[%swap3A_227, %swap3A_228], %swap3A_231 {strides = array<i32>} : memref<80x128xf32, #tpu.memory_space<vmem>>, vector<1x16xf32>,
      %jit3A_232 = arith.constant 8 : i32
      %eq3A_233 = arith.constant 0 : i32
      %eq3A_234 = arith.cmpi eq, %jit3A_232, %eq3A_233 : i32
      %jit3A_235 = arith.constant 1 : i32
      %select_n3A_236 = arith.select %eq3A_234, %jit3A_235, %jit3A_232 : i32
      %rem3A_237 = arith.remsi %scan3A_177, %select_n3A_236 : i32
      %ne3A_238 = arith.constant 0 : i32
      %ne3A_239 = arith.cmpi ne, %rem3A_237, %ne3A_238 : i32
      %lt3A_240 = arith.constant 0 : i32
      %lt3A_241 = arith.cmpi slt, %rem3A_237, %lt3A_240 : i32
      %lt3A_242 = arith.constant 0 : i32
      %lt3A_243 = arith.cmpi slt, %select_n3A_236, %lt3A_242 : i32
      %ne3A_244 = arith.xori %lt3A_241, %lt3A_243 : i1
      %and3A_245 = arith.andi %ne3A_244, %ne3A_239 : i1
      %add3A_246 = arith.addi %rem3A_237, %select_n3A_236 : i32
      %select_n3A_247 = arith.select %and3A_245, %add3A_246, %rem3A_237 : i32
      %mul3A_248 = arith.constant 80 : i32
      %mul3A_249 = arith.muli %select_n3A_247, %mul3A_248 : i32
      %add3A_250 = arith.addi %multiple_of3A, %mul3A_249 : i32
      %add3A_251 = arith.constant 0 : i32
      %add3A_252 = arith.addi %add3A_250, %add3A_251 : i32
      %add3A_253 = vector.broadcast %add3A_252 : i32 to vector<16xi32>
      %add3A_254 = arith.addi %add3A_253, %iota3A : vector<16xi32>
      %jit3A_255 = arith.constant 8 : i32
      %eq3A_256 = arith.constant 0 : i32
      %eq3A_257 = arith.cmpi eq, %jit3A_255, %eq3A_256 : i32
      %jit3A_258 = arith.constant 1 : i32
      %select_n3A_259 = arith.select %eq3A_257, %jit3A_258, %jit3A_255 : i32
      %rem3A_260 = arith.remsi %scan3A_177, %select_n3A_259 : i32
      %ne3A_261 = arith.constant 0 : i32
      %ne3A_262 = arith.cmpi ne, %rem3A_260, %ne3A_261 : i32
      %lt3A_263 = arith.constant 0 : i32
      %lt3A_264 = arith.cmpi slt, %rem3A_260, %lt3A_263 : i32
      %lt3A_265 = arith.constant 0 : i32
      %lt3A_266 = arith.cmpi slt, %select_n3A_259, %lt3A_265 : i32
      %ne3A_267 = arith.xori %lt3A_264, %lt3A_266 : i1
      %and3A_268 = arith.andi %ne3A_267, %ne3A_262 : i1
      %add3A_269 = arith.addi %rem3A_260, %select_n3A_259 : i32
      %select_n3A_270 = arith.select %and3A_268, %add3A_269, %rem3A_260 : i32
      %swap3A_271 = arith.index_cast %select_n3A_270 : i32 to index
      %swap3A_272 = arith.constant 0 : index
      %swap3A_273 = tpu.vector_load %arg15[%swap3A_271, %swap3A_272] {strides = array<i32>} : memref<8x80xi32, #tpu.memory_space<vmem>>, vector<1x16xi32>,
      %swap3A_274 = vector.shape_cast %swap3A_273 : vector<1x16xi32> to vector<16xi32>
      %swap3A_275 = vector.shape_cast %add3A_254 : vector<16xi32> to vector<1x16xi32>
      tpu.vector_store %arg15[%swap3A_271, %swap3A_272], %swap3A_275 {strides = array<i32>} : memref<8x80xi32, #tpu.memory_space<vmem>>, vector<1x16xi32>,
      %jit3A_276 = arith.constant 8 : i32
      %eq3A_277 = arith.constant 0 : i32
      %eq3A_278 = arith.cmpi eq, %jit3A_276, %eq3A_277 : i32
      %jit3A_279 = arith.constant 1 : i32
      %select_n3A_280 = arith.select %eq3A_278, %jit3A_279, %jit3A_276 : i32
      %rem3A_281 = arith.remsi %scan3A_177, %select_n3A_280 : i32
      %ne3A_282 = arith.constant 0 : i32
      %ne3A_283 = arith.cmpi ne, %rem3A_281, %ne3A_282 : i32
      %lt3A_284 = arith.constant 0 : i32
      %lt3A_285 = arith.cmpi slt, %rem3A_281, %lt3A_284 : i32
      %lt3A_286 = arith.constant 0 : i32
      %lt3A_287 = arith.cmpi slt, %select_n3A_280, %lt3A_286 : i32
      %ne3A_288 = arith.xori %lt3A_285, %lt3A_287 : i1
      %and3A_289 = arith.andi %ne3A_288, %ne3A_283 : i1
      %add3A_290 = arith.addi %rem3A_281, %select_n3A_280 : i32
      %select_n3A_291 = arith.select %and3A_289, %add3A_290, %rem3A_281 : i32
      %mul3A_292 = arith.constant 80 : i32
      %mul3A_293 = arith.muli %select_n3A_291, %mul3A_292 : i32
      %add3A_294 = arith.addi %multiple_of3A, %mul3A_293 : i32
      %add3A_295 = arith.constant 16 : i32
      %add3A_296 = arith.addi %add3A_294, %add3A_295 : i32
      %add3A_297 = vector.broadcast %add3A_296 : i32 to vector<16xi32>
      %add3A_298 = arith.addi %add3A_297, %iota3A : vector<16xi32>
      %jit3A_299 = arith.constant 8 : i32
      %eq3A_300 = arith.constant 0 : i32
      %eq3A_301 = arith.cmpi eq, %jit3A_299, %eq3A_300 : i32
      %jit3A_302 = arith.constant 1 : i32
      %select_n3A_303 = arith.select %eq3A_301, %jit3A_302, %jit3A_299 : i32
      %rem3A_304 = arith.remsi %scan3A_177, %select_n3A_303 : i32
      %ne3A_305 = arith.constant 0 : i32
      %ne3A_306 = arith.cmpi ne, %rem3A_304, %ne3A_305 : i32
      %lt3A_307 = arith.constant 0 : i32
      %lt3A_308 = arith.cmpi slt, %rem3A_304, %lt3A_307 : i32
      %lt3A_309 = arith.constant 0 : i32
      %lt3A_310 = arith.cmpi slt, %select_n3A_303, %lt3A_309 : i32
      %ne3A_311 = arith.xori %lt3A_308, %lt3A_310 : i1
      %and3A_312 = arith.andi %ne3A_311, %ne3A_306 : i1
      %add3A_313 = arith.addi %rem3A_304, %select_n3A_303 : i32
      %select_n3A_314 = arith.select %and3A_312, %add3A_313, %rem3A_304 : i32
      %swap3A_315 = arith.index_cast %select_n3A_314 : i32 to index
      %swap3A_316 = arith.constant 16 : index
      %swap3A_317 = tpu.vector_load %arg15[%swap3A_315, %swap3A_316] {strides = array<i32>} : memref<8x80xi32, #tpu.memory_space<vmem>>, vector<1x16xi32>,
      %swap3A_318 = vector.shape_cast %swap3A_317 : vector<1x16xi32> to vector<16xi32>
      %swap3A_319 = vector.shape_cast %add3A_298 : vector<16xi32> to vector<1x16xi32>
      tpu.vector_store %arg15[%swap3A_315, %swap3A_316], %swap3A_319 {strides = array<i32>} : memref<8x80xi32, #tpu.memory_space<vmem>>, vector<1x16xi32>,
      %jit3A_320 = arith.constant 8 : i32
      %eq3A_321 = arith.constant 0 : i32
      %eq3A_322 = arith.cmpi eq, %jit3A_320, %eq3A_321 : i32
      %jit3A_323 = arith.constant 1 : i32
      %select_n3A_324 = arith.select %eq3A_322, %jit3A_323, %jit3A_320 : i32
      %rem3A_325 = arith.remsi %scan3A_177, %select_n3A_324 : i32
      %ne3A_326 = arith.constant 0 : i32
      %ne3A_327 = arith.cmpi ne, %rem3A_325, %ne3A_326 : i32
      %lt3A_328 = arith.constant 0 : i32
      %lt3A_329 = arith.cmpi slt, %rem3A_325, %lt3A_328 : i32
      %lt3A_330 = arith.constant 0 : i32
      %lt3A_331 = arith.cmpi slt, %select_n3A_324, %lt3A_330 : i32
      %ne3A_332 = arith.xori %lt3A_329, %lt3A_331 : i1
      %and3A_333 = arith.andi %ne3A_332, %ne3A_327 : i1
      %add3A_334 = arith.addi %rem3A_325, %select_n3A_324 : i32
      %select_n3A_335 = arith.select %and3A_333, %add3A_334, %rem3A_325 : i32
      %mul3A_336 = arith.constant 80 : i32
      %mul3A_337 = arith.muli %select_n3A_335, %mul3A_336 : i32
      %add3A_338 = arith.addi %multiple_of3A, %mul3A_337 : i32
      %add3A_339 = arith.constant 32 : i32
      %add3A_340 = arith.addi %add3A_338, %add3A_339 : i32
      %add3A_341 = vector.broadcast %add3A_340 : i32 to vector<16xi32>
      %add3A_342 = arith.addi %add3A_341, %iota3A : vector<16xi32>
      %jit3A_343 = arith.constant 8 : i32
      %eq3A_344 = arith.constant 0 : i32
      %eq3A_345 = arith.cmpi eq, %jit3A_343, %eq3A_344 : i32
      %jit3A_346 = arith.constant 1 : i32
      %select_n3A_347 = arith.select %eq3A_345, %jit3A_346, %jit3A_343 : i32
      %rem3A_348 = arith.remsi %scan3A_177, %select_n3A_347 : i32
      %ne3A_349 = arith.constant 0 : i32
      %ne3A_350 = arith.cmpi ne, %rem3A_348, %ne3A_349 : i32
      %lt3A_351 = arith.constant 0 : i32
      %lt3A_352 = arith.cmpi slt, %rem3A_348, %lt3A_351 : i32
      %lt3A_353 = arith.constant 0 : i32
      %lt3A_354 = arith.cmpi slt, %select_n3A_347, %lt3A_353 : i32
      %ne3A_355 = arith.xori %lt3A_352, %lt3A_354 : i1
      %and3A_356 = arith.andi %ne3A_355, %ne3A_350 : i1
      %add3A_357 = arith.addi %rem3A_348, %select_n3A_347 : i32
      %select_n3A_358 = arith.select %and3A_356, %add3A_357, %rem3A_348 : i32
      %swap3A_359 = arith.index_cast %select_n3A_358 : i32 to index
      %swap3A_360 = arith.constant 32 : index
      %swap3A_361 = tpu.vector_load %arg15[%swap3A_359, %swap3A_360] {strides = array<i32>} : memref<8x80xi32, #tpu.memory_space<vmem>>, vector<1x16xi32>,
      %swap3A_362 = vector.shape_cast %swap3A_361 : vector<1x16xi32> to vector<16xi32>
      %swap3A_363 = vector.shape_cast %add3A_342 : vector<16xi32> to vector<1x16xi32>
      tpu.vector_store %arg15[%swap3A_359, %swap3A_360], %swap3A_363 {strides = array<i32>} : memref<8x80xi32, #tpu.memory_space<vmem>>, vector<1x16xi32>,
      %jit3A_364 = arith.constant 8 : i32
      %eq3A_365 = arith.constant 0 : i32
      %eq3A_366 = arith.cmpi eq, %jit3A_364, %eq3A_365 : i32
      %jit3A_367 = arith.constant 1 : i32
      %select_n3A_368 = arith.select %eq3A_366, %jit3A_367, %jit3A_364 : i32
      %rem3A_369 = arith.remsi %scan3A_177, %select_n3A_368 : i32
      %ne3A_370 = arith.constant 0 : i32
      %ne3A_371 = arith.cmpi ne, %rem3A_369, %ne3A_370 : i32
      %lt3A_372 = arith.constant 0 : i32
      %lt3A_373 = arith.cmpi slt, %rem3A_369, %lt3A_372 : i32
      %lt3A_374 = arith.constant 0 : i32
      %lt3A_375 = arith.cmpi slt, %select_n3A_368, %lt3A_374 : i32
      %ne3A_376 = arith.xori %lt3A_373, %lt3A_375 : i1
      %and3A_377 = arith.andi %ne3A_376, %ne3A_371 : i1
      %add3A_378 = arith.addi %rem3A_369, %select_n3A_368 : i32
      %select_n3A_379 = arith.select %and3A_377, %add3A_378, %rem3A_369 : i32
      %mul3A_380 = arith.constant 80 : i32
      %mul3A_381 = arith.muli %select_n3A_379, %mul3A_380 : i32
      %add3A_382 = arith.addi %multiple_of3A, %mul3A_381 : i32
      %add3A_383 = arith.constant 48 : i32
      %add3A_384 = arith.addi %add3A_382, %add3A_383 : i32
      %add3A_385 = vector.broadcast %add3A_384 : i32 to vector<16xi32>
      %add3A_386 = arith.addi %add3A_385, %iota3A : vector<16xi32>
      %jit3A_387 = arith.constant 8 : i32
      %eq3A_388 = arith.constant 0 : i32
      %eq3A_389 = arith.cmpi eq, %jit3A_387, %eq3A_388 : i32
      %jit3A_390 = arith.constant 1 : i32
      %select_n3A_391 = arith.select %eq3A_389, %jit3A_390, %jit3A_387 : i32
      %rem3A_392 = arith.remsi %scan3A_177, %select_n3A_391 : i32
      %ne3A_393 = arith.constant 0 : i32
      %ne3A_394 = arith.cmpi ne, %rem3A_392, %ne3A_393 : i32
      %lt3A_395 = arith.constant 0 : i32
      %lt3A_396 = arith.cmpi slt, %rem3A_392, %lt3A_395 : i32
      %lt3A_397 = arith.constant 0 : i32
      %lt3A_398 = arith.cmpi slt, %select_n3A_391, %lt3A_397 : i32
      %ne3A_399 = arith.xori %lt3A_396, %lt3A_398 : i1
      %and3A_400 = arith.andi %ne3A_399, %ne3A_394 : i1
      %add3A_401 = arith.addi %rem3A_392, %select_n3A_391 : i32
      %select_n3A_402 = arith.select %and3A_400, %add3A_401, %rem3A_392 : i32
      %swap3A_403 = arith.index_cast %select_n3A_402 : i32 to index
      %swap3A_404 = arith.constant 48 : index
      %swap3A_405 = tpu.vector_load %arg15[%swap3A_403, %swap3A_404] {strides = array<i32>} : memref<8x80xi32, #tpu.memory_space<vmem>>, vector<1x16xi32>,
      %swap3A_406 = vector.shape_cast %swap3A_405 : vector<1x16xi32> to vector<16xi32>
      %swap3A_407 = vector.shape_cast %add3A_386 : vector<16xi32> to vector<1x16xi32>
      tpu.vector_store %arg15[%swap3A_403, %swap3A_404], %swap3A_407 {strides = array<i32>} : memref<8x80xi32, #tpu.memory_space<vmem>>, vector<1x16xi32>,
      %jit3A_408 = arith.constant 8 : i32
      %eq3A_409 = arith.constant 0 : i32
      %eq3A_410 = arith.cmpi eq, %jit3A_408, %eq3A_409 : i32
      %jit3A_411 = arith.constant 1 : i32
      %select_n3A_412 = arith.select %eq3A_410, %jit3A_411, %jit3A_408 : i32
      %rem3A_413 = arith.remsi %scan3A_177, %select_n3A_412 : i32
      %ne3A_414 = arith.constant 0 : i32
      %ne3A_415 = arith.cmpi ne, %rem3A_413, %ne3A_414 : i32
      %lt3A_416 = arith.constant 0 : i32
      %lt3A_417 = arith.cmpi slt, %rem3A_413, %lt3A_416 : i32
      %lt3A_418 = arith.constant 0 : i32
      %lt3A_419 = arith.cmpi slt, %select_n3A_412, %lt3A_418 : i32
      %ne3A_420 = arith.xori %lt3A_417, %lt3A_419 : i1
      %and3A_421 = arith.andi %ne3A_420, %ne3A_415 : i1
      %add3A_422 = arith.addi %rem3A_413, %select_n3A_412 : i32
      %select_n3A_423 = arith.select %and3A_421, %add3A_422, %rem3A_413 : i32
      %mul3A_424 = arith.constant 80 : i32
      %mul3A_425 = arith.muli %select_n3A_423, %mul3A_424 : i32
      %add3A_426 = arith.addi %multiple_of3A, %mul3A_425 : i32
      %add3A_427 = arith.constant 64 : i32
      %add3A_428 = arith.addi %add3A_426, %add3A_427 : i32
      %add3A_429 = vector.broadcast %add3A_428 : i32 to vector<16xi32>
      %add3A_430 = arith.addi %add3A_429, %iota3A : vector<16xi32>
      %jit3A_431 = arith.constant 8 : i32
      %eq3A_432 = arith.constant 0 : i32
      %eq3A_433 = arith.cmpi eq, %jit3A_431, %eq3A_432 : i32
      %jit3A_434 = arith.constant 1 : i32
      %select_n3A_435 = arith.select %eq3A_433, %jit3A_434, %jit3A_431 : i32
      %rem3A_436 = arith.remsi %scan3A_177, %select_n3A_435 : i32
      %ne3A_437 = arith.constant 0 : i32
      %ne3A_438 = arith.cmpi ne, %rem3A_436, %ne3A_437 : i32
      %lt3A_439 = arith.constant 0 : i32
      %lt3A_440 = arith.cmpi slt, %rem3A_436, %lt3A_439 : i32
      %lt3A_441 = arith.constant 0 : i32
      %lt3A_442 = arith.cmpi slt, %select_n3A_435, %lt3A_441 : i32
      %ne3A_443 = arith.xori %lt3A_440, %lt3A_442 : i1
      %and3A_444 = arith.andi %ne3A_443, %ne3A_438 : i1
      %add3A_445 = arith.addi %rem3A_436, %select_n3A_435 : i32
      %select_n3A_446 = arith.select %and3A_444, %add3A_445, %rem3A_436 : i32
      %swap3A_447 = arith.index_cast %select_n3A_446 : i32 to index
      %swap3A_448 = arith.constant 64 : index
      %swap3A_449 = tpu.vector_load %arg15[%swap3A_447, %swap3A_448] {strides = array<i32>} : memref<8x80xi32, #tpu.memory_space<vmem>>, vector<1x16xi32>,
      %swap3A_450 = vector.shape_cast %swap3A_449 : vector<1x16xi32> to vector<16xi32>
      %swap3A_451 = vector.shape_cast %add3A_430 : vector<16xi32> to vector<1x16xi32>
      tpu.vector_store %arg15[%swap3A_447, %swap3A_448], %swap3A_451 {strides = array<i32>} : memref<8x80xi32, #tpu.memory_space<vmem>>, vector<1x16xi32>,
    }
    %scan3A_6 = arith.constant 80 : i32
    %eq3A = arith.constant 15 : i32
    %eq3A_7 = arith.cmpi eq, %arg1, %eq3A : i32
    %jit3A = arith.constant 400 : i32
    %jit3A_8 = arith.constant 640 : i32
    %select_n3A = arith.select %eq3A_7, %jit3A, %jit3A_8 : i32
    %eq3A_9 = arith.constant 0 : i32
    %eq3A_10 = arith.cmpi eq, %arg0, %eq3A_9 : i32
    %jit3A_11 = arith.constant 148 : i32
    %jit3A_12 = arith.constant 12 : i32
    %select_n3A_13 = arith.select %eq3A_10, %jit3A_11, %jit3A_12 : i32
    %eq3A_14 = arith.constant 0 : i32
    %eq3A_15 = arith.cmpi eq, %arg0, %eq3A_14 : i32
    %mul3A_16 = arith.constant 148 : i32
    %mul3A_17 = arith.muli %arg1, %mul3A_16 : i32
    %mul3A_18 = arith.constant 12 : i32
    %mul3A_19 = arith.muli %arg1, %mul3A_18 : i32
    %add3A_20 = arith.constant 2368 : i32
    %add3A_21 = arith.addi %add3A_20, %mul3A_19 : i32
    %select_n3A_22 = arith.select %eq3A_15, %mul3A_17, %add3A_21 : i32
    %jit3A_23 = arith.constant 80 : i32
    %div3A = arith.divsi %select_n3A, %jit3A_23 : i32
    %sign3A = arith.constant 0 : i32
    %sign3A_24 = arith.cmpi sgt, %select_n3A, %sign3A : i32
    %sign3A_25 = arith.extui %sign3A_24 : i1 to i32
    %sign3A_26 = arith.constant 0 : i32
    %sign3A_27 = arith.cmpi slt, %select_n3A, %sign3A_26 : i32
    %sign3A_28 = arith.extui %sign3A_27 : i1 to i32
    %sign3A_29 = arith.subi %sign3A_25, %sign3A_28 : i32
    %sign3A_30 = arith.constant 0 : i32
    %sign3A_31 = arith.cmpi sgt, %jit3A_23, %sign3A_30 : i32
    %sign3A_32 = arith.extui %sign3A_31 : i1 to i32
    %sign3A_33 = arith.constant 0 : i32
    %sign3A_34 = arith.cmpi slt, %jit3A_23, %sign3A_33 : i32
    %sign3A_35 = arith.extui %sign3A_34 : i1 to i32
    %sign3A_36 = arith.subi %sign3A_32, %sign3A_35 : i32
    %ne3A = arith.cmpi ne, %sign3A_29, %sign3A_36 : i32
    %rem3A = arith.remsi %select_n3A, %jit3A_23 : i32
    %ne3A_37 = arith.constant 0 : i32
    %ne3A_38 = arith.cmpi ne, %rem3A, %ne3A_37 : i32
    %and3A = arith.andi %ne3A, %ne3A_38 : i1
    %sub3A = arith.constant 1 : i32
    %sub3A_39 = arith.subi %div3A, %sub3A : i32
    %select_n3A_40 = arith.select %and3A, %sub3A_39, %div3A : i32
    %while3A = arith.constant 0 : i32
    %while3A_41 = arith.subi %select_n3A_40, %while3A : i32
    %while3A_42 = arith.addi %while3A, %while3A_41 : i32
    %while3A_43 = arith.constant 1 : i32
    %while3A_44 = arith.divsi %while3A_41, %while3A_43 : i32
    %while3A_45 = arith.muli %while3A_44, %while3A_43 : i32
    %while3A_46 = arith.addi %while3A, %while3A_45 : i32
    %while3A_47 = arith.constant 1 : i32
    scf.for %while3A_177 = %while3A to %while3A_46 step %while3A_47  : i32 {
      %dma_start3A = arith.constant 0 : i32
      %dma_start3A_178 = tpu.memref_slice %arg15[%while3A_177, %dma_start3A] : memref<8x80xi32, #tpu.memory_space<vmem>> -> memref<1x80xi32, #tpu.memory_space<vmem>>
      %dma_start3A_179 = tpu.memref_squeeze %dma_start3A_178 : memref<1x80xi32, #tpu.memory_space<vmem>> -> memref<80xi32, #tpu.memory_space<vmem>>
      %dma_start3A_180 = arith.constant 0 : i32
      %dma_start3A_181 = arith.constant 0 : i32
      %dma_start3A_182 = tpu.memref_slice %arg16[%dma_start3A_180, %dma_start3A_181] : memref<10240x128xf32, #tpu.memory_space<vmem_shared>> -> memref<10240x128xf32, #tpu.memory_space<vmem_shared>>
      tpu.enqueue_indirect_dma source(%arg14 : memref<80x128xf32, #tpu.memory_space<vmem>>) target(%dma_start3A_182 : memref<10240x128xf32, #tpu.memory_space<vmem_shared>>) offsets(%dma_start3A_179 : memref<80xi32, #tpu.memory_space<vmem>>) semaphore(%arg23 : memref<!tpu.dma_semaphore, #tpu.memory_space<semaphore_mem>>)
    }
    %while3A_48 = arith.constant 1 : i32
    scf.for %while3A_177 = %while3A_46 to %while3A_42 step %while3A_48  : i32 {
      %dma_start3A = arith.constant 0 : i32
      %dma_start3A_178 = tpu.memref_slice %arg15[%while3A_177, %dma_start3A] : memref<8x80xi32, #tpu.memory_space<vmem>> -> memref<1x80xi32, #tpu.memory_space<vmem>>
      %dma_start3A_179 = tpu.memref_squeeze %dma_start3A_178 : memref<1x80xi32, #tpu.memory_space<vmem>> -> memref<80xi32, #tpu.memory_space<vmem>>
      %dma_start3A_180 = arith.constant 0 : i32
      %dma_start3A_181 = arith.constant 0 : i32
      %dma_start3A_182 = tpu.memref_slice %arg16[%dma_start3A_180, %dma_start3A_181] : memref<10240x128xf32, #tpu.memory_space<vmem_shared>> -> memref<10240x128xf32, #tpu.memory_space<vmem_shared>>
      tpu.enqueue_indirect_dma source(%arg14 : memref<80x128xf32, #tpu.memory_space<vmem>>) target(%dma_start3A_182 : memref<10240x128xf32, #tpu.memory_space<vmem_shared>>) offsets(%dma_start3A_179 : memref<80xi32, #tpu.memory_space<vmem>>) semaphore(%arg23 : memref<!tpu.dma_semaphore, #tpu.memory_space<semaphore_mem>>)
    }
    %jit3A_49 = arith.constant 80 : i32
    %div3A_50 = arith.divsi %select_n3A, %jit3A_49 : i32
    %sign3A_51 = arith.constant 0 : i32
    %sign3A_52 = arith.cmpi sgt, %select_n3A, %sign3A_51 : i32
    %sign3A_53 = arith.extui %sign3A_52 : i1 to i32
    %sign3A_54 = arith.constant 0 : i32
    %sign3A_55 = arith.cmpi slt, %select_n3A, %sign3A_54 : i32
    %sign3A_56 = arith.extui %sign3A_55 : i1 to i32
    %sign3A_57 = arith.subi %sign3A_53, %sign3A_56 : i32
    %sign3A_58 = arith.constant 0 : i32
    %sign3A_59 = arith.cmpi sgt, %jit3A_49, %sign3A_58 : i32
    %sign3A_60 = arith.extui %sign3A_59 : i1 to i32
    %sign3A_61 = arith.constant 0 : i32
    %sign3A_62 = arith.cmpi slt, %jit3A_49, %sign3A_61 : i32
    %sign3A_63 = arith.extui %sign3A_62 : i1 to i32
    %sign3A_64 = arith.subi %sign3A_60, %sign3A_63 : i32
    %ne3A_65 = arith.cmpi ne, %sign3A_57, %sign3A_64 : i32
    %rem3A_66 = arith.remsi %select_n3A, %jit3A_49 : i32
    %ne3A_67 = arith.constant 0 : i32
    %ne3A_68 = arith.cmpi ne, %rem3A_66, %ne3A_67 : i32
    %and3A_69 = arith.andi %ne3A_65, %ne3A_68 : i1
    %sub3A_70 = arith.constant 1 : i32
    %sub3A_71 = arith.subi %div3A_50, %sub3A_70 : i32
    %select_n3A_72 = arith.select %and3A_69, %sub3A_71, %div3A_50 : i32
    %while3A_73 = arith.constant 0 : i32
    %while3A_74 = arith.subi %select_n3A_72, %while3A_73 : i32
    %while3A_75 = arith.addi %while3A_73, %while3A_74 : i32
    %while3A_76 = arith.constant 1 : i32
    %while3A_77 = arith.divsi %while3A_74, %while3A_76 : i32
    %while3A_78 = arith.muli %while3A_77, %while3A_76 : i32
    %while3A_79 = arith.addi %while3A_73, %while3A_78 : i32
    %while3A_80 = arith.constant 1 : i32
    scf.for %while3A_177 = %while3A_73 to %while3A_79 step %while3A_80  : i32 {
      %dma_wait3A = arith.constant 0 : i32
      %dma_wait3A_178 = arith.constant 0 : i32
      %dma_wait3A_179 = tpu.memref_slice %arg15[%dma_wait3A, %dma_wait3A_178] : memref<8x80xi32, #tpu.memory_space<vmem>> -> memref<1x80xi32, #tpu.memory_space<vmem>>
      %dma_wait3A_180 = tpu.memref_squeeze %dma_wait3A_179 : memref<1x80xi32, #tpu.memory_space<vmem>> -> memref<80xi32, #tpu.memory_space<vmem>>
      %dma_wait3A_181 = arith.constant 0 : i32
      %dma_wait3A_182 = arith.constant 0 : i32
      %dma_wait3A_183 = tpu.memref_slice %arg16[%dma_wait3A_181, %dma_wait3A_182] : memref<10240x128xf32, #tpu.memory_space<vmem_shared>> -> memref<10240x128xf32, #tpu.memory_space<vmem_shared>>
      tpu.wait_indirect_dma semaphore(%arg23 : memref<!tpu.dma_semaphore, #tpu.memory_space<semaphore_mem>>) src(%arg14 : memref<80x128xf32, #tpu.memory_space<vmem>>) dst(%dma_wait3A_183 : memref<10240x128xf32, #tpu.memory_space<vmem_shared>>)
    }
    %while3A_81 = arith.constant 1 : i32
    scf.for %while3A_177 = %while3A_79 to %while3A_75 step %while3A_81  : i32 {
      %dma_wait3A = arith.constant 0 : i32
      %dma_wait3A_178 = arith.constant 0 : i32
      %dma_wait3A_179 = tpu.memref_slice %arg15[%dma_wait3A, %dma_wait3A_178] : memref<8x80xi32, #tpu.memory_space<vmem>> -> memref<1x80xi32, #tpu.memory_space<vmem>>
      %dma_wait3A_180 = tpu.memref_squeeze %dma_wait3A_179 : memref<1x80xi32, #tpu.memory_space<vmem>> -> memref<80xi32, #tpu.memory_space<vmem>>
      %dma_wait3A_181 = arith.constant 0 : i32
      %dma_wait3A_182 = arith.constant 0 : i32
      %dma_wait3A_183 = tpu.memref_slice %arg16[%dma_wait3A_181, %dma_wait3A_182] : memref<10240x128xf32, #tpu.memory_space<vmem_shared>> -> memref<10240x128xf32, #tpu.memory_space<vmem_shared>>
      tpu.wait_indirect_dma semaphore(%arg23 : memref<!tpu.dma_semaphore, #tpu.memory_space<semaphore_mem>>) src(%arg14 : memref<80x128xf32, #tpu.memory_space<vmem>>) dst(%dma_wait3A_183 : memref<10240x128xf32, #tpu.memory_space<vmem_shared>>)
    }
    %barrier3A = arith.constant 0 : index
    tpu.barrier barrier_id(%barrier3A)
    %gt3A = arith.constant 0 : i32
    %gt3A_82 = arith.cmpi sgt, %select_n3A_13, %gt3A : i32
    %convert_element_type3A = arith.extui %gt3A_82 : i1 to i32
    %cond3A = arith.constant 0 : i32
    %cond3A_83 = arith.cmpi ne, %convert_element_type3A, %cond3A : i32
    scf.if %cond3A_83 {
      %add3A_177 = arith.constant 0 : i32
      %add3A_178 = arith.addi %select_n3A_22, %add3A_177 : i32
      %mul3A_179 = arith.constant 128 : i32
      %mul3A_180 = arith.muli %add3A_178, %mul3A_179 : i32
      %multiple_of3A_181 = tpu.assume_multiple %mul3A_180, 128 : i32
      %dma_start3A = tpu.memref_slice %arg4[%multiple_of3A_181] : memref<327680xi32, #tpu.memory_space<hbm>> -> memref<128xi32, #tpu.memory_space<hbm>>
      %dma_start3A_182 = tpu.memref_slice %arg4[%multiple_of3A_181] : memref<327680xi32, #tpu.memory_space<hbm>> -> memref<128xi32, #tpu.memory_space<hbm>>
      tpu.enqueue_dma source(%dma_start3A_182 : memref<128xi32, #tpu.memory_space<hbm>>) target(%arg8 : memref<128xi32, #tpu.memory_space<vmem>>) target_semaphore(%arg19 : memref<!tpu.dma_semaphore, #tpu.memory_space<semaphore_mem>>)
      %add3A_183 = arith.constant 0 : i32
      %add3A_184 = arith.addi %select_n3A_22, %add3A_183 : i32
      %mul3A_185 = arith.constant 128 : i32
      %mul3A_186 = arith.muli %add3A_184, %mul3A_185 : i32
      %multiple_of3A_187 = tpu.assume_multiple %mul3A_186, 128 : i32
      %dma_start3A_188 = tpu.memref_slice %arg5[%multiple_of3A_187] : memref<327680xi32, #tpu.memory_space<hbm>> -> memref<128xi32, #tpu.memory_space<hbm>>
      %dma_start3A_189 = tpu.memref_slice %arg5[%multiple_of3A_187] : memref<327680xi32, #tpu.memory_space<hbm>> -> memref<128xi32, #tpu.memory_space<hbm>>
      tpu.enqueue_dma source(%dma_start3A_189 : memref<128xi32, #tpu.memory_space<hbm>>) target(%arg10 : memref<128xi32, #tpu.memory_space<vmem>>) target_semaphore(%arg21 : memref<!tpu.dma_semaphore, #tpu.memory_space<semaphore_mem>>)
      %dma_wait3A = arith.constant 0 : i32
      %dma_wait3A_190 = tpu.memref_slice %arg4[%dma_wait3A] : memref<327680xi32, #tpu.memory_space<hbm>> -> memref<128xi32, #tpu.memory_space<hbm>>
      %dma_wait3A_191 = arith.constant 0 : i32
      %dma_wait3A_192 = tpu.memref_slice %arg4[%dma_wait3A_191] : memref<327680xi32, #tpu.memory_space<hbm>> -> memref<128xi32, #tpu.memory_space<hbm>>
      tpu.wait_dma2 semaphore(%arg19 : memref<!tpu.dma_semaphore, #tpu.memory_space<semaphore_mem>>) src(%dma_wait3A_192 : memref<128xi32, #tpu.memory_space<hbm>>) dst(%arg8 : memref<128xi32, #tpu.memory_space<vmem>>)
      %dma_start3A_193 = arith.constant 0 : i32
      %dma_start3A_194 = arith.constant 0 : i32
      %dma_start3A_195 = tpu.memref_slice %arg2[%dma_start3A_193, %dma_start3A_194] : memref<10000x128xf32, #tpu.memory_space<hbm>> -> memref<10000x128xf32, #tpu.memory_space<hbm>>
      tpu.enqueue_indirect_dma source(%dma_start3A_195 : memref<10000x128xf32, #tpu.memory_space<hbm>>) target(%arg12 : memref<128x128xf32, #tpu.memory_space<vmem>>) offsets(%arg8 : memref<128xi32, #tpu.memory_space<vmem>>) semaphore(%arg17 : memref<!tpu.dma_semaphore, #tpu.memory_space<semaphore_mem>>)
      %add3A_196 = arith.constant 1 : i32
      %add3A_197 = arith.addi %select_n3A_22, %add3A_196 : i32
      %mul3A_198 = arith.constant 128 : i32
      %mul3A_199 = arith.muli %add3A_197, %mul3A_198 : i32
      %multiple_of3A_200 = tpu.assume_multiple %mul3A_199, 128 : i32
      %dma_start3A_201 = tpu.memref_slice %arg4[%multiple_of3A_200] : memref<327680xi32, #tpu.memory_space<hbm>> -> memref<128xi32, #tpu.memory_space<hbm>>
      %dma_start3A_202 = tpu.memref_slice %arg4[%multiple_of3A_200] : memref<327680xi32, #tpu.memory_space<hbm>> -> memref<128xi32, #tpu.memory_space<hbm>>
      tpu.enqueue_dma source(%dma_start3A_202 : memref<128xi32, #tpu.memory_space<hbm>>) target(%arg9 : memref<128xi32, #tpu.memory_space<vmem>>) target_semaphore(%arg20 : memref<!tpu.dma_semaphore, #tpu.memory_space<semaphore_mem>>)
      %add3A_203 = arith.constant 1 : i32
      %add3A_204 = arith.addi %select_n3A_22, %add3A_203 : i32
      %mul3A_205 = arith.constant 128 : i32
      %mul3A_206 = arith.muli %add3A_204, %mul3A_205 : i32
      %multiple_of3A_207 = tpu.assume_multiple %mul3A_206, 128 : i32
      %dma_start3A_208 = tpu.memref_slice %arg5[%multiple_of3A_207] : memref<327680xi32, #tpu.memory_space<hbm>> -> memref<128xi32, #tpu.memory_space<hbm>>
      %dma_start3A_209 = tpu.memref_slice %arg5[%multiple_of3A_207] : memref<327680xi32, #tpu.memory_space<hbm>> -> memref<128xi32, #tpu.memory_space<hbm>>
      tpu.enqueue_dma source(%dma_start3A_209 : memref<128xi32, #tpu.memory_space<hbm>>) target(%arg11 : memref<128xi32, #tpu.memory_space<vmem>>) target_semaphore(%arg22 : memref<!tpu.dma_semaphore, #tpu.memory_space<semaphore_mem>>)
      %dma_wait3A_210 = arith.constant 0 : i32
      %dma_wait3A_211 = tpu.memref_slice %arg4[%dma_wait3A_210] : memref<327680xi32, #tpu.memory_space<hbm>> -> memref<128xi32, #tpu.memory_space<hbm>>
      %dma_wait3A_212 = arith.constant 0 : i32
      %dma_wait3A_213 = tpu.memref_slice %arg4[%dma_wait3A_212] : memref<327680xi32, #tpu.memory_space<hbm>> -> memref<128xi32, #tpu.memory_space<hbm>>
      tpu.wait_dma2 semaphore(%arg20 : memref<!tpu.dma_semaphore, #tpu.memory_space<semaphore_mem>>) src(%dma_wait3A_213 : memref<128xi32, #tpu.memory_space<hbm>>) dst(%arg9 : memref<128xi32, #tpu.memory_space<vmem>>)
      %dma_start3A_214 = arith.constant 0 : i32
      %dma_start3A_215 = arith.constant 0 : i32
      %dma_start3A_216 = tpu.memref_slice %arg2[%dma_start3A_214, %dma_start3A_215] : memref<10000x128xf32, #tpu.memory_space<hbm>> -> memref<10000x128xf32, #tpu.memory_space<hbm>>
      tpu.enqueue_indirect_dma source(%dma_start3A_216 : memref<10000x128xf32, #tpu.memory_space<hbm>>) target(%arg13 : memref<128x128xf32, #tpu.memory_space<vmem>>) offsets(%arg9 : memref<128xi32, #tpu.memory_space<vmem>>) semaphore(%arg18 : memref<!tpu.dma_semaphore, #tpu.memory_space<semaphore_mem>>)
      %jit3A_217 = arith.constant 2 : i32
      %div3A_218 = arith.divsi %select_n3A_13, %jit3A_217 : i32
      %sign3A_219 = arith.constant 0 : i32
      %sign3A_220 = arith.cmpi sgt, %select_n3A_13, %sign3A_219 : i32
      %sign3A_221 = arith.extui %sign3A_220 : i1 to i32
      %sign3A_222 = arith.constant 0 : i32
      %sign3A_223 = arith.cmpi slt, %select_n3A_13, %sign3A_222 : i32
      %sign3A_224 = arith.extui %sign3A_223 : i1 to i32
      %sign3A_225 = arith.subi %sign3A_221, %sign3A_224 : i32
      %sign3A_226 = arith.constant 0 : i32
      %sign3A_227 = arith.cmpi sgt, %jit3A_217, %sign3A_226 : i32
      %sign3A_228 = arith.extui %sign3A_227 : i1 to i32
      %sign3A_229 = arith.constant 0 : i32
      %sign3A_230 = arith.cmpi slt, %jit3A_217, %sign3A_229 : i32
      %sign3A_231 = arith.extui %sign3A_230 : i1 to i32
      %sign3A_232 = arith.subi %sign3A_228, %sign3A_231 : i32
      %ne3A_233 = arith.cmpi ne, %sign3A_225, %sign3A_232 : i32
      %rem3A_234 = arith.remsi %select_n3A_13, %jit3A_217 : i32
      %ne3A_235 = arith.constant 0 : i32
      %ne3A_236 = arith.cmpi ne, %rem3A_234, %ne3A_235 : i32
      %and3A_237 = arith.andi %ne3A_233, %ne3A_236 : i1
      %sub3A_238 = arith.constant 1 : i32
      %sub3A_239 = arith.subi %div3A_218, %sub3A_238 : i32
      %select_n3A_240 = arith.select %and3A_237, %sub3A_239, %div3A_218 : i32
      %sub3A_241 = arith.constant 1 : i32
      %sub3A_242 = arith.subi %select_n3A_240, %sub3A_241 : i32
      %while3A_243 = arith.constant 0 : i32
      %while3A_244 = arith.subi %sub3A_242, %while3A_243 : i32
      %while3A_245 = arith.addi %while3A_243, %while3A_244 : i32
      %while3A_246 = arith.constant 1 : i32
      %while3A_247 = arith.divsi %while3A_244, %while3A_246 : i32
      %while3A_248 = arith.muli %while3A_247, %while3A_246 : i32
      %while3A_249 = arith.addi %while3A_243, %while3A_248 : i32
      %while3A_250 = arith.constant 1 : i32
      scf.for %while3A_266 = %while3A_243 to %while3A_249 step %while3A_250  : i32 {
        %mul3A_267 = arith.constant 2 : i32
        %mul3A_268 = arith.muli %while3A_266, %mul3A_267 : i32
        %add3A_269 = arith.constant 0 : i32
        %add3A_270 = arith.addi %mul3A_268, %add3A_269 : i32
        %dma_wait3A_271 = arith.constant 0 : i32
        %dma_wait3A_272 = arith.constant 0 : i32
        %dma_wait3A_273 = tpu.memref_slice %arg2[%dma_wait3A_271, %dma_wait3A_272] : memref<10000x128xf32, #tpu.memory_space<hbm>> -> memref<10000x128xf32, #tpu.memory_space<hbm>>
        tpu.wait_indirect_dma semaphore(%arg17 : memref<!tpu.dma_semaphore, #tpu.memory_space<semaphore_mem>>) src(%dma_wait3A_273 : memref<10000x128xf32, #tpu.memory_space<hbm>>) dst(%arg12 : memref<128x128xf32, #tpu.memory_space<vmem>>)
        %add3A_274 = arith.constant 2 : i32
        %add3A_275 = arith.addi %add3A_270, %add3A_274 : i32
        %add3A_276 = arith.addi %select_n3A_22, %add3A_275 : i32
        %mul3A_277 = arith.constant 128 : i32
        %mul3A_278 = arith.muli %add3A_276, %mul3A_277 : i32
        %multiple_of3A_279 = tpu.assume_multiple %mul3A_278, 128 : i32
        %dma_start3A_280 = tpu.memref_slice %arg4[%multiple_of3A_279] : memref<327680xi32, #tpu.memory_space<hbm>> -> memref<128xi32, #tpu.memory_space<hbm>>
        %dma_start3A_281 = tpu.memref_slice %arg4[%multiple_of3A_279] : memref<327680xi32, #tpu.memory_space<hbm>> -> memref<128xi32, #tpu.memory_space<hbm>>
        tpu.enqueue_dma source(%dma_start3A_281 : memref<128xi32, #tpu.memory_space<hbm>>) target(%arg8 : memref<128xi32, #tpu.memory_space<vmem>>) target_semaphore(%arg19 : memref<!tpu.dma_semaphore, #tpu.memory_space<semaphore_mem>>)
        %dma_wait3A_282 = arith.constant 0 : i32
        %dma_wait3A_283 = tpu.memref_slice %arg5[%dma_wait3A_282] : memref<327680xi32, #tpu.memory_space<hbm>> -> memref<128xi32, #tpu.memory_space<hbm>>
        %dma_wait3A_284 = arith.constant 0 : i32
        %dma_wait3A_285 = tpu.memref_slice %arg5[%dma_wait3A_284] : memref<327680xi32, #tpu.memory_space<hbm>> -> memref<128xi32, #tpu.memory_space<hbm>>
        tpu.wait_dma2 semaphore(%arg21 : memref<!tpu.dma_semaphore, #tpu.memory_space<semaphore_mem>>) src(%dma_wait3A_285 : memref<128xi32, #tpu.memory_space<hbm>>) dst(%arg10 : memref<128xi32, #tpu.memory_space<vmem>>)
        "tpu.region"() ({
          %run_scoped3A = tpu.sem_alloc : memref<!tpu.dma_semaphore, #tpu.memory_space<semaphore_mem>>
          %dma_start3A_335 = arith.constant 0 : i32
          %dma_start3A_336 = arith.constant 0 : i32
          %dma_start3A_337 = tpu.memref_slice %arg16[%dma_start3A_335, %dma_start3A_336] : memref<10240x128xf32, #tpu.memory_space<vmem_shared>> -> memref<10240x128xf32, #tpu.memory_space<vmem_shared>>
          tpu.enqueue_indirect_dma source(%arg12 : memref<128x128xf32, #tpu.memory_space<vmem>>) target(%dma_start3A_337 : memref<10240x128xf32, #tpu.memory_space<vmem_shared>>) offsets(%arg10 : memref<128xi32, #tpu.memory_space<vmem>>) semaphore(%run_scoped3A : memref<!tpu.dma_semaphore, #tpu.memory_space<semaphore_mem>>) {add = true}
          %dma_wait3A_338 = arith.constant 0 : i32
          %dma_wait3A_339 = arith.constant 0 : i32
          %dma_wait3A_340 = tpu.memref_slice %arg16[%dma_wait3A_338, %dma_wait3A_339] : memref<10240x128xf32, #tpu.memory_space<vmem_shared>> -> memref<10240x128xf32, #tpu.memory_space<vmem_shared>>
          tpu.wait_indirect_dma semaphore(%run_scoped3A : memref<!tpu.dma_semaphore, #tpu.memory_space<semaphore_mem>>) src(%arg12 : memref<128x128xf32, #tpu.memory_space<vmem>>) dst(%dma_wait3A_340 : memref<10240x128xf32, #tpu.memory_space<vmem_shared>>)
          tpu.yield
        }) : () -> ()
        %add3A_286 = arith.constant 2 : i32
        %add3A_287 = arith.addi %add3A_270, %add3A_286 : i32
        %add3A_288 = arith.addi %select_n3A_22, %add3A_287 : i32
        %mul3A_289 = arith.constant 128 : i32
        %mul3A_290 = arith.muli %add3A_288, %mul3A_289 : i32
        %multiple_of3A_291 = tpu.assume_multiple %mul3A_290, 128 : i32
        %dma_start3A_292 = tpu.memref_slice %arg5[%multiple_of3A_291] : memref<327680xi32, #tpu.memory_space<hbm>> -> memref<128xi32, #tpu.memory_space<hbm>>
        %dma_start3A_293 = tpu.memref_slice %arg5[%multiple_of3A_291] : memref<327680xi32, #tpu.memory_space<hbm>> -> memref<128xi32, #tpu.memory_space<hbm>>
        tpu.enqueue_dma source(%dma_start3A_293 : memref<128xi32, #tpu.memory_space<hbm>>) target(%arg10 : memref<128xi32, #tpu.memory_space<vmem>>) target_semaphore(%arg21 : memref<!tpu.dma_semaphore, #tpu.memory_space<semaphore_mem>>)
        %dma_wait3A_294 = arith.constant 0 : i32
        %dma_wait3A_295 = tpu.memref_slice %arg4[%dma_wait3A_294] : memref<327680xi32, #tpu.memory_space<hbm>> -> memref<128xi32, #tpu.memory_space<hbm>>
        %dma_wait3A_296 = arith.constant 0 : i32
        %dma_wait3A_297 = tpu.memref_slice %arg4[%dma_wait3A_296] : memref<327680xi32, #tpu.memory_space<hbm>> -> memref<128xi32, #tpu.memory_space<hbm>>
        tpu.wait_dma2 semaphore(%arg19 : memref<!tpu.dma_semaphore, #tpu.memory_space<semaphore_mem>>) src(%dma_wait3A_297 : memref<128xi32, #tpu.memory_space<hbm>>) dst(%arg8 : memref<128xi32, #tpu.memory_space<vmem>>)
        %dma_start3A_298 = arith.constant 0 : i32
        %dma_start3A_299 = arith.constant 0 : i32
        %dma_start3A_300 = tpu.memref_slice %arg2[%dma_start3A_298, %dma_start3A_299] : memref<10000x128xf32, #tpu.memory_space<hbm>> -> memref<10000x128xf32, #tpu.memory_space<hbm>>
        tpu.enqueue_indirect_dma source(%dma_start3A_300 : memref<10000x128xf32, #tpu.memory_space<hbm>>) target(%arg12 : memref<128x128xf32, #tpu.memory_space<vmem>>) offsets(%arg8 : memref<128xi32, #tpu.memory_space<vmem>>) semaphore(%arg17 : memref<!tpu.dma_semaphore, #tpu.memory_space<semaphore_mem>>)
        %mul3A_301 = arith.constant 2 : i32
        %mul3A_302 = arith.muli %while3A_266, %mul3A_301 : i32
        %add3A_303 = arith.constant 1 : i32
        %add3A_304 = arith.addi %mul3A_302, %add3A_303 : i32
        %dma_wait3A_305 = arith.constant 0 : i32
        %dma_wait3A_306 = arith.constant 0 : i32
        %dma_wait3A_307 = tpu.memref_slice %arg2[%dma_wait3A_305, %dma_wait3A_306] : memref<10000x128xf32, #tpu.memory_space<hbm>> -> memref<10000x128xf32, #tpu.memory_space<hbm>>
        tpu.wait_indirect_dma semaphore(%arg18 : memref<!tpu.dma_semaphore, #tpu.memory_space<semaphore_mem>>) src(%dma_wait3A_307 : memref<10000x128xf32, #tpu.memory_space<hbm>>) dst(%arg13 : memref<128x128xf32, #tpu.memory_space<vmem>>)
        %add3A_308 = arith.constant 2 : i32
        %add3A_309 = arith.addi %add3A_304, %add3A_308 : i32
        %add3A_310 = arith.addi %select_n3A_22, %add3A_309 : i32
        %mul3A_311 = arith.constant 128 : i32
        %mul3A_312 = arith.muli %add3A_310, %mul3A_311 : i32
        %multiple_of3A_313 = tpu.assume_multiple %mul3A_312, 128 : i32
        %dma_start3A_314 = tpu.memref_slice %arg4[%multiple_of3A_313] : memref<327680xi32, #tpu.memory_space<hbm>> -> memref<128xi32, #tpu.memory_space<hbm>>
        %dma_start3A_315 = tpu.memref_slice %arg4[%multiple_of3A_313] : memref<327680xi32, #tpu.memory_space<hbm>> -> memref<128xi32, #tpu.memory_space<hbm>>
        tpu.enqueue_dma source(%dma_start3A_315 : memref<128xi32, #tpu.memory_space<hbm>>) target(%arg9 : memref<128xi32, #tpu.memory_space<vmem>>) target_semaphore(%arg20 : memref<!tpu.dma_semaphore, #tpu.memory_space<semaphore_mem>>)
        %dma_wait3A_316 = arith.constant 0 : i32
        %dma_wait3A_317 = tpu.memref_slice %arg5[%dma_wait3A_316] : memref<327680xi32, #tpu.memory_space<hbm>> -> memref<128xi32, #tpu.memory_space<hbm>>
        %dma_wait3A_318 = arith.constant 0 : i32
        %dma_wait3A_319 = tpu.memref_slice %arg5[%dma_wait3A_318] : memref<327680xi32, #tpu.memory_space<hbm>> -> memref<128xi32, #tpu.memory_space<hbm>>
        tpu.wait_dma2 semaphore(%arg22 : memref<!tpu.dma_semaphore, #tpu.memory_space<semaphore_mem>>) src(%dma_wait3A_319 : memref<128xi32, #tpu.memory_space<hbm>>) dst(%arg11 : memref<128xi32, #tpu.memory_space<vmem>>)
        "tpu.region"() ({
          %run_scoped3A = tpu.sem_alloc : memref<!tpu.dma_semaphore, #tpu.memory_space<semaphore_mem>>
          %dma_start3A_335 = arith.constant 0 : i32
          %dma_start3A_336 = arith.constant 0 : i32
          %dma_start3A_337 = tpu.memref_slice %arg16[%dma_start3A_335, %dma_start3A_336] : memref<10240x128xf32, #tpu.memory_space<vmem_shared>> -> memref<10240x128xf32, #tpu.memory_space<vmem_shared>>
          tpu.enqueue_indirect_dma source(%arg13 : memref<128x128xf32, #tpu.memory_space<vmem>>) target(%dma_start3A_337 : memref<10240x128xf32, #tpu.memory_space<vmem_shared>>) offsets(%arg11 : memref<128xi32, #tpu.memory_space<vmem>>) semaphore(%run_scoped3A : memref<!tpu.dma_semaphore, #tpu.memory_space<semaphore_mem>>) {add = true}
          %dma_wait3A_338 = arith.constant 0 : i32
          %dma_wait3A_339 = arith.constant 0 : i32
          %dma_wait3A_340 = tpu.memref_slice %arg16[%dma_wait3A_338, %dma_wait3A_339] : memref<10240x128xf32, #tpu.memory_space<vmem_shared>> -> memref<10240x128xf32, #tpu.memory_space<vmem_shared>>
          tpu.wait_indirect_dma semaphore(%run_scoped3A : memref<!tpu.dma_semaphore, #tpu.memory_space<semaphore_mem>>) src(%arg13 : memref<128x128xf32, #tpu.memory_space<vmem>>) dst(%dma_wait3A_340 : memref<10240x128xf32, #tpu.memory_space<vmem_shared>>)
          tpu.yield
        }) : () -> ()
        %add3A_320 = arith.constant 2 : i32
        %add3A_321 = arith.addi %add3A_304, %add3A_320 : i32
        %add3A_322 = arith.addi %select_n3A_22, %add3A_321 : i32
        %mul3A_323 = arith.constant 128 : i32
        %mul3A_324 = arith.muli %add3A_322, %mul3A_323 : i32
        %multiple_of3A_325 = tpu.assume_multiple %mul3A_324, 128 : i32
        %dma_start3A_326 = tpu.memref_slice %arg5[%multiple_of3A_325] : memref<327680xi32, #tpu.memory_space<hbm>> -> memref<128xi32, #tpu.memory_space<hbm>>
        %dma_start3A_327 = tpu.memref_slice %arg5[%multiple_of3A_325] : memref<327680xi32, #tpu.memory_space<hbm>> -> memref<128xi32, #tpu.memory_space<hbm>>
        tpu.enqueue_dma source(%dma_start3A_327 : memref<128xi32, #tpu.memory_space<hbm>>) target(%arg11 : memref<128xi32, #tpu.memory_space<vmem>>) target_semaphore(%arg22 : memref<!tpu.dma_semaphore, #tpu.memory_space<semaphore_mem>>)
        %dma_wait3A_328 = arith.constant 0 : i32
        %dma_wait3A_329 = tpu.memref_slice %arg4[%dma_wait3A_328] : memref<327680xi32, #tpu.memory_space<hbm>> -> memref<128xi32, #tpu.memory_space<hbm>>
        %dma_wait3A_330 = arith.constant 0 : i32
        %dma_wait3A_331 = tpu.memref_slice %arg4[%dma_wait3A_330] : memref<327680xi32, #tpu.memory_space<hbm>> -> memref<128xi32, #tpu.memory_space<hbm>>
        tpu.wait_dma2 semaphore(%arg20 : memref<!tpu.dma_semaphore, #tpu.memory_space<semaphore_mem>>) src(%dma_wait3A_331 : memref<128xi32, #tpu.memory_space<hbm>>) dst(%arg9 : memref<128xi32, #tpu.memory_space<vmem>>)
        %dma_start3A_332 = arith.constant 0 : i32
        %dma_start3A_333 = arith.constant 0 : i32
        %dma_start3A_334 = tpu.memref_slice %arg2[%dma_start3A_332, %dma_start3A_333] : memref<10000x128xf32, #tpu.memory_space<hbm>> -> memref<10000x128xf32, #tpu.memory_space<hbm>>
        tpu.enqueue_indirect_dma source(%dma_start3A_334 : memref<10000x128xf32, #tpu.memory_space<hbm>>) target(%arg13 : memref<128x128xf32, #tpu.memory_space<vmem>>) offsets(%arg9 : memref<128xi32, #tpu.memory_space<vmem>>) semaphore(%arg18 : memref<!tpu.dma_semaphore, #tpu.memory_space<semaphore_mem>>)
      }
      %while3A_251 = arith.constant 1 : i32
      scf.for %while3A_266 = %while3A_249 to %while3A_245 step %while3A_251  : i32 {
        %mul3A_267 = arith.constant 2 : i32
        %mul3A_268 = arith.muli %while3A_266, %mul3A_267 : i32
        %add3A_269 = arith.constant 0 : i32
        %add3A_270 = arith.addi %mul3A_268, %add3A_269 : i32
        %dma_wait3A_271 = arith.constant 0 : i32
        %dma_wait3A_272 = arith.constant 0 : i32
        %dma_wait3A_273 = tpu.memref_slice %arg2[%dma_wait3A_271, %dma_wait3A_272] : memref<10000x128xf32, #tpu.memory_space<hbm>> -> memref<10000x128xf32, #tpu.memory_space<hbm>>
        tpu.wait_indirect_dma semaphore(%arg17 : memref<!tpu.dma_semaphore, #tpu.memory_space<semaphore_mem>>) src(%dma_wait3A_273 : memref<10000x128xf32, #tpu.memory_space<hbm>>) dst(%arg12 : memref<128x128xf32, #tpu.memory_space<vmem>>)
        %add3A_274 = arith.constant 2 : i32
        %add3A_275 = arith.addi %add3A_270, %add3A_274 : i32
        %add3A_276 = arith.addi %select_n3A_22, %add3A_275 : i32
        %mul3A_277 = arith.constant 128 : i32
        %mul3A_278 = arith.muli %add3A_276, %mul3A_277 : i32
        %multiple_of3A_279 = tpu.assume_multiple %mul3A_278, 128 : i32
        %dma_start3A_280 = tpu.memref_slice %arg4[%multiple_of3A_279] : memref<327680xi32, #tpu.memory_space<hbm>> -> memref<128xi32, #tpu.memory_space<hbm>>
        %dma_start3A_281 = tpu.memref_slice %arg4[%multiple_of3A_279] : memref<327680xi32, #tpu.memory_space<hbm>> -> memref<128xi32, #tpu.memory_space<hbm>>
        tpu.enqueue_dma source(%dma_start3A_281 : memref<128xi32, #tpu.memory_space<hbm>>) target(%arg8 : memref<128xi32, #tpu.memory_space<vmem>>) target_semaphore(%arg19 : memref<!tpu.dma_semaphore, #tpu.memory_space<semaphore_mem>>)
        %dma_wait3A_282 = arith.constant 0 : i32
        %dma_wait3A_283 = tpu.memref_slice %arg5[%dma_wait3A_282] : memref<327680xi32, #tpu.memory_space<hbm>> -> memref<128xi32, #tpu.memory_space<hbm>>
        %dma_wait3A_284 = arith.constant 0 : i32
        %dma_wait3A_285 = tpu.memref_slice %arg5[%dma_wait3A_284] : memref<327680xi32, #tpu.memory_space<hbm>> -> memref<128xi32, #tpu.memory_space<hbm>>
        tpu.wait_dma2 semaphore(%arg21 : memref<!tpu.dma_semaphore, #tpu.memory_space<semaphore_mem>>) src(%dma_wait3A_285 : memref<128xi32, #tpu.memory_space<hbm>>) dst(%arg10 : memref<128xi32, #tpu.memory_space<vmem>>)
        "tpu.region"() ({
          %run_scoped3A = tpu.sem_alloc : memref<!tpu.dma_semaphore, #tpu.memory_space<semaphore_mem>>
          %dma_start3A_335 = arith.constant 0 : i32
          %dma_start3A_336 = arith.constant 0 : i32
          %dma_start3A_337 = tpu.memref_slice %arg16[%dma_start3A_335, %dma_start3A_336] : memref<10240x128xf32, #tpu.memory_space<vmem_shared>> -> memref<10240x128xf32, #tpu.memory_space<vmem_shared>>
          tpu.enqueue_indirect_dma source(%arg12 : memref<128x128xf32, #tpu.memory_space<vmem>>) target(%dma_start3A_337 : memref<10240x128xf32, #tpu.memory_space<vmem_shared>>) offsets(%arg10 : memref<128xi32, #tpu.memory_space<vmem>>) semaphore(%run_scoped3A : memref<!tpu.dma_semaphore, #tpu.memory_space<semaphore_mem>>) {add = true}
          %dma_wait3A_338 = arith.constant 0 : i32
          %dma_wait3A_339 = arith.constant 0 : i32
          %dma_wait3A_340 = tpu.memref_slice %arg16[%dma_wait3A_338, %dma_wait3A_339] : memref<10240x128xf32, #tpu.memory_space<vmem_shared>> -> memref<10240x128xf32, #tpu.memory_space<vmem_shared>>
          tpu.wait_indirect_dma semaphore(%run_scoped3A : memref<!tpu.dma_semaphore, #tpu.memory_space<semaphore_mem>>) src(%arg12 : memref<128x128xf32, #tpu.memory_space<vmem>>) dst(%dma_wait3A_340 : memref<10240x128xf32, #tpu.memory_space<vmem_shared>>)
          tpu.yield
        }) : () -> ()
        %add3A_286 = arith.constant 2 : i32
        %add3A_287 = arith.addi %add3A_270, %add3A_286 : i32
        %add3A_288 = arith.addi %select_n3A_22, %add3A_287 : i32
        %mul3A_289 = arith.constant 128 : i32
        %mul3A_290 = arith.muli %add3A_288, %mul3A_289 : i32
        %multiple_of3A_291 = tpu.assume_multiple %mul3A_290, 128 : i32
        %dma_start3A_292 = tpu.memref_slice %arg5[%multiple_of3A_291] : memref<327680xi32, #tpu.memory_space<hbm>> -> memref<128xi32, #tpu.memory_space<hbm>>
        %dma_start3A_293 = tpu.memref_slice %arg5[%multiple_of3A_291] : memref<327680xi32, #tpu.memory_space<hbm>> -> memref<128xi32, #tpu.memory_space<hbm>>
        tpu.enqueue_dma source(%dma_start3A_293 : memref<128xi32, #tpu.memory_space<hbm>>) target(%arg10 : memref<128xi32, #tpu.memory_space<vmem>>) target_semaphore(%arg21 : memref<!tpu.dma_semaphore, #tpu.memory_space<semaphore_mem>>)
        %dma_wait3A_294 = arith.constant 0 : i32
        %dma_wait3A_295 = tpu.memref_slice %arg4[%dma_wait3A_294] : memref<327680xi32, #tpu.memory_space<hbm>> -> memref<128xi32, #tpu.memory_space<hbm>>
        %dma_wait3A_296 = arith.constant 0 : i32
        %dma_wait3A_297 = tpu.memref_slice %arg4[%dma_wait3A_296] : memref<327680xi32, #tpu.memory_space<hbm>> -> memref<128xi32, #tpu.memory_space<hbm>>
        tpu.wait_dma2 semaphore(%arg19 : memref<!tpu.dma_semaphore, #tpu.memory_space<semaphore_mem>>) src(%dma_wait3A_297 : memref<128xi32, #tpu.memory_space<hbm>>) dst(%arg8 : memref<128xi32, #tpu.memory_space<vmem>>)
        %dma_start3A_298 = arith.constant 0 : i32
        %dma_start3A_299 = arith.constant 0 : i32
        %dma_start3A_300 = tpu.memref_slice %arg2[%dma_start3A_298, %dma_start3A_299] : memref<10000x128xf32, #tpu.memory_space<hbm>> -> memref<10000x128xf32, #tpu.memory_space<hbm>>
        tpu.enqueue_indirect_dma source(%dma_start3A_300 : memref<10000x128xf32, #tpu.memory_space<hbm>>) target(%arg12 : memref<128x128xf32, #tpu.memory_space<vmem>>) offsets(%arg8 : memref<128xi32, #tpu.memory_space<vmem>>) semaphore(%arg17 : memref<!tpu.dma_semaphore, #tpu.memory_space<semaphore_mem>>)
        %mul3A_301 = arith.constant 2 : i32
        %mul3A_302 = arith.muli %while3A_266, %mul3A_301 : i32
        %add3A_303 = arith.constant 1 : i32
        %add3A_304 = arith.addi %mul3A_302, %add3A_303 : i32
        %dma_wait3A_305 = arith.constant 0 : i32
        %dma_wait3A_306 = arith.constant 0 : i32
        %dma_wait3A_307 = tpu.memref_slice %arg2[%dma_wait3A_305, %dma_wait3A_306] : memref<10000x128xf32, #tpu.memory_space<hbm>> -> memref<10000x128xf32, #tpu.memory_space<hbm>>
        tpu.wait_indirect_dma semaphore(%arg18 : memref<!tpu.dma_semaphore, #tpu.memory_space<semaphore_mem>>) src(%dma_wait3A_307 : memref<10000x128xf32, #tpu.memory_space<hbm>>) dst(%arg13 : memref<128x128xf32, #tpu.memory_space<vmem>>)
        %add3A_308 = arith.constant 2 : i32
        %add3A_309 = arith.addi %add3A_304, %add3A_308 : i32
        %add3A_310 = arith.addi %select_n3A_22, %add3A_309 : i32
        %mul3A_311 = arith.constant 128 : i32
        %mul3A_312 = arith.muli %add3A_310, %mul3A_311 : i32
        %multiple_of3A_313 = tpu.assume_multiple %mul3A_312, 128 : i32
        %dma_start3A_314 = tpu.memref_slice %arg4[%multiple_of3A_313] : memref<327680xi32, #tpu.memory_space<hbm>> -> memref<128xi32, #tpu.memory_space<hbm>>
        %dma_start3A_315 = tpu.memref_slice %arg4[%multiple_of3A_313] : memref<327680xi32, #tpu.memory_space<hbm>> -> memref<128xi32, #tpu.memory_space<hbm>>
        tpu.enqueue_dma source(%dma_start3A_315 : memref<128xi32, #tpu.memory_space<hbm>>) target(%arg9 : memref<128xi32, #tpu.memory_space<vmem>>) target_semaphore(%arg20 : memref<!tpu.dma_semaphore, #tpu.memory_space<semaphore_mem>>)
        %dma_wait3A_316 = arith.constant 0 : i32
        %dma_wait3A_317 = tpu.memref_slice %arg5[%dma_wait3A_316] : memref<327680xi32, #tpu.memory_space<hbm>> -> memref<128xi32, #tpu.memory_space<hbm>>
        %dma_wait3A_318 = arith.constant 0 : i32
        %dma_wait3A_319 = tpu.memref_slice %arg5[%dma_wait3A_318] : memref<327680xi32, #tpu.memory_space<hbm>> -> memref<128xi32, #tpu.memory_space<hbm>>
        tpu.wait_dma2 semaphore(%arg22 : memref<!tpu.dma_semaphore, #tpu.memory_space<semaphore_mem>>) src(%dma_wait3A_319 : memref<128xi32, #tpu.memory_space<hbm>>) dst(%arg11 : memref<128xi32, #tpu.memory_space<vmem>>)
        "tpu.region"() ({
          %run_scoped3A = tpu.sem_alloc : memref<!tpu.dma_semaphore, #tpu.memory_space<semaphore_mem>>
          %dma_start3A_335 = arith.constant 0 : i32
          %dma_start3A_336 = arith.constant 0 : i32
          %dma_start3A_337 = tpu.memref_slice %arg16[%dma_start3A_335, %dma_start3A_336] : memref<10240x128xf32, #tpu.memory_space<vmem_shared>> -> memref<10240x128xf32, #tpu.memory_space<vmem_shared>>
          tpu.enqueue_indirect_dma source(%arg13 : memref<128x128xf32, #tpu.memory_space<vmem>>) target(%dma_start3A_337 : memref<10240x128xf32, #tpu.memory_space<vmem_shared>>) offsets(%arg11 : memref<128xi32, #tpu.memory_space<vmem>>) semaphore(%run_scoped3A : memref<!tpu.dma_semaphore, #tpu.memory_space<semaphore_mem>>) {add = true}
          %dma_wait3A_338 = arith.constant 0 : i32
          %dma_wait3A_339 = arith.constant 0 : i32
          %dma_wait3A_340 = tpu.memref_slice %arg16[%dma_wait3A_338, %dma_wait3A_339] : memref<10240x128xf32, #tpu.memory_space<vmem_shared>> -> memref<10240x128xf32, #tpu.memory_space<vmem_shared>>
          tpu.wait_indirect_dma semaphore(%run_scoped3A : memref<!tpu.dma_semaphore, #tpu.memory_space<semaphore_mem>>) src(%arg13 : memref<128x128xf32, #tpu.memory_space<vmem>>) dst(%dma_wait3A_340 : memref<10240x128xf32, #tpu.memory_space<vmem_shared>>)
          tpu.yield
        }) : () -> ()
        %add3A_320 = arith.constant 2 : i32
        %add3A_321 = arith.addi %add3A_304, %add3A_320 : i32
        %add3A_322 = arith.addi %select_n3A_22, %add3A_321 : i32
        %mul3A_323 = arith.constant 128 : i32
        %mul3A_324 = arith.muli %add3A_322, %mul3A_323 : i32
        %multiple_of3A_325 = tpu.assume_multiple %mul3A_324, 128 : i32
        %dma_start3A_326 = tpu.memref_slice %arg5[%multiple_of3A_325] : memref<327680xi32, #tpu.memory_space<hbm>> -> memref<128xi32, #tpu.memory_space<hbm>>
        %dma_start3A_327 = tpu.memref_slice %arg5[%multiple_of3A_325] : memref<327680xi32, #tpu.memory_space<hbm>> -> memref<128xi32, #tpu.memory_space<hbm>>
        tpu.enqueue_dma source(%dma_start3A_327 : memref<128xi32, #tpu.memory_space<hbm>>) target(%arg11 : memref<128xi32, #tpu.memory_space<vmem>>) target_semaphore(%arg22 : memref<!tpu.dma_semaphore, #tpu.memory_space<semaphore_mem>>)
        %dma_wait3A_328 = arith.constant 0 : i32
        %dma_wait3A_329 = tpu.memref_slice %arg4[%dma_wait3A_328] : memref<327680xi32, #tpu.memory_space<hbm>> -> memref<128xi32, #tpu.memory_space<hbm>>
        %dma_wait3A_330 = arith.constant 0 : i32
        %dma_wait3A_331 = tpu.memref_slice %arg4[%dma_wait3A_330] : memref<327680xi32, #tpu.memory_space<hbm>> -> memref<128xi32, #tpu.memory_space<hbm>>
        tpu.wait_dma2 semaphore(%arg20 : memref<!tpu.dma_semaphore, #tpu.memory_space<semaphore_mem>>) src(%dma_wait3A_331 : memref<128xi32, #tpu.memory_space<hbm>>) dst(%arg9 : memref<128xi32, #tpu.memory_space<vmem>>)
        %dma_start3A_332 = arith.constant 0 : i32
        %dma_start3A_333 = arith.constant 0 : i32
        %dma_start3A_334 = tpu.memref_slice %arg2[%dma_start3A_332, %dma_start3A_333] : memref<10000x128xf32, #tpu.memory_space<hbm>> -> memref<10000x128xf32, #tpu.memory_space<hbm>>
        tpu.enqueue_indirect_dma source(%dma_start3A_334 : memref<10000x128xf32, #tpu.memory_space<hbm>>) target(%arg13 : memref<128x128xf32, #tpu.memory_space<vmem>>) offsets(%arg9 : memref<128xi32, #tpu.memory_space<vmem>>) semaphore(%arg18 : memref<!tpu.dma_semaphore, #tpu.memory_space<semaphore_mem>>)
      }
      %dma_wait3A_252 = arith.constant 0 : i32
      %dma_wait3A_253 = arith.constant 0 : i32
      %dma_wait3A_254 = tpu.memref_slice %arg2[%dma_wait3A_252, %dma_wait3A_253] : memref<10000x128xf32, #tpu.memory_space<hbm>> -> memref<10000x128xf32, #tpu.memory_space<hbm>>
      tpu.wait_indirect_dma semaphore(%arg17 : memref<!tpu.dma_semaphore, #tpu.memory_space<semaphore_mem>>) src(%dma_wait3A_254 : memref<10000x128xf32, #tpu.memory_space<hbm>>) dst(%arg12 : memref<128x128xf32, #tpu.memory_space<vmem>>)
      %dma_wait3A_255 = arith.constant 0 : i32
      %dma_wait3A_256 = tpu.memref_slice %arg5[%dma_wait3A_255] : memref<327680xi32, #tpu.memory_space<hbm>> -> memref<128xi32, #tpu.memory_space<hbm>>
      %dma_wait3A_257 = arith.constant 0 : i32
      %dma_wait3A_258 = tpu.memref_slice %arg5[%dma_wait3A_257] : memref<327680xi32, #tpu.memory_space<hbm>> -> memref<128xi32, #tpu.memory_space<hbm>>
      tpu.wait_dma2 semaphore(%arg21 : memref<!tpu.dma_semaphore, #tpu.memory_space<semaphore_mem>>) src(%dma_wait3A_258 : memref<128xi32, #tpu.memory_space<hbm>>) dst(%arg10 : memref<128xi32, #tpu.memory_space<vmem>>)
      "tpu.region"() ({
        %run_scoped3A = tpu.sem_alloc : memref<!tpu.dma_semaphore, #tpu.memory_space<semaphore_mem>>
        %dma_start3A_266 = arith.constant 0 : i32
        %dma_start3A_267 = arith.constant 0 : i32
        %dma_start3A_268 = tpu.memref_slice %arg16[%dma_start3A_266, %dma_start3A_267] : memref<10240x128xf32, #tpu.memory_space<vmem_shared>> -> memref<10240x128xf32, #tpu.memory_space<vmem_shared>>
        tpu.enqueue_indirect_dma source(%arg12 : memref<128x128xf32, #tpu.memory_space<vmem>>) target(%dma_start3A_268 : memref<10240x128xf32, #tpu.memory_space<vmem_shared>>) offsets(%arg10 : memref<128xi32, #tpu.memory_space<vmem>>) semaphore(%run_scoped3A : memref<!tpu.dma_semaphore, #tpu.memory_space<semaphore_mem>>) {add = true}
        %dma_wait3A_269 = arith.constant 0 : i32
        %dma_wait3A_270 = arith.constant 0 : i32
        %dma_wait3A_271 = tpu.memref_slice %arg16[%dma_wait3A_269, %dma_wait3A_270] : memref<10240x128xf32, #tpu.memory_space<vmem_shared>> -> memref<10240x128xf32, #tpu.memory_space<vmem_shared>>
        tpu.wait_indirect_dma semaphore(%run_scoped3A : memref<!tpu.dma_semaphore, #tpu.memory_space<semaphore_mem>>) src(%arg12 : memref<128x128xf32, #tpu.memory_space<vmem>>) dst(%dma_wait3A_271 : memref<10240x128xf32, #tpu.memory_space<vmem_shared>>)
        tpu.yield
      }) : () -> ()
      %dma_wait3A_259 = arith.constant 0 : i32
      %dma_wait3A_260 = arith.constant 0 : i32
      %dma_wait3A_261 = tpu.memref_slice %arg2[%dma_wait3A_259, %dma_wait3A_260] : memref<10000x128xf32, #tpu.memory_space<hbm>> -> memref<10000x128xf32, #tpu.memory_space<hbm>>
      tpu.wait_indirect_dma semaphore(%arg18 : memref<!tpu.dma_semaphore, #tpu.memory_space<semaphore_mem>>) src(%dma_wait3A_261 : memref<10000x128xf32, #tpu.memory_space<hbm>>) dst(%arg13 : memref<128x128xf32, #tpu.memory_space<vmem>>)
      %dma_wait3A_262 = arith.constant 0 : i32
      %dma_wait3A_263 = tpu.memref_slice %arg5[%dma_wait3A_262] : memref<327680xi32, #tpu.memory_space<hbm>> -> memref<128xi32, #tpu.memory_space<hbm>>
      %dma_wait3A_264 = arith.constant 0 : i32
      %dma_wait3A_265 = tpu.memref_slice %arg5[%dma_wait3A_264] : memref<327680xi32, #tpu.memory_space<hbm>> -> memref<128xi32, #tpu.memory_space<hbm>>
      tpu.wait_dma2 semaphore(%arg22 : memref<!tpu.dma_semaphore, #tpu.memory_space<semaphore_mem>>) src(%dma_wait3A_265 : memref<128xi32, #tpu.memory_space<hbm>>) dst(%arg11 : memref<128xi32, #tpu.memory_space<vmem>>)
      "tpu.region"() ({
        %run_scoped3A = tpu.sem_alloc : memref<!tpu.dma_semaphore, #tpu.memory_space<semaphore_mem>>
        %dma_start3A_266 = arith.constant 0 : i32
        %dma_start3A_267 = arith.constant 0 : i32
        %dma_start3A_268 = tpu.memref_slice %arg16[%dma_start3A_266, %dma_start3A_267] : memref<10240x128xf32, #tpu.memory_space<vmem_shared>> -> memref<10240x128xf32, #tpu.memory_space<vmem_shared>>
        tpu.enqueue_indirect_dma source(%arg13 : memref<128x128xf32, #tpu.memory_space<vmem>>) target(%dma_start3A_268 : memref<10240x128xf32, #tpu.memory_space<vmem_shared>>) offsets(%arg11 : memref<128xi32, #tpu.memory_space<vmem>>) semaphore(%run_scoped3A : memref<!tpu.dma_semaphore, #tpu.memory_space<semaphore_mem>>) {add = true}
        %dma_wait3A_269 = arith.constant 0 : i32
        %dma_wait3A_270 = arith.constant 0 : i32
        %dma_wait3A_271 = tpu.memref_slice %arg16[%dma_wait3A_269, %dma_wait3A_270] : memref<10240x128xf32, #tpu.memory_space<vmem_shared>> -> memref<10240x128xf32, #tpu.memory_space<vmem_shared>>
        tpu.wait_indirect_dma semaphore(%run_scoped3A : memref<!tpu.dma_semaphore, #tpu.memory_space<semaphore_mem>>) src(%arg13 : memref<128x128xf32, #tpu.memory_space<vmem>>) dst(%dma_wait3A_271 : memref<10240x128xf32, #tpu.memory_space<vmem_shared>>)
        tpu.yield
      }) : () -> ()
    } else {
    }
    %barrier3A_84 = arith.constant 0 : index
    tpu.barrier barrier_id(%barrier3A_84)
    %lt3A = arith.constant 15 : i32
    %lt3A_85 = arith.cmpi slt, %arg1, %lt3A : i32
    %convert_element_type3A_86 = arith.extui %lt3A_85 : i1 to i32
    %cond3A_87 = arith.constant 0 : i32
    %cond3A_88 = arith.cmpi ne, %convert_element_type3A_86, %cond3A_87 : i32
    scf.if %cond3A_88 {
      "tpu.region"() ({
        %run_scoped3A = tpu.sem_alloc : memref<!tpu.dma_semaphore, #tpu.memory_space<semaphore_mem>>
        %dma_start3A = arith.constant 0 : i32
        %dma_start3A_177 = tpu.memref_slice %arg6[%arg0, %multiple_of3A, %dma_start3A] : memref<2x10000x128xf32, #tpu.memory_space<hbm>> -> memref<1x640x128xf32, #tpu.memory_space<hbm>>
        %dma_start3A_178 = tpu.memref_squeeze %dma_start3A_177 : memref<1x640x128xf32, #tpu.memory_space<hbm>> -> memref<640x128xf32, #tpu.memory_space<hbm>>
        %dma_start3A_179 = arith.constant 0 : i32
        %dma_start3A_180 = tpu.memref_slice %arg16[%multiple_of3A, %dma_start3A_179] : memref<10240x128xf32, #tpu.memory_space<vmem_shared>> -> memref<640x128xf32, #tpu.memory_space<vmem_shared>>
        tpu.enqueue_dma source(%dma_start3A_180 : memref<640x128xf32, #tpu.memory_space<vmem_shared>>) target(%dma_start3A_178 : memref<640x128xf32, #tpu.memory_space<hbm>>) target_semaphore(%run_scoped3A : memref<!tpu.dma_semaphore, #tpu.memory_space<semaphore_mem>>)
        %dma_wait3A = arith.constant 0 : i32
        %dma_wait3A_181 = tpu.memref_slice %arg6[%arg0, %multiple_of3A, %dma_wait3A] : memref<2x10000x128xf32, #tpu.memory_space<hbm>> -> memref<1x640x128xf32, #tpu.memory_space<hbm>>
        %dma_wait3A_182 = tpu.memref_squeeze %dma_wait3A_181 : memref<1x640x128xf32, #tpu.memory_space<hbm>> -> memref<640x128xf32, #tpu.memory_space<hbm>>
        %dma_wait3A_183 = arith.constant 0 : i32
        %dma_wait3A_184 = tpu.memref_slice %arg16[%multiple_of3A, %dma_wait3A_183] : memref<10240x128xf32, #tpu.memory_space<vmem_shared>> -> memref<640x128xf32, #tpu.memory_space<vmem_shared>>
        tpu.wait_dma2 semaphore(%run_scoped3A : memref<!tpu.dma_semaphore, #tpu.memory_space<semaphore_mem>>) src(%dma_wait3A_184 : memref<640x128xf32, #tpu.memory_space<vmem_shared>>) dst(%dma_wait3A_182 : memref<640x128xf32, #tpu.memory_space<hbm>>)
        tpu.yield
      }) : () -> ()
    } else {
    }
    %eq3A_89 = arith.constant 15 : i32
    %eq3A_90 = arith.cmpi eq, %arg1, %eq3A_89 : i32
    %convert_element_type3A_91 = arith.extui %eq3A_90 : i1 to i32
    %cond3A_92 = arith.constant 0 : i32
    %cond3A_93 = arith.cmpi ne, %convert_element_type3A_91, %cond3A_92 : i32
    scf.if %cond3A_93 {
      "tpu.region"() ({
        %run_scoped3A = tpu.sem_alloc : memref<!tpu.dma_semaphore, #tpu.memory_space<semaphore_mem>>
        %dma_start3A = arith.constant 0 : i32
        %dma_start3A_177 = tpu.memref_slice %arg6[%arg0, %multiple_of3A, %dma_start3A] : memref<2x10000x128xf32, #tpu.memory_space<hbm>> -> memref<1x400x128xf32, #tpu.memory_space<hbm>>
        %dma_start3A_178 = tpu.memref_squeeze %dma_start3A_177 : memref<1x400x128xf32, #tpu.memory_space<hbm>> -> memref<400x128xf32, #tpu.memory_space<hbm>>
        %dma_start3A_179 = arith.constant 0 : i32
        %dma_start3A_180 = tpu.memref_slice %arg16[%multiple_of3A, %dma_start3A_179] : memref<10240x128xf32, #tpu.memory_space<vmem_shared>> -> memref<400x128xf32, #tpu.memory_space<vmem_shared>>
        tpu.enqueue_dma source(%dma_start3A_180 : memref<400x128xf32, #tpu.memory_space<vmem_shared>>) target(%dma_start3A_178 : memref<400x128xf32, #tpu.memory_space<hbm>>) target_semaphore(%run_scoped3A : memref<!tpu.dma_semaphore, #tpu.memory_space<semaphore_mem>>)
        %dma_wait3A = arith.constant 0 : i32
        %dma_wait3A_181 = tpu.memref_slice %arg6[%arg0, %multiple_of3A, %dma_wait3A] : memref<2x10000x128xf32, #tpu.memory_space<hbm>> -> memref<1x400x128xf32, #tpu.memory_space<hbm>>
        %dma_wait3A_182 = tpu.memref_squeeze %dma_wait3A_181 : memref<1x400x128xf32, #tpu.memory_space<hbm>> -> memref<400x128xf32, #tpu.memory_space<hbm>>
        %dma_wait3A_183 = arith.constant 0 : i32
        %dma_wait3A_184 = tpu.memref_slice %arg16[%multiple_of3A, %dma_wait3A_183] : memref<10240x128xf32, #tpu.memory_space<vmem_shared>> -> memref<400x128xf32, #tpu.memory_space<vmem_shared>>
        tpu.wait_dma2 semaphore(%run_scoped3A : memref<!tpu.dma_semaphore, #tpu.memory_space<semaphore_mem>>) src(%dma_wait3A_184 : memref<400x128xf32, #tpu.memory_space<vmem_shared>>) dst(%dma_wait3A_182 : memref<400x128xf32, #tpu.memory_space<hbm>>)
        tpu.yield
      }) : () -> ()
    } else {
    }
    %jit3A_94 = arith.constant 80 : i32
    %div3A_95 = arith.divsi %select_n3A, %jit3A_94 : i32
    %sign3A_96 = arith.constant 0 : i32
    %sign3A_97 = arith.cmpi sgt, %select_n3A, %sign3A_96 : i32
    %sign3A_98 = arith.extui %sign3A_97 : i1 to i32
    %sign3A_99 = arith.constant 0 : i32
    %sign3A_100 = arith.cmpi slt, %select_n3A, %sign3A_99 : i32
    %sign3A_101 = arith.extui %sign3A_100 : i1 to i32
    %sign3A_102 = arith.subi %sign3A_98, %sign3A_101 : i32
    %sign3A_103 = arith.constant 0 : i32
    %sign3A_104 = arith.cmpi sgt, %jit3A_94, %sign3A_103 : i32
    %sign3A_105 = arith.extui %sign3A_104 : i1 to i32
    %sign3A_106 = arith.constant 0 : i32
    %sign3A_107 = arith.cmpi slt, %jit3A_94, %sign3A_106 : i32
    %sign3A_108 = arith.extui %sign3A_107 : i1 to i32
    %sign3A_109 = arith.subi %sign3A_105, %sign3A_108 : i32
    %ne3A_110 = arith.cmpi ne, %sign3A_102, %sign3A_109 : i32
    %rem3A_111 = arith.remsi %select_n3A, %jit3A_94 : i32
    %ne3A_112 = arith.constant 0 : i32
    %ne3A_113 = arith.cmpi ne, %rem3A_111, %ne3A_112 : i32
    %and3A_114 = arith.andi %ne3A_110, %ne3A_113 : i1
    %sub3A_115 = arith.constant 1 : i32
    %sub3A_116 = arith.subi %div3A_95, %sub3A_115 : i32
    %select_n3A_117 = arith.select %and3A_114, %sub3A_116, %div3A_95 : i32
    %while3A_118 = arith.constant 0 : i32
    %while3A_119 = arith.subi %select_n3A_117, %while3A_118 : i32
    %while3A_120 = arith.addi %while3A_118, %while3A_119 : i32
    %while3A_121 = arith.constant 1 : i32
    %while3A_122 = arith.divsi %while3A_119, %while3A_121 : i32
    %while3A_123 = arith.muli %while3A_122, %while3A_121 : i32
    %while3A_124 = arith.addi %while3A_118, %while3A_123 : i32
    %while3A_125 = arith.constant 1 : i32
    scf.for %while3A_177 = %while3A_118 to %while3A_124 step %while3A_125  : i32 {
      %dma_start3A = arith.constant 0 : i32
      %dma_start3A_178 = tpu.memref_slice %arg15[%while3A_177, %dma_start3A] : memref<8x80xi32, #tpu.memory_space<vmem>> -> memref<1x80xi32, #tpu.memory_space<vmem>>
      %dma_start3A_179 = tpu.memref_squeeze %dma_start3A_178 : memref<1x80xi32, #tpu.memory_space<vmem>> -> memref<80xi32, #tpu.memory_space<vmem>>
      %dma_start3A_180 = arith.constant 0 : i32
      %dma_start3A_181 = arith.constant 0 : i32
      %dma_start3A_182 = tpu.memref_slice %arg16[%dma_start3A_180, %dma_start3A_181] : memref<10240x128xf32, #tpu.memory_space<vmem_shared>> -> memref<10240x128xf32, #tpu.memory_space<vmem_shared>>
      tpu.enqueue_indirect_dma source(%arg14 : memref<80x128xf32, #tpu.memory_space<vmem>>) target(%dma_start3A_182 : memref<10240x128xf32, #tpu.memory_space<vmem_shared>>) offsets(%dma_start3A_179 : memref<80xi32, #tpu.memory_space<vmem>>) semaphore(%arg23 : memref<!tpu.dma_semaphore, #tpu.memory_space<semaphore_mem>>)
    }
    %while3A_126 = arith.constant 1 : i32
    scf.for %while3A_177 = %while3A_124 to %while3A_120 step %while3A_126  : i32 {
      %dma_start3A = arith.constant 0 : i32
      %dma_start3A_178 = tpu.memref_slice %arg15[%while3A_177, %dma_start3A] : memref<8x80xi32, #tpu.memory_space<vmem>> -> memref<1x80xi32, #tpu.memory_space<vmem>>
      %dma_start3A_179 = tpu.memref_squeeze %dma_start3A_178 : memref<1x80xi32, #tpu.memory_space<vmem>> -> memref<80xi32, #tpu.memory_space<vmem>>
      %dma_start3A_180 = arith.constant 0 : i32
      %dma_start3A_181 = arith.constant 0 : i32
      %dma_start3A_182 = tpu.memref_slice %arg16[%dma_start3A_180, %dma_start3A_181] : memref<10240x128xf32, #tpu.memory_space<vmem_shared>> -> memref<10240x128xf32, #tpu.memory_space<vmem_shared>>
      tpu.enqueue_indirect_dma source(%arg14 : memref<80x128xf32, #tpu.memory_space<vmem>>) target(%dma_start3A_182 : memref<10240x128xf32, #tpu.memory_space<vmem_shared>>) offsets(%dma_start3A_179 : memref<80xi32, #tpu.memory_space<vmem>>) semaphore(%arg23 : memref<!tpu.dma_semaphore, #tpu.memory_space<semaphore_mem>>)
    }
    %jit3A_127 = arith.constant 80 : i32
    %div3A_128 = arith.divsi %select_n3A, %jit3A_127 : i32
    %sign3A_129 = arith.constant 0 : i32
    %sign3A_130 = arith.cmpi sgt, %select_n3A, %sign3A_129 : i32
    %sign3A_131 = arith.extui %sign3A_130 : i1 to i32
    %sign3A_132 = arith.constant 0 : i32
    %sign3A_133 = arith.cmpi slt, %select_n3A, %sign3A_132 : i32
    %sign3A_134 = arith.extui %sign3A_133 : i1 to i32
    %sign3A_135 = arith.subi %sign3A_131, %sign3A_134 : i32
    %sign3A_136 = arith.constant 0 : i32
    %sign3A_137 = arith.cmpi sgt, %jit3A_127, %sign3A_136 : i32
    %sign3A_138 = arith.extui %sign3A_137 : i1 to i32
    %sign3A_139 = arith.constant 0 : i32
    %sign3A_140 = arith.cmpi slt, %jit3A_127, %sign3A_139 : i32
    %sign3A_141 = arith.extui %sign3A_140 : i1 to i32
    %sign3A_142 = arith.subi %sign3A_138, %sign3A_141 : i32
    %ne3A_143 = arith.cmpi ne, %sign3A_135, %sign3A_142 : i32
    %rem3A_144 = arith.remsi %select_n3A, %jit3A_127 : i32
    %ne3A_145 = arith.constant 0 : i32
    %ne3A_146 = arith.cmpi ne, %rem3A_144, %ne3A_145 : i32
    %and3A_147 = arith.andi %ne3A_143, %ne3A_146 : i1
    %sub3A_148 = arith.constant 1 : i32
    %sub3A_149 = arith.subi %div3A_128, %sub3A_148 : i32
    %select_n3A_150 = arith.select %and3A_147, %sub3A_149, %div3A_128 : i32
    %while3A_151 = arith.constant 0 : i32
    %while3A_152 = arith.subi %select_n3A_150, %while3A_151 : i32
    %while3A_153 = arith.addi %while3A_151, %while3A_152 : i32
    %while3A_154 = arith.constant 1 : i32
    %while3A_155 = arith.divsi %while3A_152, %while3A_154 : i32
    %while3A_156 = arith.muli %while3A_155, %while3A_154 : i32
    %while3A_157 = arith.addi %while3A_151, %while3A_156 : i32
    %while3A_158 = arith.constant 1 : i32
    scf.for %while3A_177 = %while3A_151 to %while3A_157 step %while3A_158  : i32 {
      %dma_wait3A = arith.constant 0 : i32
      %dma_wait3A_178 = arith.constant 0 : i32
      %dma_wait3A_179 = tpu.memref_slice %arg15[%dma_wait3A, %dma_wait3A_178] : memref<8x80xi32, #tpu.memory_space<vmem>> -> memref<1x80xi32, #tpu.memory_space<vmem>>
      %dma_wait3A_180 = tpu.memref_squeeze %dma_wait3A_179 : memref<1x80xi32, #tpu.memory_space<vmem>> -> memref<80xi32, #tpu.memory_space<vmem>>
      %dma_wait3A_181 = arith.constant 0 : i32
      %dma_wait3A_182 = arith.constant 0 : i32
      %dma_wait3A_183 = tpu.memref_slice %arg16[%dma_wait3A_181, %dma_wait3A_182] : memref<10240x128xf32, #tpu.memory_space<vmem_shared>> -> memref<10240x128xf32, #tpu.memory_space<vmem_shared>>
      tpu.wait_indirect_dma semaphore(%arg23 : memref<!tpu.dma_semaphore, #tpu.memory_space<semaphore_mem>>) src(%arg14 : memref<80x128xf32, #tpu.memory_space<vmem>>) dst(%dma_wait3A_183 : memref<10240x128xf32, #tpu.memory_space<vmem_shared>>)
    }
    %while3A_159 = arith.constant 1 : i32
    scf.for %while3A_177 = %while3A_157 to %while3A_153 step %while3A_159  : i32 {
      %dma_wait3A = arith.constant 0 : i32
      %dma_wait3A_178 = arith.constant 0 : i32
      %dma_wait3A_179 = tpu.memref_slice %arg15[%dma_wait3A, %dma_wait3A_178] : memref<8x80xi32, #tpu.memory_space<vmem>> -> memref<1x80xi32, #tpu.memory_space<vmem>>
      %dma_wait3A_180 = tpu.memref_squeeze %dma_wait3A_179 : memref<1x80xi32, #tpu.memory_space<vmem>> -> memref<80xi32, #tpu.memory_space<vmem>>
      %dma_wait3A_181 = arith.constant 0 : i32
      %dma_wait3A_182 = arith.constant 0 : i32
      %dma_wait3A_183 = tpu.memref_slice %arg16[%dma_wait3A_181, %dma_wait3A_182] : memref<10240x128xf32, #tpu.memory_space<vmem_shared>> -> memref<10240x128xf32, #tpu.memory_space<vmem_shared>>
      tpu.wait_indirect_dma semaphore(%arg23 : memref<!tpu.dma_semaphore, #tpu.memory_space<semaphore_mem>>) src(%arg14 : memref<80x128xf32, #tpu.memory_space<vmem>>) dst(%dma_wait3A_183 : memref<10240x128xf32, #tpu.memory_space<vmem_shared>>)
    }
    %barrier3A_160 = arith.constant 0 : index
    tpu.barrier barrier_id(%barrier3A_160)
    %gt3A_161 = arith.constant 0 : i32
    %gt3A_162 = arith.cmpi sgt, %select_n3A_13, %gt3A_161 : i32
    %convert_element_type3A_163 = arith.extui %gt3A_162 : i1 to i32
    %cond3A_164 = arith.constant 0 : i32
    %cond3A_165 = arith.cmpi ne, %convert_element_type3A_163, %cond3A_164 : i32
    scf.if %cond3A_165 {
      %add3A_177 = arith.constant 0 : i32
      %add3A_178 = arith.addi %select_n3A_22, %add3A_177 : i32
      %mul3A_179 = arith.constant 128 : i32
      %mul3A_180 = arith.muli %add3A_178, %mul3A_179 : i32
      %multiple_of3A_181 = tpu.assume_multiple %mul3A_180, 128 : i32
      %dma_start3A = tpu.memref_slice %arg4[%multiple_of3A_181] : memref<327680xi32, #tpu.memory_space<hbm>> -> memref<128xi32, #tpu.memory_space<hbm>>
      %dma_start3A_182 = tpu.memref_slice %arg4[%multiple_of3A_181] : memref<327680xi32, #tpu.memory_space<hbm>> -> memref<128xi32, #tpu.memory_space<hbm>>
      tpu.enqueue_dma source(%dma_start3A_182 : memref<128xi32, #tpu.memory_space<hbm>>) target(%arg8 : memref<128xi32, #tpu.memory_space<vmem>>) target_semaphore(%arg19 : memref<!tpu.dma_semaphore, #tpu.memory_space<semaphore_mem>>)
      %add3A_183 = arith.constant 0 : i32
      %add3A_184 = arith.addi %select_n3A_22, %add3A_183 : i32
      %mul3A_185 = arith.constant 128 : i32
      %mul3A_186 = arith.muli %add3A_184, %mul3A_185 : i32
      %multiple_of3A_187 = tpu.assume_multiple %mul3A_186, 128 : i32
      %dma_start3A_188 = tpu.memref_slice %arg5[%multiple_of3A_187] : memref<327680xi32, #tpu.memory_space<hbm>> -> memref<128xi32, #tpu.memory_space<hbm>>
      %dma_start3A_189 = tpu.memref_slice %arg5[%multiple_of3A_187] : memref<327680xi32, #tpu.memory_space<hbm>> -> memref<128xi32, #tpu.memory_space<hbm>>
      tpu.enqueue_dma source(%dma_start3A_189 : memref<128xi32, #tpu.memory_space<hbm>>) target(%arg10 : memref<128xi32, #tpu.memory_space<vmem>>) target_semaphore(%arg21 : memref<!tpu.dma_semaphore, #tpu.memory_space<semaphore_mem>>)
      %dma_wait3A = arith.constant 0 : i32
      %dma_wait3A_190 = tpu.memref_slice %arg4[%dma_wait3A] : memref<327680xi32, #tpu.memory_space<hbm>> -> memref<128xi32, #tpu.memory_space<hbm>>
      %dma_wait3A_191 = arith.constant 0 : i32
      %dma_wait3A_192 = tpu.memref_slice %arg4[%dma_wait3A_191] : memref<327680xi32, #tpu.memory_space<hbm>> -> memref<128xi32, #tpu.memory_space<hbm>>
      tpu.wait_dma2 semaphore(%arg19 : memref<!tpu.dma_semaphore, #tpu.memory_space<semaphore_mem>>) src(%dma_wait3A_192 : memref<128xi32, #tpu.memory_space<hbm>>) dst(%arg8 : memref<128xi32, #tpu.memory_space<vmem>>)
      %dma_start3A_193 = arith.constant 0 : i32
      %dma_start3A_194 = arith.constant 0 : i32
      %dma_start3A_195 = tpu.memref_slice %arg3[%dma_start3A_193, %dma_start3A_194] : memref<10000x128xf32, #tpu.memory_space<hbm>> -> memref<10000x128xf32, #tpu.memory_space<hbm>>
      tpu.enqueue_indirect_dma source(%dma_start3A_195 : memref<10000x128xf32, #tpu.memory_space<hbm>>) target(%arg12 : memref<128x128xf32, #tpu.memory_space<vmem>>) offsets(%arg8 : memref<128xi32, #tpu.memory_space<vmem>>) semaphore(%arg17 : memref<!tpu.dma_semaphore, #tpu.memory_space<semaphore_mem>>)
      %add3A_196 = arith.constant 1 : i32
      %add3A_197 = arith.addi %select_n3A_22, %add3A_196 : i32
      %mul3A_198 = arith.constant 128 : i32
      %mul3A_199 = arith.muli %add3A_197, %mul3A_198 : i32
      %multiple_of3A_200 = tpu.assume_multiple %mul3A_199, 128 : i32
      %dma_start3A_201 = tpu.memref_slice %arg4[%multiple_of3A_200] : memref<327680xi32, #tpu.memory_space<hbm>> -> memref<128xi32, #tpu.memory_space<hbm>>
      %dma_start3A_202 = tpu.memref_slice %arg4[%multiple_of3A_200] : memref<327680xi32, #tpu.memory_space<hbm>> -> memref<128xi32, #tpu.memory_space<hbm>>
      tpu.enqueue_dma source(%dma_start3A_202 : memref<128xi32, #tpu.memory_space<hbm>>) target(%arg9 : memref<128xi32, #tpu.memory_space<vmem>>) target_semaphore(%arg20 : memref<!tpu.dma_semaphore, #tpu.memory_space<semaphore_mem>>)
      %add3A_203 = arith.constant 1 : i32
      %add3A_204 = arith.addi %select_n3A_22, %add3A_203 : i32
      %mul3A_205 = arith.constant 128 : i32
      %mul3A_206 = arith.muli %add3A_204, %mul3A_205 : i32
      %multiple_of3A_207 = tpu.assume_multiple %mul3A_206, 128 : i32
      %dma_start3A_208 = tpu.memref_slice %arg5[%multiple_of3A_207] : memref<327680xi32, #tpu.memory_space<hbm>> -> memref<128xi32, #tpu.memory_space<hbm>>
      %dma_start3A_209 = tpu.memref_slice %arg5[%multiple_of3A_207] : memref<327680xi32, #tpu.memory_space<hbm>> -> memref<128xi32, #tpu.memory_space<hbm>>
      tpu.enqueue_dma source(%dma_start3A_209 : memref<128xi32, #tpu.memory_space<hbm>>) target(%arg11 : memref<128xi32, #tpu.memory_space<vmem>>) target_semaphore(%arg22 : memref<!tpu.dma_semaphore, #tpu.memory_space<semaphore_mem>>)
      %dma_wait3A_210 = arith.constant 0 : i32
      %dma_wait3A_211 = tpu.memref_slice %arg4[%dma_wait3A_210] : memref<327680xi32, #tpu.memory_space<hbm>> -> memref<128xi32, #tpu.memory_space<hbm>>
      %dma_wait3A_212 = arith.constant 0 : i32
      %dma_wait3A_213 = tpu.memref_slice %arg4[%dma_wait3A_212] : memref<327680xi32, #tpu.memory_space<hbm>> -> memref<128xi32, #tpu.memory_space<hbm>>
      tpu.wait_dma2 semaphore(%arg20 : memref<!tpu.dma_semaphore, #tpu.memory_space<semaphore_mem>>) src(%dma_wait3A_213 : memref<128xi32, #tpu.memory_space<hbm>>) dst(%arg9 : memref<128xi32, #tpu.memory_space<vmem>>)
      %dma_start3A_214 = arith.constant 0 : i32
      %dma_start3A_215 = arith.constant 0 : i32
      %dma_start3A_216 = tpu.memref_slice %arg3[%dma_start3A_214, %dma_start3A_215] : memref<10000x128xf32, #tpu.memory_space<hbm>> -> memref<10000x128xf32, #tpu.memory_space<hbm>>
      tpu.enqueue_indirect_dma source(%dma_start3A_216 : memref<10000x128xf32, #tpu.memory_space<hbm>>) target(%arg13 : memref<128x128xf32, #tpu.memory_space<vmem>>) offsets(%arg9 : memref<128xi32, #tpu.memory_space<vmem>>) semaphore(%arg18 : memref<!tpu.dma_semaphore, #tpu.memory_space<semaphore_mem>>)
      %jit3A_217 = arith.constant 2 : i32
      %div3A_218 = arith.divsi %select_n3A_13, %jit3A_217 : i32
      %sign3A_219 = arith.constant 0 : i32
      %sign3A_220 = arith.cmpi sgt, %select_n3A_13, %sign3A_219 : i32
      %sign3A_221 = arith.extui %sign3A_220 : i1 to i32
      %sign3A_222 = arith.constant 0 : i32
      %sign3A_223 = arith.cmpi slt, %select_n3A_13, %sign3A_222 : i32
      %sign3A_224 = arith.extui %sign3A_223 : i1 to i32
      %sign3A_225 = arith.subi %sign3A_221, %sign3A_224 : i32
      %sign3A_226 = arith.constant 0 : i32
      %sign3A_227 = arith.cmpi sgt, %jit3A_217, %sign3A_226 : i32
      %sign3A_228 = arith.extui %sign3A_227 : i1 to i32
      %sign3A_229 = arith.constant 0 : i32
      %sign3A_230 = arith.cmpi slt, %jit3A_217, %sign3A_229 : i32
      %sign3A_231 = arith.extui %sign3A_230 : i1 to i32
      %sign3A_232 = arith.subi %sign3A_228, %sign3A_231 : i32
      %ne3A_233 = arith.cmpi ne, %sign3A_225, %sign3A_232 : i32
      %rem3A_234 = arith.remsi %select_n3A_13, %jit3A_217 : i32
      %ne3A_235 = arith.constant 0 : i32
      %ne3A_236 = arith.cmpi ne, %rem3A_234, %ne3A_235 : i32
      %and3A_237 = arith.andi %ne3A_233, %ne3A_236 : i1
      %sub3A_238 = arith.constant 1 : i32
      %sub3A_239 = arith.subi %div3A_218, %sub3A_238 : i32
      %select_n3A_240 = arith.select %and3A_237, %sub3A_239, %div3A_218 : i32
      %sub3A_241 = arith.constant 1 : i32
      %sub3A_242 = arith.subi %select_n3A_240, %sub3A_241 : i32
      %while3A_243 = arith.constant 0 : i32
      %while3A_244 = arith.subi %sub3A_242, %while3A_243 : i32
      %while3A_245 = arith.addi %while3A_243, %while3A_244 : i32
      %while3A_246 = arith.constant 1 : i32
      %while3A_247 = arith.divsi %while3A_244, %while3A_246 : i32
      %while3A_248 = arith.muli %while3A_247, %while3A_246 : i32
      %while3A_249 = arith.addi %while3A_243, %while3A_248 : i32
      %while3A_250 = arith.constant 1 : i32
      scf.for %while3A_266 = %while3A_243 to %while3A_249 step %while3A_250  : i32 {
        %mul3A_267 = arith.constant 2 : i32
        %mul3A_268 = arith.muli %while3A_266, %mul3A_267 : i32
        %add3A_269 = arith.constant 0 : i32
        %add3A_270 = arith.addi %mul3A_268, %add3A_269 : i32
        %dma_wait3A_271 = arith.constant 0 : i32
        %dma_wait3A_272 = arith.constant 0 : i32
        %dma_wait3A_273 = tpu.memref_slice %arg3[%dma_wait3A_271, %dma_wait3A_272] : memref<10000x128xf32, #tpu.memory_space<hbm>> -> memref<10000x128xf32, #tpu.memory_space<hbm>>
        tpu.wait_indirect_dma semaphore(%arg17 : memref<!tpu.dma_semaphore, #tpu.memory_space<semaphore_mem>>) src(%dma_wait3A_273 : memref<10000x128xf32, #tpu.memory_space<hbm>>) dst(%arg12 : memref<128x128xf32, #tpu.memory_space<vmem>>)
        %add3A_274 = arith.constant 2 : i32
        %add3A_275 = arith.addi %add3A_270, %add3A_274 : i32
        %add3A_276 = arith.addi %select_n3A_22, %add3A_275 : i32
        %mul3A_277 = arith.constant 128 : i32
        %mul3A_278 = arith.muli %add3A_276, %mul3A_277 : i32
        %multiple_of3A_279 = tpu.assume_multiple %mul3A_278, 128 : i32
        %dma_start3A_280 = tpu.memref_slice %arg4[%multiple_of3A_279] : memref<327680xi32, #tpu.memory_space<hbm>> -> memref<128xi32, #tpu.memory_space<hbm>>
        %dma_start3A_281 = tpu.memref_slice %arg4[%multiple_of3A_279] : memref<327680xi32, #tpu.memory_space<hbm>> -> memref<128xi32, #tpu.memory_space<hbm>>
        tpu.enqueue_dma source(%dma_start3A_281 : memref<128xi32, #tpu.memory_space<hbm>>) target(%arg8 : memref<128xi32, #tpu.memory_space<vmem>>) target_semaphore(%arg19 : memref<!tpu.dma_semaphore, #tpu.memory_space<semaphore_mem>>)
        %dma_wait3A_282 = arith.constant 0 : i32
        %dma_wait3A_283 = tpu.memref_slice %arg5[%dma_wait3A_282] : memref<327680xi32, #tpu.memory_space<hbm>> -> memref<128xi32, #tpu.memory_space<hbm>>
        %dma_wait3A_284 = arith.constant 0 : i32
        %dma_wait3A_285 = tpu.memref_slice %arg5[%dma_wait3A_284] : memref<327680xi32, #tpu.memory_space<hbm>> -> memref<128xi32, #tpu.memory_space<hbm>>
        tpu.wait_dma2 semaphore(%arg21 : memref<!tpu.dma_semaphore, #tpu.memory_space<semaphore_mem>>) src(%dma_wait3A_285 : memref<128xi32, #tpu.memory_space<hbm>>) dst(%arg10 : memref<128xi32, #tpu.memory_space<vmem>>)
        "tpu.region"() ({
          %run_scoped3A = tpu.sem_alloc : memref<!tpu.dma_semaphore, #tpu.memory_space<semaphore_mem>>
          %dma_start3A_335 = arith.constant 0 : i32
          %dma_start3A_336 = arith.constant 0 : i32
          %dma_start3A_337 = tpu.memref_slice %arg16[%dma_start3A_335, %dma_start3A_336] : memref<10240x128xf32, #tpu.memory_space<vmem_shared>> -> memref<10240x128xf32, #tpu.memory_space<vmem_shared>>
          tpu.enqueue_indirect_dma source(%arg12 : memref<128x128xf32, #tpu.memory_space<vmem>>) target(%dma_start3A_337 : memref<10240x128xf32, #tpu.memory_space<vmem_shared>>) offsets(%arg10 : memref<128xi32, #tpu.memory_space<vmem>>) semaphore(%run_scoped3A : memref<!tpu.dma_semaphore, #tpu.memory_space<semaphore_mem>>) {add = true}
          %dma_wait3A_338 = arith.constant 0 : i32
          %dma_wait3A_339 = arith.constant 0 : i32
          %dma_wait3A_340 = tpu.memref_slice %arg16[%dma_wait3A_338, %dma_wait3A_339] : memref<10240x128xf32, #tpu.memory_space<vmem_shared>> -> memref<10240x128xf32, #tpu.memory_space<vmem_shared>>
          tpu.wait_indirect_dma semaphore(%run_scoped3A : memref<!tpu.dma_semaphore, #tpu.memory_space<semaphore_mem>>) src(%arg12 : memref<128x128xf32, #tpu.memory_space<vmem>>) dst(%dma_wait3A_340 : memref<10240x128xf32, #tpu.memory_space<vmem_shared>>)
          tpu.yield
        }) : () -> ()
        %add3A_286 = arith.constant 2 : i32
        %add3A_287 = arith.addi %add3A_270, %add3A_286 : i32
        %add3A_288 = arith.addi %select_n3A_22, %add3A_287 : i32
        %mul3A_289 = arith.constant 128 : i32
        %mul3A_290 = arith.muli %add3A_288, %mul3A_289 : i32
        %multiple_of3A_291 = tpu.assume_multiple %mul3A_290, 128 : i32
        %dma_start3A_292 = tpu.memref_slice %arg5[%multiple_of3A_291] : memref<327680xi32, #tpu.memory_space<hbm>> -> memref<128xi32, #tpu.memory_space<hbm>>
        %dma_start3A_293 = tpu.memref_slice %arg5[%multiple_of3A_291] : memref<327680xi32, #tpu.memory_space<hbm>> -> memref<128xi32, #tpu.memory_space<hbm>>
        tpu.enqueue_dma source(%dma_start3A_293 : memref<128xi32, #tpu.memory_space<hbm>>) target(%arg10 : memref<128xi32, #tpu.memory_space<vmem>>) target_semaphore(%arg21 : memref<!tpu.dma_semaphore, #tpu.memory_space<semaphore_mem>>)
        %dma_wait3A_294 = arith.constant 0 : i32
        %dma_wait3A_295 = tpu.memref_slice %arg4[%dma_wait3A_294] : memref<327680xi32, #tpu.memory_space<hbm>> -> memref<128xi32, #tpu.memory_space<hbm>>
        %dma_wait3A_296 = arith.constant 0 : i32
        %dma_wait3A_297 = tpu.memref_slice %arg4[%dma_wait3A_296] : memref<327680xi32, #tpu.memory_space<hbm>> -> memref<128xi32, #tpu.memory_space<hbm>>
        tpu.wait_dma2 semaphore(%arg19 : memref<!tpu.dma_semaphore, #tpu.memory_space<semaphore_mem>>) src(%dma_wait3A_297 : memref<128xi32, #tpu.memory_space<hbm>>) dst(%arg8 : memref<128xi32, #tpu.memory_space<vmem>>)
        %dma_start3A_298 = arith.constant 0 : i32
        %dma_start3A_299 = arith.constant 0 : i32
        %dma_start3A_300 = tpu.memref_slice %arg3[%dma_start3A_298, %dma_start3A_299] : memref<10000x128xf32, #tpu.memory_space<hbm>> -> memref<10000x128xf32, #tpu.memory_space<hbm>>
        tpu.enqueue_indirect_dma source(%dma_start3A_300 : memref<10000x128xf32, #tpu.memory_space<hbm>>) target(%arg12 : memref<128x128xf32, #tpu.memory_space<vmem>>) offsets(%arg8 : memref<128xi32, #tpu.memory_space<vmem>>) semaphore(%arg17 : memref<!tpu.dma_semaphore, #tpu.memory_space<semaphore_mem>>)
        %mul3A_301 = arith.constant 2 : i32
        %mul3A_302 = arith.muli %while3A_266, %mul3A_301 : i32
        %add3A_303 = arith.constant 1 : i32
        %add3A_304 = arith.addi %mul3A_302, %add3A_303 : i32
        %dma_wait3A_305 = arith.constant 0 : i32
        %dma_wait3A_306 = arith.constant 0 : i32
        %dma_wait3A_307 = tpu.memref_slice %arg3[%dma_wait3A_305, %dma_wait3A_306] : memref<10000x128xf32, #tpu.memory_space<hbm>> -> memref<10000x128xf32, #tpu.memory_space<hbm>>
        tpu.wait_indirect_dma semaphore(%arg18 : memref<!tpu.dma_semaphore, #tpu.memory_space<semaphore_mem>>) src(%dma_wait3A_307 : memref<10000x128xf32, #tpu.memory_space<hbm>>) dst(%arg13 : memref<128x128xf32, #tpu.memory_space<vmem>>)
        %add3A_308 = arith.constant 2 : i32
        %add3A_309 = arith.addi %add3A_304, %add3A_308 : i32
        %add3A_310 = arith.addi %select_n3A_22, %add3A_309 : i32
        %mul3A_311 = arith.constant 128 : i32
        %mul3A_312 = arith.muli %add3A_310, %mul3A_311 : i32
        %multiple_of3A_313 = tpu.assume_multiple %mul3A_312, 128 : i32
        %dma_start3A_314 = tpu.memref_slice %arg4[%multiple_of3A_313] : memref<327680xi32, #tpu.memory_space<hbm>> -> memref<128xi32, #tpu.memory_space<hbm>>
        %dma_start3A_315 = tpu.memref_slice %arg4[%multiple_of3A_313] : memref<327680xi32, #tpu.memory_space<hbm>> -> memref<128xi32, #tpu.memory_space<hbm>>
        tpu.enqueue_dma source(%dma_start3A_315 : memref<128xi32, #tpu.memory_space<hbm>>) target(%arg9 : memref<128xi32, #tpu.memory_space<vmem>>) target_semaphore(%arg20 : memref<!tpu.dma_semaphore, #tpu.memory_space<semaphore_mem>>)
        %dma_wait3A_316 = arith.constant 0 : i32
        %dma_wait3A_317 = tpu.memref_slice %arg5[%dma_wait3A_316] : memref<327680xi32, #tpu.memory_space<hbm>> -> memref<128xi32, #tpu.memory_space<hbm>>
        %dma_wait3A_318 = arith.constant 0 : i32
        %dma_wait3A_319 = tpu.memref_slice %arg5[%dma_wait3A_318] : memref<327680xi32, #tpu.memory_space<hbm>> -> memref<128xi32, #tpu.memory_space<hbm>>
        tpu.wait_dma2 semaphore(%arg22 : memref<!tpu.dma_semaphore, #tpu.memory_space<semaphore_mem>>) src(%dma_wait3A_319 : memref<128xi32, #tpu.memory_space<hbm>>) dst(%arg11 : memref<128xi32, #tpu.memory_space<vmem>>)
        "tpu.region"() ({
          %run_scoped3A = tpu.sem_alloc : memref<!tpu.dma_semaphore, #tpu.memory_space<semaphore_mem>>
          %dma_start3A_335 = arith.constant 0 : i32
          %dma_start3A_336 = arith.constant 0 : i32
          %dma_start3A_337 = tpu.memref_slice %arg16[%dma_start3A_335, %dma_start3A_336] : memref<10240x128xf32, #tpu.memory_space<vmem_shared>> -> memref<10240x128xf32, #tpu.memory_space<vmem_shared>>
          tpu.enqueue_indirect_dma source(%arg13 : memref<128x128xf32, #tpu.memory_space<vmem>>) target(%dma_start3A_337 : memref<10240x128xf32, #tpu.memory_space<vmem_shared>>) offsets(%arg11 : memref<128xi32, #tpu.memory_space<vmem>>) semaphore(%run_scoped3A : memref<!tpu.dma_semaphore, #tpu.memory_space<semaphore_mem>>) {add = true}
          %dma_wait3A_338 = arith.constant 0 : i32
          %dma_wait3A_339 = arith.constant 0 : i32
          %dma_wait3A_340 = tpu.memref_slice %arg16[%dma_wait3A_338, %dma_wait3A_339] : memref<10240x128xf32, #tpu.memory_space<vmem_shared>> -> memref<10240x128xf32, #tpu.memory_space<vmem_shared>>
          tpu.wait_indirect_dma semaphore(%run_scoped3A : memref<!tpu.dma_semaphore, #tpu.memory_space<semaphore_mem>>) src(%arg13 : memref<128x128xf32, #tpu.memory_space<vmem>>) dst(%dma_wait3A_340 : memref<10240x128xf32, #tpu.memory_space<vmem_shared>>)
          tpu.yield
        }) : () -> ()
        %add3A_320 = arith.constant 2 : i32
        %add3A_321 = arith.addi %add3A_304, %add3A_320 : i32
        %add3A_322 = arith.addi %select_n3A_22, %add3A_321 : i32
        %mul3A_323 = arith.constant 128 : i32
        %mul3A_324 = arith.muli %add3A_322, %mul3A_323 : i32
        %multiple_of3A_325 = tpu.assume_multiple %mul3A_324, 128 : i32
        %dma_start3A_326 = tpu.memref_slice %arg5[%multiple_of3A_325] : memref<327680xi32, #tpu.memory_space<hbm>> -> memref<128xi32, #tpu.memory_space<hbm>>
        %dma_start3A_327 = tpu.memref_slice %arg5[%multiple_of3A_325] : memref<327680xi32, #tpu.memory_space<hbm>> -> memref<128xi32, #tpu.memory_space<hbm>>
        tpu.enqueue_dma source(%dma_start3A_327 : memref<128xi32, #tpu.memory_space<hbm>>) target(%arg11 : memref<128xi32, #tpu.memory_space<vmem>>) target_semaphore(%arg22 : memref<!tpu.dma_semaphore, #tpu.memory_space<semaphore_mem>>)
        %dma_wait3A_328 = arith.constant 0 : i32
        %dma_wait3A_329 = tpu.memref_slice %arg4[%dma_wait3A_328] : memref<327680xi32, #tpu.memory_space<hbm>> -> memref<128xi32, #tpu.memory_space<hbm>>
        %dma_wait3A_330 = arith.constant 0 : i32
        %dma_wait3A_331 = tpu.memref_slice %arg4[%dma_wait3A_330] : memref<327680xi32, #tpu.memory_space<hbm>> -> memref<128xi32, #tpu.memory_space<hbm>>
        tpu.wait_dma2 semaphore(%arg20 : memref<!tpu.dma_semaphore, #tpu.memory_space<semaphore_mem>>) src(%dma_wait3A_331 : memref<128xi32, #tpu.memory_space<hbm>>) dst(%arg9 : memref<128xi32, #tpu.memory_space<vmem>>)
        %dma_start3A_332 = arith.constant 0 : i32
        %dma_start3A_333 = arith.constant 0 : i32
        %dma_start3A_334 = tpu.memref_slice %arg3[%dma_start3A_332, %dma_start3A_333] : memref<10000x128xf32, #tpu.memory_space<hbm>> -> memref<10000x128xf32, #tpu.memory_space<hbm>>
        tpu.enqueue_indirect_dma source(%dma_start3A_334 : memref<10000x128xf32, #tpu.memory_space<hbm>>) target(%arg13 : memref<128x128xf32, #tpu.memory_space<vmem>>) offsets(%arg9 : memref<128xi32, #tpu.memory_space<vmem>>) semaphore(%arg18 : memref<!tpu.dma_semaphore, #tpu.memory_space<semaphore_mem>>)
      }
      %while3A_251 = arith.constant 1 : i32
      scf.for %while3A_266 = %while3A_249 to %while3A_245 step %while3A_251  : i32 {
        %mul3A_267 = arith.constant 2 : i32
        %mul3A_268 = arith.muli %while3A_266, %mul3A_267 : i32
        %add3A_269 = arith.constant 0 : i32
        %add3A_270 = arith.addi %mul3A_268, %add3A_269 : i32
        %dma_wait3A_271 = arith.constant 0 : i32
        %dma_wait3A_272 = arith.constant 0 : i32
        %dma_wait3A_273 = tpu.memref_slice %arg3[%dma_wait3A_271, %dma_wait3A_272] : memref<10000x128xf32, #tpu.memory_space<hbm>> -> memref<10000x128xf32, #tpu.memory_space<hbm>>
        tpu.wait_indirect_dma semaphore(%arg17 : memref<!tpu.dma_semaphore, #tpu.memory_space<semaphore_mem>>) src(%dma_wait3A_273 : memref<10000x128xf32, #tpu.memory_space<hbm>>) dst(%arg12 : memref<128x128xf32, #tpu.memory_space<vmem>>)
        %add3A_274 = arith.constant 2 : i32
        %add3A_275 = arith.addi %add3A_270, %add3A_274 : i32
        %add3A_276 = arith.addi %select_n3A_22, %add3A_275 : i32
        %mul3A_277 = arith.constant 128 : i32
        %mul3A_278 = arith.muli %add3A_276, %mul3A_277 : i32
        %multiple_of3A_279 = tpu.assume_multiple %mul3A_278, 128 : i32
        %dma_start3A_280 = tpu.memref_slice %arg4[%multiple_of3A_279] : memref<327680xi32, #tpu.memory_space<hbm>> -> memref<128xi32, #tpu.memory_space<hbm>>
        %dma_start3A_281 = tpu.memref_slice %arg4[%multiple_of3A_279] : memref<327680xi32, #tpu.memory_space<hbm>> -> memref<128xi32, #tpu.memory_space<hbm>>
        tpu.enqueue_dma source(%dma_start3A_281 : memref<128xi32, #tpu.memory_space<hbm>>) target(%arg8 : memref<128xi32, #tpu.memory_space<vmem>>) target_semaphore(%arg19 : memref<!tpu.dma_semaphore, #tpu.memory_space<semaphore_mem>>)
        %dma_wait3A_282 = arith.constant 0 : i32
        %dma_wait3A_283 = tpu.memref_slice %arg5[%dma_wait3A_282] : memref<327680xi32, #tpu.memory_space<hbm>> -> memref<128xi32, #tpu.memory_space<hbm>>
        %dma_wait3A_284 = arith.constant 0 : i32
        %dma_wait3A_285 = tpu.memref_slice %arg5[%dma_wait3A_284] : memref<327680xi32, #tpu.memory_space<hbm>> -> memref<128xi32, #tpu.memory_space<hbm>>
        tpu.wait_dma2 semaphore(%arg21 : memref<!tpu.dma_semaphore, #tpu.memory_space<semaphore_mem>>) src(%dma_wait3A_285 : memref<128xi32, #tpu.memory_space<hbm>>) dst(%arg10 : memref<128xi32, #tpu.memory_space<vmem>>)
        "tpu.region"() ({
          %run_scoped3A = tpu.sem_alloc : memref<!tpu.dma_semaphore, #tpu.memory_space<semaphore_mem>>
          %dma_start3A_335 = arith.constant 0 : i32
          %dma_start3A_336 = arith.constant 0 : i32
          %dma_start3A_337 = tpu.memref_slice %arg16[%dma_start3A_335, %dma_start3A_336] : memref<10240x128xf32, #tpu.memory_space<vmem_shared>> -> memref<10240x128xf32, #tpu.memory_space<vmem_shared>>
          tpu.enqueue_indirect_dma source(%arg12 : memref<128x128xf32, #tpu.memory_space<vmem>>) target(%dma_start3A_337 : memref<10240x128xf32, #tpu.memory_space<vmem_shared>>) offsets(%arg10 : memref<128xi32, #tpu.memory_space<vmem>>) semaphore(%run_scoped3A : memref<!tpu.dma_semaphore, #tpu.memory_space<semaphore_mem>>) {add = true}
          %dma_wait3A_338 = arith.constant 0 : i32
          %dma_wait3A_339 = arith.constant 0 : i32
          %dma_wait3A_340 = tpu.memref_slice %arg16[%dma_wait3A_338, %dma_wait3A_339] : memref<10240x128xf32, #tpu.memory_space<vmem_shared>> -> memref<10240x128xf32, #tpu.memory_space<vmem_shared>>
          tpu.wait_indirect_dma semaphore(%run_scoped3A : memref<!tpu.dma_semaphore, #tpu.memory_space<semaphore_mem>>) src(%arg12 : memref<128x128xf32, #tpu.memory_space<vmem>>) dst(%dma_wait3A_340 : memref<10240x128xf32, #tpu.memory_space<vmem_shared>>)
          tpu.yield
        }) : () -> ()
        %add3A_286 = arith.constant 2 : i32
        %add3A_287 = arith.addi %add3A_270, %add3A_286 : i32
        %add3A_288 = arith.addi %select_n3A_22, %add3A_287 : i32
        %mul3A_289 = arith.constant 128 : i32
        %mul3A_290 = arith.muli %add3A_288, %mul3A_289 : i32
        %multiple_of3A_291 = tpu.assume_multiple %mul3A_290, 128 : i32
        %dma_start3A_292 = tpu.memref_slice %arg5[%multiple_of3A_291] : memref<327680xi32, #tpu.memory_space<hbm>> -> memref<128xi32, #tpu.memory_space<hbm>>
        %dma_start3A_293 = tpu.memref_slice %arg5[%multiple_of3A_291] : memref<327680xi32, #tpu.memory_space<hbm>> -> memref<128xi32, #tpu.memory_space<hbm>>
        tpu.enqueue_dma source(%dma_start3A_293 : memref<128xi32, #tpu.memory_space<hbm>>) target(%arg10 : memref<128xi32, #tpu.memory_space<vmem>>) target_semaphore(%arg21 : memref<!tpu.dma_semaphore, #tpu.memory_space<semaphore_mem>>)
        %dma_wait3A_294 = arith.constant 0 : i32
        %dma_wait3A_295 = tpu.memref_slice %arg4[%dma_wait3A_294] : memref<327680xi32, #tpu.memory_space<hbm>> -> memref<128xi32, #tpu.memory_space<hbm>>
        %dma_wait3A_296 = arith.constant 0 : i32
        %dma_wait3A_297 = tpu.memref_slice %arg4[%dma_wait3A_296] : memref<327680xi32, #tpu.memory_space<hbm>> -> memref<128xi32, #tpu.memory_space<hbm>>
        tpu.wait_dma2 semaphore(%arg19 : memref<!tpu.dma_semaphore, #tpu.memory_space<semaphore_mem>>) src(%dma_wait3A_297 : memref<128xi32, #tpu.memory_space<hbm>>) dst(%arg8 : memref<128xi32, #tpu.memory_space<vmem>>)
        %dma_start3A_298 = arith.constant 0 : i32
        %dma_start3A_299 = arith.constant 0 : i32
        %dma_start3A_300 = tpu.memref_slice %arg3[%dma_start3A_298, %dma_start3A_299] : memref<10000x128xf32, #tpu.memory_space<hbm>> -> memref<10000x128xf32, #tpu.memory_space<hbm>>
        tpu.enqueue_indirect_dma source(%dma_start3A_300 : memref<10000x128xf32, #tpu.memory_space<hbm>>) target(%arg12 : memref<128x128xf32, #tpu.memory_space<vmem>>) offsets(%arg8 : memref<128xi32, #tpu.memory_space<vmem>>) semaphore(%arg17 : memref<!tpu.dma_semaphore, #tpu.memory_space<semaphore_mem>>)
        %mul3A_301 = arith.constant 2 : i32
        %mul3A_302 = arith.muli %while3A_266, %mul3A_301 : i32
        %add3A_303 = arith.constant 1 : i32
        %add3A_304 = arith.addi %mul3A_302, %add3A_303 : i32
        %dma_wait3A_305 = arith.constant 0 : i32
        %dma_wait3A_306 = arith.constant 0 : i32
        %dma_wait3A_307 = tpu.memref_slice %arg3[%dma_wait3A_305, %dma_wait3A_306] : memref<10000x128xf32, #tpu.memory_space<hbm>> -> memref<10000x128xf32, #tpu.memory_space<hbm>>
        tpu.wait_indirect_dma semaphore(%arg18 : memref<!tpu.dma_semaphore, #tpu.memory_space<semaphore_mem>>) src(%dma_wait3A_307 : memref<10000x128xf32, #tpu.memory_space<hbm>>) dst(%arg13 : memref<128x128xf32, #tpu.memory_space<vmem>>)
        %add3A_308 = arith.constant 2 : i32
        %add3A_309 = arith.addi %add3A_304, %add3A_308 : i32
        %add3A_310 = arith.addi %select_n3A_22, %add3A_309 : i32
        %mul3A_311 = arith.constant 128 : i32
        %mul3A_312 = arith.muli %add3A_310, %mul3A_311 : i32
        %multiple_of3A_313 = tpu.assume_multiple %mul3A_312, 128 : i32
        %dma_start3A_314 = tpu.memref_slice %arg4[%multiple_of3A_313] : memref<327680xi32, #tpu.memory_space<hbm>> -> memref<128xi32, #tpu.memory_space<hbm>>
        %dma_start3A_315 = tpu.memref_slice %arg4[%multiple_of3A_313] : memref<327680xi32, #tpu.memory_space<hbm>> -> memref<128xi32, #tpu.memory_space<hbm>>
        tpu.enqueue_dma source(%dma_start3A_315 : memref<128xi32, #tpu.memory_space<hbm>>) target(%arg9 : memref<128xi32, #tpu.memory_space<vmem>>) target_semaphore(%arg20 : memref<!tpu.dma_semaphore, #tpu.memory_space<semaphore_mem>>)
        %dma_wait3A_316 = arith.constant 0 : i32
        %dma_wait3A_317 = tpu.memref_slice %arg5[%dma_wait3A_316] : memref<327680xi32, #tpu.memory_space<hbm>> -> memref<128xi32, #tpu.memory_space<hbm>>
        %dma_wait3A_318 = arith.constant 0 : i32
        %dma_wait3A_319 = tpu.memref_slice %arg5[%dma_wait3A_318] : memref<327680xi32, #tpu.memory_space<hbm>> -> memref<128xi32, #tpu.memory_space<hbm>>
        tpu.wait_dma2 semaphore(%arg22 : memref<!tpu.dma_semaphore, #tpu.memory_space<semaphore_mem>>) src(%dma_wait3A_319 : memref<128xi32, #tpu.memory_space<hbm>>) dst(%arg11 : memref<128xi32, #tpu.memory_space<vmem>>)
        "tpu.region"() ({
          %run_scoped3A = tpu.sem_alloc : memref<!tpu.dma_semaphore, #tpu.memory_space<semaphore_mem>>
          %dma_start3A_335 = arith.constant 0 : i32
          %dma_start3A_336 = arith.constant 0 : i32
          %dma_start3A_337 = tpu.memref_slice %arg16[%dma_start3A_335, %dma_start3A_336] : memref<10240x128xf32, #tpu.memory_space<vmem_shared>> -> memref<10240x128xf32, #tpu.memory_space<vmem_shared>>
          tpu.enqueue_indirect_dma source(%arg13 : memref<128x128xf32, #tpu.memory_space<vmem>>) target(%dma_start3A_337 : memref<10240x128xf32, #tpu.memory_space<vmem_shared>>) offsets(%arg11 : memref<128xi32, #tpu.memory_space<vmem>>) semaphore(%run_scoped3A : memref<!tpu.dma_semaphore, #tpu.memory_space<semaphore_mem>>) {add = true}
          %dma_wait3A_338 = arith.constant 0 : i32
          %dma_wait3A_339 = arith.constant 0 : i32
          %dma_wait3A_340 = tpu.memref_slice %arg16[%dma_wait3A_338, %dma_wait3A_339] : memref<10240x128xf32, #tpu.memory_space<vmem_shared>> -> memref<10240x128xf32, #tpu.memory_space<vmem_shared>>
          tpu.wait_indirect_dma semaphore(%run_scoped3A : memref<!tpu.dma_semaphore, #tpu.memory_space<semaphore_mem>>) src(%arg13 : memref<128x128xf32, #tpu.memory_space<vmem>>) dst(%dma_wait3A_340 : memref<10240x128xf32, #tpu.memory_space<vmem_shared>>)
          tpu.yield
        }) : () -> ()
        %add3A_320 = arith.constant 2 : i32
        %add3A_321 = arith.addi %add3A_304, %add3A_320 : i32
        %add3A_322 = arith.addi %select_n3A_22, %add3A_321 : i32
        %mul3A_323 = arith.constant 128 : i32
        %mul3A_324 = arith.muli %add3A_322, %mul3A_323 : i32
        %multiple_of3A_325 = tpu.assume_multiple %mul3A_324, 128 : i32
        %dma_start3A_326 = tpu.memref_slice %arg5[%multiple_of3A_325] : memref<327680xi32, #tpu.memory_space<hbm>> -> memref<128xi32, #tpu.memory_space<hbm>>
        %dma_start3A_327 = tpu.memref_slice %arg5[%multiple_of3A_325] : memref<327680xi32, #tpu.memory_space<hbm>> -> memref<128xi32, #tpu.memory_space<hbm>>
        tpu.enqueue_dma source(%dma_start3A_327 : memref<128xi32, #tpu.memory_space<hbm>>) target(%arg11 : memref<128xi32, #tpu.memory_space<vmem>>) target_semaphore(%arg22 : memref<!tpu.dma_semaphore, #tpu.memory_space<semaphore_mem>>)
        %dma_wait3A_328 = arith.constant 0 : i32
        %dma_wait3A_329 = tpu.memref_slice %arg4[%dma_wait3A_328] : memref<327680xi32, #tpu.memory_space<hbm>> -> memref<128xi32, #tpu.memory_space<hbm>>
        %dma_wait3A_330 = arith.constant 0 : i32
        %dma_wait3A_331 = tpu.memref_slice %arg4[%dma_wait3A_330] : memref<327680xi32, #tpu.memory_space<hbm>> -> memref<128xi32, #tpu.memory_space<hbm>>
        tpu.wait_dma2 semaphore(%arg20 : memref<!tpu.dma_semaphore, #tpu.memory_space<semaphore_mem>>) src(%dma_wait3A_331 : memref<128xi32, #tpu.memory_space<hbm>>) dst(%arg9 : memref<128xi32, #tpu.memory_space<vmem>>)
        %dma_start3A_332 = arith.constant 0 : i32
        %dma_start3A_333 = arith.constant 0 : i32
        %dma_start3A_334 = tpu.memref_slice %arg3[%dma_start3A_332, %dma_start3A_333] : memref<10000x128xf32, #tpu.memory_space<hbm>> -> memref<10000x128xf32, #tpu.memory_space<hbm>>
        tpu.enqueue_indirect_dma source(%dma_start3A_334 : memref<10000x128xf32, #tpu.memory_space<hbm>>) target(%arg13 : memref<128x128xf32, #tpu.memory_space<vmem>>) offsets(%arg9 : memref<128xi32, #tpu.memory_space<vmem>>) semaphore(%arg18 : memref<!tpu.dma_semaphore, #tpu.memory_space<semaphore_mem>>)
      }
      %dma_wait3A_252 = arith.constant 0 : i32
      %dma_wait3A_253 = arith.constant 0 : i32
      %dma_wait3A_254 = tpu.memref_slice %arg3[%dma_wait3A_252, %dma_wait3A_253] : memref<10000x128xf32, #tpu.memory_space<hbm>> -> memref<10000x128xf32, #tpu.memory_space<hbm>>
      tpu.wait_indirect_dma semaphore(%arg17 : memref<!tpu.dma_semaphore, #tpu.memory_space<semaphore_mem>>) src(%dma_wait3A_254 : memref<10000x128xf32, #tpu.memory_space<hbm>>) dst(%arg12 : memref<128x128xf32, #tpu.memory_space<vmem>>)
      %dma_wait3A_255 = arith.constant 0 : i32
      %dma_wait3A_256 = tpu.memref_slice %arg5[%dma_wait3A_255] : memref<327680xi32, #tpu.memory_space<hbm>> -> memref<128xi32, #tpu.memory_space<hbm>>
      %dma_wait3A_257 = arith.constant 0 : i32
      %dma_wait3A_258 = tpu.memref_slice %arg5[%dma_wait3A_257] : memref<327680xi32, #tpu.memory_space<hbm>> -> memref<128xi32, #tpu.memory_space<hbm>>
      tpu.wait_dma2 semaphore(%arg21 : memref<!tpu.dma_semaphore, #tpu.memory_space<semaphore_mem>>) src(%dma_wait3A_258 : memref<128xi32, #tpu.memory_space<hbm>>) dst(%arg10 : memref<128xi32, #tpu.memory_space<vmem>>)
      "tpu.region"() ({
        %run_scoped3A = tpu.sem_alloc : memref<!tpu.dma_semaphore, #tpu.memory_space<semaphore_mem>>
        %dma_start3A_266 = arith.constant 0 : i32
        %dma_start3A_267 = arith.constant 0 : i32
        %dma_start3A_268 = tpu.memref_slice %arg16[%dma_start3A_266, %dma_start3A_267] : memref<10240x128xf32, #tpu.memory_space<vmem_shared>> -> memref<10240x128xf32, #tpu.memory_space<vmem_shared>>
        tpu.enqueue_indirect_dma source(%arg12 : memref<128x128xf32, #tpu.memory_space<vmem>>) target(%dma_start3A_268 : memref<10240x128xf32, #tpu.memory_space<vmem_shared>>) offsets(%arg10 : memref<128xi32, #tpu.memory_space<vmem>>) semaphore(%run_scoped3A : memref<!tpu.dma_semaphore, #tpu.memory_space<semaphore_mem>>) {add = true}
        %dma_wait3A_269 = arith.constant 0 : i32
        %dma_wait3A_270 = arith.constant 0 : i32
        %dma_wait3A_271 = tpu.memref_slice %arg16[%dma_wait3A_269, %dma_wait3A_270] : memref<10240x128xf32, #tpu.memory_space<vmem_shared>> -> memref<10240x128xf32, #tpu.memory_space<vmem_shared>>
        tpu.wait_indirect_dma semaphore(%run_scoped3A : memref<!tpu.dma_semaphore, #tpu.memory_space<semaphore_mem>>) src(%arg12 : memref<128x128xf32, #tpu.memory_space<vmem>>) dst(%dma_wait3A_271 : memref<10240x128xf32, #tpu.memory_space<vmem_shared>>)
        tpu.yield
      }) : () -> ()
      %dma_wait3A_259 = arith.constant 0 : i32
      %dma_wait3A_260 = arith.constant 0 : i32
      %dma_wait3A_261 = tpu.memref_slice %arg3[%dma_wait3A_259, %dma_wait3A_260] : memref<10000x128xf32, #tpu.memory_space<hbm>> -> memref<10000x128xf32, #tpu.memory_space<hbm>>
      tpu.wait_indirect_dma semaphore(%arg18 : memref<!tpu.dma_semaphore, #tpu.memory_space<semaphore_mem>>) src(%dma_wait3A_261 : memref<10000x128xf32, #tpu.memory_space<hbm>>) dst(%arg13 : memref<128x128xf32, #tpu.memory_space<vmem>>)
      %dma_wait3A_262 = arith.constant 0 : i32
      %dma_wait3A_263 = tpu.memref_slice %arg5[%dma_wait3A_262] : memref<327680xi32, #tpu.memory_space<hbm>> -> memref<128xi32, #tpu.memory_space<hbm>>
      %dma_wait3A_264 = arith.constant 0 : i32
      %dma_wait3A_265 = tpu.memref_slice %arg5[%dma_wait3A_264] : memref<327680xi32, #tpu.memory_space<hbm>> -> memref<128xi32, #tpu.memory_space<hbm>>
      tpu.wait_dma2 semaphore(%arg22 : memref<!tpu.dma_semaphore, #tpu.memory_space<semaphore_mem>>) src(%dma_wait3A_265 : memref<128xi32, #tpu.memory_space<hbm>>) dst(%arg11 : memref<128xi32, #tpu.memory_space<vmem>>)
      "tpu.region"() ({
        %run_scoped3A = tpu.sem_alloc : memref<!tpu.dma_semaphore, #tpu.memory_space<semaphore_mem>>
        %dma_start3A_266 = arith.constant 0 : i32
        %dma_start3A_267 = arith.constant 0 : i32
        %dma_start3A_268 = tpu.memref_slice %arg16[%dma_start3A_266, %dma_start3A_267] : memref<10240x128xf32, #tpu.memory_space<vmem_shared>> -> memref<10240x128xf32, #tpu.memory_space<vmem_shared>>
        tpu.enqueue_indirect_dma source(%arg13 : memref<128x128xf32, #tpu.memory_space<vmem>>) target(%dma_start3A_268 : memref<10240x128xf32, #tpu.memory_space<vmem_shared>>) offsets(%arg11 : memref<128xi32, #tpu.memory_space<vmem>>) semaphore(%run_scoped3A : memref<!tpu.dma_semaphore, #tpu.memory_space<semaphore_mem>>) {add = true}
        %dma_wait3A_269 = arith.constant 0 : i32
        %dma_wait3A_270 = arith.constant 0 : i32
        %dma_wait3A_271 = tpu.memref_slice %arg16[%dma_wait3A_269, %dma_wait3A_270] : memref<10240x128xf32, #tpu.memory_space<vmem_shared>> -> memref<10240x128xf32, #tpu.memory_space<vmem_shared>>
        tpu.wait_indirect_dma semaphore(%run_scoped3A : memref<!tpu.dma_semaphore, #tpu.memory_space<semaphore_mem>>) src(%arg13 : memref<128x128xf32, #tpu.memory_space<vmem>>) dst(%dma_wait3A_271 : memref<10240x128xf32, #tpu.memory_space<vmem_shared>>)
        tpu.yield
      }) : () -> ()
    } else {
    }
    %barrier3A_166 = arith.constant 0 : index
    tpu.barrier barrier_id(%barrier3A_166)
    %lt3A_167 = arith.constant 15 : i32
    %lt3A_168 = arith.cmpi slt, %arg1, %lt3A_167 : i32
    %convert_element_type3A_169 = arith.extui %lt3A_168 : i1 to i32
    %cond3A_170 = arith.constant 0 : i32
    %cond3A_171 = arith.cmpi ne, %convert_element_type3A_169, %cond3A_170 : i32
    scf.if %cond3A_171 {
      "tpu.region"() ({
        %run_scoped3A = tpu.sem_alloc : memref<!tpu.dma_semaphore, #tpu.memory_space<semaphore_mem>>
        %dma_start3A = arith.constant 0 : i32
        %dma_start3A_177 = tpu.memref_slice %arg7[%arg0, %multiple_of3A, %dma_start3A] : memref<2x10000x128xf32, #tpu.memory_space<hbm>> -> memref<1x640x128xf32, #tpu.memory_space<hbm>>
        %dma_start3A_178 = tpu.memref_squeeze %dma_start3A_177 : memref<1x640x128xf32, #tpu.memory_space<hbm>> -> memref<640x128xf32, #tpu.memory_space<hbm>>
        %dma_start3A_179 = arith.constant 0 : i32
        %dma_start3A_180 = tpu.memref_slice %arg16[%multiple_of3A, %dma_start3A_179] : memref<10240x128xf32, #tpu.memory_space<vmem_shared>> -> memref<640x128xf32, #tpu.memory_space<vmem_shared>>
        tpu.enqueue_dma source(%dma_start3A_180 : memref<640x128xf32, #tpu.memory_space<vmem_shared>>) target(%dma_start3A_178 : memref<640x128xf32, #tpu.memory_space<hbm>>) target_semaphore(%run_scoped3A : memref<!tpu.dma_semaphore, #tpu.memory_space<semaphore_mem>>)
        %dma_wait3A = arith.constant 0 : i32
        %dma_wait3A_181 = tpu.memref_slice %arg7[%arg0, %multiple_of3A, %dma_wait3A] : memref<2x10000x128xf32, #tpu.memory_space<hbm>> -> memref<1x640x128xf32, #tpu.memory_space<hbm>>
        %dma_wait3A_182 = tpu.memref_squeeze %dma_wait3A_181 : memref<1x640x128xf32, #tpu.memory_space<hbm>> -> memref<640x128xf32, #tpu.memory_space<hbm>>
        %dma_wait3A_183 = arith.constant 0 : i32
        %dma_wait3A_184 = tpu.memref_slice %arg16[%multiple_of3A, %dma_wait3A_183] : memref<10240x128xf32, #tpu.memory_space<vmem_shared>> -> memref<640x128xf32, #tpu.memory_space<vmem_shared>>
        tpu.wait_dma2 semaphore(%run_scoped3A : memref<!tpu.dma_semaphore, #tpu.memory_space<semaphore_mem>>) src(%dma_wait3A_184 : memref<640x128xf32, #tpu.memory_space<vmem_shared>>) dst(%dma_wait3A_182 : memref<640x128xf32, #tpu.memory_space<hbm>>)
        tpu.yield
      }) : () -> ()
    } else {
    }
    %eq3A_172 = arith.constant 15 : i32
    %eq3A_173 = arith.cmpi eq, %arg1, %eq3A_172 : i32
    %convert_element_type3A_174 = arith.extui %eq3A_173 : i1 to i32
    %cond3A_175 = arith.constant 0 : i32
    %cond3A_176 = arith.cmpi ne, %convert_element_type3A_174, %cond3A_175 : i32
    scf.if %cond3A_176 {
      "tpu.region"() ({
        %run_scoped3A = tpu.sem_alloc : memref<!tpu.dma_semaphore, #tpu.memory_space<semaphore_mem>>
        %dma_start3A = arith.constant 0 : i32
        %dma_start3A_177 = tpu.memref_slice %arg7[%arg0, %multiple_of3A, %dma_start3A] : memref<2x10000x128xf32, #tpu.memory_space<hbm>> -> memref<1x400x128xf32, #tpu.memory_space<hbm>>
        %dma_start3A_178 = tpu.memref_squeeze %dma_start3A_177 : memref<1x400x128xf32, #tpu.memory_space<hbm>> -> memref<400x128xf32, #tpu.memory_space<hbm>>
        %dma_start3A_179 = arith.constant 0 : i32
        %dma_start3A_180 = tpu.memref_slice %arg16[%multiple_of3A, %dma_start3A_179] : memref<10240x128xf32, #tpu.memory_space<vmem_shared>> -> memref<400x128xf32, #tpu.memory_space<vmem_shared>>
        tpu.enqueue_dma source(%dma_start3A_180 : memref<400x128xf32, #tpu.memory_space<vmem_shared>>) target(%dma_start3A_178 : memref<400x128xf32, #tpu.memory_space<hbm>>) target_semaphore(%run_scoped3A : memref<!tpu.dma_semaphore, #tpu.memory_space<semaphore_mem>>)
        %dma_wait3A = arith.constant 0 : i32
        %dma_wait3A_181 = tpu.memref_slice %arg7[%arg0, %multiple_of3A, %dma_wait3A] : memref<2x10000x128xf32, #tpu.memory_space<hbm>> -> memref<1x400x128xf32, #tpu.memory_space<hbm>>
        %dma_wait3A_182 = tpu.memref_squeeze %dma_wait3A_181 : memref<1x400x128xf32, #tpu.memory_space<hbm>> -> memref<400x128xf32, #tpu.memory_space<hbm>>
        %dma_wait3A_183 = arith.constant 0 : i32
        %dma_wait3A_184 = tpu.memref_slice %arg16[%multiple_of3A, %dma_wait3A_183] : memref<10240x128xf32, #tpu.memory_space<vmem_shared>> -> memref<400x128xf32, #tpu.memory_space<vmem_shared>>
        tpu.wait_dma2 semaphore(%run_scoped3A : memref<!tpu.dma_semaphore, #tpu.memory_space<semaphore_mem>>) src(%dma_wait3A_184 : memref<400x128xf32, #tpu.memory_space<vmem_shared>>) dst(%dma_wait3A_182 : memref<400x128xf32, #tpu.memory_space<hbm>>)
        tpu.yield
      }) : () -> ()
    } else {
    }
    return
  }
}

module attributes {stable_mosaic.version = 14 : i64} {
  func.func @body(%arg0: i32, %arg1: memref<1000x128xf32, #tpu.memory_space<vmem>>, %arg2: memref<128x384xf32, #tpu.memory_space<vmem>>, %arg3: memref<1x384xf32, #tpu.memory_space<vmem>>, %arg4: memref<1000x384xf32, #tpu.memory_space<vmem>>) attributes {dimension_semantics = [#tpu.dimension_semantics<arbitrary>], iteration_bounds = array<i64: 10>, scalar_prefetch = 0 : i64, scratch_operands = 0 : i64, tpu.core_type = #tpu.core_type<tc>, window_params = [{transform_indices = @transform_0, window_bounds = array<i64: 1000, 128>}, {pipeline_mode = #tpu.pipeline_mode<synchronous>, transform_indices = @transform_1, window_bounds = array<i64: 128, 384>}, {pipeline_mode = #tpu.pipeline_mode<synchronous>, transform_indices = @transform_2, window_bounds = array<i64: 1, 384>}, {transform_indices = @transform_3, window_bounds = array<i64: 1000, 384>}]} {
    %get3A = arith.constant 0 : index
    %get3A_0 = arith.constant 0 : index
    %get3A_1 = vector.load %arg1[%get3A, %get3A_0] : memref<1000x128xf32, #tpu.memory_space<vmem>>, vector<1000x128xf32>
    %get3A_2 = arith.constant 0 : index
    %get3A_3 = arith.constant 0 : index
    %get3A_4 = vector.load %arg2[%get3A_2, %get3A_3] : memref<128x384xf32, #tpu.memory_space<vmem>>, vector<128x384xf32>
    %dot_general3A = arith.constant dense<0.000000e+00> : vector<1000x384xf32>
    %dot_general3A_5 = tpu.matmul %get3A_1, %get3A_4, %dot_general3A {dimension_numbers = #tpu.dot_dimension_numbers<[1], [0], [0], [1], [0, 0, 1, 1], [], []>, transpose_lhs_hint = false} : vector<1000x128xf32>, vector<128x384xf32>, vector<1000x384xf32> -> vector<1000x384xf32>
    %get3A_6 = arith.constant 0 : index
    %get3A_7 = arith.constant 0 : index
    %get3A_8 = vector.load %arg3[%get3A_6, %get3A_7] : memref<1x384xf32, #tpu.memory_space<vmem>>, vector<1x384xf32>
    %add3A = vector.broadcast %get3A_8 : vector<1x384xf32> to vector<1000x384xf32>
    %add3A_9 = arith.addf %dot_general3A_5, %add3A : vector<1000x384xf32>
    %swap3A = arith.constant 0 : index
    %swap3A_10 = arith.constant 0 : index
    %swap3A_11 = vector.load %arg4[%swap3A, %swap3A_10] : memref<1000x384xf32, #tpu.memory_space<vmem>>, vector<1000x384xf32>
    tpu.vector_store %arg4[%swap3A, %swap3A_10], %add3A_9 {strides = array<i32>} : memref<1000x384xf32, #tpu.memory_space<vmem>>, vector<1000x384xf32>,
    return
  }
  func.func @transform_0(%arg0: i32) -> (i32, i32) {
    %c0_i32 = arith.constant 0 : i32
    %c0_i32_0 = arith.constant 0 : i32
    return %arg0, %c0_i32 : i32, i32
  }
  func.func @transform_1(%arg0: i32) -> (i32, i32) {
    %c0_i32 = arith.constant 0 : i32
    %c0_i32_0 = arith.constant 0 : i32
    %c0_i32_1 = arith.constant 0 : i32
    return %c0_i32, %c0_i32_0 : i32, i32
  }
  func.func @transform_2(%arg0: i32) -> (i32, i32) {
    %c0_i32 = arith.constant 0 : i32
    %c0_i32_0 = arith.constant 0 : i32
    %c0_i32_1 = arith.constant 0 : i32
    return %c0_i32, %c0_i32_0 : i32, i32
  }
  func.func @transform_3(%arg0: i32) -> (i32, i32) {
    %c0_i32 = arith.constant 0 : i32
    %c0_i32_0 = arith.constant 0 : i32
    return %arg0, %c0_i32 : i32, i32
  }
}

module attributes {stable_mosaic.version = 14 : i64} {
  func.func @body(%arg0: i32, %arg1: memref<1000x128xf32, #tpu.memory_space<vmem>>, %arg2: memref<1000x128xf32, #tpu.memory_space<vmem>>, %arg3: memref<1000x128xf32, #tpu.memory_space<vmem>>, %arg4: memref<1000x128xf32, #tpu.memory_space<vmem>>, %arg5: memref<1000x128xf32, #tpu.memory_space<vmem>>, %arg6: memref<1000x128xf32, #tpu.memory_space<vmem>>, %arg7: memref<1000x128xf32, #tpu.memory_space<vmem>>) attributes {dimension_semantics = [#tpu.dimension_semantics<arbitrary>], iteration_bounds = array<i64: 10>, scalar_prefetch = 0 : i64, scratch_operands = 0 : i64, tpu.core_type = #tpu.core_type<tc>, window_params = [{transform_indices = @transform_0, window_bounds = array<i64: 1000, 128>}, {transform_indices = @transform_1, window_bounds = array<i64: 1000, 128>}, {transform_indices = @transform_2, window_bounds = array<i64: 1000, 128>}, {transform_indices = @transform_3, window_bounds = array<i64: 1000, 128>}, {transform_indices = @transform_4, window_bounds = array<i64: 1000, 128>}, {transform_indices = @transform_5, window_bounds = array<i64: 1000, 128>}, {transform_indices = @transform_6, window_bounds = array<i64: 1000, 128>}]} {
    %get3A = arith.constant 0 : index
    %get3A_0 = arith.constant 0 : index
    %get3A_1 = vector.load %arg1[%get3A, %get3A_0] : memref<1000x128xf32, #tpu.memory_space<vmem>>, vector<1000x128xf32>
    %get3A_2 = arith.constant 0 : index
    %get3A_3 = arith.constant 0 : index
    %get3A_4 = vector.load %arg2[%get3A_2, %get3A_3] : memref<1000x128xf32, #tpu.memory_space<vmem>>, vector<1000x128xf32>
    %add3A = arith.addf %get3A_1, %get3A_4 : vector<1000x128xf32>
    %reduce_max3A = arith.constant dense<0xFF800000> : vector<1000xf32>
    %reduce_max3A_5 = vector.multi_reduction <maximumf>, %add3A, %reduce_max3A [1] : vector<1000x128xf32> to vector<1000xf32>
    %broadcast_in_dim3A = vector.shape_cast %reduce_max3A_5 : vector<1000xf32> to vector<1000x1xf32>
    %max3A = arith.constant 1.000000e+00 : f32
    %max3A_6 = vector.broadcast %max3A : f32 to vector<1000x1xf32>
    %max3A_7 = arith.maximumf %broadcast_in_dim3A, %max3A_6 : vector<1000x1xf32>
    %rsqrt3A = math.rsqrt %max3A_7 : vector<1000x1xf32>
    %broadcast_in_dim3A_8 = vector.shape_cast %rsqrt3A : vector<1000x1xf32> to vector<1000x1xf32>
    %broadcast_in_dim3A_9 = vector.broadcast %broadcast_in_dim3A_8 : vector<1000x1xf32> to vector<1000x128xf32>
    %swap3A = arith.constant 0 : index
    %swap3A_10 = arith.constant 0 : index
    %swap3A_11 = vector.load %arg5[%swap3A, %swap3A_10] : memref<1000x128xf32, #tpu.memory_space<vmem>>, vector<1000x128xf32>
    tpu.vector_store %arg5[%swap3A, %swap3A_10], %broadcast_in_dim3A_9 {strides = array<i32>} : memref<1000x128xf32, #tpu.memory_space<vmem>>, vector<1000x128xf32>,
    %get3A_12 = arith.constant 0 : index
    %get3A_13 = arith.constant 0 : index
    %get3A_14 = vector.load %arg3[%get3A_12, %get3A_13] : memref<1000x128xf32, #tpu.memory_space<vmem>>, vector<1000x128xf32>
    %mul3A = arith.mulf %get3A_14, %broadcast_in_dim3A_9 : vector<1000x128xf32>
    %swap3A_15 = arith.constant 0 : index
    %swap3A_16 = arith.constant 0 : index
    %swap3A_17 = vector.load %arg6[%swap3A_15, %swap3A_16] : memref<1000x128xf32, #tpu.memory_space<vmem>>, vector<1000x128xf32>
    tpu.vector_store %arg6[%swap3A_15, %swap3A_16], %mul3A {strides = array<i32>} : memref<1000x128xf32, #tpu.memory_space<vmem>>, vector<1000x128xf32>,
    %get3A_18 = arith.constant 0 : index
    %get3A_19 = arith.constant 0 : index
    %get3A_20 = vector.load %arg4[%get3A_18, %get3A_19] : memref<1000x128xf32, #tpu.memory_space<vmem>>, vector<1000x128xf32>
    %mul3A_21 = arith.mulf %get3A_20, %broadcast_in_dim3A_9 : vector<1000x128xf32>
    %swap3A_22 = arith.constant 0 : index
    %swap3A_23 = arith.constant 0 : index
    %swap3A_24 = vector.load %arg7[%swap3A_22, %swap3A_23] : memref<1000x128xf32, #tpu.memory_space<vmem>>, vector<1000x128xf32>
    tpu.vector_store %arg7[%swap3A_22, %swap3A_23], %mul3A_21 {strides = array<i32>} : memref<1000x128xf32, #tpu.memory_space<vmem>>, vector<1000x128xf32>,
    return
  }
  func.func @transform_0(%arg0: i32) -> (i32, i32) {
    %c0_i32 = arith.constant 0 : i32
    %c0_i32_0 = arith.constant 0 : i32
    return %arg0, %c0_i32 : i32, i32
  }
  func.func @transform_1(%arg0: i32) -> (i32, i32) {
    %c0_i32 = arith.constant 0 : i32
    %c0_i32_0 = arith.constant 0 : i32
    return %arg0, %c0_i32 : i32, i32
  }
  func.func @transform_2(%arg0: i32) -> (i32, i32) {
    %c0_i32 = arith.constant 0 : i32
    %c0_i32_0 = arith.constant 0 : i32
    return %arg0, %c0_i32 : i32, i32
  }
  func.func @transform_3(%arg0: i32) -> (i32, i32) {
    %c0_i32 = arith.constant 0 : i32
    %c0_i32_0 = arith.constant 0 : i32
    return %arg0, %c0_i32 : i32, i32
  }
  func.func @transform_4(%arg0: i32) -> (i32, i32) {
    %c0_i32 = arith.constant 0 : i32
    %c0_i32_0 = arith.constant 0 : i32
    return %arg0, %c0_i32 : i32, i32
  }
  func.func @transform_5(%arg0: i32) -> (i32, i32) {
    %c0_i32 = arith.constant 0 : i32
    %c0_i32_0 = arith.constant 0 : i32
    return %arg0, %c0_i32 : i32, i32
  }
  func.func @transform_6(%arg0: i32) -> (i32, i32) {
    %c0_i32 = arith.constant 0 : i32
    %c0_i32_0 = arith.constant 0 : i32
    return %arg0, %c0_i32 : i32, i32
  }
}

module attributes {stable_mosaic.version = 14 : i64} {
  func.func @body(%arg0: i32, %arg1: memref<2x1000x128xf32, #tpu.memory_space<vmem>>, %arg2: memref<1000x128xf32, #tpu.memory_space<vmem>>, %arg3: memref<1000x128xf32, #tpu.memory_space<vmem>>) attributes {dimension_semantics = [#tpu.dimension_semantics<arbitrary>], iteration_bounds = array<i64: 10>, scalar_prefetch = 0 : i64, scratch_operands = 0 : i64, tpu.core_type = #tpu.core_type<tc>, window_params = [{transform_indices = @transform_0, window_bounds = array<i64: 2, 1000, 128>}, {transform_indices = @transform_1, window_bounds = array<i64: 1000, 128>}, {transform_indices = @transform_2, window_bounds = array<i64: 1000, 128>}]} {
    %get3A = arith.constant 0 : index
    %get3A_0 = arith.constant 0 : index
    %get3A_1 = vector.load %arg2[%get3A, %get3A_0] : memref<1000x128xf32, #tpu.memory_space<vmem>>, vector<1000x128xf32>
    %get3A_2 = arith.constant 0 : index
    %get3A_3 = arith.constant 0 : index
    %get3A_4 = arith.constant 0 : index
    %get3A_5 = vector.load %arg1[%get3A_2, %get3A_3, %get3A_4] : memref<2x1000x128xf32, #tpu.memory_space<vmem>>, vector<1x1000x128xf32>
    %get3A_6 = vector.shape_cast %get3A_5 : vector<1x1000x128xf32> to vector<1000x128xf32>
    %get3A_7 = arith.constant 1 : index
    %get3A_8 = arith.constant 0 : index
    %get3A_9 = arith.constant 0 : index
    %get3A_10 = vector.load %arg1[%get3A_7, %get3A_8, %get3A_9] : memref<2x1000x128xf32, #tpu.memory_space<vmem>>, vector<1x1000x128xf32>
    %get3A_11 = vector.shape_cast %get3A_10 : vector<1x1000x128xf32> to vector<1000x128xf32>
    %add3A = arith.addf %get3A_6, %get3A_11 : vector<1000x128xf32>
    %mul3A = arith.mulf %add3A, %get3A_1 : vector<1000x128xf32>
    %mul3A_12 = arith.mulf %mul3A, %get3A_1 : vector<1000x128xf32>
    %swap3A = arith.constant 0 : index
    %swap3A_13 = arith.constant 0 : index
    %swap3A_14 = vector.load %arg3[%swap3A, %swap3A_13] : memref<1000x128xf32, #tpu.memory_space<vmem>>, vector<1000x128xf32>
    tpu.vector_store %arg3[%swap3A, %swap3A_13], %mul3A_12 {strides = array<i32>} : memref<1000x128xf32, #tpu.memory_space<vmem>>, vector<1000x128xf32>,
    return
  }
  func.func @transform_0(%arg0: i32) -> (i32, i32, i32) {
    %c0_i32 = arith.constant 0 : i32
    %c0_i32_0 = arith.constant 0 : i32
    %c0_i32_1 = arith.constant 0 : i32
    return %c0_i32, %arg0, %c0_i32_0 : i32, i32, i32
  }
  func.func @transform_1(%arg0: i32) -> (i32, i32) {
    %c0_i32 = arith.constant 0 : i32
    %c0_i32_0 = arith.constant 0 : i32
    return %arg0, %c0_i32 : i32, i32
  }
  func.func @transform_2(%arg0: i32) -> (i32, i32) {
    %c0_i32 = arith.constant 0 : i32
    %c0_i32_0 = arith.constant 0 : i32
    return %arg0, %c0_i32 : i32, i32
  }
}

module attributes {stable_mosaic.version = 14 : i64} {
  func.func @body(%arg0: i32, %arg1: memref<2x1000x128xf32, #tpu.memory_space<vmem>>, %arg2: memref<1000x128xf32, #tpu.memory_space<vmem>>, %arg3: memref<1000x128xf32, #tpu.memory_space<vmem>>) attributes {dimension_semantics = [#tpu.dimension_semantics<arbitrary>], iteration_bounds = array<i64: 10>, scalar_prefetch = 0 : i64, scratch_operands = 0 : i64, tpu.core_type = #tpu.core_type<tc>, window_params = [{transform_indices = @transform_0, window_bounds = array<i64: 2, 1000, 128>}, {transform_indices = @transform_1, window_bounds = array<i64: 1000, 128>}, {transform_indices = @transform_2, window_bounds = array<i64: 1000, 128>}]} {
    %get3A = arith.constant 0 : index
    %get3A_0 = arith.constant 0 : index
    %get3A_1 = vector.load %arg2[%get3A, %get3A_0] : memref<1000x128xf32, #tpu.memory_space<vmem>>, vector<1000x128xf32>
    %get3A_2 = arith.constant 0 : index
    %get3A_3 = arith.constant 0 : index
    %get3A_4 = arith.constant 0 : index
    %get3A_5 = vector.load %arg1[%get3A_2, %get3A_3, %get3A_4] : memref<2x1000x128xf32, #tpu.memory_space<vmem>>, vector<1x1000x128xf32>
    %get3A_6 = vector.shape_cast %get3A_5 : vector<1x1000x128xf32> to vector<1000x128xf32>
    %get3A_7 = arith.constant 1 : index
    %get3A_8 = arith.constant 0 : index
    %get3A_9 = arith.constant 0 : index
    %get3A_10 = vector.load %arg1[%get3A_7, %get3A_8, %get3A_9] : memref<2x1000x128xf32, #tpu.memory_space<vmem>>, vector<1x1000x128xf32>
    %get3A_11 = vector.shape_cast %get3A_10 : vector<1x1000x128xf32> to vector<1000x128xf32>
    %add3A = arith.addf %get3A_6, %get3A_11 : vector<1000x128xf32>
    %mul3A = arith.mulf %add3A, %get3A_1 : vector<1000x128xf32>
    %swap3A = arith.constant 0 : index
    %swap3A_12 = arith.constant 0 : index
    %swap3A_13 = vector.load %arg3[%swap3A, %swap3A_12] : memref<1000x128xf32, #tpu.memory_space<vmem>>, vector<1000x128xf32>
    tpu.vector_store %arg3[%swap3A, %swap3A_12], %mul3A {strides = array<i32>} : memref<1000x128xf32, #tpu.memory_space<vmem>>, vector<1000x128xf32>,
    return
  }
  func.func @transform_0(%arg0: i32) -> (i32, i32, i32) {
    %c0_i32 = arith.constant 0 : i32
    %c0_i32_0 = arith.constant 0 : i32
    %c0_i32_1 = arith.constant 0 : i32
    return %c0_i32, %arg0, %c0_i32_0 : i32, i32, i32
  }
  func.func @transform_1(%arg0: i32) -> (i32, i32) {
    %c0_i32 = arith.constant 0 : i32
    %c0_i32_0 = arith.constant 0 : i32
    return %arg0, %c0_i32 : i32, i32
  }
  func.func @transform_2(%arg0: i32) -> (i32, i32) {
    %c0_i32 = arith.constant 0 : i32
    %c0_i32_0 = arith.constant 0 : i32
    return %arg0, %c0_i32 : i32, i32
  }
}

</mosaic_0001>

<sc_bundles>
// kernel: kernel.10.cloned.1.call-start
scs
__scs_entry_jumppad:
0x0: {  	(pc) =	sbr.rel $0x88, $3  }
0x1: {  	(tag) =	ssettag $0x0;
	lr =	simm.s32 $0x1  }
0x2: {  	[smem:$0x3F99] =	sst lr;
	_ =	strace $0xD0000000  }
0x3: {  	_ = 	snop  }
0x4: {  	_ = 	snop  }
0x5: {  	_ = 	snop  }
0x6: {  	_ = 	snop  }
0x7: {  	_ = 	snop  }
__scs_overlays_trampoline_lowered:
0x8: {  	[smem:$0x3FA8] =	sst s0  }
0x9: {  	[smem:$0x3FA9] =	sst s1  }
0xa: {  	[smem:$0x3FAA] =	sst s2  }
0xb: {  	[smem:$0x3FAB] =	sst s3  }
0xc: {  	[smem:$0x3FAC] =	sst s4  }
0xd: {  	[smem:$0x3FAD] =	sst s5  }
0xe: {  	[smem:$0x3FAE] =	sst s6  }
0xf: {  	[smem:$0x3FAF] =	sst s7  }
0x10: {  	[smem:$0x3FB0] =	sst s8  }
0x11: {  	[smem:$0x3FB1] =	sst s9;
	s0 =	simm.s32 @!p0 $0x0  }
0x12: {  	s1 =	sld [smem:$0x3F97];
	s0 =	simm.s32 @p0 $0x1  }
0x13: {  	[smem:$0x3FB2] =	sst s0;
	s0 =	simm.s32 @!p1 $0x0  }
0x14: {  	s2 =	sld [smem:$0x3F96];
	s0 =	simm.s32 @p1 $0x1  }
0x15: {  	[smem:$0x3FB3] =	sst s0;
	s0 =	simm.s32 @!p2 $0x0  }
0x16: {  	s3 =	sld [smem:$0x3FDB];
	s0 =	simm.s32 @p2 $0x1  }
0x17: {  	s4 =	simm.s32 $0x1BF5;
	[smem:$0x3FB5] =	sst s0  }
0x18: {  	s0 =	sld [smem:$0x3F98];
	_ =	swait.ge [sflag:s4], $0x0  }
0x19: {  	s7 =	sld [smem:$0x3F99]  }
0x1a: {  	s8 =	sadd.s32 $0xFFFFE003, lr  }
0x1b: {  	s9 =	sadd.s32 $0xFFFFFEF7, lr;
	s5 =	simm.s32 $0xFFFFFFFF;
	p2 =	slt.u32 s8, $0xFFFFF086  }
0x1c: {  	p1 =	slt.u32 s9, $0xF7A;
	s5 =	simm.s32 @!p2 $0x0  }
0x1d: {  	s5 =	simm.s32 @p1 $0x1;
	p0 =	seq.s32 s7, s2  }
0x1e: {  	s7 =	smul.u32 @!p0 $0xF7A, s2;
	p2 =	seq.s32 @!p0 s5, $0x0  }
0x1f: {  	s9 =	smul.u32 $0xF7A, s1;
	s8 =	simm.s32 @!p0 $0x1BF5;
	p2 =	por !p2, p0  }
0x20: {  	[sflag:s8] =	ssyncset.s32 @!p0 $0xFFFFF086;
	s6 =	sadd.s32 @!p0 s3, s7;
	s7 =	simm.s32 @!p0 $0x108  }
0x21: {  	s3 =	sadd.s32 s3, s9;
	s6 =	sadd.s32 @!p0 $0x88, s6;
	s7 =	simm.s32 @p2 $0x1082  }
0x22: {  	[simem:s7], [sflag:s8] =	dma.local @!p0 [hbm:s6], $0xF7A  }
0x23: {  	s9 =	sor.u32 $0xD0000000, s2;
	s6 =	simm.s32 $0x108;
	_ =	swait.ge @!p0 [sflag:s8], $0x0  }
0x24: {  	s3 =	sadd.s32 $0x88, s3;
	s6 =	simm.s32 @!p1 $0x1082;
	[sflag:s4] =	ssyncset.s32 $0xFFFFF086  }
0x25: {  	[simem:s6], [sflag:s4] =	dma.local [hbm:s3], $0xF7A  }
0x26: {  	[smem:$0x3F99] =	sst s1;
	(tag) =	ssettag s2;
	_ =	strace s9  }
0x27: {  	s1 =	sld [smem:$0x3FA9]  }
0x28: {  	s2 =	sld [smem:$0x3FAA]  }
0x29: {  	s4 =	sld [smem:$0x3FAC]  }
0x2a: {  	p0 =	seq.s32 s5, $0x0;
	s5 =	sld [smem:$0x3FAD]  }
0x2b: {  	s6 =	sld [smem:$0x3FAE]  }
0x2c: {  	s7 =	sld [smem:$0x3FAF]  }
0x2d: {  	s3 =	simm.s32 $0x108;
	s8 =	sld [smem:$0x3FB0]  }
0x2e: {  	s3 =	simm.s32 @!p0 $0x1082;
	s9 =	sld [smem:$0x3FB1]  }
0x2f: {  	lr =	sadd.s32 s0, s3;
	s0 =	sld [smem:$0x3FA8]  }
0x30: {  	s3 =	sld [smem:$0x3FAB]  }
0x31: {  	[smem:$0x3FB4] =	sst s10  }
0x32: {  	s10 =	sld [smem:$0x3FB2];
	_ =	sdelay $0x3  }
0x33: {  	p0 =	seq.s32 s10, $0x1;
	s10 =	sld [smem:$0x3FB4];
	_ =	sdelay $0x3  }
0x34: {  	[smem:$0x3FB4] =	sst s10  }
0x35: {  	s10 =	sld [smem:$0x3FB3];
	_ =	sdelay $0x3  }
0x36: {  	p1 =	seq.s32 s10, $0x1;
	s10 =	sld [smem:$0x3FB4];
	_ =	sdelay $0x3  }
0x37: {  	[smem:$0x3FB4] =	sst s10  }
0x38: {  	s10 =	sld [smem:$0x3FB5]  }
0x39: {  	_ = 	snop;
	(pc) =	sbr.ind lr, $3  }
0x3a: {  	_ = 	snop  }
0x3b: {  	_ = 	snop  }
0x3c: {  	p2 =	seq.s32 s10, $0x1;
	s10 =	sld [smem:$0x3FB4]  }
0x3d: {  	_ =	shalt  }
0x3e: {  	_ =	shalt  }
0x3f: {  	_ =	shalt  }
0x40: {  	_ =	shalt  }
0x41: {  	_ =	shalt  }
0x42: {  	_ =	shalt  }
0x43: {  	_ =	shalt  }
0x44: {  	_ =	shalt  }
0x45: {  	_ =	shalt  }
0x46: {  	_ =	shalt  }
0x47: {  	_ =	shalt  }
0x48: {  	_ =	shalt  }
0x49: {  	_ =	shalt  }
0x4a: {  	_ =	shalt  }
0x4b: {  	_ =	shalt  }
0x4c: {  	_ =	shalt  }
0x4d: {  	_ =	shalt  }
0x4e: {  	_ =	shalt  }
0x4f: {  	_ =	shalt  }
0x50: {  	_ =	shalt  }
0x51: {  	_ =	shalt  }
0x52: {  	_ =	shalt  }
0x53: {  	_ =	shalt  }
0x54: {  	_ =	shalt  }
0x55: {  	_ =	shalt  }
0x56: {  	_ =	shalt  }
0x57: {  	_ =	shalt  }
0x58: {  	_ =	shalt  }
0x59: {  	_ =	shalt  }
0x5a: {  	_ =	shalt  }
0x5b: {  	_ =	shalt  }
0x5c: {  	_ =	shalt  }
0x5d: {  	_ =	shalt  }
0x5e: {  	_ =	shalt  }
0x5f: {  	_ =	shalt  }
0x60: {  	_ =	shalt  }
0x61: {  	_ =	shalt  }
0x62: {  	_ =	shalt  }
0x63: {  	_ =	shalt  }
0x64: {  	_ =	shalt  }
0x65: {  	_ =	shalt  }
0x66: {  	_ =	shalt  }
0x67: {  	_ =	shalt  }
0x68: {  	_ =	shalt  }
0x69: {  	_ =	shalt  }
0x6a: {  	_ =	shalt  }
0x6b: {  	_ =	shalt  }
0x6c: {  	_ =	shalt  }
0x6d: {  	_ =	shalt  }
0x6e: {  	_ =	shalt  }
0x6f: {  	_ =	shalt  }
0x70: {  	_ =	shalt  }
0x71: {  	_ =	shalt  }
0x72: {  	_ =	shalt  }
0x73: {  	_ =	shalt  }
0x74: {  	_ =	shalt  }
0x75: {  	_ =	shalt  }
0x76: {  	_ =	shalt  }
0x77: {  	_ =	shalt  }
0x78: {  	_ =	shalt  }
0x79: {  	_ =	shalt  }
0x7a: {  	_ =	shalt  }
0x7b: {  	_ =	shalt  }
0x7c: {  	_ =	shalt  }
0x7d: {  	_ =	shalt  }
0x7e: {  	_ =	shalt  }
0x7f: {  	_ =	shalt  }
0x80: {  	_ =	shalt  }
0x81: {  	_ =	shalt  }
0x82: {  	_ =	shalt  }
0x83: {  	_ =	shalt  }
0x84: {  	_ =	shalt  }
0x85: {  	_ =	shalt  }
0x86: {  	_ =	shalt  }
0x87: {  	_ =	shalt  }
.Lfunc_end0:
.L_simem_size_0:
called_computation_lowered:
.L_overlay_start_0:
0x88: {  	s2 =	sld [smem:$0x3FD9]  }
0x89: {  	s3 =	sld [smem:$0x3FFE];
	_ =	sdelay $0x1  }
0x8a: {  	s1 =	srdreg.scid  }
0x8b: {  	s0 =	sand.u32 $0x1, s1  }
0x8c: {  	s17 =	sshll.u32 s0, $0xA;
	s2 =	sadd.s32 s3, s2  }
0x8d: {  	s2 =	sadd.s32 s2, s17  }
0x8e: {  	[smem:$0x3FC0] =	sst s2  }
0x8f: {  	_ = 	snop  }
0x90: {  	s2 =	sld [smem:$0x3FD0];
	(tm) =	ssettm $0x1  }
0x91: {  	s18 =	sld [smem:$0x3FFB];
	_ =	sdelay $0x3  }
0x92: {  	_ =	strace s18  }
0x93: {  	s3 =	sld [smem:$0x3FFC];
	_ =	sdelay $0x3  }
0x94: {  	_ =	strace s3  }
0x95: {  	s3 =	sld [smem:$0x3FFD];
	_ =	sdelay $0x3  }
0x96: {  	_ =	strace s3  }
0x97: {  	_ =	strace $0x8FFFFFFF  }
0x98: {  	s19 =	sld [smem:$0x3FDB];
	_ =	sdelay $0x1  }
0x99: {  	s4 =	simm.s32 $_scs_section_size  }
0x9a: {  	s5 =	simm.s32 $_size__tile_overlayer_lowered;
	s6 =	simm.s32 $_tile_overlayer_lowered  }
0x9b: {  	s22 =	simm.s32 $0x1BFF;
	s21 =	sshll.u32 s6, $0x1;
	s3 =	sadd.s32 s4, s19  }
0x9c: {  	s7 =	simm.s32 $0x0;
	s20 =	sshll.u32 s5, $0x1;
	s5 =	sadd.s32 s21, s3  }
0x9d: {  	[timem:s7], [sflag:s22] =	dma.local [hbm:s5], s20  }
0x9e: {  	_ =	swait.ge [sflag:s22], s20  }
0x9f: {  	s4 =	ssub.s32 $0x0, s20;
	[sflag:s22] =	ssyncset.done $0x0  }
0xa0: {  	[sflag:s22] =	ssyncadd.s32 s4;
	_ =	sdelay $0x1  }
0xa1: {  	s23 =	simm.s32 $0x1B8B  }
0xa2: {  	_ =	swait.ge [sflag:s23], $0x1  }
0xa3: {  	[sflag:s23] =	ssyncset.done $0x0  }
0xa4: {  	s25 =	simm.s32 $0x1B8E;
	s24 =	sld [smem:$0x3FFE];
	[sflag:s23] =	ssyncadd.s32 $0xFFFFFFFF  }
0xa5: {  	s26 =	simm.s32 $execute0_lowered;
	[smem:$0x3FD2] =	sst s25  }
0xa6: {  	s5 =	sshll.u32 s26, $0x1;
	_ =	strace $0x80000046;
	[dreg:$0x1] =	wrdreg $0xFFFFFFFF  }
0xa7: {  	s28 =	simm.s32 $_size_execute0_lowered;
	s3 =	sadd.s32 s3, s5;
	[dreg:$0x0] =	wrdreg $0x0  }
0xa8: {  	s5 =	sshll.u32 s28, $0x1;
	[dreg:$0x2] =	wrdreg s3  }
0xa9: {  	[dreg:$0x3] =	wrdreg s5  }
0xaa: {  	[dreg:$0x4] =	wrdreg $0xC0  }
0xab: {  	_ =	task [dreg:s7], $0x5FFFF  }
0xac: {  	[dreg:$0x1] =	wrdreg $0xFFFFFFFF  }
0xad: {  	[dreg:$0x0] =	wrdreg $0x60  }
0xae: {  	[dreg:$0x2] =	wrdreg s24  }
0xaf: {  	[dreg:$0x3] =	wrdreg s2  }
0xb0: {  	[dreg:$0x4] =	wrdreg $0x90000  }
0xb1: {  	[dreg:$0x5] =	wrdreg $0x9  }
0xb2: {  	_ =	task.clear_ibuf [dreg:s7], $0x6FFFF;
	_ =	strace $0x90000046  }
0xb3: {  	s29 =	simm.s32 $0x9;
	_ =	strace $0x80000048  }
0xb4: {  	_ =	swait.ge [sflag:s29], $0x1  }
0xb5: {  	[sflag:s29] =	ssyncadd.s32 $0xFFFFFFFF  }
0xb6: {  	_ =	strace $0x90000048  }
0xb7: {  	_ =	sfence  }
0xb8: {  	s30 =	sld [smem:$0x0];
	_ =	sdelay $0x2  }
0xb9: {  	s31 =	sshll.u32 s1, $0xD;
	s1 =	sshrl.u32 s1, $0x2  }
0xba: {  	s3 =	sand.u32 $0x4000, s31;
	s1 =	sadd.s32 s1, s30  }
0xbb: {  	s0 =	sor.u32 s3, s0;
	s1 =	sshll.u32 s1, $0x11  }
0xbc: {  	s0 =	sor.u32 s1, s0  }
0xbd: {  	s0 =	sadd.s32 $0x8F2B, s0  }
0xbe: {  	[sflag:s0] =	ssyncadd.remote.s32 $0x1  }
0xbf: {  	_ =	sfence.sel $0xFFFF  }
0xc0: {  	[dreg:$0x0] =	wrdreg $0xFFFFFFFF;
	(pc) =	sbr.abs _section_cstart, $3  }
0xc1: {  	[dreg:$0x1] =	wrdreg $0xFFFFFFFF  }
0xc2: {  	_ =	task.clear_ibuf [dreg:s7], $0x2FFFF;
	_ =	strace $0x9FFFFFFF  }
0xc3: {  	(tm) =	ssettm $0x7FFFFFFF  }
tec
execute0_lowered:
.L_overlay_start_1:
0x0: {  	(tag) =	ssettag $0x1  }
0x1: {  	s4 =	rddreg [dreg:$0x0]  }
0x2: {  	s8 =	rddreg [dreg:$0x1]  }
0x3: {  	s0 =	srdreg.scid;
	s2 =	rddreg [dreg:$0x2]  }
0x4: {  	s1 =	stileid.u32;
	s3 =	simm.s32 $0x0;
	s11 =	simm.s32 $0x6800  }
0x5: {  	s12 =	simm.s32 $0x80;
	s13 =	simm.s32 $0x2800;
	s15 =	simm.s32 $0x0  }
0x6: {  	s5 =	sand.u32 $0x1, s0;
	s0 =	rddreg [dreg:$0x3];
	s30 =	smul.u32 $0x14000, s1  }
0x7: {  	[smem:$0x7FF] =	sst s3;
	p0 =	seq.s32 s1, $0xF;
	s31 =	smul.u32 $0x50000, s1  }
0x8: {  	s14 =	sadd.s32 $0x12C000, s2;
	s6 =	sshll.u32 s5, $0x4;
	s7 =	ssub.s32 $0x2, s5  }
0x9: {  	s10 =	smul.u32 $0x138800, s5;
	s6 =	sor.u32 s1, s6;
	s9 =	sshrl.u32 s7, $0x1  }
0xa: {  	s6 =	smul.u32 $0x500, s6;
	s9 =	ssub.s32 s7, s9;
	s7 =	sshrl.u32 s31, $0x2  }
0xb: {  	_ =	strace $0x80000047;
	s14 =	sshrl.u32 @p0 s14, $0x3;
	s7 =	sadd.s32 s7, s2  }
0xc: {  	s9 =	smax.u32 s9, $0x1;
	s29 =	sadd.s32 s6, s4;
	s6 =	sadd.s32 s30, s10  }
0xd: {  	s4 =	simm.s32 $0x5;
	s10 =	sshrl.u32 s10, $0x3;
	s6 =	sshrl.u32 s6, $0x3  }
0xe: {  	s5 =	sadd.s32 $0x3000, s29;
	s6 =	sadd.s32 s8, s6;
	s8 =	sadd.s32 s8, s10  }
0xf: {  	v0 =	vimm.f32 $1.000000000e+00;
	v1 =	vimm.f32 $0.0e+00;
	s4 =	simm.s32 @!p0 $0x8;
	s10 =	simm.s32 $0x1;
	s8 =	sadd.s32 $0x25800, s8  }
.LBB2_1:
0x10: {  	[tilespmem:s3], [sflag:$0x1] =	stream.linear.gather [hbm4b:s5+s3], $0x2800, $0x38;
	[tilespmem:$0x1D000] =	vst v63  }
0x11: {  	_ =	swait.ge [sflag:s10], $0x2800  }
0x12: {  	[sflag:s10] =	ssyncset.done $0x0  }
0x13: {  	s16 =	simm.s32 $0x0;
	s17 =	simm.s32 $0x200;
	[sflag:s10] =	ssyncadd.s32 $0xFFFFD800  }
.LBB2_2:
0x14: {  	p1 =	sne.s32 s17, $0xFE00;
	[tilespmem:s16+$0x2870] =	vst v0  }
0x15: {  	[tilespmem:s16+$0x2800] =	vst v0  }
0x16: {  	[tilespmem:s16+$0x2810] =	vst v0  }
.Ltmp0:
0x17: {  	[tilespmem:s16+$0x2820] =	vst v0;
	(pc) =	sbr.rel @p1 .LBB2_2-.Ltmp0, $4  }
0x18: {  	[tilespmem:s16+$0x2830] =	vst v0  }
0x19: {  	[tilespmem:s16+$0x2840] =	vst v0  }
0x1a: {  	[tilespmem:s16+$0x2850] =	vst v0  }
0x1b: {  	[tilespmem:s16+$0x2860] =	vst v0;
	s16 =	sshra.s32 s17, $0x2;
	s17 =	sadd.s32 $0x200, s17  }
0x1c: {  	[tilespmem:s16+$0x2870] =	vst v0  }
0x1d: {  	[tilespmem:s16+$0x2800] =	vst v0  }
0x1e: {  	[tilespmem:s16+$0x2810] =	vst v0  }
0x1f: {  	[tilespmem:s16+$0x2820] =	vst v0  }
0x20: {  	[tilespmem:s16+$0x2830] =	vst v0  }
0x21: {  	[tilespmem:s16+$0x2840] =	vst v0  }
0x22: {  	[tilespmem:s16+$0x2850] =	vst v0  }
0x23: {  	[tilespmem:s16+$0x2860] =	vst v0;
	s16 =	simm.s32 $0x0;
	s17 =	simm.s32 $0x200  }
.LBB2_4:
0x24: {  	p1 =	sne.s32 s17, $0x9E00;
	[tilespmem:s16+$0x6870] =	vst v1  }
0x25: {  	[tilespmem:s16+$0x6800] =	vst v1  }
0x26: {  	[tilespmem:s16+$0x6810] =	vst v1  }
.Ltmp1:
0x27: {  	[tilespmem:s16+$0x6820] =	vst v1;
	(pc) =	sbr.rel @p1 .LBB2_4-.Ltmp1, $4  }
0x28: {  	[tilespmem:s16+$0x6830] =	vst v1  }
0x29: {  	[tilespmem:s16+$0x6840] =	vst v1  }
0x2a: {  	[tilespmem:s16+$0x6850] =	vst v1  }
0x2b: {  	[tilespmem:s16+$0x6860] =	vst v1;
	s16 =	sshra.s32 s17, $0x2;
	s17 =	sadd.s32 $0x200, s17  }
0x2c: {  	[tilespmem:s16+$0x6870] =	vst v1  }
0x2d: {  	[tilespmem:s16+$0x6800] =	vst v1  }
0x2e: {  	[tilespmem:s16+$0x6810] =	vst v1  }
0x2f: {  	[tilespmem:s16+$0x6820] =	vst v1  }
0x30: {  	[tilespmem:s16+$0x6830] =	vst v1  }
0x31: {  	[tilespmem:s16+$0x6840] =	vst v1;
	p1 =	sne.s32 s4, $0x1  }
.Ltmp2:
0x32: {  	[tilespmem:s16+$0x6850] =	vst v1;
	(pc) =	sbr.rel @!p1 .LBB2_7-.Ltmp2, $4  }
0x33: {  	[tilespmem:s16+$0x6860] =	vst v1  }
0x34: {  	[spmem:s7] =	stream.linear.scatter [tilespmem:s11], [sflag:$0x1], $0x2800, $0x38;
	[tilespmem:$0x1D000] =	vst v63  }
0x35: {  	_ =	swait.ge [sflag:s10], $0x2800  }
0x36: {  	s16 =	sadd.s32 $0xFFFFFFFF, s4;
	s17 =	smov.u32 s7;
	[sflag:s10] =	ssyncset.done $0x0  }
.LBB2_6:
0x37: {  	p1 =	sne.s32 s16, $0x1;
	[sflag:s10] =	ssyncadd.s32 $0xFFFFD800;
	s17 =	sadd.s32 $0x2800, s17  }
.Ltmp3:
0x38: {  	s16 =	sadd.s32 $0xFFFFFFFF, s16;
	(pc) =	sbr.rel @p1 .LBB2_6-.Ltmp3, $4  }
0x39: {  	_ = 	snop  }
0x3a: {  	[spmem:s17] =	stream.linear.scatter [tilespmem:s11], [sflag:$0x1], $0x2800, $0x38;
	[tilespmem:$0x1D000] =	vst v63  }
0x3b: {  	_ =	swait.ge [sflag:s10], $0x2800  }
0x3c: {  	[sflag:s10] =	ssyncset.done $0x0  }
.LBB2_7:
0x3d: {  	[sflag:s10] =	ssyncadd.s32 $0xFFFFD800  }
0x3e: {  	s16 =	simm.s32 $0x0;
	[bflag:$0x0] =	sbarrier.arrive $0xFFFF  }
0x3f: {  	[spmem:s2] =	stream.indirect.scatter.add.f32 [tilespmem:s13], [sflag:$0x1], $0x80, s16, s12, $0xb8;
	[tilespmem:$0x1D000] =	vst v63  }
0x40: {  	_ =	swait.ge [sflag:s10], $0x4000  }
0x41: {  	s16 =	simm.s32 $0x200;
	[sflag:s10] =	ssyncset.done $0x0  }
.LBB2_8:
0x42: {  	s17 =	sshra.s32 s16, $0x2;
	[sflag:s10] =	ssyncadd.s32 $0xFFFFC000;
	p1 =	sne.s32 s16, $0x9E00  }
0x43: {  	[spmem:s2] =	stream.indirect.scatter.add.f32 [tilespmem:s13], [sflag:$0x1], $0x80, s17, s12, $0xb8;
	[tilespmem:$0x1D000] =	vst v63  }
.Ltmp4:
0x44: {  	_ = 	snop;
	(pc) =	sbr.rel @p1 .LBB2_8-.Ltmp4, $4  }
0x45: {  	_ = 	snop  }
0x46: {  	s16 =	sadd.s32 $0x200, s16  }
0x47: {  	_ =	swait.ge [sflag:s10], $0x4000  }
0x48: {  	[sflag:s10] =	ssyncset.done $0x0  }
0x49: {  	[sflag:s10] =	ssyncadd.s32 $0xFFFFC000  }
0x4a: {  	s16 =	simm.s32 @p0 $0x1FC1;
	[bflag:$0x0] =	sbarrier.arrive $0xFFFF  }
0x4b: {  	[hbm:s8], [sflag:s16] =	dma.local @p0 [spmem:s14], $0x1900  }
0x4c: {  	s16 =	simm.s32 @p0 $0x1  }
0x4d: {  	s15 =	sadd.s32 $0x1, s15;
	_ =	swait.ge @p0 [sflag:s16], $0x1900  }
0x4e: {  	s17 =	sshll.u32 @!p0 s1, $0x6;
	p1 =	sne.s32 s15, s9;
	[sflag:s16] =	ssyncset.done @p0 $0x0  }
0x4f: {  	[sflag:s16] =	ssyncadd.s32 @p0 $0xFFFFE700;
	s16 =	sor.u32 @!p0 $0x1C01, s17;
	s17 =	sshrl.u32 @!p0 s7, $0x3  }
0x50: {  	[hbm:s6], [sflag:s16] =	dma.local @!p0 [spmem:s17], $0x2800  }
.Ltmp5:
0x51: {  	_ = 	snop;
	(pc) =	sbr.rel @p1 .LBB2_1-.Ltmp5, $4  }
0x52: {  	s16 =	simm.s32 @!p0 $0x1  }
0x53: {  	_ =	swait.ge @!p0 [sflag:s16], $0x2800  }
0x54: {  	[sflag:s16] =	ssyncset.done @!p0 $0x0  }
0x55: {  	[sflag:s16] =	ssyncadd.s32 @!p0 $0xFFFFD800  }
0x56: {  	_ =	sfence.sel $0x180000  }
0x57: {  	[bflag:$0x0] =	sbarrier.arrive $0xFFFF  }
0x58: {  	p0 =	sne.s32 s1, $0x0;
	_ =	strace $0x90000047  }
0x59: {  	s0 =	sadd.s32 @!p0 $0x100000, s0;
	[bflag:$0x2] =	sbarrier.arrive $0xFFFF  }
0x5a: {  	[sflag:s0] =	ssyncadd.tile.s32 @!p0 $0x1;
	_ =	shalt  }
.Lfunc_end2:
_tile_overlayer_lowered:
.L_overlay_start_2:
0x5b: {  	(tag) =	ssettag $0x2  }
0x5c: {  	s0 =	rddreg [dreg:$0x0];
	s2 =	stileid.u32  }
0x5d: {  	s1 =	rddreg [dreg:$0x1];
	p0 =	sne.s32 s2, $0x0  }
0x5e: {  	s3 =	rddreg [dreg:$0x2];
	[bflag:$0x3] =	sbarrier.arrive $0xFFFF;
	s2 =	simm.s32 @!p0 $0x1C01  }
0x5f: {  	[timem:s3], [sflag:s2] =	dma.local @!p0 [hbm:s0], s1  }
0x60: {  	s0 =	simm.s32 @!p0 $0x1  }
0x61: {  	_ =	swait.ge @!p0 [sflag:s0], s1  }
0x62: {  	s1 =	ssub.s32 @!p0 $0x0, s1;
	[sflag:s0] =	ssyncset.done @!p0 $0x0  }
0x63: {  	[sflag:s0] =	ssyncadd.s32 @!p0 s1  }
0x64: {  	[bflag:$0x3] =	sbarrier.arrive $0xFFFF  }
0x65: {  	_ =	shalt  }

// kernel: kernel.13.cloned.1.call-start
scs
__scs_entry_jumppad:
0x0: {  	(pc) =	sbr.rel $0x88, $3  }
0x1: {  	(tag) =	ssettag $0x0;
	lr =	simm.s32 $0x1  }
0x2: {  	[smem:$0x3F99] =	sst lr;
	_ =	strace $0xD0000000  }
0x3: {  	_ = 	snop  }
0x4: {  	_ = 	snop  }
0x5: {  	_ = 	snop  }
0x6: {  	_ = 	snop  }
0x7: {  	_ = 	snop  }
__scs_overlays_trampoline_lowered:
0x8: {  	[smem:$0x3FA8] =	sst s0  }
0x9: {  	[smem:$0x3FA9] =	sst s1  }
0xa: {  	[smem:$0x3FAA] =	sst s2  }
0xb: {  	[smem:$0x3FAB] =	sst s3  }
0xc: {  	[smem:$0x3FAC] =	sst s4  }
0xd: {  	[smem:$0x3FAD] =	sst s5  }
0xe: {  	[smem:$0x3FAE] =	sst s6  }
0xf: {  	[smem:$0x3FAF] =	sst s7  }
0x10: {  	[smem:$0x3FB0] =	sst s8  }
0x11: {  	[smem:$0x3FB1] =	sst s9;
	s0 =	simm.s32 @!p0 $0x0  }
0x12: {  	s1 =	sld [smem:$0x3F97];
	s0 =	simm.s32 @p0 $0x1  }
0x13: {  	[smem:$0x3FB2] =	sst s0;
	s0 =	simm.s32 @!p1 $0x0  }
0x14: {  	s2 =	sld [smem:$0x3F96];
	s0 =	simm.s32 @p1 $0x1  }
0x15: {  	[smem:$0x3FB3] =	sst s0;
	s0 =	simm.s32 @!p2 $0x0  }
0x16: {  	s3 =	sld [smem:$0x3FDB];
	s0 =	simm.s32 @p2 $0x1  }
0x17: {  	s4 =	simm.s32 $0x1BF5;
	[smem:$0x3FB5] =	sst s0  }
0x18: {  	s0 =	sld [smem:$0x3F98];
	_ =	swait.ge [sflag:s4], $0x0  }
0x19: {  	s7 =	sld [smem:$0x3F99]  }
0x1a: {  	s8 =	sadd.s32 $0xFFFFE003, lr  }
0x1b: {  	s9 =	sadd.s32 $0xFFFFFEF7, lr;
	s5 =	simm.s32 $0xFFFFFFFF;
	p2 =	slt.u32 s8, $0xFFFFF086  }
0x1c: {  	p1 =	slt.u32 s9, $0xF7A;
	s5 =	simm.s32 @!p2 $0x0  }
0x1d: {  	s5 =	simm.s32 @p1 $0x1;
	p0 =	seq.s32 s7, s2  }
0x1e: {  	s7 =	smul.u32 @!p0 $0xF7A, s2;
	p2 =	seq.s32 @!p0 s5, $0x0  }
0x1f: {  	s9 =	smul.u32 $0xF7A, s1;
	s8 =	simm.s32 @!p0 $0x1BF5;
	p2 =	por !p2, p0  }
0x20: {  	[sflag:s8] =	ssyncset.s32 @!p0 $0xFFFFF086;
	s6 =	sadd.s32 @!p0 s3, s7;
	s7 =	simm.s32 @!p0 $0x108  }
0x21: {  	s3 =	sadd.s32 s3, s9;
	s6 =	sadd.s32 @!p0 $0x88, s6;
	s7 =	simm.s32 @p2 $0x1082  }
0x22: {  	[simem:s7], [sflag:s8] =	dma.local @!p0 [hbm:s6], $0xF7A  }
0x23: {  	s9 =	sor.u32 $0xD0000000, s2;
	s6 =	simm.s32 $0x108;
	_ =	swait.ge @!p0 [sflag:s8], $0x0  }
0x24: {  	s3 =	sadd.s32 $0x88, s3;
	s6 =	simm.s32 @!p1 $0x1082;
	[sflag:s4] =	ssyncset.s32 $0xFFFFF086  }
0x25: {  	[simem:s6], [sflag:s4] =	dma.local [hbm:s3], $0xF7A  }
0x26: {  	[smem:$0x3F99] =	sst s1;
	(tag) =	ssettag s2;
	_ =	strace s9  }
0x27: {  	s1 =	sld [smem:$0x3FA9]  }
0x28: {  	s2 =	sld [smem:$0x3FAA]  }
0x29: {  	s4 =	sld [smem:$0x3FAC]  }
0x2a: {  	p0 =	seq.s32 s5, $0x0;
	s5 =	sld [smem:$0x3FAD]  }
0x2b: {  	s6 =	sld [smem:$0x3FAE]  }
0x2c: {  	s7 =	sld [smem:$0x3FAF]  }
0x2d: {  	s3 =	simm.s32 $0x108;
	s8 =	sld [smem:$0x3FB0]  }
0x2e: {  	s3 =	simm.s32 @!p0 $0x1082;
	s9 =	sld [smem:$0x3FB1]  }
0x2f: {  	lr =	sadd.s32 s0, s3;
	s0 =	sld [smem:$0x3FA8]  }
0x30: {  	s3 =	sld [smem:$0x3FAB]  }
0x31: {  	[smem:$0x3FB4] =	sst s10  }
0x32: {  	s10 =	sld [smem:$0x3FB2];
	_ =	sdelay $0x3  }
0x33: {  	p0 =	seq.s32 s10, $0x1;
	s10 =	sld [smem:$0x3FB4];
	_ =	sdelay $0x3  }
0x34: {  	[smem:$0x3FB4] =	sst s10  }
0x35: {  	s10 =	sld [smem:$0x3FB3];
	_ =	sdelay $0x3  }
0x36: {  	p1 =	seq.s32 s10, $0x1;
	s10 =	sld [smem:$0x3FB4];
	_ =	sdelay $0x3  }
0x37: {  	[smem:$0x3FB4] =	sst s10  }
0x38: {  	s10 =	sld [smem:$0x3FB5]  }
0x39: {  	_ = 	snop;
	(pc) =	sbr.ind lr, $3  }
0x3a: {  	_ = 	snop  }
0x3b: {  	_ = 	snop  }
0x3c: {  	p2 =	seq.s32 s10, $0x1;
	s10 =	sld [smem:$0x3FB4]  }
0x3d: {  	_ =	shalt  }
0x3e: {  	_ =	shalt  }
0x3f: {  	_ =	shalt  }
0x40: {  	_ =	shalt  }
0x41: {  	_ =	shalt  }
0x42: {  	_ =	shalt  }
0x43: {  	_ =	shalt  }
0x44: {  	_ =	shalt  }
0x45: {  	_ =	shalt  }
0x46: {  	_ =	shalt  }
0x47: {  	_ =	shalt  }
0x48: {  	_ =	shalt  }
0x49: {  	_ =	shalt  }
0x4a: {  	_ =	shalt  }
0x4b: {  	_ =	shalt  }
0x4c: {  	_ =	shalt  }
0x4d: {  	_ =	shalt  }
0x4e: {  	_ =	shalt  }
0x4f: {  	_ =	shalt  }
0x50: {  	_ =	shalt  }
0x51: {  	_ =	shalt  }
0x52: {  	_ =	shalt  }
0x53: {  	_ =	shalt  }
0x54: {  	_ =	shalt  }
0x55: {  	_ =	shalt  }
0x56: {  	_ =	shalt  }
0x57: {  	_ =	shalt  }
0x58: {  	_ =	shalt  }
0x59: {  	_ =	shalt  }
0x5a: {  	_ =	shalt  }
0x5b: {  	_ =	shalt  }
0x5c: {  	_ =	shalt  }
0x5d: {  	_ =	shalt  }
0x5e: {  	_ =	shalt  }
0x5f: {  	_ =	shalt  }
0x60: {  	_ =	shalt  }
0x61: {  	_ =	shalt  }
0x62: {  	_ =	shalt  }
0x63: {  	_ =	shalt  }
0x64: {  	_ =	shalt  }
0x65: {  	_ =	shalt  }
0x66: {  	_ =	shalt  }
0x67: {  	_ =	shalt  }
0x68: {  	_ =	shalt  }
0x69: {  	_ =	shalt  }
0x6a: {  	_ =	shalt  }
0x6b: {  	_ =	shalt  }
0x6c: {  	_ =	shalt  }
0x6d: {  	_ =	shalt  }
0x6e: {  	_ =	shalt  }
0x6f: {  	_ =	shalt  }
0x70: {  	_ =	shalt  }
0x71: {  	_ =	shalt  }
0x72: {  	_ =	shalt  }
0x73: {  	_ =	shalt  }
0x74: {  	_ =	shalt  }
0x75: {  	_ =	shalt  }
0x76: {  	_ =	shalt  }
0x77: {  	_ =	shalt  }
0x78: {  	_ =	shalt  }
0x79: {  	_ =	shalt  }
0x7a: {  	_ =	shalt  }
0x7b: {  	_ =	shalt  }
0x7c: {  	_ =	shalt  }
0x7d: {  	_ =	shalt  }
0x7e: {  	_ =	shalt  }
0x7f: {  	_ =	shalt  }
0x80: {  	_ =	shalt  }
0x81: {  	_ =	shalt  }
0x82: {  	_ =	shalt  }
0x83: {  	_ =	shalt  }
0x84: {  	_ =	shalt  }
0x85: {  	_ =	shalt  }
0x86: {  	_ =	shalt  }
0x87: {  	_ =	shalt  }
.Lfunc_end0:
.L_simem_size_0:
called_computation.1_lowered:
.L_overlay_start_0:
0x88: {  	s2 =	sld [smem:$0x3FD9]  }
0x89: {  	s3 =	sld [smem:$0x3FFE];
	_ =	sdelay $0x1  }
0x8a: {  	s1 =	srdreg.scid  }
0x8b: {  	s0 =	sand.u32 $0x1, s1  }
0x8c: {  	s17 =	sshll.u32 s0, $0xA;
	s2 =	sadd.s32 s3, s2  }
0x8d: {  	s2 =	sadd.s32 s2, s17  }
0x8e: {  	[smem:$0x3FC0] =	sst s2  }
0x8f: {  	_ = 	snop  }
0x90: {  	s2 =	sld [smem:$0x3FD0];
	(tm) =	ssettm $0x1  }
0x91: {  	s18 =	sld [smem:$0x3FFB];
	_ =	sdelay $0x3  }
0x92: {  	_ =	strace s18  }
0x93: {  	s3 =	sld [smem:$0x3FFC];
	_ =	sdelay $0x3  }
0x94: {  	_ =	strace s3  }
0x95: {  	s3 =	sld [smem:$0x3FFD];
	_ =	sdelay $0x3  }
0x96: {  	_ =	strace s3  }
0x97: {  	_ =	strace $0x8FFFFFFF  }
0x98: {  	s19 =	sld [smem:$0x3FDB];
	_ =	sdelay $0x1  }
0x99: {  	s4 =	simm.s32 $_scs_section_size  }
0x9a: {  	s5 =	simm.s32 $_size__tile_overlayer_lowered;
	s6 =	simm.s32 $_tile_overlayer_lowered  }
0x9b: {  	s22 =	simm.s32 $0x1BFF;
	s21 =	sshll.u32 s6, $0x1;
	s3 =	sadd.s32 s4, s19  }
0x9c: {  	s7 =	simm.s32 $0x0;
	s20 =	sshll.u32 s5, $0x1;
	s5 =	sadd.s32 s21, s3  }
0x9d: {  	[timem:s7], [sflag:s22] =	dma.local [hbm:s5], s20  }
0x9e: {  	_ =	swait.ge [sflag:s22], s20  }
0x9f: {  	s4 =	ssub.s32 $0x0, s20;
	[sflag:s22] =	ssyncset.done $0x0  }
0xa0: {  	[sflag:s22] =	ssyncadd.s32 s4;
	_ =	sdelay $0x1  }
0xa1: {  	s23 =	simm.s32 $0x1B8B  }
0xa2: {  	_ =	swait.ge [sflag:s23], $0x1  }
0xa3: {  	[sflag:s23] =	ssyncset.done $0x0  }
0xa4: {  	s25 =	simm.s32 $0x1B8E;
	s24 =	sld [smem:$0x3FFE];
	[sflag:s23] =	ssyncadd.s32 $0xFFFFFFFF  }
0xa5: {  	s26 =	simm.s32 $execute0_lowered;
	[smem:$0x3FD2] =	sst s25  }
0xa6: {  	s5 =	sshll.u32 s26, $0x1;
	_ =	strace $0x80000049;
	[dreg:$0x1] =	wrdreg $0xFFFFFFFF  }
0xa7: {  	s28 =	simm.s32 $_size_execute0_lowered;
	s3 =	sadd.s32 s3, s5;
	[dreg:$0x0] =	wrdreg $0x0  }
0xa8: {  	s5 =	sshll.u32 s28, $0x1;
	[dreg:$0x2] =	wrdreg s3  }
0xa9: {  	[dreg:$0x3] =	wrdreg s5  }
0xaa: {  	[dreg:$0x4] =	wrdreg $0xC0  }
0xab: {  	_ =	task [dreg:s7], $0x5FFFF  }
0xac: {  	[dreg:$0x1] =	wrdreg $0xFFFFFFFF  }
0xad: {  	[dreg:$0x0] =	wrdreg $0x60  }
0xae: {  	[dreg:$0x2] =	wrdreg s24  }
0xaf: {  	[dreg:$0x3] =	wrdreg s2  }
0xb0: {  	[dreg:$0x4] =	wrdreg $0xAE000  }
0xb1: {  	[dreg:$0x5] =	wrdreg $0x9  }
0xb2: {  	_ =	task.clear_ibuf [dreg:s7], $0x6FFFF;
	_ =	strace $0x90000049  }
0xb3: {  	s29 =	simm.s32 $0x9;
	_ =	strace $0x8000004B  }
0xb4: {  	_ =	swait.ge [sflag:s29], $0x1  }
0xb5: {  	[sflag:s29] =	ssyncadd.s32 $0xFFFFFFFF  }
0xb6: {  	_ =	strace $0x9000004B  }
0xb7: {  	_ =	sfence  }
0xb8: {  	s30 =	sld [smem:$0x0];
	_ =	sdelay $0x2  }
0xb9: {  	s31 =	sshll.u32 s1, $0xD;
	s1 =	sshrl.u32 s1, $0x2  }
0xba: {  	s3 =	sand.u32 $0x4000, s31;
	s1 =	sadd.s32 s1, s30  }
0xbb: {  	s0 =	sor.u32 s3, s0;
	s1 =	sshll.u32 s1, $0x11  }
0xbc: {  	s0 =	sor.u32 s1, s0  }
0xbd: {  	s0 =	sadd.s32 $0x8F2B, s0  }
0xbe: {  	[sflag:s0] =	ssyncadd.remote.s32 $0x1  }
0xbf: {  	_ =	sfence.sel $0xFFFF  }
0xc0: {  	[dreg:$0x0] =	wrdreg $0xFFFFFFFF;
	(pc) =	sbr.abs _section_cstart, $3  }
0xc1: {  	[dreg:$0x1] =	wrdreg $0xFFFFFFFF  }
0xc2: {  	_ =	task.clear_ibuf [dreg:s7], $0x2FFFF;
	_ =	strace $0x9FFFFFFF  }
0xc3: {  	(tm) =	ssettm $0x7FFFFFFF  }
tec
execute0_lowered:
.L_overlay_start_1:
0x0: {  	(tag) =	ssettag $0x1  }
0x1: {  	s0 =	rddreg [dreg:$0x0]  }
0x2: {  	s3 =	rddreg [dreg:$0x1]  }
0x3: {  	s1 =	rddreg [dreg:$0x2];
	s2 =	simm.s32 $0x0  }
0x4: {  	s6 =	srdreg.scid;
	s15 =	stileid.u32;
	s28 =	simm.s32 $0x3  }
0x5: {  	s29 =	simm.s32 $0x80;
	s30 =	simm.s32 $0x200;
	s31 =	simm.s32 $0x180  }
0x6: {  	s17 =	simm.s32 $0x6;
	s18 =	simm.s32 $0x0;
	[smem:$0x7FF] =	sst s2  }
0x7: {  	s4 =	sadd.s32 $0x21000, s0;
	s5 =	sadd.s32 $0x48200, s0;
	s9 =	sand.u32 $0x1, s6  }
0x8: {  	s10 =	sadd.s32 $0x17000, s0;
	s11 =	sadd.s32 $0xD000, s0;
	s8 =	smul.u32 $0xC, s15  }
0x9: {  	s0 =	sadd.s32 $0x96600, s0;
	p0 =	seq.s32 s15, $0xF;
	s20 =	smul.u32 $0x14000, s15  }
0xa: {  	s21 =	smul.u32 $0x50000, s15;
	s23 =	sadd.s32 $0x12C000, s1;
	s6 =	ssub.s32 $0x2, s9  }
0xb: {  	p1 =	seq.s32 s9, $0x0;
	s9 =	smul.u32 $0x138800, s9;
	s7 =	sshrl.u32 s6, $0x1  }
0xc: {  	_ =	strace $0x8000004A;
	s12 =	ssub.s32 s6, s7;
	s7 =	smul.u32 $0x94, s15  }
0xd: {  	[dreg:$0xc] =	wrdreg s23;
	s23 =	simm.s32 $0x50;
	s13 =	sadd.s32 $0x940, s8  }
0xe: {  	s8 =	simm.s32 $0x5;
	s26 =	smax.u32 s12, $0x1;
	s13 =	smov.u32 @p1 s7  }
0xf: {  	s6 =	smul.u32 $0x280, s15;
	[dreg:$0xf] =	wrdreg s26;
	s13 =	sshll.u32 s13, $0x4  }
0x10: {  	s16 =	sadd.s32 s10, s13;
	s14 =	sor.u32 $0x10, s13;
	s13 =	sadd.s32 s11, s13  }
0x11: {  	s15 =	simm.s32 $0x8;
	s7 =	simm.s32 $0x5;
	[dreg:$0x5] =	wrdreg s13  }
0x12: {  	s26 =	simm.s32 $0x100;
	s10 =	sadd.s32 s10, s14;
	[dreg:$0x4] =	wrdreg s16  }
0x13: {  	s11 =	sadd.s32 s11, s14;
	s14 =	simm.s32 $0x49;
	[dreg:$0x6] =	wrdreg s10  }
0x14: {  	s7 =	simm.s32 @!p0 $0x8;
	[dreg:$0x7] =	wrdreg s11;
	s14 =	simm.s32 @!p1 $0x5  }
0x15: {  	s10 =	sadd.s32 s20, s9;
	s9 =	sshrl.u32 s9, $0x3;
	s11 =	sshrl.u32 s21, $0x2  }
0x16: {  	[dreg:$0x8] =	wrdreg s14;
	s10 =	sshrl.u32 s10, $0x3;
	s11 =	sadd.s32 s11, s1  }
0x17: {  	s9 =	sadd.s32 $0x25800, s9;
	s22 =	sadd.s32 s0, s10;
	[dreg:$0xa] =	wrdreg s11  }
0x18: {  	s21 =	sadd.s32 $0x30, s13;
	s0 =	sadd.s32 s0, s9;
	[dreg:$0x9] =	wrdreg s22  }
0x19: {  	s14 =	simm.s32 $0x1;
	s24 =	sadd.s32 s3, s10;
	[dreg:$0xb] =	wrdreg s0  }
0x1a: {  	s25 =	sadd.s32 s3, s9;
	s3 =	simm.s32 $0x4200;
	[dreg:$0xd] =	wrdreg s24  }
0x1b: {  	[dreg:$0xe] =	wrdreg s25;
	s22 =	sadd.s32 $0x30, s16;
	s24 =	simm.s32 $0x8200  }
0x1c: {  	v0 =	vimm.f32 $0.0e+00;
	v1 =	vlaneseq.u32;
	s25 =	simm.s32 $0x7;
	s0 =	simm.s32 $0x4;
	s16 =	simm.s32 $0x2  }
.LBB2_1:
0x1d: {  	s9 =	simm.s32 $0x8240  }
0x1e: {  	[tilespmem:s9+$0x0] =	vst v0  }
0x1f: {  	[tilespmem:s9+$0x10] =	vst v0  }
0x20: {  	s11 =	sand.u32 $0x7, s2;
	s10 =	simm.s32 $0x1;
	[tilespmem:s9+$0x20] =	vst v0  }
.LBB2_2:
0x21: {  	p1 =	sne.s32 s10, $0x4F;
	[tilespmem:s9+$0xFFFFFFC0] =	vst v0;
	s12 =	smul.u32 $0x50, s11  }
0x22: {  	[tilespmem:s9+$0xFFFFFFD0] =	vst v0  }
0x23: {  	[tilespmem:s9+$0xFFFFFFE0] =	vst v0;
	s12 =	sadd.s32 s6, s12  }
0x24: {  	[tilespmem:s9+$0xFFFFFFF0] =	vst v0;
	s13 =	sadd.s32 $0x40, s12  }
0x25: {  	s11 =	sshll.u32 s11, $0x7;
	s19 =	sadd.s32 $0x10, s12;
	[tilespmem:s9+$0x30] =	vst v0;
	v2 =	vor.u32 s13, v1  }
0x26: {  	v3 =	vor.u32 s19, v1;
	s13 =	sadd.s32 $0x20, s12;
	[tilespmem:s11+$0xAA40] =	vst v2  }
0x27: {  	v2 =	vor.u32 s13, v1;
	s13 =	sadd.s32 $0x30, s12;
	[tilespmem:s11+$0xAA10] =	vst v3  }
0x28: {  	[tilespmem:s11+$0xAA20] =	vst v2;
	v2 =	vor.u32 s13, v1  }
.Ltmp0:
0x29: {  	v3 =	vor.u32 s12, v1;
	[tilespmem:s11+$0xAA30] =	vst v2;
	(pc) =	sbr.rel @p1 .LBB2_2-.Ltmp0, $4  }
0x2a: {  	s9 =	sadd.s32 $0x80, s9;
	[tilespmem:s11+$0xAA00] =	vst v3  }
0x2b: {  	[tilespmem:s9+$0x0] =	vst v0  }
0x2c: {  	[tilespmem:s9+$0x10] =	vst v0  }
0x2d: {  	s11 =	sand.u32 $0x7, s10;
	s10 =	sadd.s32 $0x1, s10;
	[tilespmem:s9+$0x20] =	vst v0  }
0x2e: {  	[tilespmem:s9+$0xFFFFFFC0] =	vst v0;
	s10 =	smul.u32 $0x50, s11  }
0x2f: {  	[tilespmem:s9+$0xFFFFFFD0] =	vst v0  }
0x30: {  	[tilespmem:s9+$0xFFFFFFE0] =	vst v0;
	s10 =	sadd.s32 s6, s10  }
0x31: {  	[tilespmem:s9+$0xFFFFFFF0] =	vst v0;
	s12 =	sadd.s32 $0x40, s10  }
0x32: {  	[tilespmem:s9+$0x30] =	vst v0;
	s9 =	sshll.u32 s11, $0x7;
	s13 =	sadd.s32 $0x10, s10;
	v2 =	vor.u32 s12, v1  }
0x33: {  	p1 =	sne.s32 s7, $0x1;
	s19 =	sadd.s32 $0x20, s10;
	v3 =	vor.u32 s13, v1;
	[tilespmem:s9+$0xAA40] =	vst v2  }
.Ltmp1:
0x34: {  	[tilespmem:s9+$0xAA10] =	vst v3;
	v2 =	vor.u32 s19, v1;
	(pc) =	sbr.rel @!p1 .LBB2_5-.Ltmp1, $4  }
0x35: {  	s20 =	sadd.s32 $0x30, s10;
	v3 =	vor.u32 s10, v1;
	[tilespmem:s9+$0xAA20] =	vst v2  }
0x36: {  	v2 =	vor.u32 s20, v1;
	[tilespmem:s9+$0xAA00] =	vst v3  }
0x37: {  	s10 =	sadd.s32 $0xFFFFFFFF, s7;
	[tilespmem:s9+$0xAA30] =	vst v2;
	s9 =	simm.s32 $0xAA00  }
0x38: {  	[spmem:s1] =	stream.indirect.scatter [tilespmem:s24], [sflag:$0x7], $0x80, s9, s23, $0xb8;
	[tilespmem:$0x1EE00] =	vst v63  }
.LBB2_4:
0x39: {  	p2 =	sne.s32 s10, $0x1  }
.Ltmp2:
0x3a: {  	_ = 	snop;
	(pc) =	sbr.rel @p2 .LBB2_4-.Ltmp2, $3  }
0x3b: {  	_ = 	snop  }
0x3c: {  	s10 =	sadd.s32 $0xFFFFFFFF, s10;
	s9 =	sadd.s32 $0x80, s9;
	_ =	sdelay $0x1  }
0x3d: {  	[spmem:s1] =	stream.indirect.scatter [tilespmem:s24], [sflag:$0x7], $0x80, s9, s23, $0xb8;
	[tilespmem:$0x1EE00] =	vst v63  }
.LBB2_5:
.Ltmp3:
0x3e: {  	(pc) =	sbr.rel @!p1 .LBB2_7-.Ltmp3, $3  }
0x3f: {  	_ =	sdelay $0x1  }
0x40: {  	_ =	swait.ge [sflag:s25], $0x2800  }
0x41: {  	s9 =	sadd.s32 $0xFFFFFFFF, s7;
	[sflag:s25] =	ssyncset.done $0x0  }
.LBB2_6:
0x42: {  	p2 =	sne.s32 s9, $0x1;
	s9 =	sadd.s32 $0xFFFFFFFF, s9;
	[sflag:s25] =	ssyncadd.s32 $0xFFFFD800  }
.Ltmp4:
0x43: {  	(pc) =	sbr.rel @p2 .LBB2_6-.Ltmp4, $3  }
0x44: {  	_ =	sdelay $0x1  }
0x45: {  	_ =	swait.ge [sflag:s25], $0x2800  }
0x46: {  	[sflag:s25] =	ssyncset.done $0x0  }
.LBB2_7:
0x47: {  	[sflag:s25] =	ssyncadd.s32 $0xFFFFD800  }
0x48: {  	[bflag:$0x0] =	sbarrier.arrive $0xFFFF  }
0x49: {  	s9 =	rddreg [dreg:$0x4]  }
0x4a: {  	[tilespmem:s2], [sflag:$0x3] =	stream.linear.gather [hbm4b:s9+s2], $0x80, $0x38;
	[tilespmem:$0x1EE00] =	vst v63  }
0x4b: {  	s10 =	rddreg [dreg:$0x5]  }
0x4c: {  	[tilespmem:s26], [sflag:$0x5] =	stream.linear.gather [hbm4b:s10+s2], $0x80, $0x38;
	[tilespmem:$0x1EE00] =	vst v63  }
0x4d: {  	_ =	swait.ge [sflag:s28], $0x80  }
0x4e: {  	[sflag:s28] =	ssyncset.done $0x0  }
0x4f: {  	[sflag:s28] =	ssyncadd.s32 $0xFFFFFF80  }
0x50: {  	[tilespmem:s30], [sflag:$0x1] =	stream.indirect.gather [hbm4b:s4+s29], $0x80, s2, s29, $0xb8;
	[tilespmem:$0x1EE00] =	vst v63  }
0x51: {  	s11 =	rddreg [dreg:$0x6]  }
0x52: {  	[tilespmem:s29], [sflag:$0x4] =	stream.linear.gather [hbm4b:s11+s2], $0x80, $0x38;
	[tilespmem:$0x1EE00] =	vst v63  }
0x53: {  	s12 =	rddreg [dreg:$0x7]  }
0x54: {  	[tilespmem:s31], [sflag:$0x6] =	stream.linear.gather [hbm4b:s12+s2], $0x80, $0x38;
	[tilespmem:$0x1EE00] =	vst v63  }
0x55: {  	_ =	swait.ge [sflag:s0], $0x80  }
0x56: {  	[sflag:s0] =	ssyncset.done $0x0  }
0x57: {  	[sflag:s0] =	ssyncadd.s32 $0xFFFFFF80  }
0x58: {  	[tilespmem:s3], [sflag:$0x2] =	stream.indirect.gather [hbm4b:s4+s29], $0x80, s29, s29, $0xb8;
	[tilespmem:$0x1EE00] =	vst v63  }
0x59: {  	_ =	swait.ge [sflag:s14], $0x4000  }
0x5a: {  	[sflag:s14] =	ssyncset.done $0x0  }
0x5b: {  	s19 =	sadd.s32 $0xFFFFFFF0, s22;
	[sflag:s14] =	ssyncadd.s32 $0xFFFFC000  }
0x5c: {  	[tilespmem:s2], [sflag:$0x3] =	stream.linear.gather [hbm4b:s19+s2], $0x80, $0x38;
	[tilespmem:$0x1EE00] =	vst v63  }
0x5d: {  	_ =	swait.ge [sflag:s8], $0x80  }
0x5e: {  	[sflag:s8] =	ssyncset.done $0x0  }
0x5f: {  	[sflag:s8] =	ssyncadd.s32 $0xFFFFFF80  }
0x60: {  	[spmem:s1] =	stream.indirect.scatter.add.f32 [tilespmem:s30], [sflag:$0x8], $0x80, s26, s29, $0xb8;
	[tilespmem:$0x1EE00] =	vst v63  }
0x61: {  	_ =	swait.ge [sflag:s15], $0x4000  }
0x62: {  	[sflag:s15] =	ssyncset.done $0x0  }
0x63: {  	s20 =	sadd.s32 $0xFFFFFFF0, s21;
	[sflag:s15] =	ssyncadd.s32 $0xFFFFC000  }
0x64: {  	[tilespmem:s26], [sflag:$0x5] =	stream.linear.gather [hbm4b:s20+s2], $0x80, $0x38;
	[tilespmem:$0x1EE00] =	vst v63  }
0x65: {  	_ =	swait.ge [sflag:s28], $0x80  }
0x66: {  	[sflag:s28] =	ssyncset.done $0x0  }
0x67: {  	[sflag:s28] =	ssyncadd.s32 $0xFFFFFF80  }
0x68: {  	[tilespmem:s30], [sflag:$0x1] =	stream.indirect.gather [hbm4b:s4+s29], $0x80, s2, s29, $0xb8;
	[tilespmem:$0x1EE00] =	vst v63  }
0x69: {  	_ =	swait.ge [sflag:s16], $0x4000  }
0x6a: {  	[sflag:s16] =	ssyncset.done $0x0  }
0x6b: {  	[sflag:s16] =	ssyncadd.s32 $0xFFFFC000  }
0x6c: {  	[tilespmem:s29], [sflag:$0x4] =	stream.linear.gather [hbm4b:s22+s2], $0x80, $0x38;
	[tilespmem:$0x1EE00] =	vst v63  }
0x6d: {  	_ =	swait.ge [sflag:s17], $0x80  }
0x6e: {  	[sflag:s17] =	ssyncset.done $0x0  }
0x6f: {  	[sflag:s17] =	ssyncadd.s32 $0xFFFFFF80  }
0x70: {  	[spmem:s1] =	stream.indirect.scatter.add.f32 [tilespmem:s3], [sflag:$0x8], $0x80, s31, s29, $0xb8;
	[tilespmem:$0x1EE00] =	vst v63  }
0x71: {  	_ =	swait.ge [sflag:s15], $0x4000  }
0x72: {  	[sflag:s15] =	ssyncset.done $0x0  }
0x73: {  	[sflag:s15] =	ssyncadd.s32 $0xFFFFC000  }
0x74: {  	[tilespmem:s31], [sflag:$0x6] =	stream.linear.gather [hbm4b:s21+s2], $0x80, $0x38;
	[tilespmem:$0x1EE00] =	vst v63  }
0x75: {  	_ =	swait.ge [sflag:s0], $0x80  }
0x76: {  	s13 =	rddreg [dreg:$0x8]  }
0x77: {  	p2 =	sne.s32 s13, $0x1  }
.Ltmp5:
0x78: {  	_ = 	snop;
	(pc) =	sbr.rel @!p2 .LBB2_9-.Ltmp5, $3  }
0x79: {  	_ =	sdelay $0x1  }
0x7a: {  	s11 =	sadd.s32 $0x20, s21;
	[sflag:s0] =	ssyncset.done $0x0  }
0x7b: {  	s12 =	sadd.s32 $0x20, s22;
	s9 =	sadd.s32 $0xFFFFFFFF, s13;
	[sflag:s0] =	ssyncadd.s32 $0xFFFFFF80  }
.LBB2_8:
0x7c: {  	[tilespmem:s3], [sflag:$0x2] =	stream.indirect.gather [hbm4b:s4+s29], $0x80, s29, s29, $0xb8;
	[tilespmem:$0x1EE00] =	vst v63  }
0x7d: {  	p3 =	sne.s32 s9, $0x1;
	s9 =	sadd.s32 $0xFFFFFFFF, s9;
	_ =	swait.ge [sflag:s14], $0x4000  }
0x7e: {  	[sflag:s14] =	ssyncset.done $0x0  }
0x7f: {  	s10 =	sadd.s32 $0xFFFFFFF0, s12;
	[sflag:s14] =	ssyncadd.s32 $0xFFFFC000  }
0x80: {  	[tilespmem:s2], [sflag:$0x3] =	stream.linear.gather [hbm4b:s10+s2], $0x80, $0x38;
	[tilespmem:$0x1EE00] =	vst v63  }
0x81: {  	_ =	swait.ge [sflag:s8], $0x80  }
0x82: {  	[sflag:s8] =	ssyncset.done $0x0  }
0x83: {  	[sflag:s8] =	ssyncadd.s32 $0xFFFFFF80  }
0x84: {  	[spmem:s1] =	stream.indirect.scatter.add.f32 [tilespmem:s30], [sflag:$0x8], $0x80, s26, s29, $0xb8;
	[tilespmem:$0x1EE00] =	vst v63  }
0x85: {  	_ =	swait.ge [sflag:s15], $0x4000  }
0x86: {  	[sflag:s15] =	ssyncset.done $0x0  }
0x87: {  	s10 =	sadd.s32 $0xFFFFFFF0, s11;
	[sflag:s15] =	ssyncadd.s32 $0xFFFFC000  }
0x88: {  	[tilespmem:s26], [sflag:$0x5] =	stream.linear.gather [hbm4b:s10+s2], $0x80, $0x38;
	[tilespmem:$0x1EE00] =	vst v63  }
0x89: {  	_ =	swait.ge [sflag:s28], $0x80  }
0x8a: {  	[sflag:s28] =	ssyncset.done $0x0  }
0x8b: {  	[sflag:s28] =	ssyncadd.s32 $0xFFFFFF80  }
0x8c: {  	[tilespmem:s30], [sflag:$0x1] =	stream.indirect.gather [hbm4b:s4+s29], $0x80, s2, s29, $0xb8;
	[tilespmem:$0x1EE00] =	vst v63  }
0x8d: {  	_ =	swait.ge [sflag:s16], $0x4000  }
0x8e: {  	[sflag:s16] =	ssyncset.done $0x0  }
0x8f: {  	[sflag:s16] =	ssyncadd.s32 $0xFFFFC000  }
0x90: {  	[tilespmem:s29], [sflag:$0x4] =	stream.linear.gather [hbm4b:s12+s2], $0x80, $0x38;
	[tilespmem:$0x1EE00] =	vst v63  }
0x91: {  	_ =	swait.ge [sflag:s17], $0x80  }
0x92: {  	[sflag:s17] =	ssyncset.done $0x0  }
0x93: {  	[sflag:s17] =	ssyncadd.s32 $0xFFFFFF80  }
0x94: {  	[spmem:s1] =	stream.indirect.scatter.add.f32 [tilespmem:s3], [sflag:$0x8], $0x80, s31, s29, $0xb8;
	[tilespmem:$0x1EE00] =	vst v63  }
0x95: {  	_ =	swait.ge [sflag:s15], $0x4000  }
0x96: {  	[sflag:s15] =	ssyncset.done $0x0  }
.Ltmp6:
0x97: {  	[sflag:s15] =	ssyncadd.s32 $0xFFFFC000;
	(pc) =	sbr.rel @p3 .LBB2_8-.Ltmp6, $4  }
0x98: {  	[tilespmem:s31], [sflag:$0x6] =	stream.linear.gather [hbm4b:s11+s2], $0x80, $0x38;
	[tilespmem:$0x1EE00] =	vst v63  }
0x99: {  	_ =	swait.ge [sflag:s0], $0x80  }
0x9a: {  	[sflag:s0] =	ssyncset.done $0x0  }
0x9b: {  	s12 =	sadd.s32 $0x20, s12;
	s11 =	sadd.s32 $0x20, s11;
	[sflag:s0] =	ssyncadd.s32 $0xFFFFFF80  }
.LBB2_9:
0x9c: {  	[tilespmem:s3], [sflag:$0x2] =	stream.indirect.gather [hbm4b:s4+s29], $0x80, s29, s29, $0xb8;
	[tilespmem:$0x1EE00] =	vst v63  }
0x9d: {  	_ =	swait.ge [sflag:s14], $0x4000  }
0x9e: {  	[sflag:s14] =	ssyncset.done $0x0  }
0x9f: {  	[sflag:s14] =	ssyncadd.s32 $0xFFFFC000  }
0xa0: {  	_ =	swait.ge [sflag:s8], $0x80  }
0xa1: {  	[sflag:s8] =	ssyncset.done $0x0  }
0xa2: {  	[sflag:s8] =	ssyncadd.s32 $0xFFFFFF80  }
0xa3: {  	[spmem:s1] =	stream.indirect.scatter.add.f32 [tilespmem:s30], [sflag:$0x8], $0x80, s26, s29, $0xb8;
	[tilespmem:$0x1EE00] =	vst v63  }
0xa4: {  	_ =	swait.ge [sflag:s15], $0x4000  }
0xa5: {  	[sflag:s15] =	ssyncset.done $0x0  }
0xa6: {  	[sflag:s15] =	ssyncadd.s32 $0xFFFFC000  }
0xa7: {  	_ =	swait.ge [sflag:s16], $0x4000  }
0xa8: {  	[sflag:s16] =	ssyncset.done $0x0  }
0xa9: {  	[sflag:s16] =	ssyncadd.s32 $0xFFFFC000  }
0xaa: {  	_ =	swait.ge [sflag:s17], $0x80  }
0xab: {  	[sflag:s17] =	ssyncset.done $0x0  }
0xac: {  	[sflag:s17] =	ssyncadd.s32 $0xFFFFFF80  }
0xad: {  	[spmem:s1] =	stream.indirect.scatter.add.f32 [tilespmem:s3], [sflag:$0x8], $0x80, s31, s29, $0xb8;
	[tilespmem:$0x1EE00] =	vst v63  }
0xae: {  	_ =	swait.ge [sflag:s15], $0x4000  }
0xaf: {  	[sflag:s15] =	ssyncset.done $0x0  }
0xb0: {  	[sflag:s15] =	ssyncadd.s32 $0xFFFFC000  }
0xb1: {  	[bflag:$0x0] =	sbarrier.arrive $0xFFFF  }
0xb2: {  	s9 =	rddreg [dreg:$0xc]  }
0xb3: {  	s10 =	rddreg [dreg:$0xb];
	s11 =	sshrl.u32 @p0 s9, $0x3;
	s9 =	simm.s32 @p0 $0x1FC8  }
0xb4: {  	[hbm:s10], [sflag:s9] =	dma.local @p0 [spmem:s11], $0x1900  }
0xb5: {  	s9 =	simm.s32 @p0 $0x8  }
0xb6: {  	_ =	swait.ge @p0 [sflag:s9], $0x1900  }
0xb7: {  	s10 =	stileid.u32;
	[sflag:s9] =	ssyncset.done @p0 $0x0  }
0xb8: {  	s10 =	sshll.u32 @!p0 s10, $0x6;
	[sflag:s9] =	ssyncadd.s32 @p0 $0xFFFFE700;
	s9 =	rddreg [dreg:$0xa]  }
0xb9: {  	s12 =	sor.u32 @!p0 $0x1C08, s10;
	s10 =	rddreg [dreg:$0x9];
	s9 =	sshrl.u32 @!p0 s9, $0x3  }
0xba: {  	[hbm:s10], [sflag:s12] =	dma.local @!p0 [spmem:s9], $0x2800  }
.Ltmp7:
0xbb: {  	s10 =	simm.s32 @!p0 $0x8;
	(pc) =	sbr.rel @!p1 .LBB2_11-.Ltmp7, $4  }
0xbc: {  	_ =	swait.ge @!p0 [sflag:s10], $0x2800  }
0xbd: {  	[sflag:s10] =	ssyncset.done @!p0 $0x0  }
0xbe: {  	s13 =	sadd.s32 $0xFFFFFFFF, s7;
	[sflag:s10] =	ssyncadd.s32 @!p0 $0xFFFFD800;
	s10 =	simm.s32 $0xAA00  }
0xbf: {  	[spmem:s1] =	stream.indirect.scatter [tilespmem:s24], [sflag:$0x7], $0x80, s10, s23, $0xb8;
	[tilespmem:$0x1EE00] =	vst v63  }
.LBB2_10:
0xc0: {  	p3 =	sne.s32 s13, $0x1  }
.Ltmp8:
0xc1: {  	_ = 	snop;
	(pc) =	sbr.rel @p3 .LBB2_10-.Ltmp8, $3  }
0xc2: {  	_ = 	snop  }
0xc3: {  	s13 =	sadd.s32 $0xFFFFFFFF, s13;
	s10 =	sadd.s32 $0x80, s10;
	_ =	sdelay $0x1  }
0xc4: {  	[spmem:s1] =	stream.indirect.scatter [tilespmem:s24], [sflag:$0x7], $0x80, s10, s23, $0xb8;
	[tilespmem:$0x1EE00] =	vst v63  }
.LBB2_11:
.Ltmp9:
0xc5: {  	(pc) =	sbr.rel @!p1 .LBB2_13-.Ltmp9, $3  }
0xc6: {  	_ =	sdelay $0x1  }
0xc7: {  	_ =	swait.ge [sflag:s25], $0x2800  }
0xc8: {  	s10 =	sadd.s32 $0xFFFFFFFF, s7;
	[sflag:s25] =	ssyncset.done $0x0  }
.LBB2_12:
0xc9: {  	p1 =	sne.s32 s10, $0x1;
	s10 =	sadd.s32 $0xFFFFFFFF, s10;
	[sflag:s25] =	ssyncadd.s32 $0xFFFFD800  }
.Ltmp10:
0xca: {  	(pc) =	sbr.rel @p1 .LBB2_12-.Ltmp10, $3  }
0xcb: {  	_ =	sdelay $0x1  }
0xcc: {  	_ =	swait.ge [sflag:s25], $0x2800  }
0xcd: {  	[sflag:s25] =	ssyncset.done $0x0  }
.LBB2_13:
0xce: {  	[sflag:s25] =	ssyncadd.s32 $0xFFFFD800  }
0xcf: {  	[bflag:$0x0] =	sbarrier.arrive $0xFFFF  }
0xd0: {  	s10 =	rddreg [dreg:$0x4]  }
0xd1: {  	[tilespmem:s2], [sflag:$0x3] =	stream.linear.gather [hbm4b:s10+s2], $0x80, $0x38;
	[tilespmem:$0x1EE00] =	vst v63  }
0xd2: {  	s13 =	rddreg [dreg:$0x5]  }
0xd3: {  	[tilespmem:s26], [sflag:$0x5] =	stream.linear.gather [hbm4b:s13+s2], $0x80, $0x38;
	[tilespmem:$0x1EE00] =	vst v63  }
0xd4: {  	_ =	swait.ge [sflag:s28], $0x80  }
0xd5: {  	[sflag:s28] =	ssyncset.done $0x0  }
0xd6: {  	[sflag:s28] =	ssyncadd.s32 $0xFFFFFF80  }
0xd7: {  	[tilespmem:s30], [sflag:$0x1] =	stream.indirect.gather [hbm4b:s5+s29], $0x80, s2, s29, $0xb8;
	[tilespmem:$0x1EE00] =	vst v63  }
0xd8: {  	s13 =	rddreg [dreg:$0x6]  }
0xd9: {  	[tilespmem:s29], [sflag:$0x4] =	stream.linear.gather [hbm4b:s13+s2], $0x80, $0x38;
	[tilespmem:$0x1EE00] =	vst v63  }
0xda: {  	s13 =	rddreg [dreg:$0x7]  }
0xdb: {  	[tilespmem:s31], [sflag:$0x6] =	stream.linear.gather [hbm4b:s13+s2], $0x80, $0x38;
	[tilespmem:$0x1EE00] =	vst v63  }
0xdc: {  	_ =	swait.ge [sflag:s0], $0x80  }
0xdd: {  	[sflag:s0] =	ssyncset.done $0x0  }
0xde: {  	[sflag:s0] =	ssyncadd.s32 $0xFFFFFF80  }
0xdf: {  	[tilespmem:s3], [sflag:$0x2] =	stream.indirect.gather [hbm4b:s5+s29], $0x80, s29, s29, $0xb8;
	[tilespmem:$0x1EE00] =	vst v63  }
0xe0: {  	_ =	swait.ge [sflag:s14], $0x4000  }
0xe1: {  	[sflag:s14] =	ssyncset.done $0x0  }
0xe2: {  	[sflag:s14] =	ssyncadd.s32 $0xFFFFC000  }
0xe3: {  	[tilespmem:s2], [sflag:$0x3] =	stream.linear.gather [hbm4b:s19+s2], $0x80, $0x38;
	[tilespmem:$0x1EE00] =	vst v63  }
0xe4: {  	_ =	swait.ge [sflag:s8], $0x80  }
0xe5: {  	[sflag:s8] =	ssyncset.done $0x0  }
0xe6: {  	[sflag:s8] =	ssyncadd.s32 $0xFFFFFF80  }
0xe7: {  	[spmem:s1] =	stream.indirect.scatter.add.f32 [tilespmem:s30], [sflag:$0x8], $0x80, s26, s29, $0xb8;
	[tilespmem:$0x1EE00] =	vst v63  }
0xe8: {  	_ =	swait.ge [sflag:s15], $0x4000  }
0xe9: {  	[sflag:s15] =	ssyncset.done $0x0  }
0xea: {  	[sflag:s15] =	ssyncadd.s32 $0xFFFFC000  }
0xeb: {  	[tilespmem:s26], [sflag:$0x5] =	stream.linear.gather [hbm4b:s20+s2], $0x80, $0x38;
	[tilespmem:$0x1EE00] =	vst v63  }
0xec: {  	_ =	swait.ge [sflag:s28], $0x80  }
0xed: {  	[sflag:s28] =	ssyncset.done $0x0  }
0xee: {  	[sflag:s28] =	ssyncadd.s32 $0xFFFFFF80  }
0xef: {  	[tilespmem:s30], [sflag:$0x1] =	stream.indirect.gather [hbm4b:s5+s29], $0x80, s2, s29, $0xb8;
	[tilespmem:$0x1EE00] =	vst v63  }
0xf0: {  	_ =	swait.ge [sflag:s16], $0x4000  }
0xf1: {  	[sflag:s16] =	ssyncset.done $0x0  }
0xf2: {  	[sflag:s16] =	ssyncadd.s32 $0xFFFFC000  }
0xf3: {  	[tilespmem:s29], [sflag:$0x4] =	stream.linear.gather [hbm4b:s22+s2], $0x80, $0x38;
	[tilespmem:$0x1EE00] =	vst v63  }
0xf4: {  	_ =	swait.ge [sflag:s17], $0x80  }
0xf5: {  	[sflag:s17] =	ssyncset.done $0x0  }
0xf6: {  	[sflag:s17] =	ssyncadd.s32 $0xFFFFFF80  }
0xf7: {  	[spmem:s1] =	stream.indirect.scatter.add.f32 [tilespmem:s3], [sflag:$0x8], $0x80, s31, s29, $0xb8;
	[tilespmem:$0x1EE00] =	vst v63  }
0xf8: {  	_ =	swait.ge [sflag:s15], $0x4000  }
0xf9: {  	[sflag:s15] =	ssyncset.done $0x0  }
.Ltmp11:
0xfa: {  	[sflag:s15] =	ssyncadd.s32 $0xFFFFC000;
	(pc) =	sbr.rel @!p2 .LBB2_15-.Ltmp11, $4  }
0xfb: {  	[tilespmem:s31], [sflag:$0x6] =	stream.linear.gather [hbm4b:s21+s2], $0x80, $0x38;
	[tilespmem:$0x1EE00] =	vst v63  }
0xfc: {  	_ =	swait.ge [sflag:s0], $0x80  }
0xfd: {  	s10 =	sadd.s32 $0x20, s22;
	s20 =	rddreg [dreg:$0x8];
	[sflag:s0] =	ssyncset.done $0x0  }
0xfe: {  	s19 =	sadd.s32 $0xFFFFFFFF, s20;
	[sflag:s0] =	ssyncadd.s32 $0xFFFFFF80;
	s20 =	sadd.s32 $0x20, s21  }
.LBB2_14:
0xff: {  	[tilespmem:s3], [sflag:$0x2] =	stream.indirect.gather [hbm4b:s5+s29], $0x80, s29, s29, $0xb8;
	[tilespmem:$0x1EE00] =	vst v63  }
0x100: {  	p1 =	sne.s32 s19, $0x1;
	s19 =	sadd.s32 $0xFFFFFFFF, s19;
	_ =	swait.ge [sflag:s14], $0x4000  }
0x101: {  	[sflag:s14] =	ssyncset.done $0x0  }
0x102: {  	s13 =	sadd.s32 $0xFFFFFFF0, s10;
	[sflag:s14] =	ssyncadd.s32 $0xFFFFC000  }
0x103: {  	[tilespmem:s2], [sflag:$0x3] =	stream.linear.gather [hbm4b:s13+s2], $0x80, $0x38;
	[tilespmem:$0x1EE00] =	vst v63  }
0x104: {  	_ =	swait.ge [sflag:s8], $0x80  }
0x105: {  	[sflag:s8] =	ssyncset.done $0x0  }
0x106: {  	[sflag:s8] =	ssyncadd.s32 $0xFFFFFF80  }
0x107: {  	[spmem:s1] =	stream.indirect.scatter.add.f32 [tilespmem:s30], [sflag:$0x8], $0x80, s26, s29, $0xb8;
	[tilespmem:$0x1EE00] =	vst v63  }
0x108: {  	_ =	swait.ge [sflag:s15], $0x4000  }
0x109: {  	[sflag:s15] =	ssyncset.done $0x0  }
0x10a: {  	s13 =	sadd.s32 $0xFFFFFFF0, s20;
	[sflag:s15] =	ssyncadd.s32 $0xFFFFC000  }
0x10b: {  	[tilespmem:s26], [sflag:$0x5] =	stream.linear.gather [hbm4b:s13+s2], $0x80, $0x38;
	[tilespmem:$0x1EE00] =	vst v63  }
0x10c: {  	_ =	swait.ge [sflag:s28], $0x80  }
0x10d: {  	[sflag:s28] =	ssyncset.done $0x0  }
0x10e: {  	[sflag:s28] =	ssyncadd.s32 $0xFFFFFF80  }
0x10f: {  	[tilespmem:s30], [sflag:$0x1] =	stream.indirect.gather [hbm4b:s5+s29], $0x80, s2, s29, $0xb8;
	[tilespmem:$0x1EE00] =	vst v63  }
0x110: {  	_ =	swait.ge [sflag:s16], $0x4000  }
0x111: {  	[sflag:s16] =	ssyncset.done $0x0  }
0x112: {  	[sflag:s16] =	ssyncadd.s32 $0xFFFFC000  }
0x113: {  	[tilespmem:s29], [sflag:$0x4] =	stream.linear.gather [hbm4b:s10+s2], $0x80, $0x38;
	[tilespmem:$0x1EE00] =	vst v63  }
0x114: {  	_ =	swait.ge [sflag:s17], $0x80  }
0x115: {  	[sflag:s17] =	ssyncset.done $0x0  }
0x116: {  	[sflag:s17] =	ssyncadd.s32 $0xFFFFFF80  }
0x117: {  	[spmem:s1] =	stream.indirect.scatter.add.f32 [tilespmem:s3], [sflag:$0x8], $0x80, s31, s29, $0xb8;
	[tilespmem:$0x1EE00] =	vst v63  }
0x118: {  	_ =	swait.ge [sflag:s15], $0x4000  }
0x119: {  	[sflag:s15] =	ssyncset.done $0x0  }
.Ltmp12:
0x11a: {  	[sflag:s15] =	ssyncadd.s32 $0xFFFFC000;
	(pc) =	sbr.rel @p1 .LBB2_14-.Ltmp12, $4  }
0x11b: {  	[tilespmem:s31], [sflag:$0x6] =	stream.linear.gather [hbm4b:s20+s2], $0x80, $0x38;
	[tilespmem:$0x1EE00] =	vst v63  }
0x11c: {  	_ =	swait.ge [sflag:s0], $0x80  }
0x11d: {  	[sflag:s0] =	ssyncset.done $0x0  }
0x11e: {  	s10 =	sadd.s32 $0x20, s10;
	s20 =	sadd.s32 $0x20, s20;
	[sflag:s0] =	ssyncadd.s32 $0xFFFFFF80  }
.LBB2_15:
0x11f: {  	[tilespmem:s3], [sflag:$0x2] =	stream.indirect.gather [hbm4b:s5+s29], $0x80, s29, s29, $0xb8;
	[tilespmem:$0x1EE00] =	vst v63  }
0x120: {  	_ =	swait.ge [sflag:s14], $0x4000  }
0x121: {  	[sflag:s14] =	ssyncset.done $0x0  }
0x122: {  	[sflag:s14] =	ssyncadd.s32 $0xFFFFC000  }
0x123: {  	_ =	swait.ge [sflag:s8], $0x80  }
0x124: {  	[sflag:s8] =	ssyncset.done $0x0  }
0x125: {  	[sflag:s8] =	ssyncadd.s32 $0xFFFFFF80  }
0x126: {  	[spmem:s1] =	stream.indirect.scatter.add.f32 [tilespmem:s30], [sflag:$0x8], $0x80, s26, s29, $0xb8;
	[tilespmem:$0x1EE00] =	vst v63  }
0x127: {  	_ =	swait.ge [sflag:s15], $0x4000  }
0x128: {  	[sflag:s15] =	ssyncset.done $0x0  }
0x129: {  	[sflag:s15] =	ssyncadd.s32 $0xFFFFC000  }
0x12a: {  	_ =	swait.ge [sflag:s16], $0x4000  }
0x12b: {  	[sflag:s16] =	ssyncset.done $0x0  }
0x12c: {  	[sflag:s16] =	ssyncadd.s32 $0xFFFFC000  }
0x12d: {  	_ =	swait.ge [sflag:s17], $0x80  }
0x12e: {  	[sflag:s17] =	ssyncset.done $0x0  }
0x12f: {  	[sflag:s17] =	ssyncadd.s32 $0xFFFFFF80  }
0x130: {  	[spmem:s1] =	stream.indirect.scatter.add.f32 [tilespmem:s3], [sflag:$0x8], $0x80, s31, s29, $0xb8;
	[tilespmem:$0x1EE00] =	vst v63  }
0x131: {  	_ =	swait.ge [sflag:s15], $0x4000  }
0x132: {  	[sflag:s15] =	ssyncset.done $0x0  }
0x133: {  	[sflag:s15] =	ssyncadd.s32 $0xFFFFC000  }
0x134: {  	[bflag:$0x0] =	sbarrier.arrive $0xFFFF  }
0x135: {  	s10 =	simm.s32 @p0 $0x1FC8;
	s13 =	rddreg [dreg:$0xe]  }
0x136: {  	[hbm:s13], [sflag:s10] =	dma.local @p0 [spmem:s11], $0x1900  }
0x137: {  	s10 =	simm.s32 @p0 $0x8  }
0x138: {  	_ =	swait.ge @p0 [sflag:s10], $0x1900  }
0x139: {  	[sflag:s10] =	ssyncset.done @p0 $0x0  }
0x13a: {  	[sflag:s10] =	ssyncadd.s32 @p0 $0xFFFFE700;
	s10 =	rddreg [dreg:$0xd]  }
0x13b: {  	[hbm:s10], [sflag:s12] =	dma.local @!p0 [spmem:s9], $0x2800  }
0x13c: {  	s9 =	simm.s32 @!p0 $0x8  }
0x13d: {  	_ =	swait.ge @!p0 [sflag:s9], $0x2800  }
0x13e: {  	s18 =	sadd.s32 $0x1, s18;
	s20 =	rddreg [dreg:$0xf]  }
0x13f: {  	p1 =	sne.s32 s18, s20  }
.Ltmp13:
0x140: {  	_ = 	snop;
	(pc) =	sbr.rel @p1 .LBB2_1-.Ltmp13, $3  }
0x141: {  	_ =	sdelay $0x1  }
0x142: {  	[sflag:s9] =	ssyncset.done @!p0 $0x0  }
0x143: {  	[sflag:s9] =	ssyncadd.s32 @!p0 $0xFFFFD800  }
0x144: {  	_ =	sfence.sel $0x180000  }
0x145: {  	[bflag:$0x0] =	sbarrier.arrive $0xFFFF  }
0x146: {  	_ =	strace $0x9000004A  }
0x147: {  	s0 =	stileid.u32;
	[bflag:$0x2] =	sbarrier.arrive $0xFFFF  }
0x148: {  	p0 =	sne.s32 s0, $0x0;
	s0 =	rddreg [dreg:$0x3]  }
0x149: {  	s0 =	sadd.s32 @!p0 $0x100000, s0  }
0x14a: {  	[sflag:s0] =	ssyncadd.tile.s32 @!p0 $0x1;
	_ =	shalt  }
.Lfunc_end2:
_tile_overlayer_lowered:
.L_overlay_start_2:
0x14b: {  	(tag) =	ssettag $0x2  }
0x14c: {  	s0 =	rddreg [dreg:$0x0];
	s2 =	stileid.u32  }
0x14d: {  	s1 =	rddreg [dreg:$0x1];
	p0 =	sne.s32 s2, $0x0  }
0x14e: {  	s3 =	rddreg [dreg:$0x2];
	[bflag:$0x3] =	sbarrier.arrive $0xFFFF;
	s2 =	simm.s32 @!p0 $0x1C08  }
0x14f: {  	[timem:s3], [sflag:s2] =	dma.local @!p0 [hbm:s0], s1  }
0x150: {  	s0 =	simm.s32 @!p0 $0x8  }
0x151: {  	_ =	swait.ge @!p0 [sflag:s0], s1  }
0x152: {  	s1 =	ssub.s32 @!p0 $0x0, s1;
	[sflag:s0] =	ssyncset.done @!p0 $0x0  }
0x153: {  	[sflag:s0] =	ssyncadd.s32 @!p0 s1  }
0x154: {  	[bflag:$0x3] =	sbarrier.arrive $0xFFFF  }
0x155: {  	_ =	shalt  }

// kernel: kernel.16.cloned.1.call-start
scs
__scs_entry_jumppad:
0x0: {  	(pc) =	sbr.rel $0x88, $3  }
0x1: {  	(tag) =	ssettag $0x0;
	lr =	simm.s32 $0x1  }
0x2: {  	[smem:$0x3F99] =	sst lr;
	_ =	strace $0xD0000000  }
0x3: {  	_ = 	snop  }
0x4: {  	_ = 	snop  }
0x5: {  	_ = 	snop  }
0x6: {  	_ = 	snop  }
0x7: {  	_ = 	snop  }
__scs_overlays_trampoline_lowered:
0x8: {  	[smem:$0x3FA8] =	sst s0  }
0x9: {  	[smem:$0x3FA9] =	sst s1  }
0xa: {  	[smem:$0x3FAA] =	sst s2  }
0xb: {  	[smem:$0x3FAB] =	sst s3  }
0xc: {  	[smem:$0x3FAC] =	sst s4  }
0xd: {  	[smem:$0x3FAD] =	sst s5  }
0xe: {  	[smem:$0x3FAE] =	sst s6  }
0xf: {  	[smem:$0x3FAF] =	sst s7  }
0x10: {  	[smem:$0x3FB0] =	sst s8  }
0x11: {  	[smem:$0x3FB1] =	sst s9;
	s0 =	simm.s32 @!p0 $0x0  }
0x12: {  	s1 =	sld [smem:$0x3F97];
	s0 =	simm.s32 @p0 $0x1  }
0x13: {  	[smem:$0x3FB2] =	sst s0;
	s0 =	simm.s32 @!p1 $0x0  }
0x14: {  	s2 =	sld [smem:$0x3F96];
	s0 =	simm.s32 @p1 $0x1  }
0x15: {  	[smem:$0x3FB3] =	sst s0;
	s0 =	simm.s32 @!p2 $0x0  }
0x16: {  	s3 =	sld [smem:$0x3FDB];
	s0 =	simm.s32 @p2 $0x1  }
0x17: {  	s4 =	simm.s32 $0x1BF5;
	[smem:$0x3FB5] =	sst s0  }
0x18: {  	s0 =	sld [smem:$0x3F98];
	_ =	swait.ge [sflag:s4], $0x0  }
0x19: {  	s7 =	sld [smem:$0x3F99]  }
0x1a: {  	s8 =	sadd.s32 $0xFFFFE003, lr  }
0x1b: {  	s9 =	sadd.s32 $0xFFFFFEF7, lr;
	s5 =	simm.s32 $0xFFFFFFFF;
	p2 =	slt.u32 s8, $0xFFFFF086  }
0x1c: {  	p1 =	slt.u32 s9, $0xF7A;
	s5 =	simm.s32 @!p2 $0x0  }
0x1d: {  	s5 =	simm.s32 @p1 $0x1;
	p0 =	seq.s32 s7, s2  }
0x1e: {  	s7 =	smul.u32 @!p0 $0xF7A, s2;
	p2 =	seq.s32 @!p0 s5, $0x0  }
0x1f: {  	s9 =	smul.u32 $0xF7A, s1;
	s8 =	simm.s32 @!p0 $0x1BF5;
	p2 =	por !p2, p0  }
0x20: {  	[sflag:s8] =	ssyncset.s32 @!p0 $0xFFFFF086;
	s6 =	sadd.s32 @!p0 s3, s7;
	s7 =	simm.s32 @!p0 $0x108  }
0x21: {  	s3 =	sadd.s32 s3, s9;
	s6 =	sadd.s32 @!p0 $0x88, s6;
	s7 =	simm.s32 @p2 $0x1082  }
0x22: {  	[simem:s7], [sflag:s8] =	dma.local @!p0 [hbm:s6], $0xF7A  }
0x23: {  	s9 =	sor.u32 $0xD0000000, s2;
	s6 =	simm.s32 $0x108;
	_ =	swait.ge @!p0 [sflag:s8], $0x0  }
0x24: {  	s3 =	sadd.s32 $0x88, s3;
	s6 =	simm.s32 @!p1 $0x1082;
	[sflag:s4] =	ssyncset.s32 $0xFFFFF086  }
0x25: {  	[simem:s6], [sflag:s4] =	dma.local [hbm:s3], $0xF7A  }
0x26: {  	[smem:$0x3F99] =	sst s1;
	(tag) =	ssettag s2;
	_ =	strace s9  }
0x27: {  	s1 =	sld [smem:$0x3FA9]  }
0x28: {  	s2 =	sld [smem:$0x3FAA]  }
0x29: {  	s4 =	sld [smem:$0x3FAC]  }
0x2a: {  	p0 =	seq.s32 s5, $0x0;
	s5 =	sld [smem:$0x3FAD]  }
0x2b: {  	s6 =	sld [smem:$0x3FAE]  }
0x2c: {  	s7 =	sld [smem:$0x3FAF]  }
0x2d: {  	s3 =	simm.s32 $0x108;
	s8 =	sld [smem:$0x3FB0]  }
0x2e: {  	s3 =	simm.s32 @!p0 $0x1082;
	s9 =	sld [smem:$0x3FB1]  }
0x2f: {  	lr =	sadd.s32 s0, s3;
	s0 =	sld [smem:$0x3FA8]  }
0x30: {  	s3 =	sld [smem:$0x3FAB]  }
0x31: {  	[smem:$0x3FB4] =	sst s10  }
0x32: {  	s10 =	sld [smem:$0x3FB2];
	_ =	sdelay $0x3  }
0x33: {  	p0 =	seq.s32 s10, $0x1;
	s10 =	sld [smem:$0x3FB4];
	_ =	sdelay $0x3  }
0x34: {  	[smem:$0x3FB4] =	sst s10  }
0x35: {  	s10 =	sld [smem:$0x3FB3];
	_ =	sdelay $0x3  }
0x36: {  	p1 =	seq.s32 s10, $0x1;
	s10 =	sld [smem:$0x3FB4];
	_ =	sdelay $0x3  }
0x37: {  	[smem:$0x3FB4] =	sst s10  }
0x38: {  	s10 =	sld [smem:$0x3FB5]  }
0x39: {  	_ = 	snop;
	(pc) =	sbr.ind lr, $3  }
0x3a: {  	_ = 	snop  }
0x3b: {  	_ = 	snop  }
0x3c: {  	p2 =	seq.s32 s10, $0x1;
	s10 =	sld [smem:$0x3FB4]  }
0x3d: {  	_ =	shalt  }
0x3e: {  	_ =	shalt  }
0x3f: {  	_ =	shalt  }
0x40: {  	_ =	shalt  }
0x41: {  	_ =	shalt  }
0x42: {  	_ =	shalt  }
0x43: {  	_ =	shalt  }
0x44: {  	_ =	shalt  }
0x45: {  	_ =	shalt  }
0x46: {  	_ =	shalt  }
0x47: {  	_ =	shalt  }
0x48: {  	_ =	shalt  }
0x49: {  	_ =	shalt  }
0x4a: {  	_ =	shalt  }
0x4b: {  	_ =	shalt  }
0x4c: {  	_ =	shalt  }
0x4d: {  	_ =	shalt  }
0x4e: {  	_ =	shalt  }
0x4f: {  	_ =	shalt  }
0x50: {  	_ =	shalt  }
0x51: {  	_ =	shalt  }
0x52: {  	_ =	shalt  }
0x53: {  	_ =	shalt  }
0x54: {  	_ =	shalt  }
0x55: {  	_ =	shalt  }
0x56: {  	_ =	shalt  }
0x57: {  	_ =	shalt  }
0x58: {  	_ =	shalt  }
0x59: {  	_ =	shalt  }
0x5a: {  	_ =	shalt  }
0x5b: {  	_ =	shalt  }
0x5c: {  	_ =	shalt  }
0x5d: {  	_ =	shalt  }
0x5e: {  	_ =	shalt  }
0x5f: {  	_ =	shalt  }
0x60: {  	_ =	shalt  }
0x61: {  	_ =	shalt  }
0x62: {  	_ =	shalt  }
0x63: {  	_ =	shalt  }
0x64: {  	_ =	shalt  }
0x65: {  	_ =	shalt  }
0x66: {  	_ =	shalt  }
0x67: {  	_ =	shalt  }
0x68: {  	_ =	shalt  }
0x69: {  	_ =	shalt  }
0x6a: {  	_ =	shalt  }
0x6b: {  	_ =	shalt  }
0x6c: {  	_ =	shalt  }
0x6d: {  	_ =	shalt  }
0x6e: {  	_ =	shalt  }
0x6f: {  	_ =	shalt  }
0x70: {  	_ =	shalt  }
0x71: {  	_ =	shalt  }
0x72: {  	_ =	shalt  }
0x73: {  	_ =	shalt  }
0x74: {  	_ =	shalt  }
0x75: {  	_ =	shalt  }
0x76: {  	_ =	shalt  }
0x77: {  	_ =	shalt  }
0x78: {  	_ =	shalt  }
0x79: {  	_ =	shalt  }
0x7a: {  	_ =	shalt  }
0x7b: {  	_ =	shalt  }
0x7c: {  	_ =	shalt  }
0x7d: {  	_ =	shalt  }
0x7e: {  	_ =	shalt  }
0x7f: {  	_ =	shalt  }
0x80: {  	_ =	shalt  }
0x81: {  	_ =	shalt  }
0x82: {  	_ =	shalt  }
0x83: {  	_ =	shalt  }
0x84: {  	_ =	shalt  }
0x85: {  	_ =	shalt  }
0x86: {  	_ =	shalt  }
0x87: {  	_ =	shalt  }
.Lfunc_end0:
.L_simem_size_0:
called_computation.2_lowered:
.L_overlay_start_0:
0x88: {  	s2 =	sld [smem:$0x3FD9]  }
0x89: {  	s3 =	sld [smem:$0x3FFE];
	_ =	sdelay $0x1  }
0x8a: {  	s1 =	srdreg.scid  }
0x8b: {  	s0 =	sand.u32 $0x1, s1  }
0x8c: {  	s17 =	sshll.u32 s0, $0xA;
	s2 =	sadd.s32 s3, s2  }
0x8d: {  	s2 =	sadd.s32 s2, s17  }
0x8e: {  	[smem:$0x3FC0] =	sst s2  }
0x8f: {  	_ = 	snop  }
0x90: {  	s2 =	sld [smem:$0x3FD0];
	(tm) =	ssettm $0x1  }
0x91: {  	s18 =	sld [smem:$0x3FFB];
	_ =	sdelay $0x3  }
0x92: {  	_ =	strace s18  }
0x93: {  	s3 =	sld [smem:$0x3FFC];
	_ =	sdelay $0x3  }
0x94: {  	_ =	strace s3  }
0x95: {  	s3 =	sld [smem:$0x3FFD];
	_ =	sdelay $0x3  }
0x96: {  	_ =	strace s3  }
0x97: {  	_ =	strace $0x8FFFFFFF  }
0x98: {  	s19 =	sld [smem:$0x3FDB];
	_ =	sdelay $0x1  }
0x99: {  	s4 =	simm.s32 $_scs_section_size  }
0x9a: {  	s5 =	simm.s32 $_size__tile_overlayer_lowered;
	s6 =	simm.s32 $_tile_overlayer_lowered  }
0x9b: {  	s22 =	simm.s32 $0x1BFF;
	s21 =	sshll.u32 s6, $0x1;
	s3 =	sadd.s32 s4, s19  }
0x9c: {  	s7 =	simm.s32 $0x0;
	s20 =	sshll.u32 s5, $0x1;
	s5 =	sadd.s32 s21, s3  }
0x9d: {  	[timem:s7], [sflag:s22] =	dma.local [hbm:s5], s20  }
0x9e: {  	_ =	swait.ge [sflag:s22], s20  }
0x9f: {  	s4 =	ssub.s32 $0x0, s20;
	[sflag:s22] =	ssyncset.done $0x0  }
0xa0: {  	[sflag:s22] =	ssyncadd.s32 s4;
	_ =	sdelay $0x1  }
0xa1: {  	s23 =	simm.s32 $0x1B8B  }
0xa2: {  	_ =	swait.ge [sflag:s23], $0x1  }
0xa3: {  	[sflag:s23] =	ssyncset.done $0x0  }
0xa4: {  	s25 =	simm.s32 $0x1B8E;
	s24 =	sld [smem:$0x3FFE];
	[sflag:s23] =	ssyncadd.s32 $0xFFFFFFFF  }
0xa5: {  	s26 =	simm.s32 $execute0_lowered;
	[smem:$0x3FD2] =	sst s25  }
0xa6: {  	s5 =	sshll.u32 s26, $0x1;
	_ =	strace $0x8000004C;
	[dreg:$0x1] =	wrdreg $0xFFFFFFFF  }
0xa7: {  	s28 =	simm.s32 $_size_execute0_lowered;
	s3 =	sadd.s32 s3, s5;
	[dreg:$0x0] =	wrdreg $0x0  }
0xa8: {  	s5 =	sshll.u32 s28, $0x1;
	[dreg:$0x2] =	wrdreg s3  }
0xa9: {  	[dreg:$0x3] =	wrdreg s5  }
0xaa: {  	[dreg:$0x4] =	wrdreg $0xC0  }
0xab: {  	_ =	task [dreg:s7], $0x5FFFF  }
0xac: {  	[dreg:$0x1] =	wrdreg $0xFFFFFFFF  }
0xad: {  	[dreg:$0x0] =	wrdreg $0x60  }
0xae: {  	[dreg:$0x2] =	wrdreg s24  }
0xaf: {  	[dreg:$0x3] =	wrdreg s2  }
0xb0: {  	[dreg:$0x4] =	wrdreg $0xAE000  }
0xb1: {  	[dreg:$0x5] =	wrdreg $0x9  }
0xb2: {  	_ =	task.clear_ibuf [dreg:s7], $0x6FFFF;
	_ =	strace $0x9000004C  }
0xb3: {  	s29 =	simm.s32 $0x9;
	_ =	strace $0x8000004E  }
0xb4: {  	_ =	swait.ge [sflag:s29], $0x1  }
0xb5: {  	[sflag:s29] =	ssyncadd.s32 $0xFFFFFFFF  }
0xb6: {  	_ =	strace $0x9000004E  }
0xb7: {  	_ =	sfence  }
0xb8: {  	s30 =	sld [smem:$0x0];
	_ =	sdelay $0x2  }
0xb9: {  	s31 =	sshll.u32 s1, $0xD;
	s1 =	sshrl.u32 s1, $0x2  }
0xba: {  	s3 =	sand.u32 $0x4000, s31;
	s1 =	sadd.s32 s1, s30  }
0xbb: {  	s0 =	sor.u32 s3, s0;
	s1 =	sshll.u32 s1, $0x11  }
0xbc: {  	s0 =	sor.u32 s1, s0  }
0xbd: {  	s0 =	sadd.s32 $0x8F2B, s0  }
0xbe: {  	[sflag:s0] =	ssyncadd.remote.s32 $0x1  }
0xbf: {  	_ =	sfence.sel $0xFFFF  }
0xc0: {  	[dreg:$0x0] =	wrdreg $0xFFFFFFFF;
	(pc) =	sbr.abs _section_cstart, $3  }
0xc1: {  	[dreg:$0x1] =	wrdreg $0xFFFFFFFF  }
0xc2: {  	_ =	task.clear_ibuf [dreg:s7], $0x2FFFF;
	_ =	strace $0x9FFFFFFF  }
0xc3: {  	(tm) =	ssettm $0x7FFFFFFF  }
tec
execute0_lowered:
.L_overlay_start_1:
0x0: {  	(tag) =	ssettag $0x1  }
0x1: {  	s0 =	rddreg [dreg:$0x0]  }
0x2: {  	s3 =	rddreg [dreg:$0x1]  }
0x3: {  	s1 =	rddreg [dreg:$0x2];
	s2 =	simm.s32 $0x0  }
0x4: {  	s4 =	srdreg.scid;
	s13 =	stileid.u32;
	s18 =	simm.s32 $0x50  }
0x5: {  	s19 =	simm.s32 $0x8200;
	s20 =	simm.s32 $0x7;
	s21 =	simm.s32 $0x100  }
0x6: {  	s22 =	simm.s32 $0x3;
	s28 =	simm.s32 $0x180;
	s29 =	simm.s32 $0x4  }
0x7: {  	s30 =	simm.s32 $0x4200;
	s31 =	simm.s32 $0x1;
	[smem:$0x7FF] =	sst s2  }
0x8: {  	s8 =	sand.u32 $0x1, s4;
	s4 =	sadd.s32 $0x21000, s0;
	s7 =	smul.u32 $0xC, s13  }
0x9: {  	s9 =	sadd.s32 $0x17000, s0;
	s0 =	sadd.s32 $0xD000, s0;
	s23 =	smul.u32 $0x14000, s13  }
0xa: {  	p0 =	seq.s32 s13, $0xF;
	s24 =	smul.u32 $0x50000, s13;
	s5 =	ssub.s32 $0x2, s8  }
0xb: {  	p1 =	seq.s32 s8, $0x0;
	s8 =	smul.u32 $0x138800, s8;
	s6 =	sshrl.u32 s5, $0x1  }
0xc: {  	_ =	strace $0x8000004D;
	s10 =	ssub.s32 s5, s6;
	s6 =	smul.u32 $0x94, s13  }
0xd: {  	s11 =	sadd.s32 $0x940, s7;
	s7 =	simm.s32 $0x5;
	s5 =	smul.u32 $0x280, s13  }
0xe: {  	s26 =	smax.u32 s10, $0x1;
	s10 =	simm.s32 $0x6;
	s11 =	smov.u32 @p1 s6  }
0xf: {  	s6 =	simm.s32 $0x5;
	[dreg:$0xa] =	wrdreg s26;
	s11 =	sshll.u32 s11, $0x4  }
0x10: {  	s14 =	sadd.s32 s9, s11;
	s12 =	sor.u32 $0x10, s11;
	s11 =	sadd.s32 s0, s11  }
0x11: {  	s26 =	simm.s32 $0x200;
	s6 =	simm.s32 @!p0 $0x8;
	[dreg:$0x5] =	wrdreg s11  }
0x12: {  	s9 =	sadd.s32 s9, s12;
	s0 =	sadd.s32 s0, s12;
	[dreg:$0x4] =	wrdreg s14  }
0x13: {  	s12 =	simm.s32 $0x49;
	s16 =	sadd.s32 $0x30, s11;
	[dreg:$0x6] =	wrdreg s9  }
0x14: {  	s17 =	sadd.s32 $0x30, s14;
	s11 =	simm.s32 $0x0;
	[dreg:$0x7] =	wrdreg s0  }
0x15: {  	s12 =	simm.s32 @!p1 $0x5;
	s9 =	sadd.s32 s23, s8;
	s8 =	sshrl.u32 s8, $0x3  }
0x16: {  	s0 =	sshrl.u32 s24, $0x2;
	s23 =	simm.s32 $0x80;
	s9 =	sshrl.u32 s9, $0x3  }
0x17: {  	s8 =	sadd.s32 s3, s8;
	s0 =	sadd.s32 s0, s1;
	s3 =	sadd.s32 s3, s9  }
0x18: {  	s25 =	sadd.s32 $0x25800, s8;
	[dreg:$0x8] =	wrdreg s3;
	s3 =	sadd.s32 $0x12C000, s1  }
0x19: {  	[dreg:$0x9] =	wrdreg s25;
	s25 =	sshrl.u32 @!p0 s0, $0x3;
	s3 =	sshrl.u32 @p0 s3, $0x3  }
0x1a: {  	v0 =	vimm.f32 $0.0e+00;
	v1 =	vlaneseq.u32;
	s0 =	simm.s32 $0x8;
	[dreg:$0xb] =	wrdreg s3;
	s3 =	simm.s32 $0x2  }
.LBB2_1:
0x1b: {  	s8 =	simm.s32 $0x8240  }
0x1c: {  	[tilespmem:s8+$0x0] =	vst v0  }
0x1d: {  	[tilespmem:s8+$0x10] =	vst v0  }
0x1e: {  	s13 =	sand.u32 $0x7, s2;
	s9 =	simm.s32 $0x1;
	[tilespmem:s8+$0x20] =	vst v0  }
.LBB2_2:
0x1f: {  	p1 =	sne.s32 s9, $0x4F;
	[tilespmem:s8+$0xFFFFFFC0] =	vst v0;
	s14 =	smul.u32 $0x50, s13  }
0x20: {  	[tilespmem:s8+$0xFFFFFFD0] =	vst v0  }
0x21: {  	[tilespmem:s8+$0xFFFFFFE0] =	vst v0;
	s14 =	sadd.s32 s5, s14  }
0x22: {  	[tilespmem:s8+$0xFFFFFFF0] =	vst v0;
	s15 =	sadd.s32 $0x40, s14  }
0x23: {  	s13 =	sshll.u32 s13, $0x7;
	s24 =	sadd.s32 $0x10, s14;
	[tilespmem:s8+$0x30] =	vst v0;
	v2 =	vor.u32 s15, v1  }
0x24: {  	v3 =	vor.u32 s24, v1;
	s15 =	sadd.s32 $0x20, s14;
	[tilespmem:s13+$0xAA40] =	vst v2  }
0x25: {  	v2 =	vor.u32 s15, v1;
	s15 =	sadd.s32 $0x30, s14;
	[tilespmem:s13+$0xAA10] =	vst v3  }
0x26: {  	[tilespmem:s13+$0xAA20] =	vst v2;
	v2 =	vor.u32 s15, v1  }
.Ltmp0:
0x27: {  	v3 =	vor.u32 s14, v1;
	[tilespmem:s13+$0xAA30] =	vst v2;
	(pc) =	sbr.rel @p1 .LBB2_2-.Ltmp0, $4  }
0x28: {  	s8 =	sadd.s32 $0x80, s8;
	[tilespmem:s13+$0xAA00] =	vst v3  }
0x29: {  	[tilespmem:s8+$0x0] =	vst v0  }
0x2a: {  	[tilespmem:s8+$0x10] =	vst v0  }
0x2b: {  	s13 =	sand.u32 $0x7, s9;
	s9 =	sadd.s32 $0x1, s9;
	[tilespmem:s8+$0x20] =	vst v0  }
0x2c: {  	[tilespmem:s8+$0xFFFFFFC0] =	vst v0;
	s9 =	smul.u32 $0x50, s13  }
0x2d: {  	[tilespmem:s8+$0xFFFFFFD0] =	vst v0  }
0x2e: {  	[tilespmem:s8+$0xFFFFFFE0] =	vst v0;
	s9 =	sadd.s32 s5, s9  }
0x2f: {  	[tilespmem:s8+$0xFFFFFFF0] =	vst v0;
	s14 =	sadd.s32 $0x40, s9  }
0x30: {  	[tilespmem:s8+$0x30] =	vst v0;
	s8 =	sshll.u32 s13, $0x7;
	s24 =	sadd.s32 $0x10, s9;
	v2 =	vor.u32 s14, v1  }
0x31: {  	p1 =	sne.s32 s6, $0x1;
	s15 =	sadd.s32 $0x20, s9;
	v3 =	vor.u32 s24, v1;
	[tilespmem:s8+$0xAA40] =	vst v2  }
.Ltmp1:
0x32: {  	[tilespmem:s8+$0xAA10] =	vst v3;
	v2 =	vor.u32 s15, v1;
	(pc) =	sbr.rel @!p1 .LBB2_5-.Ltmp1, $4  }
0x33: {  	s24 =	sadd.s32 $0x30, s9;
	v3 =	vor.u32 s9, v1;
	[tilespmem:s8+$0xAA20] =	vst v2  }
0x34: {  	v2 =	vor.u32 s24, v1;
	[tilespmem:s8+$0xAA00] =	vst v3  }
0x35: {  	s9 =	sadd.s32 $0xFFFFFFFF, s6;
	[tilespmem:s8+$0xAA30] =	vst v2;
	s8 =	simm.s32 $0xAA00  }
0x36: {  	[spmem:s1] =	stream.indirect.scatter [tilespmem:s19], [sflag:$0x7], $0x80, s8, s18, $0xb8;
	[tilespmem:$0x1EE00] =	vst v63  }
.LBB2_4:
0x37: {  	p2 =	sne.s32 s9, $0x1  }
.Ltmp2:
0x38: {  	_ = 	snop;
	(pc) =	sbr.rel @p2 .LBB2_4-.Ltmp2, $3  }
0x39: {  	_ = 	snop  }
0x3a: {  	s9 =	sadd.s32 $0xFFFFFFFF, s9;
	s8 =	sadd.s32 $0x80, s8;
	_ =	sdelay $0x1  }
0x3b: {  	[spmem:s1] =	stream.indirect.scatter [tilespmem:s19], [sflag:$0x7], $0x80, s8, s18, $0xb8;
	[tilespmem:$0x1EE00] =	vst v63  }
.LBB2_5:
.Ltmp3:
0x3c: {  	(pc) =	sbr.rel @!p1 .LBB2_7-.Ltmp3, $3  }
0x3d: {  	_ =	sdelay $0x1  }
0x3e: {  	_ =	swait.ge [sflag:s20], $0x2800  }
0x3f: {  	s8 =	sadd.s32 $0xFFFFFFFF, s6;
	[sflag:s20] =	ssyncset.done $0x0  }
.LBB2_6:
0x40: {  	p1 =	sne.s32 s8, $0x1;
	s8 =	sadd.s32 $0xFFFFFFFF, s8;
	[sflag:s20] =	ssyncadd.s32 $0xFFFFD800  }
.Ltmp4:
0x41: {  	(pc) =	sbr.rel @p1 .LBB2_6-.Ltmp4, $3  }
0x42: {  	_ =	sdelay $0x1  }
0x43: {  	_ =	swait.ge [sflag:s20], $0x2800  }
0x44: {  	[sflag:s20] =	ssyncset.done $0x0  }
.LBB2_7:
0x45: {  	[sflag:s20] =	ssyncadd.s32 $0xFFFFD800  }
0x46: {  	[bflag:$0x0] =	sbarrier.arrive $0xFFFF  }
0x47: {  	s8 =	rddreg [dreg:$0x4]  }
0x48: {  	[tilespmem:s2], [sflag:$0x3] =	stream.linear.gather [hbm4b:s8+s2], $0x80, $0x38;
	[tilespmem:$0x1EE00] =	vst v63  }
0x49: {  	s9 =	rddreg [dreg:$0x5]  }
0x4a: {  	[tilespmem:s21], [sflag:$0x5] =	stream.linear.gather [hbm4b:s9+s2], $0x80, $0x38;
	[tilespmem:$0x1EE00] =	vst v63  }
0x4b: {  	_ =	swait.ge [sflag:s22], $0x80  }
0x4c: {  	[sflag:s22] =	ssyncset.done $0x0  }
0x4d: {  	[sflag:s22] =	ssyncadd.s32 $0xFFFFFF80  }
0x4e: {  	[tilespmem:s26], [sflag:$0x1] =	stream.indirect.gather [hbm4b:s4+s23], $0x80, s2, s23, $0xb8;
	[tilespmem:$0x1EE00] =	vst v63  }
0x4f: {  	s13 =	rddreg [dreg:$0x6]  }
0x50: {  	[tilespmem:s23], [sflag:$0x4] =	stream.linear.gather [hbm4b:s13+s2], $0x80, $0x38;
	[tilespmem:$0x1EE00] =	vst v63  }
0x51: {  	s14 =	rddreg [dreg:$0x7]  }
0x52: {  	[tilespmem:s28], [sflag:$0x6] =	stream.linear.gather [hbm4b:s14+s2], $0x80, $0x38;
	[tilespmem:$0x1EE00] =	vst v63  }
0x53: {  	_ =	swait.ge [sflag:s29], $0x80  }
0x54: {  	[sflag:s29] =	ssyncset.done $0x0  }
0x55: {  	[sflag:s29] =	ssyncadd.s32 $0xFFFFFF80  }
0x56: {  	[tilespmem:s30], [sflag:$0x2] =	stream.indirect.gather [hbm4b:s4+s23], $0x80, s23, s23, $0xb8;
	[tilespmem:$0x1EE00] =	vst v63  }
0x57: {  	_ =	swait.ge [sflag:s31], $0x4000  }
0x58: {  	[sflag:s31] =	ssyncset.done $0x0  }
0x59: {  	s15 =	sadd.s32 $0xFFFFFFF0, s17;
	[sflag:s31] =	ssyncadd.s32 $0xFFFFC000  }
0x5a: {  	[tilespmem:s2], [sflag:$0x3] =	stream.linear.gather [hbm4b:s15+s2], $0x80, $0x38;
	[tilespmem:$0x1EE00] =	vst v63  }
0x5b: {  	_ =	swait.ge [sflag:s7], $0x80  }
0x5c: {  	[sflag:s7] =	ssyncset.done $0x0  }
0x5d: {  	[sflag:s7] =	ssyncadd.s32 $0xFFFFFF80  }
0x5e: {  	[spmem:s1] =	stream.indirect.scatter.add.f32 [tilespmem:s26], [sflag:$0x8], $0x80, s21, s23, $0xb8;
	[tilespmem:$0x1EE00] =	vst v63  }
0x5f: {  	_ =	swait.ge [sflag:s0], $0x4000  }
0x60: {  	[sflag:s0] =	ssyncset.done $0x0  }
0x61: {  	s24 =	sadd.s32 $0xFFFFFFF0, s16;
	[sflag:s0] =	ssyncadd.s32 $0xFFFFC000  }
0x62: {  	[tilespmem:s21], [sflag:$0x5] =	stream.linear.gather [hbm4b:s24+s2], $0x80, $0x38;
	[tilespmem:$0x1EE00] =	vst v63  }
0x63: {  	_ =	swait.ge [sflag:s22], $0x80  }
0x64: {  	[sflag:s22] =	ssyncset.done $0x0  }
0x65: {  	[sflag:s22] =	ssyncadd.s32 $0xFFFFFF80  }
0x66: {  	[tilespmem:s26], [sflag:$0x1] =	stream.indirect.gather [hbm4b:s4+s23], $0x80, s2, s23, $0xb8;
	[tilespmem:$0x1EE00] =	vst v63  }
0x67: {  	_ =	swait.ge [sflag:s3], $0x4000  }
0x68: {  	[sflag:s3] =	ssyncset.done $0x0  }
0x69: {  	[sflag:s3] =	ssyncadd.s32 $0xFFFFC000  }
0x6a: {  	[tilespmem:s23], [sflag:$0x4] =	stream.linear.gather [hbm4b:s17+s2], $0x80, $0x38;
	[tilespmem:$0x1EE00] =	vst v63  }
0x6b: {  	_ =	swait.ge [sflag:s10], $0x80  }
0x6c: {  	[sflag:s10] =	ssyncset.done $0x0  }
0x6d: {  	[sflag:s10] =	ssyncadd.s32 $0xFFFFFF80  }
0x6e: {  	[spmem:s1] =	stream.indirect.scatter.add.f32 [tilespmem:s30], [sflag:$0x8], $0x80, s28, s23, $0xb8;
	[tilespmem:$0x1EE00] =	vst v63  }
0x6f: {  	_ =	swait.ge [sflag:s0], $0x4000  }
0x70: {  	p1 =	sne.s32 s12, $0x1;
	[sflag:s0] =	ssyncset.done $0x0  }
.Ltmp5:
0x71: {  	[sflag:s0] =	ssyncadd.s32 $0xFFFFC000;
	(pc) =	sbr.rel @!p1 .LBB2_9-.Ltmp5, $4  }
0x72: {  	[tilespmem:s28], [sflag:$0x6] =	stream.linear.gather [hbm4b:s16+s2], $0x80, $0x38;
	[tilespmem:$0x1EE00] =	vst v63  }
0x73: {  	_ =	swait.ge [sflag:s29], $0x80  }
0x74: {  	s8 =	sadd.s32 $0xFFFFFFFF, s12;
	[sflag:s29] =	ssyncset.done $0x0  }
0x75: {  	s9 =	sadd.s32 $0x20, s16;
	s13 =	sadd.s32 $0x20, s17;
	[sflag:s29] =	ssyncadd.s32 $0xFFFFFF80  }
.LBB2_8:
0x76: {  	[tilespmem:s30], [sflag:$0x2] =	stream.indirect.gather [hbm4b:s4+s23], $0x80, s23, s23, $0xb8;
	[tilespmem:$0x1EE00] =	vst v63  }
0x77: {  	p1 =	sne.s32 s8, $0x1;
	s8 =	sadd.s32 $0xFFFFFFFF, s8;
	_ =	swait.ge [sflag:s31], $0x4000  }
0x78: {  	[sflag:s31] =	ssyncset.done $0x0  }
0x79: {  	s14 =	sadd.s32 $0xFFFFFFF0, s13;
	[sflag:s31] =	ssyncadd.s32 $0xFFFFC000  }
0x7a: {  	[tilespmem:s2], [sflag:$0x3] =	stream.linear.gather [hbm4b:s14+s2], $0x80, $0x38;
	[tilespmem:$0x1EE00] =	vst v63  }
0x7b: {  	_ =	swait.ge [sflag:s7], $0x80  }
0x7c: {  	[sflag:s7] =	ssyncset.done $0x0  }
0x7d: {  	[sflag:s7] =	ssyncadd.s32 $0xFFFFFF80  }
0x7e: {  	[spmem:s1] =	stream.indirect.scatter.add.f32 [tilespmem:s26], [sflag:$0x8], $0x80, s21, s23, $0xb8;
	[tilespmem:$0x1EE00] =	vst v63  }
0x7f: {  	_ =	swait.ge [sflag:s0], $0x4000  }
0x80: {  	[sflag:s0] =	ssyncset.done $0x0  }
0x81: {  	s14 =	sadd.s32 $0xFFFFFFF0, s9;
	[sflag:s0] =	ssyncadd.s32 $0xFFFFC000  }
0x82: {  	[tilespmem:s21], [sflag:$0x5] =	stream.linear.gather [hbm4b:s14+s2], $0x80, $0x38;
	[tilespmem:$0x1EE00] =	vst v63  }
0x83: {  	_ =	swait.ge [sflag:s22], $0x80  }
0x84: {  	[sflag:s22] =	ssyncset.done $0x0  }
0x85: {  	[sflag:s22] =	ssyncadd.s32 $0xFFFFFF80  }
0x86: {  	[tilespmem:s26], [sflag:$0x1] =	stream.indirect.gather [hbm4b:s4+s23], $0x80, s2, s23, $0xb8;
	[tilespmem:$0x1EE00] =	vst v63  }
0x87: {  	_ =	swait.ge [sflag:s3], $0x4000  }
0x88: {  	[sflag:s3] =	ssyncset.done $0x0  }
0x89: {  	[sflag:s3] =	ssyncadd.s32 $0xFFFFC000  }
0x8a: {  	[tilespmem:s23], [sflag:$0x4] =	stream.linear.gather [hbm4b:s13+s2], $0x80, $0x38;
	[tilespmem:$0x1EE00] =	vst v63  }
0x8b: {  	_ =	swait.ge [sflag:s10], $0x80  }
0x8c: {  	[sflag:s10] =	ssyncset.done $0x0  }
0x8d: {  	[sflag:s10] =	ssyncadd.s32 $0xFFFFFF80  }
0x8e: {  	[spmem:s1] =	stream.indirect.scatter.add.f32 [tilespmem:s30], [sflag:$0x8], $0x80, s28, s23, $0xb8;
	[tilespmem:$0x1EE00] =	vst v63  }
0x8f: {  	_ =	swait.ge [sflag:s0], $0x4000  }
0x90: {  	[sflag:s0] =	ssyncset.done $0x0  }
.Ltmp6:
0x91: {  	[sflag:s0] =	ssyncadd.s32 $0xFFFFC000;
	(pc) =	sbr.rel @p1 .LBB2_8-.Ltmp6, $4  }
0x92: {  	[tilespmem:s28], [sflag:$0x6] =	stream.linear.gather [hbm4b:s9+s2], $0x80, $0x38;
	[tilespmem:$0x1EE00] =	vst v63  }
0x93: {  	_ =	swait.ge [sflag:s29], $0x80  }
0x94: {  	[sflag:s29] =	ssyncset.done $0x0  }
0x95: {  	s13 =	sadd.s32 $0x20, s13;
	s9 =	sadd.s32 $0x20, s9;
	[sflag:s29] =	ssyncadd.s32 $0xFFFFFF80  }
.LBB2_9:
0x96: {  	[tilespmem:s30], [sflag:$0x2] =	stream.indirect.gather [hbm4b:s4+s23], $0x80, s23, s23, $0xb8;
	[tilespmem:$0x1EE00] =	vst v63  }
0x97: {  	_ =	swait.ge [sflag:s31], $0x4000  }
0x98: {  	[sflag:s31] =	ssyncset.done $0x0  }
0x99: {  	[sflag:s31] =	ssyncadd.s32 $0xFFFFC000  }
0x9a: {  	_ =	swait.ge [sflag:s7], $0x80  }
0x9b: {  	[sflag:s7] =	ssyncset.done $0x0  }
0x9c: {  	[sflag:s7] =	ssyncadd.s32 $0xFFFFFF80  }
0x9d: {  	[spmem:s1] =	stream.indirect.scatter.add.f32 [tilespmem:s26], [sflag:$0x8], $0x80, s21, s23, $0xb8;
	[tilespmem:$0x1EE00] =	vst v63  }
0x9e: {  	_ =	swait.ge [sflag:s0], $0x4000  }
0x9f: {  	[sflag:s0] =	ssyncset.done $0x0  }
0xa0: {  	[sflag:s0] =	ssyncadd.s32 $0xFFFFC000  }
0xa1: {  	_ =	swait.ge [sflag:s3], $0x4000  }
0xa2: {  	[sflag:s3] =	ssyncset.done $0x0  }
0xa3: {  	[sflag:s3] =	ssyncadd.s32 $0xFFFFC000  }
0xa4: {  	_ =	swait.ge [sflag:s10], $0x80  }
0xa5: {  	[sflag:s10] =	ssyncset.done $0x0  }
0xa6: {  	[sflag:s10] =	ssyncadd.s32 $0xFFFFFF80  }
0xa7: {  	[spmem:s1] =	stream.indirect.scatter.add.f32 [tilespmem:s30], [sflag:$0x8], $0x80, s28, s23, $0xb8;
	[tilespmem:$0x1EE00] =	vst v63  }
0xa8: {  	_ =	swait.ge [sflag:s0], $0x4000  }
0xa9: {  	[sflag:s0] =	ssyncset.done $0x0  }
0xaa: {  	[sflag:s0] =	ssyncadd.s32 $0xFFFFC000  }
0xab: {  	[bflag:$0x0] =	sbarrier.arrive $0xFFFF  }
0xac: {  	s9 =	rddreg [dreg:$0x9]  }
0xad: {  	s8 =	simm.s32 @p0 $0x1FC8;
	s13 =	rddreg [dreg:$0xb]  }
0xae: {  	[hbm:s9], [sflag:s8] =	dma.local @p0 [spmem:s13], $0x1900  }
0xaf: {  	s8 =	simm.s32 @p0 $0x8  }
0xb0: {  	s9 =	stileid.u32;
	_ =	swait.ge @p0 [sflag:s8], $0x1900  }
0xb1: {  	s9 =	sshll.u32 @!p0 s9, $0x6;
	[sflag:s8] =	ssyncset.done @p0 $0x0  }
0xb2: {  	[sflag:s8] =	ssyncadd.s32 @p0 $0xFFFFE700;
	s8 =	sor.u32 @!p0 $0x1C08, s9;
	s9 =	rddreg [dreg:$0x8]  }
0xb3: {  	[hbm:s9], [sflag:s8] =	dma.local @!p0 [spmem:s25], $0x2800  }
0xb4: {  	s8 =	simm.s32 @!p0 $0x8  }
0xb5: {  	_ =	swait.ge @!p0 [sflag:s8], $0x2800  }
0xb6: {  	s11 =	sadd.s32 $0x1, s11;
	s24 =	rddreg [dreg:$0xa]  }
0xb7: {  	p1 =	sne.s32 s11, s24  }
.Ltmp7:
0xb8: {  	_ = 	snop;
	(pc) =	sbr.rel @p1 .LBB2_1-.Ltmp7, $3  }
0xb9: {  	_ =	sdelay $0x1  }
0xba: {  	[sflag:s8] =	ssyncset.done @!p0 $0x0  }
0xbb: {  	[sflag:s8] =	ssyncadd.s32 @!p0 $0xFFFFD800  }
0xbc: {  	_ =	sfence.sel $0x180000  }
0xbd: {  	[bflag:$0x0] =	sbarrier.arrive $0xFFFF  }
0xbe: {  	_ =	strace $0x9000004D  }
0xbf: {  	s0 =	stileid.u32;
	[bflag:$0x2] =	sbarrier.arrive $0xFFFF  }
0xc0: {  	p0 =	sne.s32 s0, $0x0;
	s0 =	rddreg [dreg:$0x3]  }
0xc1: {  	s0 =	sadd.s32 @!p0 $0x100000, s0  }
0xc2: {  	[sflag:s0] =	ssyncadd.tile.s32 @!p0 $0x1;
	_ =	shalt  }
.Lfunc_end2:
_tile_overlayer_lowered:
.L_overlay_start_2:
0xc3: {  	(tag) =	ssettag $0x2  }
0xc4: {  	s0 =	rddreg [dreg:$0x0];
	s2 =	stileid.u32  }
0xc5: {  	s1 =	rddreg [dreg:$0x1];
	p0 =	sne.s32 s2, $0x0  }
0xc6: {  	s3 =	rddreg [dreg:$0x2];
	[bflag:$0x3] =	sbarrier.arrive $0xFFFF;
	s2 =	simm.s32 @!p0 $0x1C08  }
0xc7: {  	[timem:s3], [sflag:s2] =	dma.local @!p0 [hbm:s0], s1  }
0xc8: {  	s0 =	simm.s32 @!p0 $0x8  }
0xc9: {  	_ =	swait.ge @!p0 [sflag:s0], s1  }
0xca: {  	s1 =	ssub.s32 @!p0 $0x0, s1;
	[sflag:s0] =	ssyncset.done @!p0 $0x0  }
0xcb: {  	[sflag:s0] =	ssyncadd.s32 @!p0 s1  }
0xcc: {  	[bflag:$0x3] =	sbarrier.arrive $0xFFFF  }
0xcd: {  	_ =	shalt  }

</sc_bundles>
